<compile_context>
chip_gen: v7x
topology: tpu7x:2x2x1
jax: 0.10.2.dev20260603
libtpu: 0.0.44.dev20260713+nightly
codegen_flags: <defaults>
</compile_context>

<pallas_src>
import functools

import jax
import jax.numpy as jnp
from jax import lax
from jax.experimental import pallas as pl
from jax.experimental.pallas import tpu as pltpu
from jax.experimental.pallas import tpu_sc as plsc

_NC = 2
_NS = 16
_ROW = 128


def _sc_aggregate(src2, dst2, tbl, zeros, feature_split):
    n_rows = src2.shape[0]
    n_nodes, d = zeros.shape
    k = 4
    if feature_split:
        r_t = n_rows // _NS
        assert r_t * _NS == n_rows and r_t % k == 0
    else:
        nw = _NC * _NS
        r_t = n_rows // nw
        assert r_t * nw == n_rows and r_t % k == 0
    n_chunks = r_t // k
    n_half = n_chunks // 2
    leftover = n_chunks - 2 * n_half
    nz = n_nodes // _NS

    def body(src_hbm, dst_hbm, tbl_hbm, zero_hbm, out_hbm, acc,
             sidx_a, didx_a, sidx_b, didx_b, rows_a, rows_b, gsem, ssem):
        c = lax.axis_index("c")
        s = lax.axis_index("s")
        zsl = pl.ds(s * nz, nz)
        pltpu.sync_copy(zero_hbm.at[zsl], acc.at[zsl])
        plsc.subcore_barrier()

        if feature_split:
            base = s * r_t
            tview = tbl_hbm.at[c]
        else:
            w = s * _NC + c
            base = w * r_t
            tview = tbl_hbm
        last = base + (n_chunks - 1) * k

        def launch(si, di, rb, r0):
            pltpu.sync_copy(src_hbm.at[pl.ds(r0, k)], si)
            pltpu.sync_copy(dst_hbm.at[pl.ds(r0, k)], di)
            for j in range(k):
                pltpu.async_copy(tview.at[si.at[j]],
                                 rb.at[pl.ds(j * _ROW, _ROW)], gsem)

        def drain_gathers(si, rb):
            for j in range(k):
                pltpu.make_async_copy(tview.at[si.at[j]],
                                      rb.at[pl.ds(j * _ROW, _ROW)], gsem).wait()

        def fire_scatters(di, rb):
            for j in range(k):
                pltpu.async_copy(rb.at[pl.ds(j * _ROW, _ROW)],
                                 acc.at[di.at[j]], ssem, add=True)

        def drain_scatters(di, rb):
            for j in range(k):
                pltpu.make_async_copy(rb.at[pl.ds(j * _ROW, _ROW)],
                                      acc.at[di.at[j]], ssem).wait()

        launch(sidx_a, didx_a, rows_a, base)

        def pair_body(i2, carry):
            a0 = base + (2 * i2) * k
            nxt = jnp.minimum(a0 + 2 * k, last)
            launch(sidx_b, didx_b, rows_b, a0 + k)
            drain_gathers(sidx_a, rows_a)
            fire_scatters(didx_a, rows_a)
            drain_gathers(sidx_b, rows_b)

            @pl.when(i2 > 0)
            def _():
                drain_scatters(didx_b, rows_b)
            drain_scatters(didx_a, rows_a)
            fire_scatters(didx_b, rows_b)
            launch(sidx_a, didx_a, rows_a, nxt)
            return carry

        lax.fori_loop(0, n_half, pair_body, 0)
        drain_gathers(sidx_a, rows_a)
        if leftover:
            fire_scatters(didx_a, rows_a)
            drain_scatters(didx_b, rows_b)
            drain_scatters(didx_a, rows_a)
        else:
            drain_scatters(didx_b, rows_b)

        plsc.subcore_barrier()
        pltpu.sync_copy(acc.at[zsl], out_hbm.at[c, zsl])

    kern = pl.kernel(
        body,
        out_type=jax.ShapeDtypeStruct((_NC, n_nodes, d), jnp.float32),
        mesh=plsc.VectorSubcoreMesh(core_axis_name="c", subcore_axis_name="s",
                                    num_cores=_NC, num_subcores=_NS),
        compiler_params=pltpu.CompilerParams(use_tc_tiling_on_sc=False),
        scratch_types=[
            pltpu.VMEM_SHARED((n_nodes, d), jnp.float32),
            pltpu.VMEM((k, _ROW), jnp.int32),
            pltpu.VMEM((k, _ROW), jnp.int32),
            pltpu.VMEM((k, _ROW), jnp.int32),
            pltpu.VMEM((k, _ROW), jnp.int32),
            pltpu.VMEM((k * _ROW, d), jnp.float32),
            pltpu.VMEM((k * _ROW, d), jnp.float32),
            pltpu.SemaphoreType.DMA,
            pltpu.SemaphoreType.DMA,
        ],
    )
    return kern(src2, dst2, tbl, zeros)


_BN = 6272
_BF = _BN // 8



def _bc16():
    b = jnp.zeros((16, 16), jnp.float32).at[4, :].set(1.0)
    return jnp.kron(jnp.eye(8, dtype=jnp.float32), b)


def _bd(w16):
    return jnp.kron(jnp.eye(8, dtype=jnp.float32), w16)


def _tc_layer1(p1f, bc, w0, w1, b0, b1):
    f = p1f.shape[1]

    def body(p_ref, bc_ref, w0_ref, w1_ref, b0_ref, b1_ref, h_ref):
        agg = p_ref[0] + p_ref[1]
        invb = jnp.dot(1.0 / jnp.maximum(agg, 1.0), bc_ref[...],
                       preferred_element_type=jnp.float32)
        m = agg * invb
        h_ref[0] = jnp.maximum(
            jnp.dot(m, w0_ref[...], preferred_element_type=jnp.float32)
            + b0_ref[...], 0.0)
        h_ref[1] = jnp.maximum(
            jnp.dot(m, w1_ref[...], preferred_element_type=jnp.float32)
            + b1_ref[...], 0.0)

    full = lambda i: (0, 0)
    return pl.pallas_call(
        body,
        grid=(f // _BF,),
        in_specs=[
            pl.BlockSpec((2, _BF, 128), lambda i: (0, i, 0)),
            pl.BlockSpec((128, 128), full),
            pl.BlockSpec((128, 128), full),
            pl.BlockSpec((128, 128), full),
            pl.BlockSpec((1, 128), full),
            pl.BlockSpec((1, 128), full),
        ],
        out_specs=pl.BlockSpec((2, _BF, 128), lambda i: (0, i, 0)),
        out_shape=jax.ShapeDtypeStruct((2, f, 128), jnp.float32),
    )(p1f, bc, w0, w1, b0, b1)


def _tc_layer2(a2f, p1f, bc, w00, w01, w10, w11, b0, b1):
    f = a2f.shape[1]

    def body(a_ref, p_ref, bc_ref, w00_ref, w01_ref, w10_ref, w11_ref,
             b0_ref, b1_ref, h_ref):
        p = p_ref[0] + p_ref[1]
        invb = jnp.dot(1.0 / jnp.maximum(p, 1.0), bc_ref[...],
                       preferred_element_type=jnp.float32)
        m0 = a_ref[0] * invb
        m1 = a_ref[1] * invb
        h_ref[0] = jnp.maximum(
            jnp.dot(m0, w00_ref[...], preferred_element_type=jnp.float32)
            + jnp.dot(m1, w10_ref[...], preferred_element_type=jnp.float32)
            + b0_ref[...], 0.0)
        h_ref[1] = jnp.maximum(
            jnp.dot(m0, w01_ref[...], preferred_element_type=jnp.float32)
            + jnp.dot(m1, w11_ref[...], preferred_element_type=jnp.float32)
            + b1_ref[...], 0.0)

    full = lambda i: (0, 0)
    return pl.pallas_call(
        body,
        grid=(f // _BF,),
        in_specs=[
            pl.BlockSpec((2, _BF, 128), lambda i: (0, i, 0)),
            pl.BlockSpec((2, _BF, 128), lambda i: (0, i, 0)),
            pl.BlockSpec((128, 128), full),
            pl.BlockSpec((128, 128), full),
            pl.BlockSpec((128, 128), full),
            pl.BlockSpec((128, 128), full),
            pl.BlockSpec((128, 128), full),
            pl.BlockSpec((1, 128), full),
            pl.BlockSpec((1, 128), full),
        ],
        out_specs=pl.BlockSpec((2, _BF, 128), lambda i: (0, i, 0)),
        out_shape=jax.ShapeDtypeStruct((2, f, 128), jnp.float32),
    )(a2f, p1f, bc, w00, w01, w10, w11, b0, b1)


def _tc_layer3(a3f, p1f, bc, w3a, w3b, b3b):
    f = a3f.shape[1]

    def body(a_ref, p_ref, bc_ref, wa_ref, wb_ref, b_ref, o_ref):
        p = p_ref[0] + p_ref[1]
        invb = jnp.dot(1.0 / jnp.maximum(p, 1.0), bc_ref[...],
                       preferred_element_type=jnp.float32)
        o = (jnp.dot(a_ref[0] * invb, wa_ref[...],
                     preferred_element_type=jnp.float32)
             + jnp.dot(a_ref[1] * invb, wb_ref[...],
                       preferred_element_type=jnp.float32)
             + b_ref[...])
        o_ref[...] = jnp.maximum(o, 0.0)

    full = lambda i: (0, 0)
    return pl.pallas_call(
        body,
        grid=(f // _BF,),
        in_specs=[
            pl.BlockSpec((2, _BF, 128), lambda i: (0, i, 0)),
            pl.BlockSpec((2, _BF, 128), lambda i: (0, i, 0)),
            pl.BlockSpec((128, 128), full),
            pl.BlockSpec((128, 8), full),
            pl.BlockSpec((128, 8), full),
            pl.BlockSpec((1, 8), full),
        ],
        out_specs=pl.BlockSpec((_BF, 8), lambda i: (i, 0)),
        out_shape=jax.ShapeDtypeStruct((f, 8), jnp.float32),
    )(a3f, p1f, bc, w3a, w3b, b3b)


def kernel(x, edge_index, W1, b1, W2, b2, W3, b3):
    n = x.shape[0]
    e = edge_index.shape[1]
    assert _BN % (8 * _NS) == 0
    npad = ((n + _BN - 1) // _BN) * _BN
    f = npad // 8
    rows0 = e // _ROW
    rpad = ((rows0 + 255) // 256) * 256
    epad = rpad * _ROW - e
    src_p = jnp.concatenate([edge_index[0], jnp.zeros((epad,), jnp.int32)])
    dst_p = jnp.concatenate([edge_index[1], jnp.full((epad,), n, jnp.int32)])
    src2 = src_p.reshape(rpad, _ROW)
    dst2 = dst_p.reshape(rpad, _ROW)

    bc = _bc16()
    w1e = jnp.pad(W1, ((0, 12), (0, 0)))
    tile8 = lambda v: jnp.tile(v, 8).reshape(1, -1)

    t1 = jnp.concatenate(
        [x, jnp.ones((n, 1), jnp.float32), jnp.zeros((n, 11), jnp.float32)],
        axis=1)
    p1 = _sc_aggregate(src2, dst2, t1, jnp.zeros((npad, 16), jnp.float32),
                       feature_split=False)
    p1f = p1.reshape(2, f, 128)
    h1f = _tc_layer1(p1f, bc, _bd(w1e[:, 0:16]), _bd(w1e[:, 16:32]),
                     tile8(b1[0:16]), tile8(b1[16:32]))
    a2 = _sc_aggregate(src2, dst2, h1f.reshape(2, npad, 16),
                       jnp.zeros((npad, 16), jnp.float32), feature_split=True)
    h2f = _tc_layer2(a2.reshape(2, f, 128), p1f, bc,
                     _bd(W2[0:16, 0:16]), _bd(W2[0:16, 16:32]),
                     _bd(W2[16:32, 0:16]), _bd(W2[16:32, 16:32]),
                     tile8(b2[0:16]), tile8(b2[16:32]))
    a3 = _sc_aggregate(src2, dst2, h2f.reshape(2, npad, 16),
                       jnp.zeros((npad, 16), jnp.float32), feature_split=True)
    outf = _tc_layer3(a3.reshape(2, f, 128), p1f, bc,
                      _bd(W3[0:16]), _bd(W3[16:32]), tile8(b3))
    return outf.reshape(npad, 1)[:n]

# --- scband reference (transcript-rebuilt; emitter-appended) ---
"""Pipeline reference for scband-reg-old-55233279426723 (READ-ONLY COPY).

The authoritative reference and input builder live on the scoring server;
editing this copy changes nothing except your own understanding.
"""

import jax, jax.numpy as jnp
import numpy as np

N = 100000
E = 1600000
IN_DIM = 4
HID = 32
OUT = 1


def setup_inputs(seed: int = 0) -> dict:
    key = jax.random.key(seed)
    ks = jax.random.split(key, 8)
    x = jax.random.normal(ks[0], (N, IN_DIM), dtype=jnp.float32)
    edge_index = jax.random.randint(ks[1], (2, E), 0, N).astype(jnp.int32)
    # GCN1: Linear(4 -> 32); GCN2: Linear(32 -> 32); GCN3: Linear(32 -> 1)
    W1 = jax.random.normal(ks[2], (IN_DIM, HID), dtype=jnp.float32) * (1.0 / np.sqrt(IN_DIM))
    b1 = jnp.zeros((HID,), dtype=jnp.float32)
    W2 = jax.random.normal(ks[3], (HID, HID), dtype=jnp.float32) * (1.0 / np.sqrt(HID))
    b2 = jnp.zeros((HID,), dtype=jnp.float32)
    W3 = jax.random.normal(ks[4], (HID, OUT), dtype=jnp.float32) * (1.0 / np.sqrt(HID))
    b3 = jnp.zeros((OUT,), dtype=jnp.float32)
    return {"x": x, "edge_index": edge_index, "W1": W1, "b1": b1, "W2": W2, "b2": b2, "W3": W3, "b3": b3}


def reference(x, edge_index, W1, b1, W2, b2, W3, b3):
    # Reg_Old: three stacked GCN layers. Each GCN does:
    #   update_all(copy_src, mean) -> h'[v] = mean_{u in N_in(v)} h[u]
    #   apply_nodes: h = ReLU(W h' + b)
    n_nodes = x.shape[0]
    src = edge_index[0]
    dst = edge_index[1]
    n_edges = src.shape[0]
    ones = jnp.ones((n_edges,), dtype=jnp.float32)
    deg = jax.ops.segment_sum(ones, dst, num_segments=n_nodes)
    inv_deg = 1.0 / jnp.maximum(deg, 1.0)

    def gcn(h, W, b):
        msg = jnp.take(h, src, axis=0)                      # gather src features (copy_src)
        summed = jax.ops.segment_sum(msg, dst, num_segments=n_nodes)  # mailbox sum
        mean = summed * inv_deg[:, None]                    # mean over mailbox
        return jax.nn.relu(mean @ W + b)                    # NodeApplyModule

    h = gcn(x, W1, b1)
    h = gcn(h, W2, b2)
    h = gcn(h, W3, b3)
    return h

if __name__ == "__main__":
    import jax
    _d = setup_inputs()
    print(jax.jit(kernel)(*tuple(_d.values())))

</pallas_src>

<mosaic_0001>
#map = affine_map<(d0, d1) -> (0, 0)>
#map1 = affine_map<(d0, d1) -> (0, 0, 0)>
module attributes {stable_mosaic.version = 14 : i64} {
  func.func @body(%arg0: i32, %arg1: i32, %arg2: memref<12544x128xi32, #tpu.memory_space<hbm>>, %arg3: memref<12544x128xi32, #tpu.memory_space<hbm>>, %arg4: memref<2x100352x16xf32, #tpu.memory_space<hbm>>, %arg5: memref<100352x16xf32, #tpu.memory_space<hbm>>, %arg6: memref<2x100352x16xf32, #tpu.memory_space<hbm>>, %arg7: memref<100352x16xf32, #tpu.memory_space<vmem_shared>>, %arg8: memref<4x128xi32, #tpu.memory_space<vmem>>, %arg9: memref<4x128xi32, #tpu.memory_space<vmem>>, %arg10: memref<4x128xi32, #tpu.memory_space<vmem>>, %arg11: memref<4x128xi32, #tpu.memory_space<vmem>>, %arg12: memref<512x16xf32, #tpu.memory_space<vmem>>, %arg13: memref<512x16xf32, #tpu.memory_space<vmem>>, %arg14: memref<!tpu.dma_semaphore, #tpu.memory_space<semaphore_mem>>, %arg15: memref<!tpu.dma_semaphore, #tpu.memory_space<semaphore_mem>>) attributes {dimension_semantics = [#tpu.dimension_semantics<core_parallel>, #tpu.dimension_semantics<subcore_parallel>], iteration_bounds = array<i64: 2, 16>, scalar_prefetch = 0 : i64, scratch_operands = 9 : i64, tpu.core_type = #tpu.core_type<sc_vector_subcore>, window_params = [{transform_indices = #map}, {transform_indices = #map}, {transform_indices = #map1}, {transform_indices = #map}, {transform_indices = #map1}]} {
    %mul3A = arith.constant 6272 : i32
    %mul3A_0 = arith.muli %arg1, %mul3A : i32
    "tpu.region"() ({
      %run_scoped3A = tpu.sem_alloc : memref<!tpu.dma_semaphore, #tpu.memory_space<semaphore_mem>>
      %dma_start3A_160 = arith.constant 0 : i32
      %dma_start3A_161 = tpu.memref_slice %arg7[%mul3A_0, %dma_start3A_160] : memref<100352x16xf32, #tpu.memory_space<vmem_shared>> -> memref<6272x16xf32, #tpu.memory_space<vmem_shared>>
      %dma_start3A_162 = arith.constant 0 : i32
      %dma_start3A_163 = tpu.memref_slice %arg5[%mul3A_0, %dma_start3A_162] : memref<100352x16xf32, #tpu.memory_space<hbm>> -> memref<6272x16xf32, #tpu.memory_space<hbm>>
      tpu.enqueue_dma source(%dma_start3A_163 : memref<6272x16xf32, #tpu.memory_space<hbm>>) target(%dma_start3A_161 : memref<6272x16xf32, #tpu.memory_space<vmem_shared>>) target_semaphore(%run_scoped3A : memref<!tpu.dma_semaphore, #tpu.memory_space<semaphore_mem>>)
      %dma_wait3A_164 = arith.constant 0 : i32
      %dma_wait3A_165 = tpu.memref_slice %arg7[%mul3A_0, %dma_wait3A_164] : memref<100352x16xf32, #tpu.memory_space<vmem_shared>> -> memref<6272x16xf32, #tpu.memory_space<vmem_shared>>
      %dma_wait3A_166 = arith.constant 0 : i32
      %dma_wait3A_167 = tpu.memref_slice %arg5[%mul3A_0, %dma_wait3A_166] : memref<100352x16xf32, #tpu.memory_space<hbm>> -> memref<6272x16xf32, #tpu.memory_space<hbm>>
      tpu.wait_dma2 semaphore(%run_scoped3A : memref<!tpu.dma_semaphore, #tpu.memory_space<semaphore_mem>>) src(%dma_wait3A_167 : memref<6272x16xf32, #tpu.memory_space<hbm>>) dst(%dma_wait3A_165 : memref<6272x16xf32, #tpu.memory_space<vmem_shared>>)
      tpu.yield
    }) : () -> ()
    %barrier3A = arith.constant 0 : index
    tpu.barrier barrier_id(%barrier3A)
    %mul3A_1 = arith.constant 784 : i32
    %mul3A_2 = arith.muli %arg1, %mul3A_1 : i32
    %add3A = arith.constant 780 : i32
    %add3A_3 = arith.addi %mul3A_2, %add3A : i32
    "tpu.region"() ({
      %run_scoped3A = tpu.sem_alloc : memref<!tpu.dma_semaphore, #tpu.memory_space<semaphore_mem>>
      %dma_start3A_160 = arith.constant 0 : i32
      %dma_start3A_161 = tpu.memref_slice %arg2[%mul3A_2, %dma_start3A_160] : memref<12544x128xi32, #tpu.memory_space<hbm>> -> memref<4x128xi32, #tpu.memory_space<hbm>>
      %dma_start3A_162 = arith.constant 0 : i32
      %dma_start3A_163 = tpu.memref_slice %arg2[%mul3A_2, %dma_start3A_162] : memref<12544x128xi32, #tpu.memory_space<hbm>> -> memref<4x128xi32, #tpu.memory_space<hbm>>
      tpu.enqueue_dma source(%dma_start3A_163 : memref<4x128xi32, #tpu.memory_space<hbm>>) target(%arg8 : memref<4x128xi32, #tpu.memory_space<vmem>>) target_semaphore(%run_scoped3A : memref<!tpu.dma_semaphore, #tpu.memory_space<semaphore_mem>>)
      %dma_wait3A_164 = arith.constant 0 : i32
      %dma_wait3A_165 = tpu.memref_slice %arg2[%mul3A_2, %dma_wait3A_164] : memref<12544x128xi32, #tpu.memory_space<hbm>> -> memref<4x128xi32, #tpu.memory_space<hbm>>
      %dma_wait3A_166 = arith.constant 0 : i32
      %dma_wait3A_167 = tpu.memref_slice %arg2[%mul3A_2, %dma_wait3A_166] : memref<12544x128xi32, #tpu.memory_space<hbm>> -> memref<4x128xi32, #tpu.memory_space<hbm>>
      tpu.wait_dma2 semaphore(%run_scoped3A : memref<!tpu.dma_semaphore, #tpu.memory_space<semaphore_mem>>) src(%dma_wait3A_167 : memref<4x128xi32, #tpu.memory_space<hbm>>) dst(%arg8 : memref<4x128xi32, #tpu.memory_space<vmem>>)
      tpu.yield
    }) : () -> ()
    "tpu.region"() ({
      %run_scoped3A = tpu.sem_alloc : memref<!tpu.dma_semaphore, #tpu.memory_space<semaphore_mem>>
      %dma_start3A_160 = arith.constant 0 : i32
      %dma_start3A_161 = tpu.memref_slice %arg3[%mul3A_2, %dma_start3A_160] : memref<12544x128xi32, #tpu.memory_space<hbm>> -> memref<4x128xi32, #tpu.memory_space<hbm>>
      %dma_start3A_162 = arith.constant 0 : i32
      %dma_start3A_163 = tpu.memref_slice %arg3[%mul3A_2, %dma_start3A_162] : memref<12544x128xi32, #tpu.memory_space<hbm>> -> memref<4x128xi32, #tpu.memory_space<hbm>>
      tpu.enqueue_dma source(%dma_start3A_163 : memref<4x128xi32, #tpu.memory_space<hbm>>) target(%arg9 : memref<4x128xi32, #tpu.memory_space<vmem>>) target_semaphore(%run_scoped3A : memref<!tpu.dma_semaphore, #tpu.memory_space<semaphore_mem>>)
      %dma_wait3A_164 = arith.constant 0 : i32
      %dma_wait3A_165 = tpu.memref_slice %arg3[%mul3A_2, %dma_wait3A_164] : memref<12544x128xi32, #tpu.memory_space<hbm>> -> memref<4x128xi32, #tpu.memory_space<hbm>>
      %dma_wait3A_166 = arith.constant 0 : i32
      %dma_wait3A_167 = tpu.memref_slice %arg3[%mul3A_2, %dma_wait3A_166] : memref<12544x128xi32, #tpu.memory_space<hbm>> -> memref<4x128xi32, #tpu.memory_space<hbm>>
      tpu.wait_dma2 semaphore(%run_scoped3A : memref<!tpu.dma_semaphore, #tpu.memory_space<semaphore_mem>>) src(%dma_wait3A_167 : memref<4x128xi32, #tpu.memory_space<hbm>>) dst(%arg9 : memref<4x128xi32, #tpu.memory_space<vmem>>)
      tpu.yield
    }) : () -> ()
    %dma_start3A = arith.constant 0 : i32
    %dma_start3A_4 = arith.constant 0 : i32
    %dma_start3A_5 = arith.constant 0 : i32
    %dma_start3A_6 = tpu.memref_slice %arg12[%dma_start3A_4, %dma_start3A_5] : memref<512x16xf32, #tpu.memory_space<vmem>> -> memref<128x16xf32, #tpu.memory_space<vmem>>
    %dma_start3A_7 = arith.constant 0 : i32
    %dma_start3A_8 = tpu.memref_slice %arg8[%dma_start3A, %dma_start3A_7] : memref<4x128xi32, #tpu.memory_space<vmem>> -> memref<1x128xi32, #tpu.memory_space<vmem>>
    %dma_start3A_9 = tpu.memref_squeeze %dma_start3A_8 : memref<1x128xi32, #tpu.memory_space<vmem>> -> memref<128xi32, #tpu.memory_space<vmem>>
    %dma_start3A_10 = arith.constant 0 : i32
    %dma_start3A_11 = arith.constant 0 : i32
    %dma_start3A_12 = tpu.memref_slice %arg4[%arg0, %dma_start3A_10, %dma_start3A_11] : memref<2x100352x16xf32, #tpu.memory_space<hbm>> -> memref<1x100352x16xf32, #tpu.memory_space<hbm>>
    %dma_start3A_13 = tpu.memref_squeeze %dma_start3A_12 : memref<1x100352x16xf32, #tpu.memory_space<hbm>> -> memref<100352x16xf32, #tpu.memory_space<hbm>>
    %dma_start3A_14 = arith.constant 0 : i32
    %dma_start3A_15 = arith.constant 0 : i32
    %dma_start3A_16 = tpu.memref_slice %dma_start3A_13[%dma_start3A_14, %dma_start3A_15] : memref<100352x16xf32, #tpu.memory_space<hbm>> -> memref<100352x16xf32, #tpu.memory_space<hbm>>
    tpu.enqueue_indirect_dma source(%dma_start3A_16 : memref<100352x16xf32, #tpu.memory_space<hbm>>) target(%dma_start3A_6 : memref<128x16xf32, #tpu.memory_space<vmem>>) offsets(%dma_start3A_9 : memref<128xi32, #tpu.memory_space<vmem>>) semaphore(%arg14 : memref<!tpu.dma_semaphore, #tpu.memory_space<semaphore_mem>>)
    %dma_start3A_17 = arith.constant 1 : i32
    %dma_start3A_18 = arith.constant 128 : i32
    %dma_start3A_19 = arith.constant 0 : i32
    %dma_start3A_20 = tpu.memref_slice %arg12[%dma_start3A_18, %dma_start3A_19] : memref<512x16xf32, #tpu.memory_space<vmem>> -> memref<128x16xf32, #tpu.memory_space<vmem>>
    %dma_start3A_21 = arith.constant 0 : i32
    %dma_start3A_22 = tpu.memref_slice %arg8[%dma_start3A_17, %dma_start3A_21] : memref<4x128xi32, #tpu.memory_space<vmem>> -> memref<1x128xi32, #tpu.memory_space<vmem>>
    %dma_start3A_23 = tpu.memref_squeeze %dma_start3A_22 : memref<1x128xi32, #tpu.memory_space<vmem>> -> memref<128xi32, #tpu.memory_space<vmem>>
    %dma_start3A_24 = arith.constant 0 : i32
    %dma_start3A_25 = arith.constant 0 : i32
    %dma_start3A_26 = tpu.memref_slice %arg4[%arg0, %dma_start3A_24, %dma_start3A_25] : memref<2x100352x16xf32, #tpu.memory_space<hbm>> -> memref<1x100352x16xf32, #tpu.memory_space<hbm>>
    %dma_start3A_27 = tpu.memref_squeeze %dma_start3A_26 : memref<1x100352x16xf32, #tpu.memory_space<hbm>> -> memref<100352x16xf32, #tpu.memory_space<hbm>>
    %dma_start3A_28 = arith.constant 0 : i32
    %dma_start3A_29 = arith.constant 0 : i32
    %dma_start3A_30 = tpu.memref_slice %dma_start3A_27[%dma_start3A_28, %dma_start3A_29] : memref<100352x16xf32, #tpu.memory_space<hbm>> -> memref<100352x16xf32, #tpu.memory_space<hbm>>
    tpu.enqueue_indirect_dma source(%dma_start3A_30 : memref<100352x16xf32, #tpu.memory_space<hbm>>) target(%dma_start3A_20 : memref<128x16xf32, #tpu.memory_space<vmem>>) offsets(%dma_start3A_23 : memref<128xi32, #tpu.memory_space<vmem>>) semaphore(%arg14 : memref<!tpu.dma_semaphore, #tpu.memory_space<semaphore_mem>>)
    %dma_start3A_31 = arith.constant 2 : i32
    %dma_start3A_32 = arith.constant 256 : i32
    %dma_start3A_33 = arith.constant 0 : i32
    %dma_start3A_34 = tpu.memref_slice %arg12[%dma_start3A_32, %dma_start3A_33] : memref<512x16xf32, #tpu.memory_space<vmem>> -> memref<128x16xf32, #tpu.memory_space<vmem>>
    %dma_start3A_35 = arith.constant 0 : i32
    %dma_start3A_36 = tpu.memref_slice %arg8[%dma_start3A_31, %dma_start3A_35] : memref<4x128xi32, #tpu.memory_space<vmem>> -> memref<1x128xi32, #tpu.memory_space<vmem>>
    %dma_start3A_37 = tpu.memref_squeeze %dma_start3A_36 : memref<1x128xi32, #tpu.memory_space<vmem>> -> memref<128xi32, #tpu.memory_space<vmem>>
    %dma_start3A_38 = arith.constant 0 : i32
    %dma_start3A_39 = arith.constant 0 : i32
    %dma_start3A_40 = tpu.memref_slice %arg4[%arg0, %dma_start3A_38, %dma_start3A_39] : memref<2x100352x16xf32, #tpu.memory_space<hbm>> -> memref<1x100352x16xf32, #tpu.memory_space<hbm>>
    %dma_start3A_41 = tpu.memref_squeeze %dma_start3A_40 : memref<1x100352x16xf32, #tpu.memory_space<hbm>> -> memref<100352x16xf32, #tpu.memory_space<hbm>>
    %dma_start3A_42 = arith.constant 0 : i32
    %dma_start3A_43 = arith.constant 0 : i32
    %dma_start3A_44 = tpu.memref_slice %dma_start3A_41[%dma_start3A_42, %dma_start3A_43] : memref<100352x16xf32, #tpu.memory_space<hbm>> -> memref<100352x16xf32, #tpu.memory_space<hbm>>
    tpu.enqueue_indirect_dma source(%dma_start3A_44 : memref<100352x16xf32, #tpu.memory_space<hbm>>) target(%dma_start3A_34 : memref<128x16xf32, #tpu.memory_space<vmem>>) offsets(%dma_start3A_37 : memref<128xi32, #tpu.memory_space<vmem>>) semaphore(%arg14 : memref<!tpu.dma_semaphore, #tpu.memory_space<semaphore_mem>>)
    %dma_start3A_45 = arith.constant 3 : i32
    %dma_start3A_46 = arith.constant 384 : i32
    %dma_start3A_47 = arith.constant 0 : i32
    %dma_start3A_48 = tpu.memref_slice %arg12[%dma_start3A_46, %dma_start3A_47] : memref<512x16xf32, #tpu.memory_space<vmem>> -> memref<128x16xf32, #tpu.memory_space<vmem>>
    %dma_start3A_49 = arith.constant 0 : i32
    %dma_start3A_50 = tpu.memref_slice %arg8[%dma_start3A_45, %dma_start3A_49] : memref<4x128xi32, #tpu.memory_space<vmem>> -> memref<1x128xi32, #tpu.memory_space<vmem>>
    %dma_start3A_51 = tpu.memref_squeeze %dma_start3A_50 : memref<1x128xi32, #tpu.memory_space<vmem>> -> memref<128xi32, #tpu.memory_space<vmem>>
    %dma_start3A_52 = arith.constant 0 : i32
    %dma_start3A_53 = arith.constant 0 : i32
    %dma_start3A_54 = tpu.memref_slice %arg4[%arg0, %dma_start3A_52, %dma_start3A_53] : memref<2x100352x16xf32, #tpu.memory_space<hbm>> -> memref<1x100352x16xf32, #tpu.memory_space<hbm>>
    %dma_start3A_55 = tpu.memref_squeeze %dma_start3A_54 : memref<1x100352x16xf32, #tpu.memory_space<hbm>> -> memref<100352x16xf32, #tpu.memory_space<hbm>>
    %dma_start3A_56 = arith.constant 0 : i32
    %dma_start3A_57 = arith.constant 0 : i32
    %dma_start3A_58 = tpu.memref_slice %dma_start3A_55[%dma_start3A_56, %dma_start3A_57] : memref<100352x16xf32, #tpu.memory_space<hbm>> -> memref<100352x16xf32, #tpu.memory_space<hbm>>
    tpu.enqueue_indirect_dma source(%dma_start3A_58 : memref<100352x16xf32, #tpu.memory_space<hbm>>) target(%dma_start3A_48 : memref<128x16xf32, #tpu.memory_space<vmem>>) offsets(%dma_start3A_51 : memref<128xi32, #tpu.memory_space<vmem>>) semaphore(%arg14 : memref<!tpu.dma_semaphore, #tpu.memory_space<semaphore_mem>>)
    %scan3A = arith.constant 0 : i32
    %scan3A_59 = arith.constant 0 : i32
    %scan3A_60 = arith.constant 98 : i32
    %scan3A_61 = arith.addi %scan3A_59, %scan3A_60 : i32
    %scan3A_62 = arith.constant 1 : i32
    scf.for %scan3A_160 = %scan3A_59 to %scan3A_61 step %scan3A_62  : i32 {
      %mul3A_161 = arith.constant 2 : i32
      %mul3A_162 = arith.muli %mul3A_161, %scan3A_160 : i32
      %mul3A_163 = arith.constant 4 : i32
      %mul3A_164 = arith.muli %mul3A_162, %mul3A_163 : i32
      %add3A_165 = arith.addi %mul3A_2, %mul3A_164 : i32
      %add3A_166 = arith.constant 8 : i32
      %add3A_167 = arith.addi %add3A_165, %add3A_166 : i32
      %min3A = arith.minsi %add3A_167, %add3A_3 : i32
      %add3A_168 = arith.constant 4 : i32
      %add3A_169 = arith.addi %add3A_165, %add3A_168 : i32
      "tpu.region"() ({
        %run_scoped3A = tpu.sem_alloc : memref<!tpu.dma_semaphore, #tpu.memory_space<semaphore_mem>>
        %dma_start3A_516 = arith.constant 0 : i32
        %dma_start3A_517 = tpu.memref_slice %arg2[%add3A_169, %dma_start3A_516] : memref<12544x128xi32, #tpu.memory_space<hbm>> -> memref<4x128xi32, #tpu.memory_space<hbm>>
        %dma_start3A_518 = arith.constant 0 : i32
        %dma_start3A_519 = tpu.memref_slice %arg2[%add3A_169, %dma_start3A_518] : memref<12544x128xi32, #tpu.memory_space<hbm>> -> memref<4x128xi32, #tpu.memory_space<hbm>>
        tpu.enqueue_dma source(%dma_start3A_519 : memref<4x128xi32, #tpu.memory_space<hbm>>) target(%arg10 : memref<4x128xi32, #tpu.memory_space<vmem>>) target_semaphore(%run_scoped3A : memref<!tpu.dma_semaphore, #tpu.memory_space<semaphore_mem>>)
        %dma_wait3A_520 = arith.constant 0 : i32
        %dma_wait3A_521 = tpu.memref_slice %arg2[%add3A_169, %dma_wait3A_520] : memref<12544x128xi32, #tpu.memory_space<hbm>> -> memref<4x128xi32, #tpu.memory_space<hbm>>
        %dma_wait3A_522 = arith.constant 0 : i32
        %dma_wait3A_523 = tpu.memref_slice %arg2[%add3A_169, %dma_wait3A_522] : memref<12544x128xi32, #tpu.memory_space<hbm>> -> memref<4x128xi32, #tpu.memory_space<hbm>>
        tpu.wait_dma2 semaphore(%run_scoped3A : memref<!tpu.dma_semaphore, #tpu.memory_space<semaphore_mem>>) src(%dma_wait3A_523 : memref<4x128xi32, #tpu.memory_space<hbm>>) dst(%arg10 : memref<4x128xi32, #tpu.memory_space<vmem>>)
        tpu.yield
      }) : () -> ()
      "tpu.region"() ({
        %run_scoped3A = tpu.sem_alloc : memref<!tpu.dma_semaphore, #tpu.memory_space<semaphore_mem>>
        %dma_start3A_516 = arith.constant 0 : i32
        %dma_start3A_517 = tpu.memref_slice %arg3[%add3A_169, %dma_start3A_516] : memref<12544x128xi32, #tpu.memory_space<hbm>> -> memref<4x128xi32, #tpu.memory_space<hbm>>
        %dma_start3A_518 = arith.constant 0 : i32
        %dma_start3A_519 = tpu.memref_slice %arg3[%add3A_169, %dma_start3A_518] : memref<12544x128xi32, #tpu.memory_space<hbm>> -> memref<4x128xi32, #tpu.memory_space<hbm>>
        tpu.enqueue_dma source(%dma_start3A_519 : memref<4x128xi32, #tpu.memory_space<hbm>>) target(%arg11 : memref<4x128xi32, #tpu.memory_space<vmem>>) target_semaphore(%run_scoped3A : memref<!tpu.dma_semaphore, #tpu.memory_space<semaphore_mem>>)
        %dma_wait3A_520 = arith.constant 0 : i32
        %dma_wait3A_521 = tpu.memref_slice %arg3[%add3A_169, %dma_wait3A_520] : memref<12544x128xi32, #tpu.memory_space<hbm>> -> memref<4x128xi32, #tpu.memory_space<hbm>>
        %dma_wait3A_522 = arith.constant 0 : i32
        %dma_wait3A_523 = tpu.memref_slice %arg3[%add3A_169, %dma_wait3A_522] : memref<12544x128xi32, #tpu.memory_space<hbm>> -> memref<4x128xi32, #tpu.memory_space<hbm>>
        tpu.wait_dma2 semaphore(%run_scoped3A : memref<!tpu.dma_semaphore, #tpu.memory_space<semaphore_mem>>) src(%dma_wait3A_523 : memref<4x128xi32, #tpu.memory_space<hbm>>) dst(%arg11 : memref<4x128xi32, #tpu.memory_space<vmem>>)
        tpu.yield
      }) : () -> ()
      %dma_start3A_170 = arith.constant 0 : i32
      %dma_start3A_171 = arith.constant 0 : i32
      %dma_start3A_172 = arith.constant 0 : i32
      %dma_start3A_173 = tpu.memref_slice %arg13[%dma_start3A_171, %dma_start3A_172] : memref<512x16xf32, #tpu.memory_space<vmem>> -> memref<128x16xf32, #tpu.memory_space<vmem>>
      %dma_start3A_174 = arith.constant 0 : i32
      %dma_start3A_175 = tpu.memref_slice %arg10[%dma_start3A_170, %dma_start3A_174] : memref<4x128xi32, #tpu.memory_space<vmem>> -> memref<1x128xi32, #tpu.memory_space<vmem>>
      %dma_start3A_176 = tpu.memref_squeeze %dma_start3A_175 : memref<1x128xi32, #tpu.memory_space<vmem>> -> memref<128xi32, #tpu.memory_space<vmem>>
      %dma_start3A_177 = arith.constant 0 : i32
      %dma_start3A_178 = arith.constant 0 : i32
      %dma_start3A_179 = tpu.memref_slice %arg4[%arg0, %dma_start3A_177, %dma_start3A_178] : memref<2x100352x16xf32, #tpu.memory_space<hbm>> -> memref<1x100352x16xf32, #tpu.memory_space<hbm>>
      %dma_start3A_180 = tpu.memref_squeeze %dma_start3A_179 : memref<1x100352x16xf32, #tpu.memory_space<hbm>> -> memref<100352x16xf32, #tpu.memory_space<hbm>>
      %dma_start3A_181 = arith.constant 0 : i32
      %dma_start3A_182 = arith.constant 0 : i32
      %dma_start3A_183 = tpu.memref_slice %dma_start3A_180[%dma_start3A_181, %dma_start3A_182] : memref<100352x16xf32, #tpu.memory_space<hbm>> -> memref<100352x16xf32, #tpu.memory_space<hbm>>
      tpu.enqueue_indirect_dma source(%dma_start3A_183 : memref<100352x16xf32, #tpu.memory_space<hbm>>) target(%dma_start3A_173 : memref<128x16xf32, #tpu.memory_space<vmem>>) offsets(%dma_start3A_176 : memref<128xi32, #tpu.memory_space<vmem>>) semaphore(%arg14 : memref<!tpu.dma_semaphore, #tpu.memory_space<semaphore_mem>>)
      %dma_start3A_184 = arith.constant 1 : i32
      %dma_start3A_185 = arith.constant 128 : i32
      %dma_start3A_186 = arith.constant 0 : i32
      %dma_start3A_187 = tpu.memref_slice %arg13[%dma_start3A_185, %dma_start3A_186] : memref<512x16xf32, #tpu.memory_space<vmem>> -> memref<128x16xf32, #tpu.memory_space<vmem>>
      %dma_start3A_188 = arith.constant 0 : i32
      %dma_start3A_189 = tpu.memref_slice %arg10[%dma_start3A_184, %dma_start3A_188] : memref<4x128xi32, #tpu.memory_space<vmem>> -> memref<1x128xi32, #tpu.memory_space<vmem>>
      %dma_start3A_190 = tpu.memref_squeeze %dma_start3A_189 : memref<1x128xi32, #tpu.memory_space<vmem>> -> memref<128xi32, #tpu.memory_space<vmem>>
      %dma_start3A_191 = arith.constant 0 : i32
      %dma_start3A_192 = arith.constant 0 : i32
      %dma_start3A_193 = tpu.memref_slice %arg4[%arg0, %dma_start3A_191, %dma_start3A_192] : memref<2x100352x16xf32, #tpu.memory_space<hbm>> -> memref<1x100352x16xf32, #tpu.memory_space<hbm>>
      %dma_start3A_194 = tpu.memref_squeeze %dma_start3A_193 : memref<1x100352x16xf32, #tpu.memory_space<hbm>> -> memref<100352x16xf32, #tpu.memory_space<hbm>>
      %dma_start3A_195 = arith.constant 0 : i32
      %dma_start3A_196 = arith.constant 0 : i32
      %dma_start3A_197 = tpu.memref_slice %dma_start3A_194[%dma_start3A_195, %dma_start3A_196] : memref<100352x16xf32, #tpu.memory_space<hbm>> -> memref<100352x16xf32, #tpu.memory_space<hbm>>
      tpu.enqueue_indirect_dma source(%dma_start3A_197 : memref<100352x16xf32, #tpu.memory_space<hbm>>) target(%dma_start3A_187 : memref<128x16xf32, #tpu.memory_space<vmem>>) offsets(%dma_start3A_190 : memref<128xi32, #tpu.memory_space<vmem>>) semaphore(%arg14 : memref<!tpu.dma_semaphore, #tpu.memory_space<semaphore_mem>>)
      %dma_start3A_198 = arith.constant 2 : i32
      %dma_start3A_199 = arith.constant 256 : i32
      %dma_start3A_200 = arith.constant 0 : i32
      %dma_start3A_201 = tpu.memref_slice %arg13[%dma_start3A_199, %dma_start3A_200] : memref<512x16xf32, #tpu.memory_space<vmem>> -> memref<128x16xf32, #tpu.memory_space<vmem>>
      %dma_start3A_202 = arith.constant 0 : i32
      %dma_start3A_203 = tpu.memref_slice %arg10[%dma_start3A_198, %dma_start3A_202] : memref<4x128xi32, #tpu.memory_space<vmem>> -> memref<1x128xi32, #tpu.memory_space<vmem>>
      %dma_start3A_204 = tpu.memref_squeeze %dma_start3A_203 : memref<1x128xi32, #tpu.memory_space<vmem>> -> memref<128xi32, #tpu.memory_space<vmem>>
      %dma_start3A_205 = arith.constant 0 : i32
      %dma_start3A_206 = arith.constant 0 : i32
      %dma_start3A_207 = tpu.memref_slice %arg4[%arg0, %dma_start3A_205, %dma_start3A_206] : memref<2x100352x16xf32, #tpu.memory_space<hbm>> -> memref<1x100352x16xf32, #tpu.memory_space<hbm>>
      %dma_start3A_208 = tpu.memref_squeeze %dma_start3A_207 : memref<1x100352x16xf32, #tpu.memory_space<hbm>> -> memref<100352x16xf32, #tpu.memory_space<hbm>>
      %dma_start3A_209 = arith.constant 0 : i32
      %dma_start3A_210 = arith.constant 0 : i32
      %dma_start3A_211 = tpu.memref_slice %dma_start3A_208[%dma_start3A_209, %dma_start3A_210] : memref<100352x16xf32, #tpu.memory_space<hbm>> -> memref<100352x16xf32, #tpu.memory_space<hbm>>
      tpu.enqueue_indirect_dma source(%dma_start3A_211 : memref<100352x16xf32, #tpu.memory_space<hbm>>) target(%dma_start3A_201 : memref<128x16xf32, #tpu.memory_space<vmem>>) offsets(%dma_start3A_204 : memref<128xi32, #tpu.memory_space<vmem>>) semaphore(%arg14 : memref<!tpu.dma_semaphore, #tpu.memory_space<semaphore_mem>>)
      %dma_start3A_212 = arith.constant 3 : i32
      %dma_start3A_213 = arith.constant 384 : i32
      %dma_start3A_214 = arith.constant 0 : i32
      %dma_start3A_215 = tpu.memref_slice %arg13[%dma_start3A_213, %dma_start3A_214] : memref<512x16xf32, #tpu.memory_space<vmem>> -> memref<128x16xf32, #tpu.memory_space<vmem>>
      %dma_start3A_216 = arith.constant 0 : i32
      %dma_start3A_217 = tpu.memref_slice %arg10[%dma_start3A_212, %dma_start3A_216] : memref<4x128xi32, #tpu.memory_space<vmem>> -> memref<1x128xi32, #tpu.memory_space<vmem>>
      %dma_start3A_218 = tpu.memref_squeeze %dma_start3A_217 : memref<1x128xi32, #tpu.memory_space<vmem>> -> memref<128xi32, #tpu.memory_space<vmem>>
      %dma_start3A_219 = arith.constant 0 : i32
      %dma_start3A_220 = arith.constant 0 : i32
      %dma_start3A_221 = tpu.memref_slice %arg4[%arg0, %dma_start3A_219, %dma_start3A_220] : memref<2x100352x16xf32, #tpu.memory_space<hbm>> -> memref<1x100352x16xf32, #tpu.memory_space<hbm>>
      %dma_start3A_222 = tpu.memref_squeeze %dma_start3A_221 : memref<1x100352x16xf32, #tpu.memory_space<hbm>> -> memref<100352x16xf32, #tpu.memory_space<hbm>>
      %dma_start3A_223 = arith.constant 0 : i32
      %dma_start3A_224 = arith.constant 0 : i32
      %dma_start3A_225 = tpu.memref_slice %dma_start3A_222[%dma_start3A_223, %dma_start3A_224] : memref<100352x16xf32, #tpu.memory_space<hbm>> -> memref<100352x16xf32, #tpu.memory_space<hbm>>
      tpu.enqueue_indirect_dma source(%dma_start3A_225 : memref<100352x16xf32, #tpu.memory_space<hbm>>) target(%dma_start3A_215 : memref<128x16xf32, #tpu.memory_space<vmem>>) offsets(%dma_start3A_218 : memref<128xi32, #tpu.memory_space<vmem>>) semaphore(%arg14 : memref<!tpu.dma_semaphore, #tpu.memory_space<semaphore_mem>>)
      %dma_wait3A_226 = arith.constant 0 : i32
      %dma_wait3A_227 = arith.constant 0 : i32
      %dma_wait3A_228 = arith.constant 0 : i32
      %dma_wait3A_229 = tpu.memref_slice %arg12[%dma_wait3A_227, %dma_wait3A_228] : memref<512x16xf32, #tpu.memory_space<vmem>> -> memref<128x16xf32, #tpu.memory_space<vmem>>
      %dma_wait3A_230 = arith.constant 0 : i32
      %dma_wait3A_231 = tpu.memref_slice %arg8[%dma_wait3A_226, %dma_wait3A_230] : memref<4x128xi32, #tpu.memory_space<vmem>> -> memref<1x128xi32, #tpu.memory_space<vmem>>
      %dma_wait3A_232 = tpu.memref_squeeze %dma_wait3A_231 : memref<1x128xi32, #tpu.memory_space<vmem>> -> memref<128xi32, #tpu.memory_space<vmem>>
      %dma_wait3A_233 = arith.constant 0 : i32
      %dma_wait3A_234 = arith.constant 0 : i32
      %dma_wait3A_235 = tpu.memref_slice %arg4[%arg0, %dma_wait3A_233, %dma_wait3A_234] : memref<2x100352x16xf32, #tpu.memory_space<hbm>> -> memref<1x100352x16xf32, #tpu.memory_space<hbm>>
      %dma_wait3A_236 = tpu.memref_squeeze %dma_wait3A_235 : memref<1x100352x16xf32, #tpu.memory_space<hbm>> -> memref<100352x16xf32, #tpu.memory_space<hbm>>
      %dma_wait3A_237 = arith.constant 0 : i32
      %dma_wait3A_238 = arith.constant 0 : i32
      %dma_wait3A_239 = tpu.memref_slice %dma_wait3A_236[%dma_wait3A_237, %dma_wait3A_238] : memref<100352x16xf32, #tpu.memory_space<hbm>> -> memref<100352x16xf32, #tpu.memory_space<hbm>>
      tpu.wait_indirect_dma semaphore(%arg14 : memref<!tpu.dma_semaphore, #tpu.memory_space<semaphore_mem>>) src(%dma_wait3A_239 : memref<100352x16xf32, #tpu.memory_space<hbm>>) dst(%dma_wait3A_229 : memref<128x16xf32, #tpu.memory_space<vmem>>)
      %dma_wait3A_240 = arith.constant 1 : i32
      %dma_wait3A_241 = arith.constant 128 : i32
      %dma_wait3A_242 = arith.constant 0 : i32
      %dma_wait3A_243 = tpu.memref_slice %arg12[%dma_wait3A_241, %dma_wait3A_242] : memref<512x16xf32, #tpu.memory_space<vmem>> -> memref<128x16xf32, #tpu.memory_space<vmem>>
      %dma_wait3A_244 = arith.constant 0 : i32
      %dma_wait3A_245 = tpu.memref_slice %arg8[%dma_wait3A_240, %dma_wait3A_244] : memref<4x128xi32, #tpu.memory_space<vmem>> -> memref<1x128xi32, #tpu.memory_space<vmem>>
      %dma_wait3A_246 = tpu.memref_squeeze %dma_wait3A_245 : memref<1x128xi32, #tpu.memory_space<vmem>> -> memref<128xi32, #tpu.memory_space<vmem>>
      %dma_wait3A_247 = arith.constant 0 : i32
      %dma_wait3A_248 = arith.constant 0 : i32
      %dma_wait3A_249 = tpu.memref_slice %arg4[%arg0, %dma_wait3A_247, %dma_wait3A_248] : memref<2x100352x16xf32, #tpu.memory_space<hbm>> -> memref<1x100352x16xf32, #tpu.memory_space<hbm>>
      %dma_wait3A_250 = tpu.memref_squeeze %dma_wait3A_249 : memref<1x100352x16xf32, #tpu.memory_space<hbm>> -> memref<100352x16xf32, #tpu.memory_space<hbm>>
      %dma_wait3A_251 = arith.constant 0 : i32
      %dma_wait3A_252 = arith.constant 0 : i32
      %dma_wait3A_253 = tpu.memref_slice %dma_wait3A_250[%dma_wait3A_251, %dma_wait3A_252] : memref<100352x16xf32, #tpu.memory_space<hbm>> -> memref<100352x16xf32, #tpu.memory_space<hbm>>
      tpu.wait_indirect_dma semaphore(%arg14 : memref<!tpu.dma_semaphore, #tpu.memory_space<semaphore_mem>>) src(%dma_wait3A_253 : memref<100352x16xf32, #tpu.memory_space<hbm>>) dst(%dma_wait3A_243 : memref<128x16xf32, #tpu.memory_space<vmem>>)
      %dma_wait3A_254 = arith.constant 2 : i32
      %dma_wait3A_255 = arith.constant 256 : i32
      %dma_wait3A_256 = arith.constant 0 : i32
      %dma_wait3A_257 = tpu.memref_slice %arg12[%dma_wait3A_255, %dma_wait3A_256] : memref<512x16xf32, #tpu.memory_space<vmem>> -> memref<128x16xf32, #tpu.memory_space<vmem>>
      %dma_wait3A_258 = arith.constant 0 : i32
      %dma_wait3A_259 = tpu.memref_slice %arg8[%dma_wait3A_254, %dma_wait3A_258] : memref<4x128xi32, #tpu.memory_space<vmem>> -> memref<1x128xi32, #tpu.memory_space<vmem>>
      %dma_wait3A_260 = tpu.memref_squeeze %dma_wait3A_259 : memref<1x128xi32, #tpu.memory_space<vmem>> -> memref<128xi32, #tpu.memory_space<vmem>>
      %dma_wait3A_261 = arith.constant 0 : i32
      %dma_wait3A_262 = arith.constant 0 : i32
      %dma_wait3A_263 = tpu.memref_slice %arg4[%arg0, %dma_wait3A_261, %dma_wait3A_262] : memref<2x100352x16xf32, #tpu.memory_space<hbm>> -> memref<1x100352x16xf32, #tpu.memory_space<hbm>>
      %dma_wait3A_264 = tpu.memref_squeeze %dma_wait3A_263 : memref<1x100352x16xf32, #tpu.memory_space<hbm>> -> memref<100352x16xf32, #tpu.memory_space<hbm>>
      %dma_wait3A_265 = arith.constant 0 : i32
      %dma_wait3A_266 = arith.constant 0 : i32
      %dma_wait3A_267 = tpu.memref_slice %dma_wait3A_264[%dma_wait3A_265, %dma_wait3A_266] : memref<100352x16xf32, #tpu.memory_space<hbm>> -> memref<100352x16xf32, #tpu.memory_space<hbm>>
      tpu.wait_indirect_dma semaphore(%arg14 : memref<!tpu.dma_semaphore, #tpu.memory_space<semaphore_mem>>) src(%dma_wait3A_267 : memref<100352x16xf32, #tpu.memory_space<hbm>>) dst(%dma_wait3A_257 : memref<128x16xf32, #tpu.memory_space<vmem>>)
      %dma_wait3A_268 = arith.constant 3 : i32
      %dma_wait3A_269 = arith.constant 384 : i32
      %dma_wait3A_270 = arith.constant 0 : i32
      %dma_wait3A_271 = tpu.memref_slice %arg12[%dma_wait3A_269, %dma_wait3A_270] : memref<512x16xf32, #tpu.memory_space<vmem>> -> memref<128x16xf32, #tpu.memory_space<vmem>>
      %dma_wait3A_272 = arith.constant 0 : i32
      %dma_wait3A_273 = tpu.memref_slice %arg8[%dma_wait3A_268, %dma_wait3A_272] : memref<4x128xi32, #tpu.memory_space<vmem>> -> memref<1x128xi32, #tpu.memory_space<vmem>>
      %dma_wait3A_274 = tpu.memref_squeeze %dma_wait3A_273 : memref<1x128xi32, #tpu.memory_space<vmem>> -> memref<128xi32, #tpu.memory_space<vmem>>
      %dma_wait3A_275 = arith.constant 0 : i32
      %dma_wait3A_276 = arith.constant 0 : i32
      %dma_wait3A_277 = tpu.memref_slice %arg4[%arg0, %dma_wait3A_275, %dma_wait3A_276] : memref<2x100352x16xf32, #tpu.memory_space<hbm>> -> memref<1x100352x16xf32, #tpu.memory_space<hbm>>
      %dma_wait3A_278 = tpu.memref_squeeze %dma_wait3A_277 : memref<1x100352x16xf32, #tpu.memory_space<hbm>> -> memref<100352x16xf32, #tpu.memory_space<hbm>>
      %dma_wait3A_279 = arith.constant 0 : i32
      %dma_wait3A_280 = arith.constant 0 : i32
      %dma_wait3A_281 = tpu.memref_slice %dma_wait3A_278[%dma_wait3A_279, %dma_wait3A_280] : memref<100352x16xf32, #tpu.memory_space<hbm>> -> memref<100352x16xf32, #tpu.memory_space<hbm>>
      tpu.wait_indirect_dma semaphore(%arg14 : memref<!tpu.dma_semaphore, #tpu.memory_space<semaphore_mem>>) src(%dma_wait3A_281 : memref<100352x16xf32, #tpu.memory_space<hbm>>) dst(%dma_wait3A_271 : memref<128x16xf32, #tpu.memory_space<vmem>>)
      %dma_start3A_282 = arith.constant 0 : i32
      %dma_start3A_283 = arith.constant 0 : i32
      %dma_start3A_284 = arith.constant 0 : i32
      %dma_start3A_285 = tpu.memref_slice %arg12[%dma_start3A_283, %dma_start3A_284] : memref<512x16xf32, #tpu.memory_space<vmem>> -> memref<128x16xf32, #tpu.memory_space<vmem>>
      %dma_start3A_286 = arith.constant 0 : i32
      %dma_start3A_287 = tpu.memref_slice %arg9[%dma_start3A_282, %dma_start3A_286] : memref<4x128xi32, #tpu.memory_space<vmem>> -> memref<1x128xi32, #tpu.memory_space<vmem>>
      %dma_start3A_288 = tpu.memref_squeeze %dma_start3A_287 : memref<1x128xi32, #tpu.memory_space<vmem>> -> memref<128xi32, #tpu.memory_space<vmem>>
      %dma_start3A_289 = arith.constant 0 : i32
      %dma_start3A_290 = arith.constant 0 : i32
      %dma_start3A_291 = tpu.memref_slice %arg7[%dma_start3A_289, %dma_start3A_290] : memref<100352x16xf32, #tpu.memory_space<vmem_shared>> -> memref<100352x16xf32, #tpu.memory_space<vmem_shared>>
      tpu.enqueue_indirect_dma source(%dma_start3A_285 : memref<128x16xf32, #tpu.memory_space<vmem>>) target(%dma_start3A_291 : memref<100352x16xf32, #tpu.memory_space<vmem_shared>>) offsets(%dma_start3A_288 : memref<128xi32, #tpu.memory_space<vmem>>) semaphore(%arg15 : memref<!tpu.dma_semaphore, #tpu.memory_space<semaphore_mem>>) {add = true}
      %dma_start3A_292 = arith.constant 1 : i32
      %dma_start3A_293 = arith.constant 128 : i32
      %dma_start3A_294 = arith.constant 0 : i32
      %dma_start3A_295 = tpu.memref_slice %arg12[%dma_start3A_293, %dma_start3A_294] : memref<512x16xf32, #tpu.memory_space<vmem>> -> memref<128x16xf32, #tpu.memory_space<vmem>>
      %dma_start3A_296 = arith.constant 0 : i32
      %dma_start3A_297 = tpu.memref_slice %arg9[%dma_start3A_292, %dma_start3A_296] : memref<4x128xi32, #tpu.memory_space<vmem>> -> memref<1x128xi32, #tpu.memory_space<vmem>>
      %dma_start3A_298 = tpu.memref_squeeze %dma_start3A_297 : memref<1x128xi32, #tpu.memory_space<vmem>> -> memref<128xi32, #tpu.memory_space<vmem>>
      %dma_start3A_299 = arith.constant 0 : i32
      %dma_start3A_300 = arith.constant 0 : i32
      %dma_start3A_301 = tpu.memref_slice %arg7[%dma_start3A_299, %dma_start3A_300] : memref<100352x16xf32, #tpu.memory_space<vmem_shared>> -> memref<100352x16xf32, #tpu.memory_space<vmem_shared>>
      tpu.enqueue_indirect_dma source(%dma_start3A_295 : memref<128x16xf32, #tpu.memory_space<vmem>>) target(%dma_start3A_301 : memref<100352x16xf32, #tpu.memory_space<vmem_shared>>) offsets(%dma_start3A_298 : memref<128xi32, #tpu.memory_space<vmem>>) semaphore(%arg15 : memref<!tpu.dma_semaphore, #tpu.memory_space<semaphore_mem>>) {add = true}
      %dma_start3A_302 = arith.constant 2 : i32
      %dma_start3A_303 = arith.constant 256 : i32
      %dma_start3A_304 = arith.constant 0 : i32
      %dma_start3A_305 = tpu.memref_slice %arg12[%dma_start3A_303, %dma_start3A_304] : memref<512x16xf32, #tpu.memory_space<vmem>> -> memref<128x16xf32, #tpu.memory_space<vmem>>
      %dma_start3A_306 = arith.constant 0 : i32
      %dma_start3A_307 = tpu.memref_slice %arg9[%dma_start3A_302, %dma_start3A_306] : memref<4x128xi32, #tpu.memory_space<vmem>> -> memref<1x128xi32, #tpu.memory_space<vmem>>
      %dma_start3A_308 = tpu.memref_squeeze %dma_start3A_307 : memref<1x128xi32, #tpu.memory_space<vmem>> -> memref<128xi32, #tpu.memory_space<vmem>>
      %dma_start3A_309 = arith.constant 0 : i32
      %dma_start3A_310 = arith.constant 0 : i32
      %dma_start3A_311 = tpu.memref_slice %arg7[%dma_start3A_309, %dma_start3A_310] : memref<100352x16xf32, #tpu.memory_space<vmem_shared>> -> memref<100352x16xf32, #tpu.memory_space<vmem_shared>>
      tpu.enqueue_indirect_dma source(%dma_start3A_305 : memref<128x16xf32, #tpu.memory_space<vmem>>) target(%dma_start3A_311 : memref<100352x16xf32, #tpu.memory_space<vmem_shared>>) offsets(%dma_start3A_308 : memref<128xi32, #tpu.memory_space<vmem>>) semaphore(%arg15 : memref<!tpu.dma_semaphore, #tpu.memory_space<semaphore_mem>>) {add = true}
      %dma_start3A_312 = arith.constant 3 : i32
      %dma_start3A_313 = arith.constant 384 : i32
      %dma_start3A_314 = arith.constant 0 : i32
      %dma_start3A_315 = tpu.memref_slice %arg12[%dma_start3A_313, %dma_start3A_314] : memref<512x16xf32, #tpu.memory_space<vmem>> -> memref<128x16xf32, #tpu.memory_space<vmem>>
      %dma_start3A_316 = arith.constant 0 : i32
      %dma_start3A_317 = tpu.memref_slice %arg9[%dma_start3A_312, %dma_start3A_316] : memref<4x128xi32, #tpu.memory_space<vmem>> -> memref<1x128xi32, #tpu.memory_space<vmem>>
      %dma_start3A_318 = tpu.memref_squeeze %dma_start3A_317 : memref<1x128xi32, #tpu.memory_space<vmem>> -> memref<128xi32, #tpu.memory_space<vmem>>
      %dma_start3A_319 = arith.constant 0 : i32
      %dma_start3A_320 = arith.constant 0 : i32
      %dma_start3A_321 = tpu.memref_slice %arg7[%dma_start3A_319, %dma_start3A_320] : memref<100352x16xf32, #tpu.memory_space<vmem_shared>> -> memref<100352x16xf32, #tpu.memory_space<vmem_shared>>
      tpu.enqueue_indirect_dma source(%dma_start3A_315 : memref<128x16xf32, #tpu.memory_space<vmem>>) target(%dma_start3A_321 : memref<100352x16xf32, #tpu.memory_space<vmem_shared>>) offsets(%dma_start3A_318 : memref<128xi32, #tpu.memory_space<vmem>>) semaphore(%arg15 : memref<!tpu.dma_semaphore, #tpu.memory_space<semaphore_mem>>) {add = true}
      %dma_wait3A_322 = arith.constant 0 : i32
      %dma_wait3A_323 = arith.constant 0 : i32
      %dma_wait3A_324 = arith.constant 0 : i32
      %dma_wait3A_325 = tpu.memref_slice %arg13[%dma_wait3A_323, %dma_wait3A_324] : memref<512x16xf32, #tpu.memory_space<vmem>> -> memref<128x16xf32, #tpu.memory_space<vmem>>
      %dma_wait3A_326 = arith.constant 0 : i32
      %dma_wait3A_327 = tpu.memref_slice %arg10[%dma_wait3A_322, %dma_wait3A_326] : memref<4x128xi32, #tpu.memory_space<vmem>> -> memref<1x128xi32, #tpu.memory_space<vmem>>
      %dma_wait3A_328 = tpu.memref_squeeze %dma_wait3A_327 : memref<1x128xi32, #tpu.memory_space<vmem>> -> memref<128xi32, #tpu.memory_space<vmem>>
      %dma_wait3A_329 = arith.constant 0 : i32
      %dma_wait3A_330 = arith.constant 0 : i32
      %dma_wait3A_331 = tpu.memref_slice %arg4[%arg0, %dma_wait3A_329, %dma_wait3A_330] : memref<2x100352x16xf32, #tpu.memory_space<hbm>> -> memref<1x100352x16xf32, #tpu.memory_space<hbm>>
      %dma_wait3A_332 = tpu.memref_squeeze %dma_wait3A_331 : memref<1x100352x16xf32, #tpu.memory_space<hbm>> -> memref<100352x16xf32, #tpu.memory_space<hbm>>
      %dma_wait3A_333 = arith.constant 0 : i32
      %dma_wait3A_334 = arith.constant 0 : i32
      %dma_wait3A_335 = tpu.memref_slice %dma_wait3A_332[%dma_wait3A_333, %dma_wait3A_334] : memref<100352x16xf32, #tpu.memory_space<hbm>> -> memref<100352x16xf32, #tpu.memory_space<hbm>>
      tpu.wait_indirect_dma semaphore(%arg14 : memref<!tpu.dma_semaphore, #tpu.memory_space<semaphore_mem>>) src(%dma_wait3A_335 : memref<100352x16xf32, #tpu.memory_space<hbm>>) dst(%dma_wait3A_325 : memref<128x16xf32, #tpu.memory_space<vmem>>)
      %dma_wait3A_336 = arith.constant 1 : i32
      %dma_wait3A_337 = arith.constant 128 : i32
      %dma_wait3A_338 = arith.constant 0 : i32
      %dma_wait3A_339 = tpu.memref_slice %arg13[%dma_wait3A_337, %dma_wait3A_338] : memref<512x16xf32, #tpu.memory_space<vmem>> -> memref<128x16xf32, #tpu.memory_space<vmem>>
      %dma_wait3A_340 = arith.constant 0 : i32
      %dma_wait3A_341 = tpu.memref_slice %arg10[%dma_wait3A_336, %dma_wait3A_340] : memref<4x128xi32, #tpu.memory_space<vmem>> -> memref<1x128xi32, #tpu.memory_space<vmem>>
      %dma_wait3A_342 = tpu.memref_squeeze %dma_wait3A_341 : memref<1x128xi32, #tpu.memory_space<vmem>> -> memref<128xi32, #tpu.memory_space<vmem>>
      %dma_wait3A_343 = arith.constant 0 : i32
      %dma_wait3A_344 = arith.constant 0 : i32
      %dma_wait3A_345 = tpu.memref_slice %arg4[%arg0, %dma_wait3A_343, %dma_wait3A_344] : memref<2x100352x16xf32, #tpu.memory_space<hbm>> -> memref<1x100352x16xf32, #tpu.memory_space<hbm>>
      %dma_wait3A_346 = tpu.memref_squeeze %dma_wait3A_345 : memref<1x100352x16xf32, #tpu.memory_space<hbm>> -> memref<100352x16xf32, #tpu.memory_space<hbm>>
      %dma_wait3A_347 = arith.constant 0 : i32
      %dma_wait3A_348 = arith.constant 0 : i32
      %dma_wait3A_349 = tpu.memref_slice %dma_wait3A_346[%dma_wait3A_347, %dma_wait3A_348] : memref<100352x16xf32, #tpu.memory_space<hbm>> -> memref<100352x16xf32, #tpu.memory_space<hbm>>
      tpu.wait_indirect_dma semaphore(%arg14 : memref<!tpu.dma_semaphore, #tpu.memory_space<semaphore_mem>>) src(%dma_wait3A_349 : memref<100352x16xf32, #tpu.memory_space<hbm>>) dst(%dma_wait3A_339 : memref<128x16xf32, #tpu.memory_space<vmem>>)
      %dma_wait3A_350 = arith.constant 2 : i32
      %dma_wait3A_351 = arith.constant 256 : i32
      %dma_wait3A_352 = arith.constant 0 : i32
      %dma_wait3A_353 = tpu.memref_slice %arg13[%dma_wait3A_351, %dma_wait3A_352] : memref<512x16xf32, #tpu.memory_space<vmem>> -> memref<128x16xf32, #tpu.memory_space<vmem>>
      %dma_wait3A_354 = arith.constant 0 : i32
      %dma_wait3A_355 = tpu.memref_slice %arg10[%dma_wait3A_350, %dma_wait3A_354] : memref<4x128xi32, #tpu.memory_space<vmem>> -> memref<1x128xi32, #tpu.memory_space<vmem>>
      %dma_wait3A_356 = tpu.memref_squeeze %dma_wait3A_355 : memref<1x128xi32, #tpu.memory_space<vmem>> -> memref<128xi32, #tpu.memory_space<vmem>>
      %dma_wait3A_357 = arith.constant 0 : i32
      %dma_wait3A_358 = arith.constant 0 : i32
      %dma_wait3A_359 = tpu.memref_slice %arg4[%arg0, %dma_wait3A_357, %dma_wait3A_358] : memref<2x100352x16xf32, #tpu.memory_space<hbm>> -> memref<1x100352x16xf32, #tpu.memory_space<hbm>>
      %dma_wait3A_360 = tpu.memref_squeeze %dma_wait3A_359 : memref<1x100352x16xf32, #tpu.memory_space<hbm>> -> memref<100352x16xf32, #tpu.memory_space<hbm>>
      %dma_wait3A_361 = arith.constant 0 : i32
      %dma_wait3A_362 = arith.constant 0 : i32
      %dma_wait3A_363 = tpu.memref_slice %dma_wait3A_360[%dma_wait3A_361, %dma_wait3A_362] : memref<100352x16xf32, #tpu.memory_space<hbm>> -> memref<100352x16xf32, #tpu.memory_space<hbm>>
      tpu.wait_indirect_dma semaphore(%arg14 : memref<!tpu.dma_semaphore, #tpu.memory_space<semaphore_mem>>) src(%dma_wait3A_363 : memref<100352x16xf32, #tpu.memory_space<hbm>>) dst(%dma_wait3A_353 : memref<128x16xf32, #tpu.memory_space<vmem>>)
      %dma_wait3A_364 = arith.constant 3 : i32
      %dma_wait3A_365 = arith.constant 384 : i32
      %dma_wait3A_366 = arith.constant 0 : i32
      %dma_wait3A_367 = tpu.memref_slice %arg13[%dma_wait3A_365, %dma_wait3A_366] : memref<512x16xf32, #tpu.memory_space<vmem>> -> memref<128x16xf32, #tpu.memory_space<vmem>>
      %dma_wait3A_368 = arith.constant 0 : i32
      %dma_wait3A_369 = tpu.memref_slice %arg10[%dma_wait3A_364, %dma_wait3A_368] : memref<4x128xi32, #tpu.memory_space<vmem>> -> memref<1x128xi32, #tpu.memory_space<vmem>>
      %dma_wait3A_370 = tpu.memref_squeeze %dma_wait3A_369 : memref<1x128xi32, #tpu.memory_space<vmem>> -> memref<128xi32, #tpu.memory_space<vmem>>
      %dma_wait3A_371 = arith.constant 0 : i32
      %dma_wait3A_372 = arith.constant 0 : i32
      %dma_wait3A_373 = tpu.memref_slice %arg4[%arg0, %dma_wait3A_371, %dma_wait3A_372] : memref<2x100352x16xf32, #tpu.memory_space<hbm>> -> memref<1x100352x16xf32, #tpu.memory_space<hbm>>
      %dma_wait3A_374 = tpu.memref_squeeze %dma_wait3A_373 : memref<1x100352x16xf32, #tpu.memory_space<hbm>> -> memref<100352x16xf32, #tpu.memory_space<hbm>>
      %dma_wait3A_375 = arith.constant 0 : i32
      %dma_wait3A_376 = arith.constant 0 : i32
      %dma_wait3A_377 = tpu.memref_slice %dma_wait3A_374[%dma_wait3A_375, %dma_wait3A_376] : memref<100352x16xf32, #tpu.memory_space<hbm>> -> memref<100352x16xf32, #tpu.memory_space<hbm>>
      tpu.wait_indirect_dma semaphore(%arg14 : memref<!tpu.dma_semaphore, #tpu.memory_space<semaphore_mem>>) src(%dma_wait3A_377 : memref<100352x16xf32, #tpu.memory_space<hbm>>) dst(%dma_wait3A_367 : memref<128x16xf32, #tpu.memory_space<vmem>>)
      %gt3A = arith.constant 0 : i32
      %gt3A_378 = arith.cmpi sgt, %scan3A_160, %gt3A : i32
      %convert_element_type3A = arith.extui %gt3A_378 : i1 to i32
      %cond3A = arith.constant 0 : i32
      %cond3A_379 = arith.cmpi ne, %convert_element_type3A, %cond3A : i32
      scf.if %cond3A_379 {
        %dma_wait3A_516 = arith.constant 0 : i32
        %dma_wait3A_517 = arith.constant 0 : i32
        %dma_wait3A_518 = arith.constant 0 : i32
        %dma_wait3A_519 = tpu.memref_slice %arg13[%dma_wait3A_517, %dma_wait3A_518] : memref<512x16xf32, #tpu.memory_space<vmem>> -> memref<128x16xf32, #tpu.memory_space<vmem>>
        %dma_wait3A_520 = arith.constant 0 : i32
        %dma_wait3A_521 = tpu.memref_slice %arg11[%dma_wait3A_516, %dma_wait3A_520] : memref<4x128xi32, #tpu.memory_space<vmem>> -> memref<1x128xi32, #tpu.memory_space<vmem>>
        %dma_wait3A_522 = tpu.memref_squeeze %dma_wait3A_521 : memref<1x128xi32, #tpu.memory_space<vmem>> -> memref<128xi32, #tpu.memory_space<vmem>>
        %dma_wait3A_523 = arith.constant 0 : i32
        %dma_wait3A_524 = arith.constant 0 : i32
        %dma_wait3A_525 = tpu.memref_slice %arg7[%dma_wait3A_523, %dma_wait3A_524] : memref<100352x16xf32, #tpu.memory_space<vmem_shared>> -> memref<100352x16xf32, #tpu.memory_space<vmem_shared>>
        tpu.wait_indirect_dma semaphore(%arg15 : memref<!tpu.dma_semaphore, #tpu.memory_space<semaphore_mem>>) src(%dma_wait3A_519 : memref<128x16xf32, #tpu.memory_space<vmem>>) dst(%dma_wait3A_525 : memref<100352x16xf32, #tpu.memory_space<vmem_shared>>)
        %dma_wait3A_526 = arith.constant 1 : i32
        %dma_wait3A_527 = arith.constant 128 : i32
        %dma_wait3A_528 = arith.constant 0 : i32
        %dma_wait3A_529 = tpu.memref_slice %arg13[%dma_wait3A_527, %dma_wait3A_528] : memref<512x16xf32, #tpu.memory_space<vmem>> -> memref<128x16xf32, #tpu.memory_space<vmem>>
        %dma_wait3A_530 = arith.constant 0 : i32
        %dma_wait3A_531 = tpu.memref_slice %arg11[%dma_wait3A_526, %dma_wait3A_530] : memref<4x128xi32, #tpu.memory_space<vmem>> -> memref<1x128xi32, #tpu.memory_space<vmem>>
        %dma_wait3A_532 = tpu.memref_squeeze %dma_wait3A_531 : memref<1x128xi32, #tpu.memory_space<vmem>> -> memref<128xi32, #tpu.memory_space<vmem>>
        %dma_wait3A_533 = arith.constant 0 : i32
        %dma_wait3A_534 = arith.constant 0 : i32
        %dma_wait3A_535 = tpu.memref_slice %arg7[%dma_wait3A_533, %dma_wait3A_534] : memref<100352x16xf32, #tpu.memory_space<vmem_shared>> -> memref<100352x16xf32, #tpu.memory_space<vmem_shared>>
        tpu.wait_indirect_dma semaphore(%arg15 : memref<!tpu.dma_semaphore, #tpu.memory_space<semaphore_mem>>) src(%dma_wait3A_529 : memref<128x16xf32, #tpu.memory_space<vmem>>) dst(%dma_wait3A_535 : memref<100352x16xf32, #tpu.memory_space<vmem_shared>>)
        %dma_wait3A_536 = arith.constant 2 : i32
        %dma_wait3A_537 = arith.constant 256 : i32
        %dma_wait3A_538 = arith.constant 0 : i32
        %dma_wait3A_539 = tpu.memref_slice %arg13[%dma_wait3A_537, %dma_wait3A_538] : memref<512x16xf32, #tpu.memory_space<vmem>> -> memref<128x16xf32, #tpu.memory_space<vmem>>
        %dma_wait3A_540 = arith.constant 0 : i32
        %dma_wait3A_541 = tpu.memref_slice %arg11[%dma_wait3A_536, %dma_wait3A_540] : memref<4x128xi32, #tpu.memory_space<vmem>> -> memref<1x128xi32, #tpu.memory_space<vmem>>
        %dma_wait3A_542 = tpu.memref_squeeze %dma_wait3A_541 : memref<1x128xi32, #tpu.memory_space<vmem>> -> memref<128xi32, #tpu.memory_space<vmem>>
        %dma_wait3A_543 = arith.constant 0 : i32
        %dma_wait3A_544 = arith.constant 0 : i32
        %dma_wait3A_545 = tpu.memref_slice %arg7[%dma_wait3A_543, %dma_wait3A_544] : memref<100352x16xf32, #tpu.memory_space<vmem_shared>> -> memref<100352x16xf32, #tpu.memory_space<vmem_shared>>
        tpu.wait_indirect_dma semaphore(%arg15 : memref<!tpu.dma_semaphore, #tpu.memory_space<semaphore_mem>>) src(%dma_wait3A_539 : memref<128x16xf32, #tpu.memory_space<vmem>>) dst(%dma_wait3A_545 : memref<100352x16xf32, #tpu.memory_space<vmem_shared>>)
        %dma_wait3A_546 = arith.constant 3 : i32
        %dma_wait3A_547 = arith.constant 384 : i32
        %dma_wait3A_548 = arith.constant 0 : i32
        %dma_wait3A_549 = tpu.memref_slice %arg13[%dma_wait3A_547, %dma_wait3A_548] : memref<512x16xf32, #tpu.memory_space<vmem>> -> memref<128x16xf32, #tpu.memory_space<vmem>>
        %dma_wait3A_550 = arith.constant 0 : i32
        %dma_wait3A_551 = tpu.memref_slice %arg11[%dma_wait3A_546, %dma_wait3A_550] : memref<4x128xi32, #tpu.memory_space<vmem>> -> memref<1x128xi32, #tpu.memory_space<vmem>>
        %dma_wait3A_552 = tpu.memref_squeeze %dma_wait3A_551 : memref<1x128xi32, #tpu.memory_space<vmem>> -> memref<128xi32, #tpu.memory_space<vmem>>
        %dma_wait3A_553 = arith.constant 0 : i32
        %dma_wait3A_554 = arith.constant 0 : i32
        %dma_wait3A_555 = tpu.memref_slice %arg7[%dma_wait3A_553, %dma_wait3A_554] : memref<100352x16xf32, #tpu.memory_space<vmem_shared>> -> memref<100352x16xf32, #tpu.memory_space<vmem_shared>>
        tpu.wait_indirect_dma semaphore(%arg15 : memref<!tpu.dma_semaphore, #tpu.memory_space<semaphore_mem>>) src(%dma_wait3A_549 : memref<128x16xf32, #tpu.memory_space<vmem>>) dst(%dma_wait3A_555 : memref<100352x16xf32, #tpu.memory_space<vmem_shared>>)
      } else {
      }
      %dma_wait3A_380 = arith.constant 0 : i32
      %dma_wait3A_381 = arith.constant 0 : i32
      %dma_wait3A_382 = arith.constant 0 : i32
      %dma_wait3A_383 = tpu.memref_slice %arg12[%dma_wait3A_381, %dma_wait3A_382] : memref<512x16xf32, #tpu.memory_space<vmem>> -> memref<128x16xf32, #tpu.memory_space<vmem>>
      %dma_wait3A_384 = arith.constant 0 : i32
      %dma_wait3A_385 = tpu.memref_slice %arg9[%dma_wait3A_380, %dma_wait3A_384] : memref<4x128xi32, #tpu.memory_space<vmem>> -> memref<1x128xi32, #tpu.memory_space<vmem>>
      %dma_wait3A_386 = tpu.memref_squeeze %dma_wait3A_385 : memref<1x128xi32, #tpu.memory_space<vmem>> -> memref<128xi32, #tpu.memory_space<vmem>>
      %dma_wait3A_387 = arith.constant 0 : i32
      %dma_wait3A_388 = arith.constant 0 : i32
      %dma_wait3A_389 = tpu.memref_slice %arg7[%dma_wait3A_387, %dma_wait3A_388] : memref<100352x16xf32, #tpu.memory_space<vmem_shared>> -> memref<100352x16xf32, #tpu.memory_space<vmem_shared>>
      tpu.wait_indirect_dma semaphore(%arg15 : memref<!tpu.dma_semaphore, #tpu.memory_space<semaphore_mem>>) src(%dma_wait3A_383 : memref<128x16xf32, #tpu.memory_space<vmem>>) dst(%dma_wait3A_389 : memref<100352x16xf32, #tpu.memory_space<vmem_shared>>)
      %dma_wait3A_390 = arith.constant 1 : i32
      %dma_wait3A_391 = arith.constant 128 : i32
      %dma_wait3A_392 = arith.constant 0 : i32
      %dma_wait3A_393 = tpu.memref_slice %arg12[%dma_wait3A_391, %dma_wait3A_392] : memref<512x16xf32, #tpu.memory_space<vmem>> -> memref<128x16xf32, #tpu.memory_space<vmem>>
      %dma_wait3A_394 = arith.constant 0 : i32
      %dma_wait3A_395 = tpu.memref_slice %arg9[%dma_wait3A_390, %dma_wait3A_394] : memref<4x128xi32, #tpu.memory_space<vmem>> -> memref<1x128xi32, #tpu.memory_space<vmem>>
      %dma_wait3A_396 = tpu.memref_squeeze %dma_wait3A_395 : memref<1x128xi32, #tpu.memory_space<vmem>> -> memref<128xi32, #tpu.memory_space<vmem>>
      %dma_wait3A_397 = arith.constant 0 : i32
      %dma_wait3A_398 = arith.constant 0 : i32
      %dma_wait3A_399 = tpu.memref_slice %arg7[%dma_wait3A_397, %dma_wait3A_398] : memref<100352x16xf32, #tpu.memory_space<vmem_shared>> -> memref<100352x16xf32, #tpu.memory_space<vmem_shared>>
      tpu.wait_indirect_dma semaphore(%arg15 : memref<!tpu.dma_semaphore, #tpu.memory_space<semaphore_mem>>) src(%dma_wait3A_393 : memref<128x16xf32, #tpu.memory_space<vmem>>) dst(%dma_wait3A_399 : memref<100352x16xf32, #tpu.memory_space<vmem_shared>>)
      %dma_wait3A_400 = arith.constant 2 : i32
      %dma_wait3A_401 = arith.constant 256 : i32
      %dma_wait3A_402 = arith.constant 0 : i32
      %dma_wait3A_403 = tpu.memref_slice %arg12[%dma_wait3A_401, %dma_wait3A_402] : memref<512x16xf32, #tpu.memory_space<vmem>> -> memref<128x16xf32, #tpu.memory_space<vmem>>
      %dma_wait3A_404 = arith.constant 0 : i32
      %dma_wait3A_405 = tpu.memref_slice %arg9[%dma_wait3A_400, %dma_wait3A_404] : memref<4x128xi32, #tpu.memory_space<vmem>> -> memref<1x128xi32, #tpu.memory_space<vmem>>
      %dma_wait3A_406 = tpu.memref_squeeze %dma_wait3A_405 : memref<1x128xi32, #tpu.memory_space<vmem>> -> memref<128xi32, #tpu.memory_space<vmem>>
      %dma_wait3A_407 = arith.constant 0 : i32
      %dma_wait3A_408 = arith.constant 0 : i32
      %dma_wait3A_409 = tpu.memref_slice %arg7[%dma_wait3A_407, %dma_wait3A_408] : memref<100352x16xf32, #tpu.memory_space<vmem_shared>> -> memref<100352x16xf32, #tpu.memory_space<vmem_shared>>
      tpu.wait_indirect_dma semaphore(%arg15 : memref<!tpu.dma_semaphore, #tpu.memory_space<semaphore_mem>>) src(%dma_wait3A_403 : memref<128x16xf32, #tpu.memory_space<vmem>>) dst(%dma_wait3A_409 : memref<100352x16xf32, #tpu.memory_space<vmem_shared>>)
      %dma_wait3A_410 = arith.constant 3 : i32
      %dma_wait3A_411 = arith.constant 384 : i32
      %dma_wait3A_412 = arith.constant 0 : i32
      %dma_wait3A_413 = tpu.memref_slice %arg12[%dma_wait3A_411, %dma_wait3A_412] : memref<512x16xf32, #tpu.memory_space<vmem>> -> memref<128x16xf32, #tpu.memory_space<vmem>>
      %dma_wait3A_414 = arith.constant 0 : i32
      %dma_wait3A_415 = tpu.memref_slice %arg9[%dma_wait3A_410, %dma_wait3A_414] : memref<4x128xi32, #tpu.memory_space<vmem>> -> memref<1x128xi32, #tpu.memory_space<vmem>>
      %dma_wait3A_416 = tpu.memref_squeeze %dma_wait3A_415 : memref<1x128xi32, #tpu.memory_space<vmem>> -> memref<128xi32, #tpu.memory_space<vmem>>
      %dma_wait3A_417 = arith.constant 0 : i32
      %dma_wait3A_418 = arith.constant 0 : i32
      %dma_wait3A_419 = tpu.memref_slice %arg7[%dma_wait3A_417, %dma_wait3A_418] : memref<100352x16xf32, #tpu.memory_space<vmem_shared>> -> memref<100352x16xf32, #tpu.memory_space<vmem_shared>>
      tpu.wait_indirect_dma semaphore(%arg15 : memref<!tpu.dma_semaphore, #tpu.memory_space<semaphore_mem>>) src(%dma_wait3A_413 : memref<128x16xf32, #tpu.memory_space<vmem>>) dst(%dma_wait3A_419 : memref<100352x16xf32, #tpu.memory_space<vmem_shared>>)
      %dma_start3A_420 = arith.constant 0 : i32
      %dma_start3A_421 = arith.constant 0 : i32
      %dma_start3A_422 = arith.constant 0 : i32
      %dma_start3A_423 = tpu.memref_slice %arg13[%dma_start3A_421, %dma_start3A_422] : memref<512x16xf32, #tpu.memory_space<vmem>> -> memref<128x16xf32, #tpu.memory_space<vmem>>
      %dma_start3A_424 = arith.constant 0 : i32
      %dma_start3A_425 = tpu.memref_slice %arg11[%dma_start3A_420, %dma_start3A_424] : memref<4x128xi32, #tpu.memory_space<vmem>> -> memref<1x128xi32, #tpu.memory_space<vmem>>
      %dma_start3A_426 = tpu.memref_squeeze %dma_start3A_425 : memref<1x128xi32, #tpu.memory_space<vmem>> -> memref<128xi32, #tpu.memory_space<vmem>>
      %dma_start3A_427 = arith.constant 0 : i32
      %dma_start3A_428 = arith.constant 0 : i32
      %dma_start3A_429 = tpu.memref_slice %arg7[%dma_start3A_427, %dma_start3A_428] : memref<100352x16xf32, #tpu.memory_space<vmem_shared>> -> memref<100352x16xf32, #tpu.memory_space<vmem_shared>>
      tpu.enqueue_indirect_dma source(%dma_start3A_423 : memref<128x16xf32, #tpu.memory_space<vmem>>) target(%dma_start3A_429 : memref<100352x16xf32, #tpu.memory_space<vmem_shared>>) offsets(%dma_start3A_426 : memref<128xi32, #tpu.memory_space<vmem>>) semaphore(%arg15 : memref<!tpu.dma_semaphore, #tpu.memory_space<semaphore_mem>>) {add = true}
      %dma_start3A_430 = arith.constant 1 : i32
      %dma_start3A_431 = arith.constant 128 : i32
      %dma_start3A_432 = arith.constant 0 : i32
      %dma_start3A_433 = tpu.memref_slice %arg13[%dma_start3A_431, %dma_start3A_432] : memref<512x16xf32, #tpu.memory_space<vmem>> -> memref<128x16xf32, #tpu.memory_space<vmem>>
      %dma_start3A_434 = arith.constant 0 : i32
      %dma_start3A_435 = tpu.memref_slice %arg11[%dma_start3A_430, %dma_start3A_434] : memref<4x128xi32, #tpu.memory_space<vmem>> -> memref<1x128xi32, #tpu.memory_space<vmem>>
      %dma_start3A_436 = tpu.memref_squeeze %dma_start3A_435 : memref<1x128xi32, #tpu.memory_space<vmem>> -> memref<128xi32, #tpu.memory_space<vmem>>
      %dma_start3A_437 = arith.constant 0 : i32
      %dma_start3A_438 = arith.constant 0 : i32
      %dma_start3A_439 = tpu.memref_slice %arg7[%dma_start3A_437, %dma_start3A_438] : memref<100352x16xf32, #tpu.memory_space<vmem_shared>> -> memref<100352x16xf32, #tpu.memory_space<vmem_shared>>
      tpu.enqueue_indirect_dma source(%dma_start3A_433 : memref<128x16xf32, #tpu.memory_space<vmem>>) target(%dma_start3A_439 : memref<100352x16xf32, #tpu.memory_space<vmem_shared>>) offsets(%dma_start3A_436 : memref<128xi32, #tpu.memory_space<vmem>>) semaphore(%arg15 : memref<!tpu.dma_semaphore, #tpu.memory_space<semaphore_mem>>) {add = true}
      %dma_start3A_440 = arith.constant 2 : i32
      %dma_start3A_441 = arith.constant 256 : i32
      %dma_start3A_442 = arith.constant 0 : i32
      %dma_start3A_443 = tpu.memref_slice %arg13[%dma_start3A_441, %dma_start3A_442] : memref<512x16xf32, #tpu.memory_space<vmem>> -> memref<128x16xf32, #tpu.memory_space<vmem>>
      %dma_start3A_444 = arith.constant 0 : i32
      %dma_start3A_445 = tpu.memref_slice %arg11[%dma_start3A_440, %dma_start3A_444] : memref<4x128xi32, #tpu.memory_space<vmem>> -> memref<1x128xi32, #tpu.memory_space<vmem>>
      %dma_start3A_446 = tpu.memref_squeeze %dma_start3A_445 : memref<1x128xi32, #tpu.memory_space<vmem>> -> memref<128xi32, #tpu.memory_space<vmem>>
      %dma_start3A_447 = arith.constant 0 : i32
      %dma_start3A_448 = arith.constant 0 : i32
      %dma_start3A_449 = tpu.memref_slice %arg7[%dma_start3A_447, %dma_start3A_448] : memref<100352x16xf32, #tpu.memory_space<vmem_shared>> -> memref<100352x16xf32, #tpu.memory_space<vmem_shared>>
      tpu.enqueue_indirect_dma source(%dma_start3A_443 : memref<128x16xf32, #tpu.memory_space<vmem>>) target(%dma_start3A_449 : memref<100352x16xf32, #tpu.memory_space<vmem_shared>>) offsets(%dma_start3A_446 : memref<128xi32, #tpu.memory_space<vmem>>) semaphore(%arg15 : memref<!tpu.dma_semaphore, #tpu.memory_space<semaphore_mem>>) {add = true}
      %dma_start3A_450 = arith.constant 3 : i32
      %dma_start3A_451 = arith.constant 384 : i32
      %dma_start3A_452 = arith.constant 0 : i32
      %dma_start3A_453 = tpu.memref_slice %arg13[%dma_start3A_451, %dma_start3A_452] : memref<512x16xf32, #tpu.memory_space<vmem>> -> memref<128x16xf32, #tpu.memory_space<vmem>>
      %dma_start3A_454 = arith.constant 0 : i32
      %dma_start3A_455 = tpu.memref_slice %arg11[%dma_start3A_450, %dma_start3A_454] : memref<4x128xi32, #tpu.memory_space<vmem>> -> memref<1x128xi32, #tpu.memory_space<vmem>>
      %dma_start3A_456 = tpu.memref_squeeze %dma_start3A_455 : memref<1x128xi32, #tpu.memory_space<vmem>> -> memref<128xi32, #tpu.memory_space<vmem>>
      %dma_start3A_457 = arith.constant 0 : i32
      %dma_start3A_458 = arith.constant 0 : i32
      %dma_start3A_459 = tpu.memref_slice %arg7[%dma_start3A_457, %dma_start3A_458] : memref<100352x16xf32, #tpu.memory_space<vmem_shared>> -> memref<100352x16xf32, #tpu.memory_space<vmem_shared>>
      tpu.enqueue_indirect_dma source(%dma_start3A_453 : memref<128x16xf32, #tpu.memory_space<vmem>>) target(%dma_start3A_459 : memref<100352x16xf32, #tpu.memory_space<vmem_shared>>) offsets(%dma_start3A_456 : memref<128xi32, #tpu.memory_space<vmem>>) semaphore(%arg15 : memref<!tpu.dma_semaphore, #tpu.memory_space<semaphore_mem>>) {add = true}
      "tpu.region"() ({
        %run_scoped3A = tpu.sem_alloc : memref<!tpu.dma_semaphore, #tpu.memory_space<semaphore_mem>>
        %dma_start3A_516 = arith.constant 0 : i32
        %dma_start3A_517 = tpu.memref_slice %arg2[%min3A, %dma_start3A_516] : memref<12544x128xi32, #tpu.memory_space<hbm>> -> memref<4x128xi32, #tpu.memory_space<hbm>>
        %dma_start3A_518 = arith.constant 0 : i32
        %dma_start3A_519 = tpu.memref_slice %arg2[%min3A, %dma_start3A_518] : memref<12544x128xi32, #tpu.memory_space<hbm>> -> memref<4x128xi32, #tpu.memory_space<hbm>>
        tpu.enqueue_dma source(%dma_start3A_519 : memref<4x128xi32, #tpu.memory_space<hbm>>) target(%arg8 : memref<4x128xi32, #tpu.memory_space<vmem>>) target_semaphore(%run_scoped3A : memref<!tpu.dma_semaphore, #tpu.memory_space<semaphore_mem>>)
        %dma_wait3A_520 = arith.constant 0 : i32
        %dma_wait3A_521 = tpu.memref_slice %arg2[%min3A, %dma_wait3A_520] : memref<12544x128xi32, #tpu.memory_space<hbm>> -> memref<4x128xi32, #tpu.memory_space<hbm>>
        %dma_wait3A_522 = arith.constant 0 : i32
        %dma_wait3A_523 = tpu.memref_slice %arg2[%min3A, %dma_wait3A_522] : memref<12544x128xi32, #tpu.memory_space<hbm>> -> memref<4x128xi32, #tpu.memory_space<hbm>>
        tpu.wait_dma2 semaphore(%run_scoped3A : memref<!tpu.dma_semaphore, #tpu.memory_space<semaphore_mem>>) src(%dma_wait3A_523 : memref<4x128xi32, #tpu.memory_space<hbm>>) dst(%arg8 : memref<4x128xi32, #tpu.memory_space<vmem>>)
        tpu.yield
      }) : () -> ()
      "tpu.region"() ({
        %run_scoped3A = tpu.sem_alloc : memref<!tpu.dma_semaphore, #tpu.memory_space<semaphore_mem>>
        %dma_start3A_516 = arith.constant 0 : i32
        %dma_start3A_517 = tpu.memref_slice %arg3[%min3A, %dma_start3A_516] : memref<12544x128xi32, #tpu.memory_space<hbm>> -> memref<4x128xi32, #tpu.memory_space<hbm>>
        %dma_start3A_518 = arith.constant 0 : i32
        %dma_start3A_519 = tpu.memref_slice %arg3[%min3A, %dma_start3A_518] : memref<12544x128xi32, #tpu.memory_space<hbm>> -> memref<4x128xi32, #tpu.memory_space<hbm>>
        tpu.enqueue_dma source(%dma_start3A_519 : memref<4x128xi32, #tpu.memory_space<hbm>>) target(%arg9 : memref<4x128xi32, #tpu.memory_space<vmem>>) target_semaphore(%run_scoped3A : memref<!tpu.dma_semaphore, #tpu.memory_space<semaphore_mem>>)
        %dma_wait3A_520 = arith.constant 0 : i32
        %dma_wait3A_521 = tpu.memref_slice %arg3[%min3A, %dma_wait3A_520] : memref<12544x128xi32, #tpu.memory_space<hbm>> -> memref<4x128xi32, #tpu.memory_space<hbm>>
        %dma_wait3A_522 = arith.constant 0 : i32
        %dma_wait3A_523 = tpu.memref_slice %arg3[%min3A, %dma_wait3A_522] : memref<12544x128xi32, #tpu.memory_space<hbm>> -> memref<4x128xi32, #tpu.memory_space<hbm>>
        tpu.wait_dma2 semaphore(%run_scoped3A : memref<!tpu.dma_semaphore, #tpu.memory_space<semaphore_mem>>) src(%dma_wait3A_523 : memref<4x128xi32, #tpu.memory_space<hbm>>) dst(%arg9 : memref<4x128xi32, #tpu.memory_space<vmem>>)
        tpu.yield
      }) : () -> ()
      %dma_start3A_460 = arith.constant 0 : i32
      %dma_start3A_461 = arith.constant 0 : i32
      %dma_start3A_462 = arith.constant 0 : i32
      %dma_start3A_463 = tpu.memref_slice %arg12[%dma_start3A_461, %dma_start3A_462] : memref<512x16xf32, #tpu.memory_space<vmem>> -> memref<128x16xf32, #tpu.memory_space<vmem>>
      %dma_start3A_464 = arith.constant 0 : i32
      %dma_start3A_465 = tpu.memref_slice %arg8[%dma_start3A_460, %dma_start3A_464] : memref<4x128xi32, #tpu.memory_space<vmem>> -> memref<1x128xi32, #tpu.memory_space<vmem>>
      %dma_start3A_466 = tpu.memref_squeeze %dma_start3A_465 : memref<1x128xi32, #tpu.memory_space<vmem>> -> memref<128xi32, #tpu.memory_space<vmem>>
      %dma_start3A_467 = arith.constant 0 : i32
      %dma_start3A_468 = arith.constant 0 : i32
      %dma_start3A_469 = tpu.memref_slice %arg4[%arg0, %dma_start3A_467, %dma_start3A_468] : memref<2x100352x16xf32, #tpu.memory_space<hbm>> -> memref<1x100352x16xf32, #tpu.memory_space<hbm>>
      %dma_start3A_470 = tpu.memref_squeeze %dma_start3A_469 : memref<1x100352x16xf32, #tpu.memory_space<hbm>> -> memref<100352x16xf32, #tpu.memory_space<hbm>>
      %dma_start3A_471 = arith.constant 0 : i32
      %dma_start3A_472 = arith.constant 0 : i32
      %dma_start3A_473 = tpu.memref_slice %dma_start3A_470[%dma_start3A_471, %dma_start3A_472] : memref<100352x16xf32, #tpu.memory_space<hbm>> -> memref<100352x16xf32, #tpu.memory_space<hbm>>
      tpu.enqueue_indirect_dma source(%dma_start3A_473 : memref<100352x16xf32, #tpu.memory_space<hbm>>) target(%dma_start3A_463 : memref<128x16xf32, #tpu.memory_space<vmem>>) offsets(%dma_start3A_466 : memref<128xi32, #tpu.memory_space<vmem>>) semaphore(%arg14 : memref<!tpu.dma_semaphore, #tpu.memory_space<semaphore_mem>>)
      %dma_start3A_474 = arith.constant 1 : i32
      %dma_start3A_475 = arith.constant 128 : i32
      %dma_start3A_476 = arith.constant 0 : i32
      %dma_start3A_477 = tpu.memref_slice %arg12[%dma_start3A_475, %dma_start3A_476] : memref<512x16xf32, #tpu.memory_space<vmem>> -> memref<128x16xf32, #tpu.memory_space<vmem>>
      %dma_start3A_478 = arith.constant 0 : i32
      %dma_start3A_479 = tpu.memref_slice %arg8[%dma_start3A_474, %dma_start3A_478] : memref<4x128xi32, #tpu.memory_space<vmem>> -> memref<1x128xi32, #tpu.memory_space<vmem>>
      %dma_start3A_480 = tpu.memref_squeeze %dma_start3A_479 : memref<1x128xi32, #tpu.memory_space<vmem>> -> memref<128xi32, #tpu.memory_space<vmem>>
      %dma_start3A_481 = arith.constant 0 : i32
      %dma_start3A_482 = arith.constant 0 : i32
      %dma_start3A_483 = tpu.memref_slice %arg4[%arg0, %dma_start3A_481, %dma_start3A_482] : memref<2x100352x16xf32, #tpu.memory_space<hbm>> -> memref<1x100352x16xf32, #tpu.memory_space<hbm>>
      %dma_start3A_484 = tpu.memref_squeeze %dma_start3A_483 : memref<1x100352x16xf32, #tpu.memory_space<hbm>> -> memref<100352x16xf32, #tpu.memory_space<hbm>>
      %dma_start3A_485 = arith.constant 0 : i32
      %dma_start3A_486 = arith.constant 0 : i32
      %dma_start3A_487 = tpu.memref_slice %dma_start3A_484[%dma_start3A_485, %dma_start3A_486] : memref<100352x16xf32, #tpu.memory_space<hbm>> -> memref<100352x16xf32, #tpu.memory_space<hbm>>
      tpu.enqueue_indirect_dma source(%dma_start3A_487 : memref<100352x16xf32, #tpu.memory_space<hbm>>) target(%dma_start3A_477 : memref<128x16xf32, #tpu.memory_space<vmem>>) offsets(%dma_start3A_480 : memref<128xi32, #tpu.memory_space<vmem>>) semaphore(%arg14 : memref<!tpu.dma_semaphore, #tpu.memory_space<semaphore_mem>>)
      %dma_start3A_488 = arith.constant 2 : i32
      %dma_start3A_489 = arith.constant 256 : i32
      %dma_start3A_490 = arith.constant 0 : i32
      %dma_start3A_491 = tpu.memref_slice %arg12[%dma_start3A_489, %dma_start3A_490] : memref<512x16xf32, #tpu.memory_space<vmem>> -> memref<128x16xf32, #tpu.memory_space<vmem>>
      %dma_start3A_492 = arith.constant 0 : i32
      %dma_start3A_493 = tpu.memref_slice %arg8[%dma_start3A_488, %dma_start3A_492] : memref<4x128xi32, #tpu.memory_space<vmem>> -> memref<1x128xi32, #tpu.memory_space<vmem>>
      %dma_start3A_494 = tpu.memref_squeeze %dma_start3A_493 : memref<1x128xi32, #tpu.memory_space<vmem>> -> memref<128xi32, #tpu.memory_space<vmem>>
      %dma_start3A_495 = arith.constant 0 : i32
      %dma_start3A_496 = arith.constant 0 : i32
      %dma_start3A_497 = tpu.memref_slice %arg4[%arg0, %dma_start3A_495, %dma_start3A_496] : memref<2x100352x16xf32, #tpu.memory_space<hbm>> -> memref<1x100352x16xf32, #tpu.memory_space<hbm>>
      %dma_start3A_498 = tpu.memref_squeeze %dma_start3A_497 : memref<1x100352x16xf32, #tpu.memory_space<hbm>> -> memref<100352x16xf32, #tpu.memory_space<hbm>>
      %dma_start3A_499 = arith.constant 0 : i32
      %dma_start3A_500 = arith.constant 0 : i32
      %dma_start3A_501 = tpu.memref_slice %dma_start3A_498[%dma_start3A_499, %dma_start3A_500] : memref<100352x16xf32, #tpu.memory_space<hbm>> -> memref<100352x16xf32, #tpu.memory_space<hbm>>
      tpu.enqueue_indirect_dma source(%dma_start3A_501 : memref<100352x16xf32, #tpu.memory_space<hbm>>) target(%dma_start3A_491 : memref<128x16xf32, #tpu.memory_space<vmem>>) offsets(%dma_start3A_494 : memref<128xi32, #tpu.memory_space<vmem>>) semaphore(%arg14 : memref<!tpu.dma_semaphore, #tpu.memory_space<semaphore_mem>>)
      %dma_start3A_502 = arith.constant 3 : i32
      %dma_start3A_503 = arith.constant 384 : i32
      %dma_start3A_504 = arith.constant 0 : i32
      %dma_start3A_505 = tpu.memref_slice %arg12[%dma_start3A_503, %dma_start3A_504] : memref<512x16xf32, #tpu.memory_space<vmem>> -> memref<128x16xf32, #tpu.memory_space<vmem>>
      %dma_start3A_506 = arith.constant 0 : i32
      %dma_start3A_507 = tpu.memref_slice %arg8[%dma_start3A_502, %dma_start3A_506] : memref<4x128xi32, #tpu.memory_space<vmem>> -> memref<1x128xi32, #tpu.memory_space<vmem>>
      %dma_start3A_508 = tpu.memref_squeeze %dma_start3A_507 : memref<1x128xi32, #tpu.memory_space<vmem>> -> memref<128xi32, #tpu.memory_space<vmem>>
      %dma_start3A_509 = arith.constant 0 : i32
      %dma_start3A_510 = arith.constant 0 : i32
      %dma_start3A_511 = tpu.memref_slice %arg4[%arg0, %dma_start3A_509, %dma_start3A_510] : memref<2x100352x16xf32, #tpu.memory_space<hbm>> -> memref<1x100352x16xf32, #tpu.memory_space<hbm>>
      %dma_start3A_512 = tpu.memref_squeeze %dma_start3A_511 : memref<1x100352x16xf32, #tpu.memory_space<hbm>> -> memref<100352x16xf32, #tpu.memory_space<hbm>>
      %dma_start3A_513 = arith.constant 0 : i32
      %dma_start3A_514 = arith.constant 0 : i32
      %dma_start3A_515 = tpu.memref_slice %dma_start3A_512[%dma_start3A_513, %dma_start3A_514] : memref<100352x16xf32, #tpu.memory_space<hbm>> -> memref<100352x16xf32, #tpu.memory_space<hbm>>
      tpu.enqueue_indirect_dma source(%dma_start3A_515 : memref<100352x16xf32, #tpu.memory_space<hbm>>) target(%dma_start3A_505 : memref<128x16xf32, #tpu.memory_space<vmem>>) offsets(%dma_start3A_508 : memref<128xi32, #tpu.memory_space<vmem>>) semaphore(%arg14 : memref<!tpu.dma_semaphore, #tpu.memory_space<semaphore_mem>>)
    }
    %scan3A_63 = arith.constant 98 : i32
    %dma_wait3A = arith.constant 0 : i32
    %dma_wait3A_64 = arith.constant 0 : i32
    %dma_wait3A_65 = arith.constant 0 : i32
    %dma_wait3A_66 = tpu.memref_slice %arg12[%dma_wait3A_64, %dma_wait3A_65] : memref<512x16xf32, #tpu.memory_space<vmem>> -> memref<128x16xf32, #tpu.memory_space<vmem>>
    %dma_wait3A_67 = arith.constant 0 : i32
    %dma_wait3A_68 = tpu.memref_slice %arg8[%dma_wait3A, %dma_wait3A_67] : memref<4x128xi32, #tpu.memory_space<vmem>> -> memref<1x128xi32, #tpu.memory_space<vmem>>
    %dma_wait3A_69 = tpu.memref_squeeze %dma_wait3A_68 : memref<1x128xi32, #tpu.memory_space<vmem>> -> memref<128xi32, #tpu.memory_space<vmem>>
    %dma_wait3A_70 = arith.constant 0 : i32
    %dma_wait3A_71 = arith.constant 0 : i32
    %dma_wait3A_72 = tpu.memref_slice %arg4[%arg0, %dma_wait3A_70, %dma_wait3A_71] : memref<2x100352x16xf32, #tpu.memory_space<hbm>> -> memref<1x100352x16xf32, #tpu.memory_space<hbm>>
    %dma_wait3A_73 = tpu.memref_squeeze %dma_wait3A_72 : memref<1x100352x16xf32, #tpu.memory_space<hbm>> -> memref<100352x16xf32, #tpu.memory_space<hbm>>
    %dma_wait3A_74 = arith.constant 0 : i32
    %dma_wait3A_75 = arith.constant 0 : i32
    %dma_wait3A_76 = tpu.memref_slice %dma_wait3A_73[%dma_wait3A_74, %dma_wait3A_75] : memref<100352x16xf32, #tpu.memory_space<hbm>> -> memref<100352x16xf32, #tpu.memory_space<hbm>>
    tpu.wait_indirect_dma semaphore(%arg14 : memref<!tpu.dma_semaphore, #tpu.memory_space<semaphore_mem>>) src(%dma_wait3A_76 : memref<100352x16xf32, #tpu.memory_space<hbm>>) dst(%dma_wait3A_66 : memref<128x16xf32, #tpu.memory_space<vmem>>)
    %dma_wait3A_77 = arith.constant 1 : i32
    %dma_wait3A_78 = arith.constant 128 : i32
    %dma_wait3A_79 = arith.constant 0 : i32
    %dma_wait3A_80 = tpu.memref_slice %arg12[%dma_wait3A_78, %dma_wait3A_79] : memref<512x16xf32, #tpu.memory_space<vmem>> -> memref<128x16xf32, #tpu.memory_space<vmem>>
    %dma_wait3A_81 = arith.constant 0 : i32
    %dma_wait3A_82 = tpu.memref_slice %arg8[%dma_wait3A_77, %dma_wait3A_81] : memref<4x128xi32, #tpu.memory_space<vmem>> -> memref<1x128xi32, #tpu.memory_space<vmem>>
    %dma_wait3A_83 = tpu.memref_squeeze %dma_wait3A_82 : memref<1x128xi32, #tpu.memory_space<vmem>> -> memref<128xi32, #tpu.memory_space<vmem>>
    %dma_wait3A_84 = arith.constant 0 : i32
    %dma_wait3A_85 = arith.constant 0 : i32
    %dma_wait3A_86 = tpu.memref_slice %arg4[%arg0, %dma_wait3A_84, %dma_wait3A_85] : memref<2x100352x16xf32, #tpu.memory_space<hbm>> -> memref<1x100352x16xf32, #tpu.memory_space<hbm>>
    %dma_wait3A_87 = tpu.memref_squeeze %dma_wait3A_86 : memref<1x100352x16xf32, #tpu.memory_space<hbm>> -> memref<100352x16xf32, #tpu.memory_space<hbm>>
    %dma_wait3A_88 = arith.constant 0 : i32
    %dma_wait3A_89 = arith.constant 0 : i32
    %dma_wait3A_90 = tpu.memref_slice %dma_wait3A_87[%dma_wait3A_88, %dma_wait3A_89] : memref<100352x16xf32, #tpu.memory_space<hbm>> -> memref<100352x16xf32, #tpu.memory_space<hbm>>
    tpu.wait_indirect_dma semaphore(%arg14 : memref<!tpu.dma_semaphore, #tpu.memory_space<semaphore_mem>>) src(%dma_wait3A_90 : memref<100352x16xf32, #tpu.memory_space<hbm>>) dst(%dma_wait3A_80 : memref<128x16xf32, #tpu.memory_space<vmem>>)
    %dma_wait3A_91 = arith.constant 2 : i32
    %dma_wait3A_92 = arith.constant 256 : i32
    %dma_wait3A_93 = arith.constant 0 : i32
    %dma_wait3A_94 = tpu.memref_slice %arg12[%dma_wait3A_92, %dma_wait3A_93] : memref<512x16xf32, #tpu.memory_space<vmem>> -> memref<128x16xf32, #tpu.memory_space<vmem>>
    %dma_wait3A_95 = arith.constant 0 : i32
    %dma_wait3A_96 = tpu.memref_slice %arg8[%dma_wait3A_91, %dma_wait3A_95] : memref<4x128xi32, #tpu.memory_space<vmem>> -> memref<1x128xi32, #tpu.memory_space<vmem>>
    %dma_wait3A_97 = tpu.memref_squeeze %dma_wait3A_96 : memref<1x128xi32, #tpu.memory_space<vmem>> -> memref<128xi32, #tpu.memory_space<vmem>>
    %dma_wait3A_98 = arith.constant 0 : i32
    %dma_wait3A_99 = arith.constant 0 : i32
    %dma_wait3A_100 = tpu.memref_slice %arg4[%arg0, %dma_wait3A_98, %dma_wait3A_99] : memref<2x100352x16xf32, #tpu.memory_space<hbm>> -> memref<1x100352x16xf32, #tpu.memory_space<hbm>>
    %dma_wait3A_101 = tpu.memref_squeeze %dma_wait3A_100 : memref<1x100352x16xf32, #tpu.memory_space<hbm>> -> memref<100352x16xf32, #tpu.memory_space<hbm>>
    %dma_wait3A_102 = arith.constant 0 : i32
    %dma_wait3A_103 = arith.constant 0 : i32
    %dma_wait3A_104 = tpu.memref_slice %dma_wait3A_101[%dma_wait3A_102, %dma_wait3A_103] : memref<100352x16xf32, #tpu.memory_space<hbm>> -> memref<100352x16xf32, #tpu.memory_space<hbm>>
    tpu.wait_indirect_dma semaphore(%arg14 : memref<!tpu.dma_semaphore, #tpu.memory_space<semaphore_mem>>) src(%dma_wait3A_104 : memref<100352x16xf32, #tpu.memory_space<hbm>>) dst(%dma_wait3A_94 : memref<128x16xf32, #tpu.memory_space<vmem>>)
    %dma_wait3A_105 = arith.constant 3 : i32
    %dma_wait3A_106 = arith.constant 384 : i32
    %dma_wait3A_107 = arith.constant 0 : i32
    %dma_wait3A_108 = tpu.memref_slice %arg12[%dma_wait3A_106, %dma_wait3A_107] : memref<512x16xf32, #tpu.memory_space<vmem>> -> memref<128x16xf32, #tpu.memory_space<vmem>>
    %dma_wait3A_109 = arith.constant 0 : i32
    %dma_wait3A_110 = tpu.memref_slice %arg8[%dma_wait3A_105, %dma_wait3A_109] : memref<4x128xi32, #tpu.memory_space<vmem>> -> memref<1x128xi32, #tpu.memory_space<vmem>>
    %dma_wait3A_111 = tpu.memref_squeeze %dma_wait3A_110 : memref<1x128xi32, #tpu.memory_space<vmem>> -> memref<128xi32, #tpu.memory_space<vmem>>
    %dma_wait3A_112 = arith.constant 0 : i32
    %dma_wait3A_113 = arith.constant 0 : i32
    %dma_wait3A_114 = tpu.memref_slice %arg4[%arg0, %dma_wait3A_112, %dma_wait3A_113] : memref<2x100352x16xf32, #tpu.memory_space<hbm>> -> memref<1x100352x16xf32, #tpu.memory_space<hbm>>
    %dma_wait3A_115 = tpu.memref_squeeze %dma_wait3A_114 : memref<1x100352x16xf32, #tpu.memory_space<hbm>> -> memref<100352x16xf32, #tpu.memory_space<hbm>>
    %dma_wait3A_116 = arith.constant 0 : i32
    %dma_wait3A_117 = arith.constant 0 : i32
    %dma_wait3A_118 = tpu.memref_slice %dma_wait3A_115[%dma_wait3A_116, %dma_wait3A_117] : memref<100352x16xf32, #tpu.memory_space<hbm>> -> memref<100352x16xf32, #tpu.memory_space<hbm>>
    tpu.wait_indirect_dma semaphore(%arg14 : memref<!tpu.dma_semaphore, #tpu.memory_space<semaphore_mem>>) src(%dma_wait3A_118 : memref<100352x16xf32, #tpu.memory_space<hbm>>) dst(%dma_wait3A_108 : memref<128x16xf32, #tpu.memory_space<vmem>>)
    %dma_wait3A_119 = arith.constant 0 : i32
    %dma_wait3A_120 = arith.constant 0 : i32
    %dma_wait3A_121 = arith.constant 0 : i32
    %dma_wait3A_122 = tpu.memref_slice %arg13[%dma_wait3A_120, %dma_wait3A_121] : memref<512x16xf32, #tpu.memory_space<vmem>> -> memref<128x16xf32, #tpu.memory_space<vmem>>
    %dma_wait3A_123 = arith.constant 0 : i32
    %dma_wait3A_124 = tpu.memref_slice %arg11[%dma_wait3A_119, %dma_wait3A_123] : memref<4x128xi32, #tpu.memory_space<vmem>> -> memref<1x128xi32, #tpu.memory_space<vmem>>
    %dma_wait3A_125 = tpu.memref_squeeze %dma_wait3A_124 : memref<1x128xi32, #tpu.memory_space<vmem>> -> memref<128xi32, #tpu.memory_space<vmem>>
    %dma_wait3A_126 = arith.constant 0 : i32
    %dma_wait3A_127 = arith.constant 0 : i32
    %dma_wait3A_128 = tpu.memref_slice %arg7[%dma_wait3A_126, %dma_wait3A_127] : memref<100352x16xf32, #tpu.memory_space<vmem_shared>> -> memref<100352x16xf32, #tpu.memory_space<vmem_shared>>
    tpu.wait_indirect_dma semaphore(%arg15 : memref<!tpu.dma_semaphore, #tpu.memory_space<semaphore_mem>>) src(%dma_wait3A_122 : memref<128x16xf32, #tpu.memory_space<vmem>>) dst(%dma_wait3A_128 : memref<100352x16xf32, #tpu.memory_space<vmem_shared>>)
    %dma_wait3A_129 = arith.constant 1 : i32
    %dma_wait3A_130 = arith.constant 128 : i32
    %dma_wait3A_131 = arith.constant 0 : i32
    %dma_wait3A_132 = tpu.memref_slice %arg13[%dma_wait3A_130, %dma_wait3A_131] : memref<512x16xf32, #tpu.memory_space<vmem>> -> memref<128x16xf32, #tpu.memory_space<vmem>>
    %dma_wait3A_133 = arith.constant 0 : i32
    %dma_wait3A_134 = tpu.memref_slice %arg11[%dma_wait3A_129, %dma_wait3A_133] : memref<4x128xi32, #tpu.memory_space<vmem>> -> memref<1x128xi32, #tpu.memory_space<vmem>>
    %dma_wait3A_135 = tpu.memref_squeeze %dma_wait3A_134 : memref<1x128xi32, #tpu.memory_space<vmem>> -> memref<128xi32, #tpu.memory_space<vmem>>
    %dma_wait3A_136 = arith.constant 0 : i32
    %dma_wait3A_137 = arith.constant 0 : i32
    %dma_wait3A_138 = tpu.memref_slice %arg7[%dma_wait3A_136, %dma_wait3A_137] : memref<100352x16xf32, #tpu.memory_space<vmem_shared>> -> memref<100352x16xf32, #tpu.memory_space<vmem_shared>>
    tpu.wait_indirect_dma semaphore(%arg15 : memref<!tpu.dma_semaphore, #tpu.memory_space<semaphore_mem>>) src(%dma_wait3A_132 : memref<128x16xf32, #tpu.memory_space<vmem>>) dst(%dma_wait3A_138 : memref<100352x16xf32, #tpu.memory_space<vmem_shared>>)
    %dma_wait3A_139 = arith.constant 2 : i32
    %dma_wait3A_140 = arith.constant 256 : i32
    %dma_wait3A_141 = arith.constant 0 : i32
    %dma_wait3A_142 = tpu.memref_slice %arg13[%dma_wait3A_140, %dma_wait3A_141] : memref<512x16xf32, #tpu.memory_space<vmem>> -> memref<128x16xf32, #tpu.memory_space<vmem>>
    %dma_wait3A_143 = arith.constant 0 : i32
    %dma_wait3A_144 = tpu.memref_slice %arg11[%dma_wait3A_139, %dma_wait3A_143] : memref<4x128xi32, #tpu.memory_space<vmem>> -> memref<1x128xi32, #tpu.memory_space<vmem>>
    %dma_wait3A_145 = tpu.memref_squeeze %dma_wait3A_144 : memref<1x128xi32, #tpu.memory_space<vmem>> -> memref<128xi32, #tpu.memory_space<vmem>>
    %dma_wait3A_146 = arith.constant 0 : i32
    %dma_wait3A_147 = arith.constant 0 : i32
    %dma_wait3A_148 = tpu.memref_slice %arg7[%dma_wait3A_146, %dma_wait3A_147] : memref<100352x16xf32, #tpu.memory_space<vmem_shared>> -> memref<100352x16xf32, #tpu.memory_space<vmem_shared>>
    tpu.wait_indirect_dma semaphore(%arg15 : memref<!tpu.dma_semaphore, #tpu.memory_space<semaphore_mem>>) src(%dma_wait3A_142 : memref<128x16xf32, #tpu.memory_space<vmem>>) dst(%dma_wait3A_148 : memref<100352x16xf32, #tpu.memory_space<vmem_shared>>)
    %dma_wait3A_149 = arith.constant 3 : i32
    %dma_wait3A_150 = arith.constant 384 : i32
    %dma_wait3A_151 = arith.constant 0 : i32
    %dma_wait3A_152 = tpu.memref_slice %arg13[%dma_wait3A_150, %dma_wait3A_151] : memref<512x16xf32, #tpu.memory_space<vmem>> -> memref<128x16xf32, #tpu.memory_space<vmem>>
    %dma_wait3A_153 = arith.constant 0 : i32
    %dma_wait3A_154 = tpu.memref_slice %arg11[%dma_wait3A_149, %dma_wait3A_153] : memref<4x128xi32, #tpu.memory_space<vmem>> -> memref<1x128xi32, #tpu.memory_space<vmem>>
    %dma_wait3A_155 = tpu.memref_squeeze %dma_wait3A_154 : memref<1x128xi32, #tpu.memory_space<vmem>> -> memref<128xi32, #tpu.memory_space<vmem>>
    %dma_wait3A_156 = arith.constant 0 : i32
    %dma_wait3A_157 = arith.constant 0 : i32
    %dma_wait3A_158 = tpu.memref_slice %arg7[%dma_wait3A_156, %dma_wait3A_157] : memref<100352x16xf32, #tpu.memory_space<vmem_shared>> -> memref<100352x16xf32, #tpu.memory_space<vmem_shared>>
    tpu.wait_indirect_dma semaphore(%arg15 : memref<!tpu.dma_semaphore, #tpu.memory_space<semaphore_mem>>) src(%dma_wait3A_152 : memref<128x16xf32, #tpu.memory_space<vmem>>) dst(%dma_wait3A_158 : memref<100352x16xf32, #tpu.memory_space<vmem_shared>>)
    %barrier3A_159 = arith.constant 0 : index
    tpu.barrier barrier_id(%barrier3A_159)
    "tpu.region"() ({
      %run_scoped3A = tpu.sem_alloc : memref<!tpu.dma_semaphore, #tpu.memory_space<semaphore_mem>>
      %dma_start3A_160 = arith.constant 0 : i32
      %dma_start3A_161 = tpu.memref_slice %arg6[%arg0, %mul3A_0, %dma_start3A_160] : memref<2x100352x16xf32, #tpu.memory_space<hbm>> -> memref<1x6272x16xf32, #tpu.memory_space<hbm>>
      %dma_start3A_162 = tpu.memref_squeeze %dma_start3A_161 : memref<1x6272x16xf32, #tpu.memory_space<hbm>> -> memref<6272x16xf32, #tpu.memory_space<hbm>>
      %dma_start3A_163 = arith.constant 0 : i32
      %dma_start3A_164 = tpu.memref_slice %arg7[%mul3A_0, %dma_start3A_163] : memref<100352x16xf32, #tpu.memory_space<vmem_shared>> -> memref<6272x16xf32, #tpu.memory_space<vmem_shared>>
      tpu.enqueue_dma source(%dma_start3A_164 : memref<6272x16xf32, #tpu.memory_space<vmem_shared>>) target(%dma_start3A_162 : memref<6272x16xf32, #tpu.memory_space<hbm>>) target_semaphore(%run_scoped3A : memref<!tpu.dma_semaphore, #tpu.memory_space<semaphore_mem>>)
      %dma_wait3A_165 = arith.constant 0 : i32
      %dma_wait3A_166 = tpu.memref_slice %arg6[%arg0, %mul3A_0, %dma_wait3A_165] : memref<2x100352x16xf32, #tpu.memory_space<hbm>> -> memref<1x6272x16xf32, #tpu.memory_space<hbm>>
      %dma_wait3A_167 = tpu.memref_squeeze %dma_wait3A_166 : memref<1x6272x16xf32, #tpu.memory_space<hbm>> -> memref<6272x16xf32, #tpu.memory_space<hbm>>
      %dma_wait3A_168 = arith.constant 0 : i32
      %dma_wait3A_169 = tpu.memref_slice %arg7[%mul3A_0, %dma_wait3A_168] : memref<100352x16xf32, #tpu.memory_space<vmem_shared>> -> memref<6272x16xf32, #tpu.memory_space<vmem_shared>>
      tpu.wait_dma2 semaphore(%run_scoped3A : memref<!tpu.dma_semaphore, #tpu.memory_space<semaphore_mem>>) src(%dma_wait3A_169 : memref<6272x16xf32, #tpu.memory_space<vmem_shared>>) dst(%dma_wait3A_167 : memref<6272x16xf32, #tpu.memory_space<hbm>>)
      tpu.yield
    }) : () -> ()
    return
  }
}

#map = affine_map<(d0, d1) -> (0, 0)>
#map1 = affine_map<(d0, d1) -> (0, 0, 0)>
module attributes {stable_mosaic.version = 14 : i64} {
  func.func @body(%arg0: i32, %arg1: i32, %arg2: memref<12544x128xi32, #tpu.memory_space<hbm>>, %arg3: memref<12544x128xi32, #tpu.memory_space<hbm>>, %arg4: memref<100000x16xf32, #tpu.memory_space<hbm>>, %arg5: memref<100352x16xf32, #tpu.memory_space<hbm>>, %arg6: memref<2x100352x16xf32, #tpu.memory_space<hbm>>, %arg7: memref<100352x16xf32, #tpu.memory_space<vmem_shared>>, %arg8: memref<4x128xi32, #tpu.memory_space<vmem>>, %arg9: memref<4x128xi32, #tpu.memory_space<vmem>>, %arg10: memref<4x128xi32, #tpu.memory_space<vmem>>, %arg11: memref<4x128xi32, #tpu.memory_space<vmem>>, %arg12: memref<512x16xf32, #tpu.memory_space<vmem>>, %arg13: memref<512x16xf32, #tpu.memory_space<vmem>>, %arg14: memref<!tpu.dma_semaphore, #tpu.memory_space<semaphore_mem>>, %arg15: memref<!tpu.dma_semaphore, #tpu.memory_space<semaphore_mem>>) attributes {dimension_semantics = [#tpu.dimension_semantics<core_parallel>, #tpu.dimension_semantics<subcore_parallel>], iteration_bounds = array<i64: 2, 16>, scalar_prefetch = 0 : i64, scratch_operands = 9 : i64, tpu.core_type = #tpu.core_type<sc_vector_subcore>, window_params = [{transform_indices = #map}, {transform_indices = #map}, {transform_indices = #map}, {transform_indices = #map}, {transform_indices = #map1}]} {
    %mul3A = arith.constant 6272 : i32
    %mul3A_0 = arith.muli %arg1, %mul3A : i32
    "tpu.region"() ({
      %run_scoped3A = tpu.sem_alloc : memref<!tpu.dma_semaphore, #tpu.memory_space<semaphore_mem>>
      %dma_start3A_131 = arith.constant 0 : i32
      %dma_start3A_132 = tpu.memref_slice %arg7[%mul3A_0, %dma_start3A_131] : memref<100352x16xf32, #tpu.memory_space<vmem_shared>> -> memref<6272x16xf32, #tpu.memory_space<vmem_shared>>
      %dma_start3A_133 = arith.constant 0 : i32
      %dma_start3A_134 = tpu.memref_slice %arg5[%mul3A_0, %dma_start3A_133] : memref<100352x16xf32, #tpu.memory_space<hbm>> -> memref<6272x16xf32, #tpu.memory_space<hbm>>
      tpu.enqueue_dma source(%dma_start3A_134 : memref<6272x16xf32, #tpu.memory_space<hbm>>) target(%dma_start3A_132 : memref<6272x16xf32, #tpu.memory_space<vmem_shared>>) target_semaphore(%run_scoped3A : memref<!tpu.dma_semaphore, #tpu.memory_space<semaphore_mem>>)
      %dma_wait3A_135 = arith.constant 0 : i32
      %dma_wait3A_136 = tpu.memref_slice %arg7[%mul3A_0, %dma_wait3A_135] : memref<100352x16xf32, #tpu.memory_space<vmem_shared>> -> memref<6272x16xf32, #tpu.memory_space<vmem_shared>>
      %dma_wait3A_137 = arith.constant 0 : i32
      %dma_wait3A_138 = tpu.memref_slice %arg5[%mul3A_0, %dma_wait3A_137] : memref<100352x16xf32, #tpu.memory_space<hbm>> -> memref<6272x16xf32, #tpu.memory_space<hbm>>
      tpu.wait_dma2 semaphore(%run_scoped3A : memref<!tpu.dma_semaphore, #tpu.memory_space<semaphore_mem>>) src(%dma_wait3A_138 : memref<6272x16xf32, #tpu.memory_space<hbm>>) dst(%dma_wait3A_136 : memref<6272x16xf32, #tpu.memory_space<vmem_shared>>)
      tpu.yield
    }) : () -> ()
    %barrier3A = arith.constant 0 : index
    tpu.barrier barrier_id(%barrier3A)
    %mul3A_1 = arith.constant 2 : i32
    %mul3A_2 = arith.muli %arg1, %mul3A_1 : i32
    %add3A = arith.addi %mul3A_2, %arg0 : i32
    %mul3A_3 = arith.constant 392 : i32
    %mul3A_4 = arith.muli %add3A, %mul3A_3 : i32
    %add3A_5 = arith.constant 388 : i32
    %add3A_6 = arith.addi %mul3A_4, %add3A_5 : i32
    "tpu.region"() ({
      %run_scoped3A = tpu.sem_alloc : memref<!tpu.dma_semaphore, #tpu.memory_space<semaphore_mem>>
      %dma_start3A_131 = arith.constant 0 : i32
      %dma_start3A_132 = tpu.memref_slice %arg2[%mul3A_4, %dma_start3A_131] : memref<12544x128xi32, #tpu.memory_space<hbm>> -> memref<4x128xi32, #tpu.memory_space<hbm>>
      %dma_start3A_133 = arith.constant 0 : i32
      %dma_start3A_134 = tpu.memref_slice %arg2[%mul3A_4, %dma_start3A_133] : memref<12544x128xi32, #tpu.memory_space<hbm>> -> memref<4x128xi32, #tpu.memory_space<hbm>>
      tpu.enqueue_dma source(%dma_start3A_134 : memref<4x128xi32, #tpu.memory_space<hbm>>) target(%arg8 : memref<4x128xi32, #tpu.memory_space<vmem>>) target_semaphore(%run_scoped3A : memref<!tpu.dma_semaphore, #tpu.memory_space<semaphore_mem>>)
      %dma_wait3A_135 = arith.constant 0 : i32
      %dma_wait3A_136 = tpu.memref_slice %arg2[%mul3A_4, %dma_wait3A_135] : memref<12544x128xi32, #tpu.memory_space<hbm>> -> memref<4x128xi32, #tpu.memory_space<hbm>>
      %dma_wait3A_137 = arith.constant 0 : i32
      %dma_wait3A_138 = tpu.memref_slice %arg2[%mul3A_4, %dma_wait3A_137] : memref<12544x128xi32, #tpu.memory_space<hbm>> -> memref<4x128xi32, #tpu.memory_space<hbm>>
      tpu.wait_dma2 semaphore(%run_scoped3A : memref<!tpu.dma_semaphore, #tpu.memory_space<semaphore_mem>>) src(%dma_wait3A_138 : memref<4x128xi32, #tpu.memory_space<hbm>>) dst(%arg8 : memref<4x128xi32, #tpu.memory_space<vmem>>)
      tpu.yield
    }) : () -> ()
    "tpu.region"() ({
      %run_scoped3A = tpu.sem_alloc : memref<!tpu.dma_semaphore, #tpu.memory_space<semaphore_mem>>
      %dma_start3A_131 = arith.constant 0 : i32
      %dma_start3A_132 = tpu.memref_slice %arg3[%mul3A_4, %dma_start3A_131] : memref<12544x128xi32, #tpu.memory_space<hbm>> -> memref<4x128xi32, #tpu.memory_space<hbm>>
      %dma_start3A_133 = arith.constant 0 : i32
      %dma_start3A_134 = tpu.memref_slice %arg3[%mul3A_4, %dma_start3A_133] : memref<12544x128xi32, #tpu.memory_space<hbm>> -> memref<4x128xi32, #tpu.memory_space<hbm>>
      tpu.enqueue_dma source(%dma_start3A_134 : memref<4x128xi32, #tpu.memory_space<hbm>>) target(%arg9 : memref<4x128xi32, #tpu.memory_space<vmem>>) target_semaphore(%run_scoped3A : memref<!tpu.dma_semaphore, #tpu.memory_space<semaphore_mem>>)
      %dma_wait3A_135 = arith.constant 0 : i32
      %dma_wait3A_136 = tpu.memref_slice %arg3[%mul3A_4, %dma_wait3A_135] : memref<12544x128xi32, #tpu.memory_space<hbm>> -> memref<4x128xi32, #tpu.memory_space<hbm>>
      %dma_wait3A_137 = arith.constant 0 : i32
      %dma_wait3A_138 = tpu.memref_slice %arg3[%mul3A_4, %dma_wait3A_137] : memref<12544x128xi32, #tpu.memory_space<hbm>> -> memref<4x128xi32, #tpu.memory_space<hbm>>
      tpu.wait_dma2 semaphore(%run_scoped3A : memref<!tpu.dma_semaphore, #tpu.memory_space<semaphore_mem>>) src(%dma_wait3A_138 : memref<4x128xi32, #tpu.memory_space<hbm>>) dst(%arg9 : memref<4x128xi32, #tpu.memory_space<vmem>>)
      tpu.yield
    }) : () -> ()
    %dma_start3A = arith.constant 0 : i32
    %dma_start3A_7 = arith.constant 0 : i32
    %dma_start3A_8 = arith.constant 0 : i32
    %dma_start3A_9 = tpu.memref_slice %arg12[%dma_start3A_7, %dma_start3A_8] : memref<512x16xf32, #tpu.memory_space<vmem>> -> memref<128x16xf32, #tpu.memory_space<vmem>>
    %dma_start3A_10 = arith.constant 0 : i32
    %dma_start3A_11 = tpu.memref_slice %arg8[%dma_start3A, %dma_start3A_10] : memref<4x128xi32, #tpu.memory_space<vmem>> -> memref<1x128xi32, #tpu.memory_space<vmem>>
    %dma_start3A_12 = tpu.memref_squeeze %dma_start3A_11 : memref<1x128xi32, #tpu.memory_space<vmem>> -> memref<128xi32, #tpu.memory_space<vmem>>
    %dma_start3A_13 = arith.constant 0 : i32
    %dma_start3A_14 = arith.constant 0 : i32
    %dma_start3A_15 = tpu.memref_slice %arg4[%dma_start3A_13, %dma_start3A_14] : memref<100000x16xf32, #tpu.memory_space<hbm>> -> memref<100000x16xf32, #tpu.memory_space<hbm>>
    tpu.enqueue_indirect_dma source(%dma_start3A_15 : memref<100000x16xf32, #tpu.memory_space<hbm>>) target(%dma_start3A_9 : memref<128x16xf32, #tpu.memory_space<vmem>>) offsets(%dma_start3A_12 : memref<128xi32, #tpu.memory_space<vmem>>) semaphore(%arg14 : memref<!tpu.dma_semaphore, #tpu.memory_space<semaphore_mem>>)
    %dma_start3A_16 = arith.constant 1 : i32
    %dma_start3A_17 = arith.constant 128 : i32
    %dma_start3A_18 = arith.constant 0 : i32
    %dma_start3A_19 = tpu.memref_slice %arg12[%dma_start3A_17, %dma_start3A_18] : memref<512x16xf32, #tpu.memory_space<vmem>> -> memref<128x16xf32, #tpu.memory_space<vmem>>
    %dma_start3A_20 = arith.constant 0 : i32
    %dma_start3A_21 = tpu.memref_slice %arg8[%dma_start3A_16, %dma_start3A_20] : memref<4x128xi32, #tpu.memory_space<vmem>> -> memref<1x128xi32, #tpu.memory_space<vmem>>
    %dma_start3A_22 = tpu.memref_squeeze %dma_start3A_21 : memref<1x128xi32, #tpu.memory_space<vmem>> -> memref<128xi32, #tpu.memory_space<vmem>>
    %dma_start3A_23 = arith.constant 0 : i32
    %dma_start3A_24 = arith.constant 0 : i32
    %dma_start3A_25 = tpu.memref_slice %arg4[%dma_start3A_23, %dma_start3A_24] : memref<100000x16xf32, #tpu.memory_space<hbm>> -> memref<100000x16xf32, #tpu.memory_space<hbm>>
    tpu.enqueue_indirect_dma source(%dma_start3A_25 : memref<100000x16xf32, #tpu.memory_space<hbm>>) target(%dma_start3A_19 : memref<128x16xf32, #tpu.memory_space<vmem>>) offsets(%dma_start3A_22 : memref<128xi32, #tpu.memory_space<vmem>>) semaphore(%arg14 : memref<!tpu.dma_semaphore, #tpu.memory_space<semaphore_mem>>)
    %dma_start3A_26 = arith.constant 2 : i32
    %dma_start3A_27 = arith.constant 256 : i32
    %dma_start3A_28 = arith.constant 0 : i32
    %dma_start3A_29 = tpu.memref_slice %arg12[%dma_start3A_27, %dma_start3A_28] : memref<512x16xf32, #tpu.memory_space<vmem>> -> memref<128x16xf32, #tpu.memory_space<vmem>>
    %dma_start3A_30 = arith.constant 0 : i32
    %dma_start3A_31 = tpu.memref_slice %arg8[%dma_start3A_26, %dma_start3A_30] : memref<4x128xi32, #tpu.memory_space<vmem>> -> memref<1x128xi32, #tpu.memory_space<vmem>>
    %dma_start3A_32 = tpu.memref_squeeze %dma_start3A_31 : memref<1x128xi32, #tpu.memory_space<vmem>> -> memref<128xi32, #tpu.memory_space<vmem>>
    %dma_start3A_33 = arith.constant 0 : i32
    %dma_start3A_34 = arith.constant 0 : i32
    %dma_start3A_35 = tpu.memref_slice %arg4[%dma_start3A_33, %dma_start3A_34] : memref<100000x16xf32, #tpu.memory_space<hbm>> -> memref<100000x16xf32, #tpu.memory_space<hbm>>
    tpu.enqueue_indirect_dma source(%dma_start3A_35 : memref<100000x16xf32, #tpu.memory_space<hbm>>) target(%dma_start3A_29 : memref<128x16xf32, #tpu.memory_space<vmem>>) offsets(%dma_start3A_32 : memref<128xi32, #tpu.memory_space<vmem>>) semaphore(%arg14 : memref<!tpu.dma_semaphore, #tpu.memory_space<semaphore_mem>>)
    %dma_start3A_36 = arith.constant 3 : i32
    %dma_start3A_37 = arith.constant 384 : i32
    %dma_start3A_38 = arith.constant 0 : i32
    %dma_start3A_39 = tpu.memref_slice %arg12[%dma_start3A_37, %dma_start3A_38] : memref<512x16xf32, #tpu.memory_space<vmem>> -> memref<128x16xf32, #tpu.memory_space<vmem>>
    %dma_start3A_40 = arith.constant 0 : i32
    %dma_start3A_41 = tpu.memref_slice %arg8[%dma_start3A_36, %dma_start3A_40] : memref<4x128xi32, #tpu.memory_space<vmem>> -> memref<1x128xi32, #tpu.memory_space<vmem>>
    %dma_start3A_42 = tpu.memref_squeeze %dma_start3A_41 : memref<1x128xi32, #tpu.memory_space<vmem>> -> memref<128xi32, #tpu.memory_space<vmem>>
    %dma_start3A_43 = arith.constant 0 : i32
    %dma_start3A_44 = arith.constant 0 : i32
    %dma_start3A_45 = tpu.memref_slice %arg4[%dma_start3A_43, %dma_start3A_44] : memref<100000x16xf32, #tpu.memory_space<hbm>> -> memref<100000x16xf32, #tpu.memory_space<hbm>>
    tpu.enqueue_indirect_dma source(%dma_start3A_45 : memref<100000x16xf32, #tpu.memory_space<hbm>>) target(%dma_start3A_39 : memref<128x16xf32, #tpu.memory_space<vmem>>) offsets(%dma_start3A_42 : memref<128xi32, #tpu.memory_space<vmem>>) semaphore(%arg14 : memref<!tpu.dma_semaphore, #tpu.memory_space<semaphore_mem>>)
    %scan3A = arith.constant 0 : i32
    %scan3A_46 = arith.constant 0 : i32
    %scan3A_47 = arith.constant 49 : i32
    %scan3A_48 = arith.addi %scan3A_46, %scan3A_47 : i32
    %scan3A_49 = arith.constant 1 : i32
    scf.for %scan3A_131 = %scan3A_46 to %scan3A_48 step %scan3A_49  : i32 {
      %mul3A_132 = arith.constant 2 : i32
      %mul3A_133 = arith.muli %mul3A_132, %scan3A_131 : i32
      %mul3A_134 = arith.constant 4 : i32
      %mul3A_135 = arith.muli %mul3A_133, %mul3A_134 : i32
      %add3A_136 = arith.addi %mul3A_4, %mul3A_135 : i32
      %add3A_137 = arith.constant 8 : i32
      %add3A_138 = arith.addi %add3A_136, %add3A_137 : i32
      %min3A = arith.minsi %add3A_138, %add3A_6 : i32
      %add3A_139 = arith.constant 4 : i32
      %add3A_140 = arith.addi %add3A_136, %add3A_139 : i32
      "tpu.region"() ({
        %run_scoped3A = tpu.sem_alloc : memref<!tpu.dma_semaphore, #tpu.memory_space<semaphore_mem>>
        %dma_start3A_423 = arith.constant 0 : i32
        %dma_start3A_424 = tpu.memref_slice %arg2[%add3A_140, %dma_start3A_423] : memref<12544x128xi32, #tpu.memory_space<hbm>> -> memref<4x128xi32, #tpu.memory_space<hbm>>
        %dma_start3A_425 = arith.constant 0 : i32
        %dma_start3A_426 = tpu.memref_slice %arg2[%add3A_140, %dma_start3A_425] : memref<12544x128xi32, #tpu.memory_space<hbm>> -> memref<4x128xi32, #tpu.memory_space<hbm>>
        tpu.enqueue_dma source(%dma_start3A_426 : memref<4x128xi32, #tpu.memory_space<hbm>>) target(%arg10 : memref<4x128xi32, #tpu.memory_space<vmem>>) target_semaphore(%run_scoped3A : memref<!tpu.dma_semaphore, #tpu.memory_space<semaphore_mem>>)
        %dma_wait3A_427 = arith.constant 0 : i32
        %dma_wait3A_428 = tpu.memref_slice %arg2[%add3A_140, %dma_wait3A_427] : memref<12544x128xi32, #tpu.memory_space<hbm>> -> memref<4x128xi32, #tpu.memory_space<hbm>>
        %dma_wait3A_429 = arith.constant 0 : i32
        %dma_wait3A_430 = tpu.memref_slice %arg2[%add3A_140, %dma_wait3A_429] : memref<12544x128xi32, #tpu.memory_space<hbm>> -> memref<4x128xi32, #tpu.memory_space<hbm>>
        tpu.wait_dma2 semaphore(%run_scoped3A : memref<!tpu.dma_semaphore, #tpu.memory_space<semaphore_mem>>) src(%dma_wait3A_430 : memref<4x128xi32, #tpu.memory_space<hbm>>) dst(%arg10 : memref<4x128xi32, #tpu.memory_space<vmem>>)
        tpu.yield
      }) : () -> ()
      "tpu.region"() ({
        %run_scoped3A = tpu.sem_alloc : memref<!tpu.dma_semaphore, #tpu.memory_space<semaphore_mem>>
        %dma_start3A_423 = arith.constant 0 : i32
        %dma_start3A_424 = tpu.memref_slice %arg3[%add3A_140, %dma_start3A_423] : memref<12544x128xi32, #tpu.memory_space<hbm>> -> memref<4x128xi32, #tpu.memory_space<hbm>>
        %dma_start3A_425 = arith.constant 0 : i32
        %dma_start3A_426 = tpu.memref_slice %arg3[%add3A_140, %dma_start3A_425] : memref<12544x128xi32, #tpu.memory_space<hbm>> -> memref<4x128xi32, #tpu.memory_space<hbm>>
        tpu.enqueue_dma source(%dma_start3A_426 : memref<4x128xi32, #tpu.memory_space<hbm>>) target(%arg11 : memref<4x128xi32, #tpu.memory_space<vmem>>) target_semaphore(%run_scoped3A : memref<!tpu.dma_semaphore, #tpu.memory_space<semaphore_mem>>)
        %dma_wait3A_427 = arith.constant 0 : i32
        %dma_wait3A_428 = tpu.memref_slice %arg3[%add3A_140, %dma_wait3A_427] : memref<12544x128xi32, #tpu.memory_space<hbm>> -> memref<4x128xi32, #tpu.memory_space<hbm>>
        %dma_wait3A_429 = arith.constant 0 : i32
        %dma_wait3A_430 = tpu.memref_slice %arg3[%add3A_140, %dma_wait3A_429] : memref<12544x128xi32, #tpu.memory_space<hbm>> -> memref<4x128xi32, #tpu.memory_space<hbm>>
        tpu.wait_dma2 semaphore(%run_scoped3A : memref<!tpu.dma_semaphore, #tpu.memory_space<semaphore_mem>>) src(%dma_wait3A_430 : memref<4x128xi32, #tpu.memory_space<hbm>>) dst(%arg11 : memref<4x128xi32, #tpu.memory_space<vmem>>)
        tpu.yield
      }) : () -> ()
      %dma_start3A_141 = arith.constant 0 : i32
      %dma_start3A_142 = arith.constant 0 : i32
      %dma_start3A_143 = arith.constant 0 : i32
      %dma_start3A_144 = tpu.memref_slice %arg13[%dma_start3A_142, %dma_start3A_143] : memref<512x16xf32, #tpu.memory_space<vmem>> -> memref<128x16xf32, #tpu.memory_space<vmem>>
      %dma_start3A_145 = arith.constant 0 : i32
      %dma_start3A_146 = tpu.memref_slice %arg10[%dma_start3A_141, %dma_start3A_145] : memref<4x128xi32, #tpu.memory_space<vmem>> -> memref<1x128xi32, #tpu.memory_space<vmem>>
      %dma_start3A_147 = tpu.memref_squeeze %dma_start3A_146 : memref<1x128xi32, #tpu.memory_space<vmem>> -> memref<128xi32, #tpu.memory_space<vmem>>
      %dma_start3A_148 = arith.constant 0 : i32
      %dma_start3A_149 = arith.constant 0 : i32
      %dma_start3A_150 = tpu.memref_slice %arg4[%dma_start3A_148, %dma_start3A_149] : memref<100000x16xf32, #tpu.memory_space<hbm>> -> memref<100000x16xf32, #tpu.memory_space<hbm>>
      tpu.enqueue_indirect_dma source(%dma_start3A_150 : memref<100000x16xf32, #tpu.memory_space<hbm>>) target(%dma_start3A_144 : memref<128x16xf32, #tpu.memory_space<vmem>>) offsets(%dma_start3A_147 : memref<128xi32, #tpu.memory_space<vmem>>) semaphore(%arg14 : memref<!tpu.dma_semaphore, #tpu.memory_space<semaphore_mem>>)
      %dma_start3A_151 = arith.constant 1 : i32
      %dma_start3A_152 = arith.constant 128 : i32
      %dma_start3A_153 = arith.constant 0 : i32
      %dma_start3A_154 = tpu.memref_slice %arg13[%dma_start3A_152, %dma_start3A_153] : memref<512x16xf32, #tpu.memory_space<vmem>> -> memref<128x16xf32, #tpu.memory_space<vmem>>
      %dma_start3A_155 = arith.constant 0 : i32
      %dma_start3A_156 = tpu.memref_slice %arg10[%dma_start3A_151, %dma_start3A_155] : memref<4x128xi32, #tpu.memory_space<vmem>> -> memref<1x128xi32, #tpu.memory_space<vmem>>
      %dma_start3A_157 = tpu.memref_squeeze %dma_start3A_156 : memref<1x128xi32, #tpu.memory_space<vmem>> -> memref<128xi32, #tpu.memory_space<vmem>>
      %dma_start3A_158 = arith.constant 0 : i32
      %dma_start3A_159 = arith.constant 0 : i32
      %dma_start3A_160 = tpu.memref_slice %arg4[%dma_start3A_158, %dma_start3A_159] : memref<100000x16xf32, #tpu.memory_space<hbm>> -> memref<100000x16xf32, #tpu.memory_space<hbm>>
      tpu.enqueue_indirect_dma source(%dma_start3A_160 : memref<100000x16xf32, #tpu.memory_space<hbm>>) target(%dma_start3A_154 : memref<128x16xf32, #tpu.memory_space<vmem>>) offsets(%dma_start3A_157 : memref<128xi32, #tpu.memory_space<vmem>>) semaphore(%arg14 : memref<!tpu.dma_semaphore, #tpu.memory_space<semaphore_mem>>)
      %dma_start3A_161 = arith.constant 2 : i32
      %dma_start3A_162 = arith.constant 256 : i32
      %dma_start3A_163 = arith.constant 0 : i32
      %dma_start3A_164 = tpu.memref_slice %arg13[%dma_start3A_162, %dma_start3A_163] : memref<512x16xf32, #tpu.memory_space<vmem>> -> memref<128x16xf32, #tpu.memory_space<vmem>>
      %dma_start3A_165 = arith.constant 0 : i32
      %dma_start3A_166 = tpu.memref_slice %arg10[%dma_start3A_161, %dma_start3A_165] : memref<4x128xi32, #tpu.memory_space<vmem>> -> memref<1x128xi32, #tpu.memory_space<vmem>>
      %dma_start3A_167 = tpu.memref_squeeze %dma_start3A_166 : memref<1x128xi32, #tpu.memory_space<vmem>> -> memref<128xi32, #tpu.memory_space<vmem>>
      %dma_start3A_168 = arith.constant 0 : i32
      %dma_start3A_169 = arith.constant 0 : i32
      %dma_start3A_170 = tpu.memref_slice %arg4[%dma_start3A_168, %dma_start3A_169] : memref<100000x16xf32, #tpu.memory_space<hbm>> -> memref<100000x16xf32, #tpu.memory_space<hbm>>
      tpu.enqueue_indirect_dma source(%dma_start3A_170 : memref<100000x16xf32, #tpu.memory_space<hbm>>) target(%dma_start3A_164 : memref<128x16xf32, #tpu.memory_space<vmem>>) offsets(%dma_start3A_167 : memref<128xi32, #tpu.memory_space<vmem>>) semaphore(%arg14 : memref<!tpu.dma_semaphore, #tpu.memory_space<semaphore_mem>>)
      %dma_start3A_171 = arith.constant 3 : i32
      %dma_start3A_172 = arith.constant 384 : i32
      %dma_start3A_173 = arith.constant 0 : i32
      %dma_start3A_174 = tpu.memref_slice %arg13[%dma_start3A_172, %dma_start3A_173] : memref<512x16xf32, #tpu.memory_space<vmem>> -> memref<128x16xf32, #tpu.memory_space<vmem>>
      %dma_start3A_175 = arith.constant 0 : i32
      %dma_start3A_176 = tpu.memref_slice %arg10[%dma_start3A_171, %dma_start3A_175] : memref<4x128xi32, #tpu.memory_space<vmem>> -> memref<1x128xi32, #tpu.memory_space<vmem>>
      %dma_start3A_177 = tpu.memref_squeeze %dma_start3A_176 : memref<1x128xi32, #tpu.memory_space<vmem>> -> memref<128xi32, #tpu.memory_space<vmem>>
      %dma_start3A_178 = arith.constant 0 : i32
      %dma_start3A_179 = arith.constant 0 : i32
      %dma_start3A_180 = tpu.memref_slice %arg4[%dma_start3A_178, %dma_start3A_179] : memref<100000x16xf32, #tpu.memory_space<hbm>> -> memref<100000x16xf32, #tpu.memory_space<hbm>>
      tpu.enqueue_indirect_dma source(%dma_start3A_180 : memref<100000x16xf32, #tpu.memory_space<hbm>>) target(%dma_start3A_174 : memref<128x16xf32, #tpu.memory_space<vmem>>) offsets(%dma_start3A_177 : memref<128xi32, #tpu.memory_space<vmem>>) semaphore(%arg14 : memref<!tpu.dma_semaphore, #tpu.memory_space<semaphore_mem>>)
      %dma_wait3A_181 = arith.constant 0 : i32
      %dma_wait3A_182 = arith.constant 0 : i32
      %dma_wait3A_183 = arith.constant 0 : i32
      %dma_wait3A_184 = tpu.memref_slice %arg12[%dma_wait3A_182, %dma_wait3A_183] : memref<512x16xf32, #tpu.memory_space<vmem>> -> memref<128x16xf32, #tpu.memory_space<vmem>>
      %dma_wait3A_185 = arith.constant 0 : i32
      %dma_wait3A_186 = tpu.memref_slice %arg8[%dma_wait3A_181, %dma_wait3A_185] : memref<4x128xi32, #tpu.memory_space<vmem>> -> memref<1x128xi32, #tpu.memory_space<vmem>>
      %dma_wait3A_187 = tpu.memref_squeeze %dma_wait3A_186 : memref<1x128xi32, #tpu.memory_space<vmem>> -> memref<128xi32, #tpu.memory_space<vmem>>
      %dma_wait3A_188 = arith.constant 0 : i32
      %dma_wait3A_189 = arith.constant 0 : i32
      %dma_wait3A_190 = tpu.memref_slice %arg4[%dma_wait3A_188, %dma_wait3A_189] : memref<100000x16xf32, #tpu.memory_space<hbm>> -> memref<100000x16xf32, #tpu.memory_space<hbm>>
      tpu.wait_indirect_dma semaphore(%arg14 : memref<!tpu.dma_semaphore, #tpu.memory_space<semaphore_mem>>) src(%dma_wait3A_190 : memref<100000x16xf32, #tpu.memory_space<hbm>>) dst(%dma_wait3A_184 : memref<128x16xf32, #tpu.memory_space<vmem>>)
      %dma_wait3A_191 = arith.constant 1 : i32
      %dma_wait3A_192 = arith.constant 128 : i32
      %dma_wait3A_193 = arith.constant 0 : i32
      %dma_wait3A_194 = tpu.memref_slice %arg12[%dma_wait3A_192, %dma_wait3A_193] : memref<512x16xf32, #tpu.memory_space<vmem>> -> memref<128x16xf32, #tpu.memory_space<vmem>>
      %dma_wait3A_195 = arith.constant 0 : i32
      %dma_wait3A_196 = tpu.memref_slice %arg8[%dma_wait3A_191, %dma_wait3A_195] : memref<4x128xi32, #tpu.memory_space<vmem>> -> memref<1x128xi32, #tpu.memory_space<vmem>>
      %dma_wait3A_197 = tpu.memref_squeeze %dma_wait3A_196 : memref<1x128xi32, #tpu.memory_space<vmem>> -> memref<128xi32, #tpu.memory_space<vmem>>
      %dma_wait3A_198 = arith.constant 0 : i32
      %dma_wait3A_199 = arith.constant 0 : i32
      %dma_wait3A_200 = tpu.memref_slice %arg4[%dma_wait3A_198, %dma_wait3A_199] : memref<100000x16xf32, #tpu.memory_space<hbm>> -> memref<100000x16xf32, #tpu.memory_space<hbm>>
      tpu.wait_indirect_dma semaphore(%arg14 : memref<!tpu.dma_semaphore, #tpu.memory_space<semaphore_mem>>) src(%dma_wait3A_200 : memref<100000x16xf32, #tpu.memory_space<hbm>>) dst(%dma_wait3A_194 : memref<128x16xf32, #tpu.memory_space<vmem>>)
      %dma_wait3A_201 = arith.constant 2 : i32
      %dma_wait3A_202 = arith.constant 256 : i32
      %dma_wait3A_203 = arith.constant 0 : i32
      %dma_wait3A_204 = tpu.memref_slice %arg12[%dma_wait3A_202, %dma_wait3A_203] : memref<512x16xf32, #tpu.memory_space<vmem>> -> memref<128x16xf32, #tpu.memory_space<vmem>>
      %dma_wait3A_205 = arith.constant 0 : i32
      %dma_wait3A_206 = tpu.memref_slice %arg8[%dma_wait3A_201, %dma_wait3A_205] : memref<4x128xi32, #tpu.memory_space<vmem>> -> memref<1x128xi32, #tpu.memory_space<vmem>>
      %dma_wait3A_207 = tpu.memref_squeeze %dma_wait3A_206 : memref<1x128xi32, #tpu.memory_space<vmem>> -> memref<128xi32, #tpu.memory_space<vmem>>
      %dma_wait3A_208 = arith.constant 0 : i32
      %dma_wait3A_209 = arith.constant 0 : i32
      %dma_wait3A_210 = tpu.memref_slice %arg4[%dma_wait3A_208, %dma_wait3A_209] : memref<100000x16xf32, #tpu.memory_space<hbm>> -> memref<100000x16xf32, #tpu.memory_space<hbm>>
      tpu.wait_indirect_dma semaphore(%arg14 : memref<!tpu.dma_semaphore, #tpu.memory_space<semaphore_mem>>) src(%dma_wait3A_210 : memref<100000x16xf32, #tpu.memory_space<hbm>>) dst(%dma_wait3A_204 : memref<128x16xf32, #tpu.memory_space<vmem>>)
      %dma_wait3A_211 = arith.constant 3 : i32
      %dma_wait3A_212 = arith.constant 384 : i32
      %dma_wait3A_213 = arith.constant 0 : i32
      %dma_wait3A_214 = tpu.memref_slice %arg12[%dma_wait3A_212, %dma_wait3A_213] : memref<512x16xf32, #tpu.memory_space<vmem>> -> memref<128x16xf32, #tpu.memory_space<vmem>>
      %dma_wait3A_215 = arith.constant 0 : i32
      %dma_wait3A_216 = tpu.memref_slice %arg8[%dma_wait3A_211, %dma_wait3A_215] : memref<4x128xi32, #tpu.memory_space<vmem>> -> memref<1x128xi32, #tpu.memory_space<vmem>>
      %dma_wait3A_217 = tpu.memref_squeeze %dma_wait3A_216 : memref<1x128xi32, #tpu.memory_space<vmem>> -> memref<128xi32, #tpu.memory_space<vmem>>
      %dma_wait3A_218 = arith.constant 0 : i32
      %dma_wait3A_219 = arith.constant 0 : i32
      %dma_wait3A_220 = tpu.memref_slice %arg4[%dma_wait3A_218, %dma_wait3A_219] : memref<100000x16xf32, #tpu.memory_space<hbm>> -> memref<100000x16xf32, #tpu.memory_space<hbm>>
      tpu.wait_indirect_dma semaphore(%arg14 : memref<!tpu.dma_semaphore, #tpu.memory_space<semaphore_mem>>) src(%dma_wait3A_220 : memref<100000x16xf32, #tpu.memory_space<hbm>>) dst(%dma_wait3A_214 : memref<128x16xf32, #tpu.memory_space<vmem>>)
      %dma_start3A_221 = arith.constant 0 : i32
      %dma_start3A_222 = arith.constant 0 : i32
      %dma_start3A_223 = arith.constant 0 : i32
      %dma_start3A_224 = tpu.memref_slice %arg12[%dma_start3A_222, %dma_start3A_223] : memref<512x16xf32, #tpu.memory_space<vmem>> -> memref<128x16xf32, #tpu.memory_space<vmem>>
      %dma_start3A_225 = arith.constant 0 : i32
      %dma_start3A_226 = tpu.memref_slice %arg9[%dma_start3A_221, %dma_start3A_225] : memref<4x128xi32, #tpu.memory_space<vmem>> -> memref<1x128xi32, #tpu.memory_space<vmem>>
      %dma_start3A_227 = tpu.memref_squeeze %dma_start3A_226 : memref<1x128xi32, #tpu.memory_space<vmem>> -> memref<128xi32, #tpu.memory_space<vmem>>
      %dma_start3A_228 = arith.constant 0 : i32
      %dma_start3A_229 = arith.constant 0 : i32
      %dma_start3A_230 = tpu.memref_slice %arg7[%dma_start3A_228, %dma_start3A_229] : memref<100352x16xf32, #tpu.memory_space<vmem_shared>> -> memref<100352x16xf32, #tpu.memory_space<vmem_shared>>
      tpu.enqueue_indirect_dma source(%dma_start3A_224 : memref<128x16xf32, #tpu.memory_space<vmem>>) target(%dma_start3A_230 : memref<100352x16xf32, #tpu.memory_space<vmem_shared>>) offsets(%dma_start3A_227 : memref<128xi32, #tpu.memory_space<vmem>>) semaphore(%arg15 : memref<!tpu.dma_semaphore, #tpu.memory_space<semaphore_mem>>) {add = true}
      %dma_start3A_231 = arith.constant 1 : i32
      %dma_start3A_232 = arith.constant 128 : i32
      %dma_start3A_233 = arith.constant 0 : i32
      %dma_start3A_234 = tpu.memref_slice %arg12[%dma_start3A_232, %dma_start3A_233] : memref<512x16xf32, #tpu.memory_space<vmem>> -> memref<128x16xf32, #tpu.memory_space<vmem>>
      %dma_start3A_235 = arith.constant 0 : i32
      %dma_start3A_236 = tpu.memref_slice %arg9[%dma_start3A_231, %dma_start3A_235] : memref<4x128xi32, #tpu.memory_space<vmem>> -> memref<1x128xi32, #tpu.memory_space<vmem>>
      %dma_start3A_237 = tpu.memref_squeeze %dma_start3A_236 : memref<1x128xi32, #tpu.memory_space<vmem>> -> memref<128xi32, #tpu.memory_space<vmem>>
      %dma_start3A_238 = arith.constant 0 : i32
      %dma_start3A_239 = arith.constant 0 : i32
      %dma_start3A_240 = tpu.memref_slice %arg7[%dma_start3A_238, %dma_start3A_239] : memref<100352x16xf32, #tpu.memory_space<vmem_shared>> -> memref<100352x16xf32, #tpu.memory_space<vmem_shared>>
      tpu.enqueue_indirect_dma source(%dma_start3A_234 : memref<128x16xf32, #tpu.memory_space<vmem>>) target(%dma_start3A_240 : memref<100352x16xf32, #tpu.memory_space<vmem_shared>>) offsets(%dma_start3A_237 : memref<128xi32, #tpu.memory_space<vmem>>) semaphore(%arg15 : memref<!tpu.dma_semaphore, #tpu.memory_space<semaphore_mem>>) {add = true}
      %dma_start3A_241 = arith.constant 2 : i32
      %dma_start3A_242 = arith.constant 256 : i32
      %dma_start3A_243 = arith.constant 0 : i32
      %dma_start3A_244 = tpu.memref_slice %arg12[%dma_start3A_242, %dma_start3A_243] : memref<512x16xf32, #tpu.memory_space<vmem>> -> memref<128x16xf32, #tpu.memory_space<vmem>>
      %dma_start3A_245 = arith.constant 0 : i32
      %dma_start3A_246 = tpu.memref_slice %arg9[%dma_start3A_241, %dma_start3A_245] : memref<4x128xi32, #tpu.memory_space<vmem>> -> memref<1x128xi32, #tpu.memory_space<vmem>>
      %dma_start3A_247 = tpu.memref_squeeze %dma_start3A_246 : memref<1x128xi32, #tpu.memory_space<vmem>> -> memref<128xi32, #tpu.memory_space<vmem>>
      %dma_start3A_248 = arith.constant 0 : i32
      %dma_start3A_249 = arith.constant 0 : i32
      %dma_start3A_250 = tpu.memref_slice %arg7[%dma_start3A_248, %dma_start3A_249] : memref<100352x16xf32, #tpu.memory_space<vmem_shared>> -> memref<100352x16xf32, #tpu.memory_space<vmem_shared>>
      tpu.enqueue_indirect_dma source(%dma_start3A_244 : memref<128x16xf32, #tpu.memory_space<vmem>>) target(%dma_start3A_250 : memref<100352x16xf32, #tpu.memory_space<vmem_shared>>) offsets(%dma_start3A_247 : memref<128xi32, #tpu.memory_space<vmem>>) semaphore(%arg15 : memref<!tpu.dma_semaphore, #tpu.memory_space<semaphore_mem>>) {add = true}
      %dma_start3A_251 = arith.constant 3 : i32
      %dma_start3A_252 = arith.constant 384 : i32
      %dma_start3A_253 = arith.constant 0 : i32
      %dma_start3A_254 = tpu.memref_slice %arg12[%dma_start3A_252, %dma_start3A_253] : memref<512x16xf32, #tpu.memory_space<vmem>> -> memref<128x16xf32, #tpu.memory_space<vmem>>
      %dma_start3A_255 = arith.constant 0 : i32
      %dma_start3A_256 = tpu.memref_slice %arg9[%dma_start3A_251, %dma_start3A_255] : memref<4x128xi32, #tpu.memory_space<vmem>> -> memref<1x128xi32, #tpu.memory_space<vmem>>
      %dma_start3A_257 = tpu.memref_squeeze %dma_start3A_256 : memref<1x128xi32, #tpu.memory_space<vmem>> -> memref<128xi32, #tpu.memory_space<vmem>>
      %dma_start3A_258 = arith.constant 0 : i32
      %dma_start3A_259 = arith.constant 0 : i32
      %dma_start3A_260 = tpu.memref_slice %arg7[%dma_start3A_258, %dma_start3A_259] : memref<100352x16xf32, #tpu.memory_space<vmem_shared>> -> memref<100352x16xf32, #tpu.memory_space<vmem_shared>>
      tpu.enqueue_indirect_dma source(%dma_start3A_254 : memref<128x16xf32, #tpu.memory_space<vmem>>) target(%dma_start3A_260 : memref<100352x16xf32, #tpu.memory_space<vmem_shared>>) offsets(%dma_start3A_257 : memref<128xi32, #tpu.memory_space<vmem>>) semaphore(%arg15 : memref<!tpu.dma_semaphore, #tpu.memory_space<semaphore_mem>>) {add = true}
      %dma_wait3A_261 = arith.constant 0 : i32
      %dma_wait3A_262 = arith.constant 0 : i32
      %dma_wait3A_263 = arith.constant 0 : i32
      %dma_wait3A_264 = tpu.memref_slice %arg13[%dma_wait3A_262, %dma_wait3A_263] : memref<512x16xf32, #tpu.memory_space<vmem>> -> memref<128x16xf32, #tpu.memory_space<vmem>>
      %dma_wait3A_265 = arith.constant 0 : i32
      %dma_wait3A_266 = tpu.memref_slice %arg10[%dma_wait3A_261, %dma_wait3A_265] : memref<4x128xi32, #tpu.memory_space<vmem>> -> memref<1x128xi32, #tpu.memory_space<vmem>>
      %dma_wait3A_267 = tpu.memref_squeeze %dma_wait3A_266 : memref<1x128xi32, #tpu.memory_space<vmem>> -> memref<128xi32, #tpu.memory_space<vmem>>
      %dma_wait3A_268 = arith.constant 0 : i32
      %dma_wait3A_269 = arith.constant 0 : i32
      %dma_wait3A_270 = tpu.memref_slice %arg4[%dma_wait3A_268, %dma_wait3A_269] : memref<100000x16xf32, #tpu.memory_space<hbm>> -> memref<100000x16xf32, #tpu.memory_space<hbm>>
      tpu.wait_indirect_dma semaphore(%arg14 : memref<!tpu.dma_semaphore, #tpu.memory_space<semaphore_mem>>) src(%dma_wait3A_270 : memref<100000x16xf32, #tpu.memory_space<hbm>>) dst(%dma_wait3A_264 : memref<128x16xf32, #tpu.memory_space<vmem>>)
      %dma_wait3A_271 = arith.constant 1 : i32
      %dma_wait3A_272 = arith.constant 128 : i32
      %dma_wait3A_273 = arith.constant 0 : i32
      %dma_wait3A_274 = tpu.memref_slice %arg13[%dma_wait3A_272, %dma_wait3A_273] : memref<512x16xf32, #tpu.memory_space<vmem>> -> memref<128x16xf32, #tpu.memory_space<vmem>>
      %dma_wait3A_275 = arith.constant 0 : i32
      %dma_wait3A_276 = tpu.memref_slice %arg10[%dma_wait3A_271, %dma_wait3A_275] : memref<4x128xi32, #tpu.memory_space<vmem>> -> memref<1x128xi32, #tpu.memory_space<vmem>>
      %dma_wait3A_277 = tpu.memref_squeeze %dma_wait3A_276 : memref<1x128xi32, #tpu.memory_space<vmem>> -> memref<128xi32, #tpu.memory_space<vmem>>
      %dma_wait3A_278 = arith.constant 0 : i32
      %dma_wait3A_279 = arith.constant 0 : i32
      %dma_wait3A_280 = tpu.memref_slice %arg4[%dma_wait3A_278, %dma_wait3A_279] : memref<100000x16xf32, #tpu.memory_space<hbm>> -> memref<100000x16xf32, #tpu.memory_space<hbm>>
      tpu.wait_indirect_dma semaphore(%arg14 : memref<!tpu.dma_semaphore, #tpu.memory_space<semaphore_mem>>) src(%dma_wait3A_280 : memref<100000x16xf32, #tpu.memory_space<hbm>>) dst(%dma_wait3A_274 : memref<128x16xf32, #tpu.memory_space<vmem>>)
      %dma_wait3A_281 = arith.constant 2 : i32
      %dma_wait3A_282 = arith.constant 256 : i32
      %dma_wait3A_283 = arith.constant 0 : i32
      %dma_wait3A_284 = tpu.memref_slice %arg13[%dma_wait3A_282, %dma_wait3A_283] : memref<512x16xf32, #tpu.memory_space<vmem>> -> memref<128x16xf32, #tpu.memory_space<vmem>>
      %dma_wait3A_285 = arith.constant 0 : i32
      %dma_wait3A_286 = tpu.memref_slice %arg10[%dma_wait3A_281, %dma_wait3A_285] : memref<4x128xi32, #tpu.memory_space<vmem>> -> memref<1x128xi32, #tpu.memory_space<vmem>>
      %dma_wait3A_287 = tpu.memref_squeeze %dma_wait3A_286 : memref<1x128xi32, #tpu.memory_space<vmem>> -> memref<128xi32, #tpu.memory_space<vmem>>
      %dma_wait3A_288 = arith.constant 0 : i32
      %dma_wait3A_289 = arith.constant 0 : i32
      %dma_wait3A_290 = tpu.memref_slice %arg4[%dma_wait3A_288, %dma_wait3A_289] : memref<100000x16xf32, #tpu.memory_space<hbm>> -> memref<100000x16xf32, #tpu.memory_space<hbm>>
      tpu.wait_indirect_dma semaphore(%arg14 : memref<!tpu.dma_semaphore, #tpu.memory_space<semaphore_mem>>) src(%dma_wait3A_290 : memref<100000x16xf32, #tpu.memory_space<hbm>>) dst(%dma_wait3A_284 : memref<128x16xf32, #tpu.memory_space<vmem>>)
      %dma_wait3A_291 = arith.constant 3 : i32
      %dma_wait3A_292 = arith.constant 384 : i32
      %dma_wait3A_293 = arith.constant 0 : i32
      %dma_wait3A_294 = tpu.memref_slice %arg13[%dma_wait3A_292, %dma_wait3A_293] : memref<512x16xf32, #tpu.memory_space<vmem>> -> memref<128x16xf32, #tpu.memory_space<vmem>>
      %dma_wait3A_295 = arith.constant 0 : i32
      %dma_wait3A_296 = tpu.memref_slice %arg10[%dma_wait3A_291, %dma_wait3A_295] : memref<4x128xi32, #tpu.memory_space<vmem>> -> memref<1x128xi32, #tpu.memory_space<vmem>>
      %dma_wait3A_297 = tpu.memref_squeeze %dma_wait3A_296 : memref<1x128xi32, #tpu.memory_space<vmem>> -> memref<128xi32, #tpu.memory_space<vmem>>
      %dma_wait3A_298 = arith.constant 0 : i32
      %dma_wait3A_299 = arith.constant 0 : i32
      %dma_wait3A_300 = tpu.memref_slice %arg4[%dma_wait3A_298, %dma_wait3A_299] : memref<100000x16xf32, #tpu.memory_space<hbm>> -> memref<100000x16xf32, #tpu.memory_space<hbm>>
      tpu.wait_indirect_dma semaphore(%arg14 : memref<!tpu.dma_semaphore, #tpu.memory_space<semaphore_mem>>) src(%dma_wait3A_300 : memref<100000x16xf32, #tpu.memory_space<hbm>>) dst(%dma_wait3A_294 : memref<128x16xf32, #tpu.memory_space<vmem>>)
      %gt3A = arith.constant 0 : i32
      %gt3A_301 = arith.cmpi sgt, %scan3A_131, %gt3A : i32
      %convert_element_type3A = arith.extui %gt3A_301 : i1 to i32
      %cond3A = arith.constant 0 : i32
      %cond3A_302 = arith.cmpi ne, %convert_element_type3A, %cond3A : i32
      scf.if %cond3A_302 {
        %dma_wait3A_423 = arith.constant 0 : i32
        %dma_wait3A_424 = arith.constant 0 : i32
        %dma_wait3A_425 = arith.constant 0 : i32
        %dma_wait3A_426 = tpu.memref_slice %arg13[%dma_wait3A_424, %dma_wait3A_425] : memref<512x16xf32, #tpu.memory_space<vmem>> -> memref<128x16xf32, #tpu.memory_space<vmem>>
        %dma_wait3A_427 = arith.constant 0 : i32
        %dma_wait3A_428 = tpu.memref_slice %arg11[%dma_wait3A_423, %dma_wait3A_427] : memref<4x128xi32, #tpu.memory_space<vmem>> -> memref<1x128xi32, #tpu.memory_space<vmem>>
        %dma_wait3A_429 = tpu.memref_squeeze %dma_wait3A_428 : memref<1x128xi32, #tpu.memory_space<vmem>> -> memref<128xi32, #tpu.memory_space<vmem>>
        %dma_wait3A_430 = arith.constant 0 : i32
        %dma_wait3A_431 = arith.constant 0 : i32
        %dma_wait3A_432 = tpu.memref_slice %arg7[%dma_wait3A_430, %dma_wait3A_431] : memref<100352x16xf32, #tpu.memory_space<vmem_shared>> -> memref<100352x16xf32, #tpu.memory_space<vmem_shared>>
        tpu.wait_indirect_dma semaphore(%arg15 : memref<!tpu.dma_semaphore, #tpu.memory_space<semaphore_mem>>) src(%dma_wait3A_426 : memref<128x16xf32, #tpu.memory_space<vmem>>) dst(%dma_wait3A_432 : memref<100352x16xf32, #tpu.memory_space<vmem_shared>>)
        %dma_wait3A_433 = arith.constant 1 : i32
        %dma_wait3A_434 = arith.constant 128 : i32
        %dma_wait3A_435 = arith.constant 0 : i32
        %dma_wait3A_436 = tpu.memref_slice %arg13[%dma_wait3A_434, %dma_wait3A_435] : memref<512x16xf32, #tpu.memory_space<vmem>> -> memref<128x16xf32, #tpu.memory_space<vmem>>
        %dma_wait3A_437 = arith.constant 0 : i32
        %dma_wait3A_438 = tpu.memref_slice %arg11[%dma_wait3A_433, %dma_wait3A_437] : memref<4x128xi32, #tpu.memory_space<vmem>> -> memref<1x128xi32, #tpu.memory_space<vmem>>
        %dma_wait3A_439 = tpu.memref_squeeze %dma_wait3A_438 : memref<1x128xi32, #tpu.memory_space<vmem>> -> memref<128xi32, #tpu.memory_space<vmem>>
        %dma_wait3A_440 = arith.constant 0 : i32
        %dma_wait3A_441 = arith.constant 0 : i32
        %dma_wait3A_442 = tpu.memref_slice %arg7[%dma_wait3A_440, %dma_wait3A_441] : memref<100352x16xf32, #tpu.memory_space<vmem_shared>> -> memref<100352x16xf32, #tpu.memory_space<vmem_shared>>
        tpu.wait_indirect_dma semaphore(%arg15 : memref<!tpu.dma_semaphore, #tpu.memory_space<semaphore_mem>>) src(%dma_wait3A_436 : memref<128x16xf32, #tpu.memory_space<vmem>>) dst(%dma_wait3A_442 : memref<100352x16xf32, #tpu.memory_space<vmem_shared>>)
        %dma_wait3A_443 = arith.constant 2 : i32
        %dma_wait3A_444 = arith.constant 256 : i32
        %dma_wait3A_445 = arith.constant 0 : i32
        %dma_wait3A_446 = tpu.memref_slice %arg13[%dma_wait3A_444, %dma_wait3A_445] : memref<512x16xf32, #tpu.memory_space<vmem>> -> memref<128x16xf32, #tpu.memory_space<vmem>>
        %dma_wait3A_447 = arith.constant 0 : i32
        %dma_wait3A_448 = tpu.memref_slice %arg11[%dma_wait3A_443, %dma_wait3A_447] : memref<4x128xi32, #tpu.memory_space<vmem>> -> memref<1x128xi32, #tpu.memory_space<vmem>>
        %dma_wait3A_449 = tpu.memref_squeeze %dma_wait3A_448 : memref<1x128xi32, #tpu.memory_space<vmem>> -> memref<128xi32, #tpu.memory_space<vmem>>
        %dma_wait3A_450 = arith.constant 0 : i32
        %dma_wait3A_451 = arith.constant 0 : i32
        %dma_wait3A_452 = tpu.memref_slice %arg7[%dma_wait3A_450, %dma_wait3A_451] : memref<100352x16xf32, #tpu.memory_space<vmem_shared>> -> memref<100352x16xf32, #tpu.memory_space<vmem_shared>>
        tpu.wait_indirect_dma semaphore(%arg15 : memref<!tpu.dma_semaphore, #tpu.memory_space<semaphore_mem>>) src(%dma_wait3A_446 : memref<128x16xf32, #tpu.memory_space<vmem>>) dst(%dma_wait3A_452 : memref<100352x16xf32, #tpu.memory_space<vmem_shared>>)
        %dma_wait3A_453 = arith.constant 3 : i32
        %dma_wait3A_454 = arith.constant 384 : i32
        %dma_wait3A_455 = arith.constant 0 : i32
        %dma_wait3A_456 = tpu.memref_slice %arg13[%dma_wait3A_454, %dma_wait3A_455] : memref<512x16xf32, #tpu.memory_space<vmem>> -> memref<128x16xf32, #tpu.memory_space<vmem>>
        %dma_wait3A_457 = arith.constant 0 : i32
        %dma_wait3A_458 = tpu.memref_slice %arg11[%dma_wait3A_453, %dma_wait3A_457] : memref<4x128xi32, #tpu.memory_space<vmem>> -> memref<1x128xi32, #tpu.memory_space<vmem>>
        %dma_wait3A_459 = tpu.memref_squeeze %dma_wait3A_458 : memref<1x128xi32, #tpu.memory_space<vmem>> -> memref<128xi32, #tpu.memory_space<vmem>>
        %dma_wait3A_460 = arith.constant 0 : i32
        %dma_wait3A_461 = arith.constant 0 : i32
        %dma_wait3A_462 = tpu.memref_slice %arg7[%dma_wait3A_460, %dma_wait3A_461] : memref<100352x16xf32, #tpu.memory_space<vmem_shared>> -> memref<100352x16xf32, #tpu.memory_space<vmem_shared>>
        tpu.wait_indirect_dma semaphore(%arg15 : memref<!tpu.dma_semaphore, #tpu.memory_space<semaphore_mem>>) src(%dma_wait3A_456 : memref<128x16xf32, #tpu.memory_space<vmem>>) dst(%dma_wait3A_462 : memref<100352x16xf32, #tpu.memory_space<vmem_shared>>)
      } else {
      }
      %dma_wait3A_303 = arith.constant 0 : i32
      %dma_wait3A_304 = arith.constant 0 : i32
      %dma_wait3A_305 = arith.constant 0 : i32
      %dma_wait3A_306 = tpu.memref_slice %arg12[%dma_wait3A_304, %dma_wait3A_305] : memref<512x16xf32, #tpu.memory_space<vmem>> -> memref<128x16xf32, #tpu.memory_space<vmem>>
      %dma_wait3A_307 = arith.constant 0 : i32
      %dma_wait3A_308 = tpu.memref_slice %arg9[%dma_wait3A_303, %dma_wait3A_307] : memref<4x128xi32, #tpu.memory_space<vmem>> -> memref<1x128xi32, #tpu.memory_space<vmem>>
      %dma_wait3A_309 = tpu.memref_squeeze %dma_wait3A_308 : memref<1x128xi32, #tpu.memory_space<vmem>> -> memref<128xi32, #tpu.memory_space<vmem>>
      %dma_wait3A_310 = arith.constant 0 : i32
      %dma_wait3A_311 = arith.constant 0 : i32
      %dma_wait3A_312 = tpu.memref_slice %arg7[%dma_wait3A_310, %dma_wait3A_311] : memref<100352x16xf32, #tpu.memory_space<vmem_shared>> -> memref<100352x16xf32, #tpu.memory_space<vmem_shared>>
      tpu.wait_indirect_dma semaphore(%arg15 : memref<!tpu.dma_semaphore, #tpu.memory_space<semaphore_mem>>) src(%dma_wait3A_306 : memref<128x16xf32, #tpu.memory_space<vmem>>) dst(%dma_wait3A_312 : memref<100352x16xf32, #tpu.memory_space<vmem_shared>>)
      %dma_wait3A_313 = arith.constant 1 : i32
      %dma_wait3A_314 = arith.constant 128 : i32
      %dma_wait3A_315 = arith.constant 0 : i32
      %dma_wait3A_316 = tpu.memref_slice %arg12[%dma_wait3A_314, %dma_wait3A_315] : memref<512x16xf32, #tpu.memory_space<vmem>> -> memref<128x16xf32, #tpu.memory_space<vmem>>
      %dma_wait3A_317 = arith.constant 0 : i32
      %dma_wait3A_318 = tpu.memref_slice %arg9[%dma_wait3A_313, %dma_wait3A_317] : memref<4x128xi32, #tpu.memory_space<vmem>> -> memref<1x128xi32, #tpu.memory_space<vmem>>
      %dma_wait3A_319 = tpu.memref_squeeze %dma_wait3A_318 : memref<1x128xi32, #tpu.memory_space<vmem>> -> memref<128xi32, #tpu.memory_space<vmem>>
      %dma_wait3A_320 = arith.constant 0 : i32
      %dma_wait3A_321 = arith.constant 0 : i32
      %dma_wait3A_322 = tpu.memref_slice %arg7[%dma_wait3A_320, %dma_wait3A_321] : memref<100352x16xf32, #tpu.memory_space<vmem_shared>> -> memref<100352x16xf32, #tpu.memory_space<vmem_shared>>
      tpu.wait_indirect_dma semaphore(%arg15 : memref<!tpu.dma_semaphore, #tpu.memory_space<semaphore_mem>>) src(%dma_wait3A_316 : memref<128x16xf32, #tpu.memory_space<vmem>>) dst(%dma_wait3A_322 : memref<100352x16xf32, #tpu.memory_space<vmem_shared>>)
      %dma_wait3A_323 = arith.constant 2 : i32
      %dma_wait3A_324 = arith.constant 256 : i32
      %dma_wait3A_325 = arith.constant 0 : i32
      %dma_wait3A_326 = tpu.memref_slice %arg12[%dma_wait3A_324, %dma_wait3A_325] : memref<512x16xf32, #tpu.memory_space<vmem>> -> memref<128x16xf32, #tpu.memory_space<vmem>>
      %dma_wait3A_327 = arith.constant 0 : i32
      %dma_wait3A_328 = tpu.memref_slice %arg9[%dma_wait3A_323, %dma_wait3A_327] : memref<4x128xi32, #tpu.memory_space<vmem>> -> memref<1x128xi32, #tpu.memory_space<vmem>>
      %dma_wait3A_329 = tpu.memref_squeeze %dma_wait3A_328 : memref<1x128xi32, #tpu.memory_space<vmem>> -> memref<128xi32, #tpu.memory_space<vmem>>
      %dma_wait3A_330 = arith.constant 0 : i32
      %dma_wait3A_331 = arith.constant 0 : i32
      %dma_wait3A_332 = tpu.memref_slice %arg7[%dma_wait3A_330, %dma_wait3A_331] : memref<100352x16xf32, #tpu.memory_space<vmem_shared>> -> memref<100352x16xf32, #tpu.memory_space<vmem_shared>>
      tpu.wait_indirect_dma semaphore(%arg15 : memref<!tpu.dma_semaphore, #tpu.memory_space<semaphore_mem>>) src(%dma_wait3A_326 : memref<128x16xf32, #tpu.memory_space<vmem>>) dst(%dma_wait3A_332 : memref<100352x16xf32, #tpu.memory_space<vmem_shared>>)
      %dma_wait3A_333 = arith.constant 3 : i32
      %dma_wait3A_334 = arith.constant 384 : i32
      %dma_wait3A_335 = arith.constant 0 : i32
      %dma_wait3A_336 = tpu.memref_slice %arg12[%dma_wait3A_334, %dma_wait3A_335] : memref<512x16xf32, #tpu.memory_space<vmem>> -> memref<128x16xf32, #tpu.memory_space<vmem>>
      %dma_wait3A_337 = arith.constant 0 : i32
      %dma_wait3A_338 = tpu.memref_slice %arg9[%dma_wait3A_333, %dma_wait3A_337] : memref<4x128xi32, #tpu.memory_space<vmem>> -> memref<1x128xi32, #tpu.memory_space<vmem>>
      %dma_wait3A_339 = tpu.memref_squeeze %dma_wait3A_338 : memref<1x128xi32, #tpu.memory_space<vmem>> -> memref<128xi32, #tpu.memory_space<vmem>>
      %dma_wait3A_340 = arith.constant 0 : i32
      %dma_wait3A_341 = arith.constant 0 : i32
      %dma_wait3A_342 = tpu.memref_slice %arg7[%dma_wait3A_340, %dma_wait3A_341] : memref<100352x16xf32, #tpu.memory_space<vmem_shared>> -> memref<100352x16xf32, #tpu.memory_space<vmem_shared>>
      tpu.wait_indirect_dma semaphore(%arg15 : memref<!tpu.dma_semaphore, #tpu.memory_space<semaphore_mem>>) src(%dma_wait3A_336 : memref<128x16xf32, #tpu.memory_space<vmem>>) dst(%dma_wait3A_342 : memref<100352x16xf32, #tpu.memory_space<vmem_shared>>)
      %dma_start3A_343 = arith.constant 0 : i32
      %dma_start3A_344 = arith.constant 0 : i32
      %dma_start3A_345 = arith.constant 0 : i32
      %dma_start3A_346 = tpu.memref_slice %arg13[%dma_start3A_344, %dma_start3A_345] : memref<512x16xf32, #tpu.memory_space<vmem>> -> memref<128x16xf32, #tpu.memory_space<vmem>>
      %dma_start3A_347 = arith.constant 0 : i32
      %dma_start3A_348 = tpu.memref_slice %arg11[%dma_start3A_343, %dma_start3A_347] : memref<4x128xi32, #tpu.memory_space<vmem>> -> memref<1x128xi32, #tpu.memory_space<vmem>>
      %dma_start3A_349 = tpu.memref_squeeze %dma_start3A_348 : memref<1x128xi32, #tpu.memory_space<vmem>> -> memref<128xi32, #tpu.memory_space<vmem>>
      %dma_start3A_350 = arith.constant 0 : i32
      %dma_start3A_351 = arith.constant 0 : i32
      %dma_start3A_352 = tpu.memref_slice %arg7[%dma_start3A_350, %dma_start3A_351] : memref<100352x16xf32, #tpu.memory_space<vmem_shared>> -> memref<100352x16xf32, #tpu.memory_space<vmem_shared>>
      tpu.enqueue_indirect_dma source(%dma_start3A_346 : memref<128x16xf32, #tpu.memory_space<vmem>>) target(%dma_start3A_352 : memref<100352x16xf32, #tpu.memory_space<vmem_shared>>) offsets(%dma_start3A_349 : memref<128xi32, #tpu.memory_space<vmem>>) semaphore(%arg15 : memref<!tpu.dma_semaphore, #tpu.memory_space<semaphore_mem>>) {add = true}
      %dma_start3A_353 = arith.constant 1 : i32
      %dma_start3A_354 = arith.constant 128 : i32
      %dma_start3A_355 = arith.constant 0 : i32
      %dma_start3A_356 = tpu.memref_slice %arg13[%dma_start3A_354, %dma_start3A_355] : memref<512x16xf32, #tpu.memory_space<vmem>> -> memref<128x16xf32, #tpu.memory_space<vmem>>
      %dma_start3A_357 = arith.constant 0 : i32
      %dma_start3A_358 = tpu.memref_slice %arg11[%dma_start3A_353, %dma_start3A_357] : memref<4x128xi32, #tpu.memory_space<vmem>> -> memref<1x128xi32, #tpu.memory_space<vmem>>
      %dma_start3A_359 = tpu.memref_squeeze %dma_start3A_358 : memref<1x128xi32, #tpu.memory_space<vmem>> -> memref<128xi32, #tpu.memory_space<vmem>>
      %dma_start3A_360 = arith.constant 0 : i32
      %dma_start3A_361 = arith.constant 0 : i32
      %dma_start3A_362 = tpu.memref_slice %arg7[%dma_start3A_360, %dma_start3A_361] : memref<100352x16xf32, #tpu.memory_space<vmem_shared>> -> memref<100352x16xf32, #tpu.memory_space<vmem_shared>>
      tpu.enqueue_indirect_dma source(%dma_start3A_356 : memref<128x16xf32, #tpu.memory_space<vmem>>) target(%dma_start3A_362 : memref<100352x16xf32, #tpu.memory_space<vmem_shared>>) offsets(%dma_start3A_359 : memref<128xi32, #tpu.memory_space<vmem>>) semaphore(%arg15 : memref<!tpu.dma_semaphore, #tpu.memory_space<semaphore_mem>>) {add = true}
      %dma_start3A_363 = arith.constant 2 : i32
      %dma_start3A_364 = arith.constant 256 : i32
      %dma_start3A_365 = arith.constant 0 : i32
      %dma_start3A_366 = tpu.memref_slice %arg13[%dma_start3A_364, %dma_start3A_365] : memref<512x16xf32, #tpu.memory_space<vmem>> -> memref<128x16xf32, #tpu.memory_space<vmem>>
      %dma_start3A_367 = arith.constant 0 : i32
      %dma_start3A_368 = tpu.memref_slice %arg11[%dma_start3A_363, %dma_start3A_367] : memref<4x128xi32, #tpu.memory_space<vmem>> -> memref<1x128xi32, #tpu.memory_space<vmem>>
      %dma_start3A_369 = tpu.memref_squeeze %dma_start3A_368 : memref<1x128xi32, #tpu.memory_space<vmem>> -> memref<128xi32, #tpu.memory_space<vmem>>
      %dma_start3A_370 = arith.constant 0 : i32
      %dma_start3A_371 = arith.constant 0 : i32
      %dma_start3A_372 = tpu.memref_slice %arg7[%dma_start3A_370, %dma_start3A_371] : memref<100352x16xf32, #tpu.memory_space<vmem_shared>> -> memref<100352x16xf32, #tpu.memory_space<vmem_shared>>
      tpu.enqueue_indirect_dma source(%dma_start3A_366 : memref<128x16xf32, #tpu.memory_space<vmem>>) target(%dma_start3A_372 : memref<100352x16xf32, #tpu.memory_space<vmem_shared>>) offsets(%dma_start3A_369 : memref<128xi32, #tpu.memory_space<vmem>>) semaphore(%arg15 : memref<!tpu.dma_semaphore, #tpu.memory_space<semaphore_mem>>) {add = true}
      %dma_start3A_373 = arith.constant 3 : i32
      %dma_start3A_374 = arith.constant 384 : i32
      %dma_start3A_375 = arith.constant 0 : i32
      %dma_start3A_376 = tpu.memref_slice %arg13[%dma_start3A_374, %dma_start3A_375] : memref<512x16xf32, #tpu.memory_space<vmem>> -> memref<128x16xf32, #tpu.memory_space<vmem>>
      %dma_start3A_377 = arith.constant 0 : i32
      %dma_start3A_378 = tpu.memref_slice %arg11[%dma_start3A_373, %dma_start3A_377] : memref<4x128xi32, #tpu.memory_space<vmem>> -> memref<1x128xi32, #tpu.memory_space<vmem>>
      %dma_start3A_379 = tpu.memref_squeeze %dma_start3A_378 : memref<1x128xi32, #tpu.memory_space<vmem>> -> memref<128xi32, #tpu.memory_space<vmem>>
      %dma_start3A_380 = arith.constant 0 : i32
      %dma_start3A_381 = arith.constant 0 : i32
      %dma_start3A_382 = tpu.memref_slice %arg7[%dma_start3A_380, %dma_start3A_381] : memref<100352x16xf32, #tpu.memory_space<vmem_shared>> -> memref<100352x16xf32, #tpu.memory_space<vmem_shared>>
      tpu.enqueue_indirect_dma source(%dma_start3A_376 : memref<128x16xf32, #tpu.memory_space<vmem>>) target(%dma_start3A_382 : memref<100352x16xf32, #tpu.memory_space<vmem_shared>>) offsets(%dma_start3A_379 : memref<128xi32, #tpu.memory_space<vmem>>) semaphore(%arg15 : memref<!tpu.dma_semaphore, #tpu.memory_space<semaphore_mem>>) {add = true}
      "tpu.region"() ({
        %run_scoped3A = tpu.sem_alloc : memref<!tpu.dma_semaphore, #tpu.memory_space<semaphore_mem>>
        %dma_start3A_423 = arith.constant 0 : i32
        %dma_start3A_424 = tpu.memref_slice %arg2[%min3A, %dma_start3A_423] : memref<12544x128xi32, #tpu.memory_space<hbm>> -> memref<4x128xi32, #tpu.memory_space<hbm>>
        %dma_start3A_425 = arith.constant 0 : i32
        %dma_start3A_426 = tpu.memref_slice %arg2[%min3A, %dma_start3A_425] : memref<12544x128xi32, #tpu.memory_space<hbm>> -> memref<4x128xi32, #tpu.memory_space<hbm>>
        tpu.enqueue_dma source(%dma_start3A_426 : memref<4x128xi32, #tpu.memory_space<hbm>>) target(%arg8 : memref<4x128xi32, #tpu.memory_space<vmem>>) target_semaphore(%run_scoped3A : memref<!tpu.dma_semaphore, #tpu.memory_space<semaphore_mem>>)
        %dma_wait3A_427 = arith.constant 0 : i32
        %dma_wait3A_428 = tpu.memref_slice %arg2[%min3A, %dma_wait3A_427] : memref<12544x128xi32, #tpu.memory_space<hbm>> -> memref<4x128xi32, #tpu.memory_space<hbm>>
        %dma_wait3A_429 = arith.constant 0 : i32
        %dma_wait3A_430 = tpu.memref_slice %arg2[%min3A, %dma_wait3A_429] : memref<12544x128xi32, #tpu.memory_space<hbm>> -> memref<4x128xi32, #tpu.memory_space<hbm>>
        tpu.wait_dma2 semaphore(%run_scoped3A : memref<!tpu.dma_semaphore, #tpu.memory_space<semaphore_mem>>) src(%dma_wait3A_430 : memref<4x128xi32, #tpu.memory_space<hbm>>) dst(%arg8 : memref<4x128xi32, #tpu.memory_space<vmem>>)
        tpu.yield
      }) : () -> ()
      "tpu.region"() ({
        %run_scoped3A = tpu.sem_alloc : memref<!tpu.dma_semaphore, #tpu.memory_space<semaphore_mem>>
        %dma_start3A_423 = arith.constant 0 : i32
        %dma_start3A_424 = tpu.memref_slice %arg3[%min3A, %dma_start3A_423] : memref<12544x128xi32, #tpu.memory_space<hbm>> -> memref<4x128xi32, #tpu.memory_space<hbm>>
        %dma_start3A_425 = arith.constant 0 : i32
        %dma_start3A_426 = tpu.memref_slice %arg3[%min3A, %dma_start3A_425] : memref<12544x128xi32, #tpu.memory_space<hbm>> -> memref<4x128xi32, #tpu.memory_space<hbm>>
        tpu.enqueue_dma source(%dma_start3A_426 : memref<4x128xi32, #tpu.memory_space<hbm>>) target(%arg9 : memref<4x128xi32, #tpu.memory_space<vmem>>) target_semaphore(%run_scoped3A : memref<!tpu.dma_semaphore, #tpu.memory_space<semaphore_mem>>)
        %dma_wait3A_427 = arith.constant 0 : i32
        %dma_wait3A_428 = tpu.memref_slice %arg3[%min3A, %dma_wait3A_427] : memref<12544x128xi32, #tpu.memory_space<hbm>> -> memref<4x128xi32, #tpu.memory_space<hbm>>
        %dma_wait3A_429 = arith.constant 0 : i32
        %dma_wait3A_430 = tpu.memref_slice %arg3[%min3A, %dma_wait3A_429] : memref<12544x128xi32, #tpu.memory_space<hbm>> -> memref<4x128xi32, #tpu.memory_space<hbm>>
        tpu.wait_dma2 semaphore(%run_scoped3A : memref<!tpu.dma_semaphore, #tpu.memory_space<semaphore_mem>>) src(%dma_wait3A_430 : memref<4x128xi32, #tpu.memory_space<hbm>>) dst(%arg9 : memref<4x128xi32, #tpu.memory_space<vmem>>)
        tpu.yield
      }) : () -> ()
      %dma_start3A_383 = arith.constant 0 : i32
      %dma_start3A_384 = arith.constant 0 : i32
      %dma_start3A_385 = arith.constant 0 : i32
      %dma_start3A_386 = tpu.memref_slice %arg12[%dma_start3A_384, %dma_start3A_385] : memref<512x16xf32, #tpu.memory_space<vmem>> -> memref<128x16xf32, #tpu.memory_space<vmem>>
      %dma_start3A_387 = arith.constant 0 : i32
      %dma_start3A_388 = tpu.memref_slice %arg8[%dma_start3A_383, %dma_start3A_387] : memref<4x128xi32, #tpu.memory_space<vmem>> -> memref<1x128xi32, #tpu.memory_space<vmem>>
      %dma_start3A_389 = tpu.memref_squeeze %dma_start3A_388 : memref<1x128xi32, #tpu.memory_space<vmem>> -> memref<128xi32, #tpu.memory_space<vmem>>
      %dma_start3A_390 = arith.constant 0 : i32
      %dma_start3A_391 = arith.constant 0 : i32
      %dma_start3A_392 = tpu.memref_slice %arg4[%dma_start3A_390, %dma_start3A_391] : memref<100000x16xf32, #tpu.memory_space<hbm>> -> memref<100000x16xf32, #tpu.memory_space<hbm>>
      tpu.enqueue_indirect_dma source(%dma_start3A_392 : memref<100000x16xf32, #tpu.memory_space<hbm>>) target(%dma_start3A_386 : memref<128x16xf32, #tpu.memory_space<vmem>>) offsets(%dma_start3A_389 : memref<128xi32, #tpu.memory_space<vmem>>) semaphore(%arg14 : memref<!tpu.dma_semaphore, #tpu.memory_space<semaphore_mem>>)
      %dma_start3A_393 = arith.constant 1 : i32
      %dma_start3A_394 = arith.constant 128 : i32
      %dma_start3A_395 = arith.constant 0 : i32
      %dma_start3A_396 = tpu.memref_slice %arg12[%dma_start3A_394, %dma_start3A_395] : memref<512x16xf32, #tpu.memory_space<vmem>> -> memref<128x16xf32, #tpu.memory_space<vmem>>
      %dma_start3A_397 = arith.constant 0 : i32
      %dma_start3A_398 = tpu.memref_slice %arg8[%dma_start3A_393, %dma_start3A_397] : memref<4x128xi32, #tpu.memory_space<vmem>> -> memref<1x128xi32, #tpu.memory_space<vmem>>
      %dma_start3A_399 = tpu.memref_squeeze %dma_start3A_398 : memref<1x128xi32, #tpu.memory_space<vmem>> -> memref<128xi32, #tpu.memory_space<vmem>>
      %dma_start3A_400 = arith.constant 0 : i32
      %dma_start3A_401 = arith.constant 0 : i32
      %dma_start3A_402 = tpu.memref_slice %arg4[%dma_start3A_400, %dma_start3A_401] : memref<100000x16xf32, #tpu.memory_space<hbm>> -> memref<100000x16xf32, #tpu.memory_space<hbm>>
      tpu.enqueue_indirect_dma source(%dma_start3A_402 : memref<100000x16xf32, #tpu.memory_space<hbm>>) target(%dma_start3A_396 : memref<128x16xf32, #tpu.memory_space<vmem>>) offsets(%dma_start3A_399 : memref<128xi32, #tpu.memory_space<vmem>>) semaphore(%arg14 : memref<!tpu.dma_semaphore, #tpu.memory_space<semaphore_mem>>)
      %dma_start3A_403 = arith.constant 2 : i32
      %dma_start3A_404 = arith.constant 256 : i32
      %dma_start3A_405 = arith.constant 0 : i32
      %dma_start3A_406 = tpu.memref_slice %arg12[%dma_start3A_404, %dma_start3A_405] : memref<512x16xf32, #tpu.memory_space<vmem>> -> memref<128x16xf32, #tpu.memory_space<vmem>>
      %dma_start3A_407 = arith.constant 0 : i32
      %dma_start3A_408 = tpu.memref_slice %arg8[%dma_start3A_403, %dma_start3A_407] : memref<4x128xi32, #tpu.memory_space<vmem>> -> memref<1x128xi32, #tpu.memory_space<vmem>>
      %dma_start3A_409 = tpu.memref_squeeze %dma_start3A_408 : memref<1x128xi32, #tpu.memory_space<vmem>> -> memref<128xi32, #tpu.memory_space<vmem>>
      %dma_start3A_410 = arith.constant 0 : i32
      %dma_start3A_411 = arith.constant 0 : i32
      %dma_start3A_412 = tpu.memref_slice %arg4[%dma_start3A_410, %dma_start3A_411] : memref<100000x16xf32, #tpu.memory_space<hbm>> -> memref<100000x16xf32, #tpu.memory_space<hbm>>
      tpu.enqueue_indirect_dma source(%dma_start3A_412 : memref<100000x16xf32, #tpu.memory_space<hbm>>) target(%dma_start3A_406 : memref<128x16xf32, #tpu.memory_space<vmem>>) offsets(%dma_start3A_409 : memref<128xi32, #tpu.memory_space<vmem>>) semaphore(%arg14 : memref<!tpu.dma_semaphore, #tpu.memory_space<semaphore_mem>>)
      %dma_start3A_413 = arith.constant 3 : i32
      %dma_start3A_414 = arith.constant 384 : i32
      %dma_start3A_415 = arith.constant 0 : i32
      %dma_start3A_416 = tpu.memref_slice %arg12[%dma_start3A_414, %dma_start3A_415] : memref<512x16xf32, #tpu.memory_space<vmem>> -> memref<128x16xf32, #tpu.memory_space<vmem>>
      %dma_start3A_417 = arith.constant 0 : i32
      %dma_start3A_418 = tpu.memref_slice %arg8[%dma_start3A_413, %dma_start3A_417] : memref<4x128xi32, #tpu.memory_space<vmem>> -> memref<1x128xi32, #tpu.memory_space<vmem>>
      %dma_start3A_419 = tpu.memref_squeeze %dma_start3A_418 : memref<1x128xi32, #tpu.memory_space<vmem>> -> memref<128xi32, #tpu.memory_space<vmem>>
      %dma_start3A_420 = arith.constant 0 : i32
      %dma_start3A_421 = arith.constant 0 : i32
      %dma_start3A_422 = tpu.memref_slice %arg4[%dma_start3A_420, %dma_start3A_421] : memref<100000x16xf32, #tpu.memory_space<hbm>> -> memref<100000x16xf32, #tpu.memory_space<hbm>>
      tpu.enqueue_indirect_dma source(%dma_start3A_422 : memref<100000x16xf32, #tpu.memory_space<hbm>>) target(%dma_start3A_416 : memref<128x16xf32, #tpu.memory_space<vmem>>) offsets(%dma_start3A_419 : memref<128xi32, #tpu.memory_space<vmem>>) semaphore(%arg14 : memref<!tpu.dma_semaphore, #tpu.memory_space<semaphore_mem>>)
    }
    %scan3A_50 = arith.constant 49 : i32
    %dma_wait3A = arith.constant 0 : i32
    %dma_wait3A_51 = arith.constant 0 : i32
    %dma_wait3A_52 = arith.constant 0 : i32
    %dma_wait3A_53 = tpu.memref_slice %arg12[%dma_wait3A_51, %dma_wait3A_52] : memref<512x16xf32, #tpu.memory_space<vmem>> -> memref<128x16xf32, #tpu.memory_space<vmem>>
    %dma_wait3A_54 = arith.constant 0 : i32
    %dma_wait3A_55 = tpu.memref_slice %arg8[%dma_wait3A, %dma_wait3A_54] : memref<4x128xi32, #tpu.memory_space<vmem>> -> memref<1x128xi32, #tpu.memory_space<vmem>>
    %dma_wait3A_56 = tpu.memref_squeeze %dma_wait3A_55 : memref<1x128xi32, #tpu.memory_space<vmem>> -> memref<128xi32, #tpu.memory_space<vmem>>
    %dma_wait3A_57 = arith.constant 0 : i32
    %dma_wait3A_58 = arith.constant 0 : i32
    %dma_wait3A_59 = tpu.memref_slice %arg4[%dma_wait3A_57, %dma_wait3A_58] : memref<100000x16xf32, #tpu.memory_space<hbm>> -> memref<100000x16xf32, #tpu.memory_space<hbm>>
    tpu.wait_indirect_dma semaphore(%arg14 : memref<!tpu.dma_semaphore, #tpu.memory_space<semaphore_mem>>) src(%dma_wait3A_59 : memref<100000x16xf32, #tpu.memory_space<hbm>>) dst(%dma_wait3A_53 : memref<128x16xf32, #tpu.memory_space<vmem>>)
    %dma_wait3A_60 = arith.constant 1 : i32
    %dma_wait3A_61 = arith.constant 128 : i32
    %dma_wait3A_62 = arith.constant 0 : i32
    %dma_wait3A_63 = tpu.memref_slice %arg12[%dma_wait3A_61, %dma_wait3A_62] : memref<512x16xf32, #tpu.memory_space<vmem>> -> memref<128x16xf32, #tpu.memory_space<vmem>>
    %dma_wait3A_64 = arith.constant 0 : i32
    %dma_wait3A_65 = tpu.memref_slice %arg8[%dma_wait3A_60, %dma_wait3A_64] : memref<4x128xi32, #tpu.memory_space<vmem>> -> memref<1x128xi32, #tpu.memory_space<vmem>>
    %dma_wait3A_66 = tpu.memref_squeeze %dma_wait3A_65 : memref<1x128xi32, #tpu.memory_space<vmem>> -> memref<128xi32, #tpu.memory_space<vmem>>
    %dma_wait3A_67 = arith.constant 0 : i32
    %dma_wait3A_68 = arith.constant 0 : i32
    %dma_wait3A_69 = tpu.memref_slice %arg4[%dma_wait3A_67, %dma_wait3A_68] : memref<100000x16xf32, #tpu.memory_space<hbm>> -> memref<100000x16xf32, #tpu.memory_space<hbm>>
    tpu.wait_indirect_dma semaphore(%arg14 : memref<!tpu.dma_semaphore, #tpu.memory_space<semaphore_mem>>) src(%dma_wait3A_69 : memref<100000x16xf32, #tpu.memory_space<hbm>>) dst(%dma_wait3A_63 : memref<128x16xf32, #tpu.memory_space<vmem>>)
    %dma_wait3A_70 = arith.constant 2 : i32
    %dma_wait3A_71 = arith.constant 256 : i32
    %dma_wait3A_72 = arith.constant 0 : i32
    %dma_wait3A_73 = tpu.memref_slice %arg12[%dma_wait3A_71, %dma_wait3A_72] : memref<512x16xf32, #tpu.memory_space<vmem>> -> memref<128x16xf32, #tpu.memory_space<vmem>>
    %dma_wait3A_74 = arith.constant 0 : i32
    %dma_wait3A_75 = tpu.memref_slice %arg8[%dma_wait3A_70, %dma_wait3A_74] : memref<4x128xi32, #tpu.memory_space<vmem>> -> memref<1x128xi32, #tpu.memory_space<vmem>>
    %dma_wait3A_76 = tpu.memref_squeeze %dma_wait3A_75 : memref<1x128xi32, #tpu.memory_space<vmem>> -> memref<128xi32, #tpu.memory_space<vmem>>
    %dma_wait3A_77 = arith.constant 0 : i32
    %dma_wait3A_78 = arith.constant 0 : i32
    %dma_wait3A_79 = tpu.memref_slice %arg4[%dma_wait3A_77, %dma_wait3A_78] : memref<100000x16xf32, #tpu.memory_space<hbm>> -> memref<100000x16xf32, #tpu.memory_space<hbm>>
    tpu.wait_indirect_dma semaphore(%arg14 : memref<!tpu.dma_semaphore, #tpu.memory_space<semaphore_mem>>) src(%dma_wait3A_79 : memref<100000x16xf32, #tpu.memory_space<hbm>>) dst(%dma_wait3A_73 : memref<128x16xf32, #tpu.memory_space<vmem>>)
    %dma_wait3A_80 = arith.constant 3 : i32
    %dma_wait3A_81 = arith.constant 384 : i32
    %dma_wait3A_82 = arith.constant 0 : i32
    %dma_wait3A_83 = tpu.memref_slice %arg12[%dma_wait3A_81, %dma_wait3A_82] : memref<512x16xf32, #tpu.memory_space<vmem>> -> memref<128x16xf32, #tpu.memory_space<vmem>>
    %dma_wait3A_84 = arith.constant 0 : i32
    %dma_wait3A_85 = tpu.memref_slice %arg8[%dma_wait3A_80, %dma_wait3A_84] : memref<4x128xi32, #tpu.memory_space<vmem>> -> memref<1x128xi32, #tpu.memory_space<vmem>>
    %dma_wait3A_86 = tpu.memref_squeeze %dma_wait3A_85 : memref<1x128xi32, #tpu.memory_space<vmem>> -> memref<128xi32, #tpu.memory_space<vmem>>
    %dma_wait3A_87 = arith.constant 0 : i32
    %dma_wait3A_88 = arith.constant 0 : i32
    %dma_wait3A_89 = tpu.memref_slice %arg4[%dma_wait3A_87, %dma_wait3A_88] : memref<100000x16xf32, #tpu.memory_space<hbm>> -> memref<100000x16xf32, #tpu.memory_space<hbm>>
    tpu.wait_indirect_dma semaphore(%arg14 : memref<!tpu.dma_semaphore, #tpu.memory_space<semaphore_mem>>) src(%dma_wait3A_89 : memref<100000x16xf32, #tpu.memory_space<hbm>>) dst(%dma_wait3A_83 : memref<128x16xf32, #tpu.memory_space<vmem>>)
    %dma_wait3A_90 = arith.constant 0 : i32
    %dma_wait3A_91 = arith.constant 0 : i32
    %dma_wait3A_92 = arith.constant 0 : i32
    %dma_wait3A_93 = tpu.memref_slice %arg13[%dma_wait3A_91, %dma_wait3A_92] : memref<512x16xf32, #tpu.memory_space<vmem>> -> memref<128x16xf32, #tpu.memory_space<vmem>>
    %dma_wait3A_94 = arith.constant 0 : i32
    %dma_wait3A_95 = tpu.memref_slice %arg11[%dma_wait3A_90, %dma_wait3A_94] : memref<4x128xi32, #tpu.memory_space<vmem>> -> memref<1x128xi32, #tpu.memory_space<vmem>>
    %dma_wait3A_96 = tpu.memref_squeeze %dma_wait3A_95 : memref<1x128xi32, #tpu.memory_space<vmem>> -> memref<128xi32, #tpu.memory_space<vmem>>
    %dma_wait3A_97 = arith.constant 0 : i32
    %dma_wait3A_98 = arith.constant 0 : i32
    %dma_wait3A_99 = tpu.memref_slice %arg7[%dma_wait3A_97, %dma_wait3A_98] : memref<100352x16xf32, #tpu.memory_space<vmem_shared>> -> memref<100352x16xf32, #tpu.memory_space<vmem_shared>>
    tpu.wait_indirect_dma semaphore(%arg15 : memref<!tpu.dma_semaphore, #tpu.memory_space<semaphore_mem>>) src(%dma_wait3A_93 : memref<128x16xf32, #tpu.memory_space<vmem>>) dst(%dma_wait3A_99 : memref<100352x16xf32, #tpu.memory_space<vmem_shared>>)
    %dma_wait3A_100 = arith.constant 1 : i32
    %dma_wait3A_101 = arith.constant 128 : i32
    %dma_wait3A_102 = arith.constant 0 : i32
    %dma_wait3A_103 = tpu.memref_slice %arg13[%dma_wait3A_101, %dma_wait3A_102] : memref<512x16xf32, #tpu.memory_space<vmem>> -> memref<128x16xf32, #tpu.memory_space<vmem>>
    %dma_wait3A_104 = arith.constant 0 : i32
    %dma_wait3A_105 = tpu.memref_slice %arg11[%dma_wait3A_100, %dma_wait3A_104] : memref<4x128xi32, #tpu.memory_space<vmem>> -> memref<1x128xi32, #tpu.memory_space<vmem>>
    %dma_wait3A_106 = tpu.memref_squeeze %dma_wait3A_105 : memref<1x128xi32, #tpu.memory_space<vmem>> -> memref<128xi32, #tpu.memory_space<vmem>>
    %dma_wait3A_107 = arith.constant 0 : i32
    %dma_wait3A_108 = arith.constant 0 : i32
    %dma_wait3A_109 = tpu.memref_slice %arg7[%dma_wait3A_107, %dma_wait3A_108] : memref<100352x16xf32, #tpu.memory_space<vmem_shared>> -> memref<100352x16xf32, #tpu.memory_space<vmem_shared>>
    tpu.wait_indirect_dma semaphore(%arg15 : memref<!tpu.dma_semaphore, #tpu.memory_space<semaphore_mem>>) src(%dma_wait3A_103 : memref<128x16xf32, #tpu.memory_space<vmem>>) dst(%dma_wait3A_109 : memref<100352x16xf32, #tpu.memory_space<vmem_shared>>)
    %dma_wait3A_110 = arith.constant 2 : i32
    %dma_wait3A_111 = arith.constant 256 : i32
    %dma_wait3A_112 = arith.constant 0 : i32
    %dma_wait3A_113 = tpu.memref_slice %arg13[%dma_wait3A_111, %dma_wait3A_112] : memref<512x16xf32, #tpu.memory_space<vmem>> -> memref<128x16xf32, #tpu.memory_space<vmem>>
    %dma_wait3A_114 = arith.constant 0 : i32
    %dma_wait3A_115 = tpu.memref_slice %arg11[%dma_wait3A_110, %dma_wait3A_114] : memref<4x128xi32, #tpu.memory_space<vmem>> -> memref<1x128xi32, #tpu.memory_space<vmem>>
    %dma_wait3A_116 = tpu.memref_squeeze %dma_wait3A_115 : memref<1x128xi32, #tpu.memory_space<vmem>> -> memref<128xi32, #tpu.memory_space<vmem>>
    %dma_wait3A_117 = arith.constant 0 : i32
    %dma_wait3A_118 = arith.constant 0 : i32
    %dma_wait3A_119 = tpu.memref_slice %arg7[%dma_wait3A_117, %dma_wait3A_118] : memref<100352x16xf32, #tpu.memory_space<vmem_shared>> -> memref<100352x16xf32, #tpu.memory_space<vmem_shared>>
    tpu.wait_indirect_dma semaphore(%arg15 : memref<!tpu.dma_semaphore, #tpu.memory_space<semaphore_mem>>) src(%dma_wait3A_113 : memref<128x16xf32, #tpu.memory_space<vmem>>) dst(%dma_wait3A_119 : memref<100352x16xf32, #tpu.memory_space<vmem_shared>>)
    %dma_wait3A_120 = arith.constant 3 : i32
    %dma_wait3A_121 = arith.constant 384 : i32
    %dma_wait3A_122 = arith.constant 0 : i32
    %dma_wait3A_123 = tpu.memref_slice %arg13[%dma_wait3A_121, %dma_wait3A_122] : memref<512x16xf32, #tpu.memory_space<vmem>> -> memref<128x16xf32, #tpu.memory_space<vmem>>
    %dma_wait3A_124 = arith.constant 0 : i32
    %dma_wait3A_125 = tpu.memref_slice %arg11[%dma_wait3A_120, %dma_wait3A_124] : memref<4x128xi32, #tpu.memory_space<vmem>> -> memref<1x128xi32, #tpu.memory_space<vmem>>
    %dma_wait3A_126 = tpu.memref_squeeze %dma_wait3A_125 : memref<1x128xi32, #tpu.memory_space<vmem>> -> memref<128xi32, #tpu.memory_space<vmem>>
    %dma_wait3A_127 = arith.constant 0 : i32
    %dma_wait3A_128 = arith.constant 0 : i32
    %dma_wait3A_129 = tpu.memref_slice %arg7[%dma_wait3A_127, %dma_wait3A_128] : memref<100352x16xf32, #tpu.memory_space<vmem_shared>> -> memref<100352x16xf32, #tpu.memory_space<vmem_shared>>
    tpu.wait_indirect_dma semaphore(%arg15 : memref<!tpu.dma_semaphore, #tpu.memory_space<semaphore_mem>>) src(%dma_wait3A_123 : memref<128x16xf32, #tpu.memory_space<vmem>>) dst(%dma_wait3A_129 : memref<100352x16xf32, #tpu.memory_space<vmem_shared>>)
    %barrier3A_130 = arith.constant 0 : index
    tpu.barrier barrier_id(%barrier3A_130)
    "tpu.region"() ({
      %run_scoped3A = tpu.sem_alloc : memref<!tpu.dma_semaphore, #tpu.memory_space<semaphore_mem>>
      %dma_start3A_131 = arith.constant 0 : i32
      %dma_start3A_132 = tpu.memref_slice %arg6[%arg0, %mul3A_0, %dma_start3A_131] : memref<2x100352x16xf32, #tpu.memory_space<hbm>> -> memref<1x6272x16xf32, #tpu.memory_space<hbm>>
      %dma_start3A_133 = tpu.memref_squeeze %dma_start3A_132 : memref<1x6272x16xf32, #tpu.memory_space<hbm>> -> memref<6272x16xf32, #tpu.memory_space<hbm>>
      %dma_start3A_134 = arith.constant 0 : i32
      %dma_start3A_135 = tpu.memref_slice %arg7[%mul3A_0, %dma_start3A_134] : memref<100352x16xf32, #tpu.memory_space<vmem_shared>> -> memref<6272x16xf32, #tpu.memory_space<vmem_shared>>
      tpu.enqueue_dma source(%dma_start3A_135 : memref<6272x16xf32, #tpu.memory_space<vmem_shared>>) target(%dma_start3A_133 : memref<6272x16xf32, #tpu.memory_space<hbm>>) target_semaphore(%run_scoped3A : memref<!tpu.dma_semaphore, #tpu.memory_space<semaphore_mem>>)
      %dma_wait3A_136 = arith.constant 0 : i32
      %dma_wait3A_137 = tpu.memref_slice %arg6[%arg0, %mul3A_0, %dma_wait3A_136] : memref<2x100352x16xf32, #tpu.memory_space<hbm>> -> memref<1x6272x16xf32, #tpu.memory_space<hbm>>
      %dma_wait3A_138 = tpu.memref_squeeze %dma_wait3A_137 : memref<1x6272x16xf32, #tpu.memory_space<hbm>> -> memref<6272x16xf32, #tpu.memory_space<hbm>>
      %dma_wait3A_139 = arith.constant 0 : i32
      %dma_wait3A_140 = tpu.memref_slice %arg7[%mul3A_0, %dma_wait3A_139] : memref<100352x16xf32, #tpu.memory_space<vmem_shared>> -> memref<6272x16xf32, #tpu.memory_space<vmem_shared>>
      tpu.wait_dma2 semaphore(%run_scoped3A : memref<!tpu.dma_semaphore, #tpu.memory_space<semaphore_mem>>) src(%dma_wait3A_140 : memref<6272x16xf32, #tpu.memory_space<vmem_shared>>) dst(%dma_wait3A_138 : memref<6272x16xf32, #tpu.memory_space<hbm>>)
      tpu.yield
    }) : () -> ()
    return
  }
}

#map = affine_map<(d0, d1) -> (0, 0)>
#map1 = affine_map<(d0, d1) -> (0, 0, 0)>
module attributes {stable_mosaic.version = 14 : i64} {
  func.func @body(%arg0: i32, %arg1: i32, %arg2: memref<12544x128xi32, #tpu.memory_space<hbm>>, %arg3: memref<12544x128xi32, #tpu.memory_space<hbm>>, %arg4: memref<2x100352x16xf32, #tpu.memory_space<hbm>>, %arg5: memref<100352x16xf32, #tpu.memory_space<hbm>>, %arg6: memref<2x100352x16xf32, #tpu.memory_space<hbm>>, %arg7: memref<100352x16xf32, #tpu.memory_space<vmem_shared>>, %arg8: memref<4x128xi32, #tpu.memory_space<vmem>>, %arg9: memref<4x128xi32, #tpu.memory_space<vmem>>, %arg10: memref<4x128xi32, #tpu.memory_space<vmem>>, %arg11: memref<4x128xi32, #tpu.memory_space<vmem>>, %arg12: memref<512x16xf32, #tpu.memory_space<vmem>>, %arg13: memref<512x16xf32, #tpu.memory_space<vmem>>, %arg14: memref<!tpu.dma_semaphore, #tpu.memory_space<semaphore_mem>>, %arg15: memref<!tpu.dma_semaphore, #tpu.memory_space<semaphore_mem>>) attributes {dimension_semantics = [#tpu.dimension_semantics<core_parallel>, #tpu.dimension_semantics<subcore_parallel>], iteration_bounds = array<i64: 2, 16>, scalar_prefetch = 0 : i64, scratch_operands = 9 : i64, tpu.core_type = #tpu.core_type<sc_vector_subcore>, window_params = [{transform_indices = #map}, {transform_indices = #map}, {transform_indices = #map1}, {transform_indices = #map}, {transform_indices = #map1}]} {
    %mul3A = arith.constant 6272 : i32
    %mul3A_0 = arith.muli %arg1, %mul3A : i32
    "tpu.region"() ({
      %run_scoped3A = tpu.sem_alloc : memref<!tpu.dma_semaphore, #tpu.memory_space<semaphore_mem>>
      %dma_start3A_160 = arith.constant 0 : i32
      %dma_start3A_161 = tpu.memref_slice %arg7[%mul3A_0, %dma_start3A_160] : memref<100352x16xf32, #tpu.memory_space<vmem_shared>> -> memref<6272x16xf32, #tpu.memory_space<vmem_shared>>
      %dma_start3A_162 = arith.constant 0 : i32
      %dma_start3A_163 = tpu.memref_slice %arg5[%mul3A_0, %dma_start3A_162] : memref<100352x16xf32, #tpu.memory_space<hbm>> -> memref<6272x16xf32, #tpu.memory_space<hbm>>
      tpu.enqueue_dma source(%dma_start3A_163 : memref<6272x16xf32, #tpu.memory_space<hbm>>) target(%dma_start3A_161 : memref<6272x16xf32, #tpu.memory_space<vmem_shared>>) target_semaphore(%run_scoped3A : memref<!tpu.dma_semaphore, #tpu.memory_space<semaphore_mem>>)
      %dma_wait3A_164 = arith.constant 0 : i32
      %dma_wait3A_165 = tpu.memref_slice %arg7[%mul3A_0, %dma_wait3A_164] : memref<100352x16xf32, #tpu.memory_space<vmem_shared>> -> memref<6272x16xf32, #tpu.memory_space<vmem_shared>>
      %dma_wait3A_166 = arith.constant 0 : i32
      %dma_wait3A_167 = tpu.memref_slice %arg5[%mul3A_0, %dma_wait3A_166] : memref<100352x16xf32, #tpu.memory_space<hbm>> -> memref<6272x16xf32, #tpu.memory_space<hbm>>
      tpu.wait_dma2 semaphore(%run_scoped3A : memref<!tpu.dma_semaphore, #tpu.memory_space<semaphore_mem>>) src(%dma_wait3A_167 : memref<6272x16xf32, #tpu.memory_space<hbm>>) dst(%dma_wait3A_165 : memref<6272x16xf32, #tpu.memory_space<vmem_shared>>)
      tpu.yield
    }) : () -> ()
    %barrier3A = arith.constant 0 : index
    tpu.barrier barrier_id(%barrier3A)
    %mul3A_1 = arith.constant 784 : i32
    %mul3A_2 = arith.muli %arg1, %mul3A_1 : i32
    %add3A = arith.constant 780 : i32
    %add3A_3 = arith.addi %mul3A_2, %add3A : i32
    "tpu.region"() ({
      %run_scoped3A = tpu.sem_alloc : memref<!tpu.dma_semaphore, #tpu.memory_space<semaphore_mem>>
      %dma_start3A_160 = arith.constant 0 : i32
      %dma_start3A_161 = tpu.memref_slice %arg2[%mul3A_2, %dma_start3A_160] : memref<12544x128xi32, #tpu.memory_space<hbm>> -> memref<4x128xi32, #tpu.memory_space<hbm>>
      %dma_start3A_162 = arith.constant 0 : i32
      %dma_start3A_163 = tpu.memref_slice %arg2[%mul3A_2, %dma_start3A_162] : memref<12544x128xi32, #tpu.memory_space<hbm>> -> memref<4x128xi32, #tpu.memory_space<hbm>>
      tpu.enqueue_dma source(%dma_start3A_163 : memref<4x128xi32, #tpu.memory_space<hbm>>) target(%arg8 : memref<4x128xi32, #tpu.memory_space<vmem>>) target_semaphore(%run_scoped3A : memref<!tpu.dma_semaphore, #tpu.memory_space<semaphore_mem>>)
      %dma_wait3A_164 = arith.constant 0 : i32
      %dma_wait3A_165 = tpu.memref_slice %arg2[%mul3A_2, %dma_wait3A_164] : memref<12544x128xi32, #tpu.memory_space<hbm>> -> memref<4x128xi32, #tpu.memory_space<hbm>>
      %dma_wait3A_166 = arith.constant 0 : i32
      %dma_wait3A_167 = tpu.memref_slice %arg2[%mul3A_2, %dma_wait3A_166] : memref<12544x128xi32, #tpu.memory_space<hbm>> -> memref<4x128xi32, #tpu.memory_space<hbm>>
      tpu.wait_dma2 semaphore(%run_scoped3A : memref<!tpu.dma_semaphore, #tpu.memory_space<semaphore_mem>>) src(%dma_wait3A_167 : memref<4x128xi32, #tpu.memory_space<hbm>>) dst(%arg8 : memref<4x128xi32, #tpu.memory_space<vmem>>)
      tpu.yield
    }) : () -> ()
    "tpu.region"() ({
      %run_scoped3A = tpu.sem_alloc : memref<!tpu.dma_semaphore, #tpu.memory_space<semaphore_mem>>
      %dma_start3A_160 = arith.constant 0 : i32
      %dma_start3A_161 = tpu.memref_slice %arg3[%mul3A_2, %dma_start3A_160] : memref<12544x128xi32, #tpu.memory_space<hbm>> -> memref<4x128xi32, #tpu.memory_space<hbm>>
      %dma_start3A_162 = arith.constant 0 : i32
      %dma_start3A_163 = tpu.memref_slice %arg3[%mul3A_2, %dma_start3A_162] : memref<12544x128xi32, #tpu.memory_space<hbm>> -> memref<4x128xi32, #tpu.memory_space<hbm>>
      tpu.enqueue_dma source(%dma_start3A_163 : memref<4x128xi32, #tpu.memory_space<hbm>>) target(%arg9 : memref<4x128xi32, #tpu.memory_space<vmem>>) target_semaphore(%run_scoped3A : memref<!tpu.dma_semaphore, #tpu.memory_space<semaphore_mem>>)
      %dma_wait3A_164 = arith.constant 0 : i32
      %dma_wait3A_165 = tpu.memref_slice %arg3[%mul3A_2, %dma_wait3A_164] : memref<12544x128xi32, #tpu.memory_space<hbm>> -> memref<4x128xi32, #tpu.memory_space<hbm>>
      %dma_wait3A_166 = arith.constant 0 : i32
      %dma_wait3A_167 = tpu.memref_slice %arg3[%mul3A_2, %dma_wait3A_166] : memref<12544x128xi32, #tpu.memory_space<hbm>> -> memref<4x128xi32, #tpu.memory_space<hbm>>
      tpu.wait_dma2 semaphore(%run_scoped3A : memref<!tpu.dma_semaphore, #tpu.memory_space<semaphore_mem>>) src(%dma_wait3A_167 : memref<4x128xi32, #tpu.memory_space<hbm>>) dst(%arg9 : memref<4x128xi32, #tpu.memory_space<vmem>>)
      tpu.yield
    }) : () -> ()
    %dma_start3A = arith.constant 0 : i32
    %dma_start3A_4 = arith.constant 0 : i32
    %dma_start3A_5 = arith.constant 0 : i32
    %dma_start3A_6 = tpu.memref_slice %arg12[%dma_start3A_4, %dma_start3A_5] : memref<512x16xf32, #tpu.memory_space<vmem>> -> memref<128x16xf32, #tpu.memory_space<vmem>>
    %dma_start3A_7 = arith.constant 0 : i32
    %dma_start3A_8 = tpu.memref_slice %arg8[%dma_start3A, %dma_start3A_7] : memref<4x128xi32, #tpu.memory_space<vmem>> -> memref<1x128xi32, #tpu.memory_space<vmem>>
    %dma_start3A_9 = tpu.memref_squeeze %dma_start3A_8 : memref<1x128xi32, #tpu.memory_space<vmem>> -> memref<128xi32, #tpu.memory_space<vmem>>
    %dma_start3A_10 = arith.constant 0 : i32
    %dma_start3A_11 = arith.constant 0 : i32
    %dma_start3A_12 = tpu.memref_slice %arg4[%arg0, %dma_start3A_10, %dma_start3A_11] : memref<2x100352x16xf32, #tpu.memory_space<hbm>> -> memref<1x100352x16xf32, #tpu.memory_space<hbm>>
    %dma_start3A_13 = tpu.memref_squeeze %dma_start3A_12 : memref<1x100352x16xf32, #tpu.memory_space<hbm>> -> memref<100352x16xf32, #tpu.memory_space<hbm>>
    %dma_start3A_14 = arith.constant 0 : i32
    %dma_start3A_15 = arith.constant 0 : i32
    %dma_start3A_16 = tpu.memref_slice %dma_start3A_13[%dma_start3A_14, %dma_start3A_15] : memref<100352x16xf32, #tpu.memory_space<hbm>> -> memref<100352x16xf32, #tpu.memory_space<hbm>>
    tpu.enqueue_indirect_dma source(%dma_start3A_16 : memref<100352x16xf32, #tpu.memory_space<hbm>>) target(%dma_start3A_6 : memref<128x16xf32, #tpu.memory_space<vmem>>) offsets(%dma_start3A_9 : memref<128xi32, #tpu.memory_space<vmem>>) semaphore(%arg14 : memref<!tpu.dma_semaphore, #tpu.memory_space<semaphore_mem>>)
    %dma_start3A_17 = arith.constant 1 : i32
    %dma_start3A_18 = arith.constant 128 : i32
    %dma_start3A_19 = arith.constant 0 : i32
    %dma_start3A_20 = tpu.memref_slice %arg12[%dma_start3A_18, %dma_start3A_19] : memref<512x16xf32, #tpu.memory_space<vmem>> -> memref<128x16xf32, #tpu.memory_space<vmem>>
    %dma_start3A_21 = arith.constant 0 : i32
    %dma_start3A_22 = tpu.memref_slice %arg8[%dma_start3A_17, %dma_start3A_21] : memref<4x128xi32, #tpu.memory_space<vmem>> -> memref<1x128xi32, #tpu.memory_space<vmem>>
    %dma_start3A_23 = tpu.memref_squeeze %dma_start3A_22 : memref<1x128xi32, #tpu.memory_space<vmem>> -> memref<128xi32, #tpu.memory_space<vmem>>
    %dma_start3A_24 = arith.constant 0 : i32
    %dma_start3A_25 = arith.constant 0 : i32
    %dma_start3A_26 = tpu.memref_slice %arg4[%arg0, %dma_start3A_24, %dma_start3A_25] : memref<2x100352x16xf32, #tpu.memory_space<hbm>> -> memref<1x100352x16xf32, #tpu.memory_space<hbm>>
    %dma_start3A_27 = tpu.memref_squeeze %dma_start3A_26 : memref<1x100352x16xf32, #tpu.memory_space<hbm>> -> memref<100352x16xf32, #tpu.memory_space<hbm>>
    %dma_start3A_28 = arith.constant 0 : i32
    %dma_start3A_29 = arith.constant 0 : i32
    %dma_start3A_30 = tpu.memref_slice %dma_start3A_27[%dma_start3A_28, %dma_start3A_29] : memref<100352x16xf32, #tpu.memory_space<hbm>> -> memref<100352x16xf32, #tpu.memory_space<hbm>>
    tpu.enqueue_indirect_dma source(%dma_start3A_30 : memref<100352x16xf32, #tpu.memory_space<hbm>>) target(%dma_start3A_20 : memref<128x16xf32, #tpu.memory_space<vmem>>) offsets(%dma_start3A_23 : memref<128xi32, #tpu.memory_space<vmem>>) semaphore(%arg14 : memref<!tpu.dma_semaphore, #tpu.memory_space<semaphore_mem>>)
    %dma_start3A_31 = arith.constant 2 : i32
    %dma_start3A_32 = arith.constant 256 : i32
    %dma_start3A_33 = arith.constant 0 : i32
    %dma_start3A_34 = tpu.memref_slice %arg12[%dma_start3A_32, %dma_start3A_33] : memref<512x16xf32, #tpu.memory_space<vmem>> -> memref<128x16xf32, #tpu.memory_space<vmem>>
    %dma_start3A_35 = arith.constant 0 : i32
    %dma_start3A_36 = tpu.memref_slice %arg8[%dma_start3A_31, %dma_start3A_35] : memref<4x128xi32, #tpu.memory_space<vmem>> -> memref<1x128xi32, #tpu.memory_space<vmem>>
    %dma_start3A_37 = tpu.memref_squeeze %dma_start3A_36 : memref<1x128xi32, #tpu.memory_space<vmem>> -> memref<128xi32, #tpu.memory_space<vmem>>
    %dma_start3A_38 = arith.constant 0 : i32
    %dma_start3A_39 = arith.constant 0 : i32
    %dma_start3A_40 = tpu.memref_slice %arg4[%arg0, %dma_start3A_38, %dma_start3A_39] : memref<2x100352x16xf32, #tpu.memory_space<hbm>> -> memref<1x100352x16xf32, #tpu.memory_space<hbm>>
    %dma_start3A_41 = tpu.memref_squeeze %dma_start3A_40 : memref<1x100352x16xf32, #tpu.memory_space<hbm>> -> memref<100352x16xf32, #tpu.memory_space<hbm>>
    %dma_start3A_42 = arith.constant 0 : i32
    %dma_start3A_43 = arith.constant 0 : i32
    %dma_start3A_44 = tpu.memref_slice %dma_start3A_41[%dma_start3A_42, %dma_start3A_43] : memref<100352x16xf32, #tpu.memory_space<hbm>> -> memref<100352x16xf32, #tpu.memory_space<hbm>>
    tpu.enqueue_indirect_dma source(%dma_start3A_44 : memref<100352x16xf32, #tpu.memory_space<hbm>>) target(%dma_start3A_34 : memref<128x16xf32, #tpu.memory_space<vmem>>) offsets(%dma_start3A_37 : memref<128xi32, #tpu.memory_space<vmem>>) semaphore(%arg14 : memref<!tpu.dma_semaphore, #tpu.memory_space<semaphore_mem>>)
    %dma_start3A_45 = arith.constant 3 : i32
    %dma_start3A_46 = arith.constant 384 : i32
    %dma_start3A_47 = arith.constant 0 : i32
    %dma_start3A_48 = tpu.memref_slice %arg12[%dma_start3A_46, %dma_start3A_47] : memref<512x16xf32, #tpu.memory_space<vmem>> -> memref<128x16xf32, #tpu.memory_space<vmem>>
    %dma_start3A_49 = arith.constant 0 : i32
    %dma_start3A_50 = tpu.memref_slice %arg8[%dma_start3A_45, %dma_start3A_49] : memref<4x128xi32, #tpu.memory_space<vmem>> -> memref<1x128xi32, #tpu.memory_space<vmem>>
    %dma_start3A_51 = tpu.memref_squeeze %dma_start3A_50 : memref<1x128xi32, #tpu.memory_space<vmem>> -> memref<128xi32, #tpu.memory_space<vmem>>
    %dma_start3A_52 = arith.constant 0 : i32
    %dma_start3A_53 = arith.constant 0 : i32
    %dma_start3A_54 = tpu.memref_slice %arg4[%arg0, %dma_start3A_52, %dma_start3A_53] : memref<2x100352x16xf32, #tpu.memory_space<hbm>> -> memref<1x100352x16xf32, #tpu.memory_space<hbm>>
    %dma_start3A_55 = tpu.memref_squeeze %dma_start3A_54 : memref<1x100352x16xf32, #tpu.memory_space<hbm>> -> memref<100352x16xf32, #tpu.memory_space<hbm>>
    %dma_start3A_56 = arith.constant 0 : i32
    %dma_start3A_57 = arith.constant 0 : i32
    %dma_start3A_58 = tpu.memref_slice %dma_start3A_55[%dma_start3A_56, %dma_start3A_57] : memref<100352x16xf32, #tpu.memory_space<hbm>> -> memref<100352x16xf32, #tpu.memory_space<hbm>>
    tpu.enqueue_indirect_dma source(%dma_start3A_58 : memref<100352x16xf32, #tpu.memory_space<hbm>>) target(%dma_start3A_48 : memref<128x16xf32, #tpu.memory_space<vmem>>) offsets(%dma_start3A_51 : memref<128xi32, #tpu.memory_space<vmem>>) semaphore(%arg14 : memref<!tpu.dma_semaphore, #tpu.memory_space<semaphore_mem>>)
    %scan3A = arith.constant 0 : i32
    %scan3A_59 = arith.constant 0 : i32
    %scan3A_60 = arith.constant 98 : i32
    %scan3A_61 = arith.addi %scan3A_59, %scan3A_60 : i32
    %scan3A_62 = arith.constant 1 : i32
    scf.for %scan3A_160 = %scan3A_59 to %scan3A_61 step %scan3A_62  : i32 {
      %mul3A_161 = arith.constant 2 : i32
      %mul3A_162 = arith.muli %mul3A_161, %scan3A_160 : i32
      %mul3A_163 = arith.constant 4 : i32
      %mul3A_164 = arith.muli %mul3A_162, %mul3A_163 : i32
      %add3A_165 = arith.addi %mul3A_2, %mul3A_164 : i32
      %add3A_166 = arith.constant 8 : i32
      %add3A_167 = arith.addi %add3A_165, %add3A_166 : i32
      %min3A = arith.minsi %add3A_167, %add3A_3 : i32
      %add3A_168 = arith.constant 4 : i32
      %add3A_169 = arith.addi %add3A_165, %add3A_168 : i32
      "tpu.region"() ({
        %run_scoped3A = tpu.sem_alloc : memref<!tpu.dma_semaphore, #tpu.memory_space<semaphore_mem>>
        %dma_start3A_516 = arith.constant 0 : i32
        %dma_start3A_517 = tpu.memref_slice %arg2[%add3A_169, %dma_start3A_516] : memref<12544x128xi32, #tpu.memory_space<hbm>> -> memref<4x128xi32, #tpu.memory_space<hbm>>
        %dma_start3A_518 = arith.constant 0 : i32
        %dma_start3A_519 = tpu.memref_slice %arg2[%add3A_169, %dma_start3A_518] : memref<12544x128xi32, #tpu.memory_space<hbm>> -> memref<4x128xi32, #tpu.memory_space<hbm>>
        tpu.enqueue_dma source(%dma_start3A_519 : memref<4x128xi32, #tpu.memory_space<hbm>>) target(%arg10 : memref<4x128xi32, #tpu.memory_space<vmem>>) target_semaphore(%run_scoped3A : memref<!tpu.dma_semaphore, #tpu.memory_space<semaphore_mem>>)
        %dma_wait3A_520 = arith.constant 0 : i32
        %dma_wait3A_521 = tpu.memref_slice %arg2[%add3A_169, %dma_wait3A_520] : memref<12544x128xi32, #tpu.memory_space<hbm>> -> memref<4x128xi32, #tpu.memory_space<hbm>>
        %dma_wait3A_522 = arith.constant 0 : i32
        %dma_wait3A_523 = tpu.memref_slice %arg2[%add3A_169, %dma_wait3A_522] : memref<12544x128xi32, #tpu.memory_space<hbm>> -> memref<4x128xi32, #tpu.memory_space<hbm>>
        tpu.wait_dma2 semaphore(%run_scoped3A : memref<!tpu.dma_semaphore, #tpu.memory_space<semaphore_mem>>) src(%dma_wait3A_523 : memref<4x128xi32, #tpu.memory_space<hbm>>) dst(%arg10 : memref<4x128xi32, #tpu.memory_space<vmem>>)
        tpu.yield
      }) : () -> ()
      "tpu.region"() ({
        %run_scoped3A = tpu.sem_alloc : memref<!tpu.dma_semaphore, #tpu.memory_space<semaphore_mem>>
        %dma_start3A_516 = arith.constant 0 : i32
        %dma_start3A_517 = tpu.memref_slice %arg3[%add3A_169, %dma_start3A_516] : memref<12544x128xi32, #tpu.memory_space<hbm>> -> memref<4x128xi32, #tpu.memory_space<hbm>>
        %dma_start3A_518 = arith.constant 0 : i32
        %dma_start3A_519 = tpu.memref_slice %arg3[%add3A_169, %dma_start3A_518] : memref<12544x128xi32, #tpu.memory_space<hbm>> -> memref<4x128xi32, #tpu.memory_space<hbm>>
        tpu.enqueue_dma source(%dma_start3A_519 : memref<4x128xi32, #tpu.memory_space<hbm>>) target(%arg11 : memref<4x128xi32, #tpu.memory_space<vmem>>) target_semaphore(%run_scoped3A : memref<!tpu.dma_semaphore, #tpu.memory_space<semaphore_mem>>)
        %dma_wait3A_520 = arith.constant 0 : i32
        %dma_wait3A_521 = tpu.memref_slice %arg3[%add3A_169, %dma_wait3A_520] : memref<12544x128xi32, #tpu.memory_space<hbm>> -> memref<4x128xi32, #tpu.memory_space<hbm>>
        %dma_wait3A_522 = arith.constant 0 : i32
        %dma_wait3A_523 = tpu.memref_slice %arg3[%add3A_169, %dma_wait3A_522] : memref<12544x128xi32, #tpu.memory_space<hbm>> -> memref<4x128xi32, #tpu.memory_space<hbm>>
        tpu.wait_dma2 semaphore(%run_scoped3A : memref<!tpu.dma_semaphore, #tpu.memory_space<semaphore_mem>>) src(%dma_wait3A_523 : memref<4x128xi32, #tpu.memory_space<hbm>>) dst(%arg11 : memref<4x128xi32, #tpu.memory_space<vmem>>)
        tpu.yield
      }) : () -> ()
      %dma_start3A_170 = arith.constant 0 : i32
      %dma_start3A_171 = arith.constant 0 : i32
      %dma_start3A_172 = arith.constant 0 : i32
      %dma_start3A_173 = tpu.memref_slice %arg13[%dma_start3A_171, %dma_start3A_172] : memref<512x16xf32, #tpu.memory_space<vmem>> -> memref<128x16xf32, #tpu.memory_space<vmem>>
      %dma_start3A_174 = arith.constant 0 : i32
      %dma_start3A_175 = tpu.memref_slice %arg10[%dma_start3A_170, %dma_start3A_174] : memref<4x128xi32, #tpu.memory_space<vmem>> -> memref<1x128xi32, #tpu.memory_space<vmem>>
      %dma_start3A_176 = tpu.memref_squeeze %dma_start3A_175 : memref<1x128xi32, #tpu.memory_space<vmem>> -> memref<128xi32, #tpu.memory_space<vmem>>
      %dma_start3A_177 = arith.constant 0 : i32
      %dma_start3A_178 = arith.constant 0 : i32
      %dma_start3A_179 = tpu.memref_slice %arg4[%arg0, %dma_start3A_177, %dma_start3A_178] : memref<2x100352x16xf32, #tpu.memory_space<hbm>> -> memref<1x100352x16xf32, #tpu.memory_space<hbm>>
      %dma_start3A_180 = tpu.memref_squeeze %dma_start3A_179 : memref<1x100352x16xf32, #tpu.memory_space<hbm>> -> memref<100352x16xf32, #tpu.memory_space<hbm>>
      %dma_start3A_181 = arith.constant 0 : i32
      %dma_start3A_182 = arith.constant 0 : i32
      %dma_start3A_183 = tpu.memref_slice %dma_start3A_180[%dma_start3A_181, %dma_start3A_182] : memref<100352x16xf32, #tpu.memory_space<hbm>> -> memref<100352x16xf32, #tpu.memory_space<hbm>>
      tpu.enqueue_indirect_dma source(%dma_start3A_183 : memref<100352x16xf32, #tpu.memory_space<hbm>>) target(%dma_start3A_173 : memref<128x16xf32, #tpu.memory_space<vmem>>) offsets(%dma_start3A_176 : memref<128xi32, #tpu.memory_space<vmem>>) semaphore(%arg14 : memref<!tpu.dma_semaphore, #tpu.memory_space<semaphore_mem>>)
      %dma_start3A_184 = arith.constant 1 : i32
      %dma_start3A_185 = arith.constant 128 : i32
      %dma_start3A_186 = arith.constant 0 : i32
      %dma_start3A_187 = tpu.memref_slice %arg13[%dma_start3A_185, %dma_start3A_186] : memref<512x16xf32, #tpu.memory_space<vmem>> -> memref<128x16xf32, #tpu.memory_space<vmem>>
      %dma_start3A_188 = arith.constant 0 : i32
      %dma_start3A_189 = tpu.memref_slice %arg10[%dma_start3A_184, %dma_start3A_188] : memref<4x128xi32, #tpu.memory_space<vmem>> -> memref<1x128xi32, #tpu.memory_space<vmem>>
      %dma_start3A_190 = tpu.memref_squeeze %dma_start3A_189 : memref<1x128xi32, #tpu.memory_space<vmem>> -> memref<128xi32, #tpu.memory_space<vmem>>
      %dma_start3A_191 = arith.constant 0 : i32
      %dma_start3A_192 = arith.constant 0 : i32
      %dma_start3A_193 = tpu.memref_slice %arg4[%arg0, %dma_start3A_191, %dma_start3A_192] : memref<2x100352x16xf32, #tpu.memory_space<hbm>> -> memref<1x100352x16xf32, #tpu.memory_space<hbm>>
      %dma_start3A_194 = tpu.memref_squeeze %dma_start3A_193 : memref<1x100352x16xf32, #tpu.memory_space<hbm>> -> memref<100352x16xf32, #tpu.memory_space<hbm>>
      %dma_start3A_195 = arith.constant 0 : i32
      %dma_start3A_196 = arith.constant 0 : i32
      %dma_start3A_197 = tpu.memref_slice %dma_start3A_194[%dma_start3A_195, %dma_start3A_196] : memref<100352x16xf32, #tpu.memory_space<hbm>> -> memref<100352x16xf32, #tpu.memory_space<hbm>>
      tpu.enqueue_indirect_dma source(%dma_start3A_197 : memref<100352x16xf32, #tpu.memory_space<hbm>>) target(%dma_start3A_187 : memref<128x16xf32, #tpu.memory_space<vmem>>) offsets(%dma_start3A_190 : memref<128xi32, #tpu.memory_space<vmem>>) semaphore(%arg14 : memref<!tpu.dma_semaphore, #tpu.memory_space<semaphore_mem>>)
      %dma_start3A_198 = arith.constant 2 : i32
      %dma_start3A_199 = arith.constant 256 : i32
      %dma_start3A_200 = arith.constant 0 : i32
      %dma_start3A_201 = tpu.memref_slice %arg13[%dma_start3A_199, %dma_start3A_200] : memref<512x16xf32, #tpu.memory_space<vmem>> -> memref<128x16xf32, #tpu.memory_space<vmem>>
      %dma_start3A_202 = arith.constant 0 : i32
      %dma_start3A_203 = tpu.memref_slice %arg10[%dma_start3A_198, %dma_start3A_202] : memref<4x128xi32, #tpu.memory_space<vmem>> -> memref<1x128xi32, #tpu.memory_space<vmem>>
      %dma_start3A_204 = tpu.memref_squeeze %dma_start3A_203 : memref<1x128xi32, #tpu.memory_space<vmem>> -> memref<128xi32, #tpu.memory_space<vmem>>
      %dma_start3A_205 = arith.constant 0 : i32
      %dma_start3A_206 = arith.constant 0 : i32
      %dma_start3A_207 = tpu.memref_slice %arg4[%arg0, %dma_start3A_205, %dma_start3A_206] : memref<2x100352x16xf32, #tpu.memory_space<hbm>> -> memref<1x100352x16xf32, #tpu.memory_space<hbm>>
      %dma_start3A_208 = tpu.memref_squeeze %dma_start3A_207 : memref<1x100352x16xf32, #tpu.memory_space<hbm>> -> memref<100352x16xf32, #tpu.memory_space<hbm>>
      %dma_start3A_209 = arith.constant 0 : i32
      %dma_start3A_210 = arith.constant 0 : i32
      %dma_start3A_211 = tpu.memref_slice %dma_start3A_208[%dma_start3A_209, %dma_start3A_210] : memref<100352x16xf32, #tpu.memory_space<hbm>> -> memref<100352x16xf32, #tpu.memory_space<hbm>>
      tpu.enqueue_indirect_dma source(%dma_start3A_211 : memref<100352x16xf32, #tpu.memory_space<hbm>>) target(%dma_start3A_201 : memref<128x16xf32, #tpu.memory_space<vmem>>) offsets(%dma_start3A_204 : memref<128xi32, #tpu.memory_space<vmem>>) semaphore(%arg14 : memref<!tpu.dma_semaphore, #tpu.memory_space<semaphore_mem>>)
      %dma_start3A_212 = arith.constant 3 : i32
      %dma_start3A_213 = arith.constant 384 : i32
      %dma_start3A_214 = arith.constant 0 : i32
      %dma_start3A_215 = tpu.memref_slice %arg13[%dma_start3A_213, %dma_start3A_214] : memref<512x16xf32, #tpu.memory_space<vmem>> -> memref<128x16xf32, #tpu.memory_space<vmem>>
      %dma_start3A_216 = arith.constant 0 : i32
      %dma_start3A_217 = tpu.memref_slice %arg10[%dma_start3A_212, %dma_start3A_216] : memref<4x128xi32, #tpu.memory_space<vmem>> -> memref<1x128xi32, #tpu.memory_space<vmem>>
      %dma_start3A_218 = tpu.memref_squeeze %dma_start3A_217 : memref<1x128xi32, #tpu.memory_space<vmem>> -> memref<128xi32, #tpu.memory_space<vmem>>
      %dma_start3A_219 = arith.constant 0 : i32
      %dma_start3A_220 = arith.constant 0 : i32
      %dma_start3A_221 = tpu.memref_slice %arg4[%arg0, %dma_start3A_219, %dma_start3A_220] : memref<2x100352x16xf32, #tpu.memory_space<hbm>> -> memref<1x100352x16xf32, #tpu.memory_space<hbm>>
      %dma_start3A_222 = tpu.memref_squeeze %dma_start3A_221 : memref<1x100352x16xf32, #tpu.memory_space<hbm>> -> memref<100352x16xf32, #tpu.memory_space<hbm>>
      %dma_start3A_223 = arith.constant 0 : i32
      %dma_start3A_224 = arith.constant 0 : i32
      %dma_start3A_225 = tpu.memref_slice %dma_start3A_222[%dma_start3A_223, %dma_start3A_224] : memref<100352x16xf32, #tpu.memory_space<hbm>> -> memref<100352x16xf32, #tpu.memory_space<hbm>>
      tpu.enqueue_indirect_dma source(%dma_start3A_225 : memref<100352x16xf32, #tpu.memory_space<hbm>>) target(%dma_start3A_215 : memref<128x16xf32, #tpu.memory_space<vmem>>) offsets(%dma_start3A_218 : memref<128xi32, #tpu.memory_space<vmem>>) semaphore(%arg14 : memref<!tpu.dma_semaphore, #tpu.memory_space<semaphore_mem>>)
      %dma_wait3A_226 = arith.constant 0 : i32
      %dma_wait3A_227 = arith.constant 0 : i32
      %dma_wait3A_228 = arith.constant 0 : i32
      %dma_wait3A_229 = tpu.memref_slice %arg12[%dma_wait3A_227, %dma_wait3A_228] : memref<512x16xf32, #tpu.memory_space<vmem>> -> memref<128x16xf32, #tpu.memory_space<vmem>>
      %dma_wait3A_230 = arith.constant 0 : i32
      %dma_wait3A_231 = tpu.memref_slice %arg8[%dma_wait3A_226, %dma_wait3A_230] : memref<4x128xi32, #tpu.memory_space<vmem>> -> memref<1x128xi32, #tpu.memory_space<vmem>>
      %dma_wait3A_232 = tpu.memref_squeeze %dma_wait3A_231 : memref<1x128xi32, #tpu.memory_space<vmem>> -> memref<128xi32, #tpu.memory_space<vmem>>
      %dma_wait3A_233 = arith.constant 0 : i32
      %dma_wait3A_234 = arith.constant 0 : i32
      %dma_wait3A_235 = tpu.memref_slice %arg4[%arg0, %dma_wait3A_233, %dma_wait3A_234] : memref<2x100352x16xf32, #tpu.memory_space<hbm>> -> memref<1x100352x16xf32, #tpu.memory_space<hbm>>
      %dma_wait3A_236 = tpu.memref_squeeze %dma_wait3A_235 : memref<1x100352x16xf32, #tpu.memory_space<hbm>> -> memref<100352x16xf32, #tpu.memory_space<hbm>>
      %dma_wait3A_237 = arith.constant 0 : i32
      %dma_wait3A_238 = arith.constant 0 : i32
      %dma_wait3A_239 = tpu.memref_slice %dma_wait3A_236[%dma_wait3A_237, %dma_wait3A_238] : memref<100352x16xf32, #tpu.memory_space<hbm>> -> memref<100352x16xf32, #tpu.memory_space<hbm>>
      tpu.wait_indirect_dma semaphore(%arg14 : memref<!tpu.dma_semaphore, #tpu.memory_space<semaphore_mem>>) src(%dma_wait3A_239 : memref<100352x16xf32, #tpu.memory_space<hbm>>) dst(%dma_wait3A_229 : memref<128x16xf32, #tpu.memory_space<vmem>>)
      %dma_wait3A_240 = arith.constant 1 : i32
      %dma_wait3A_241 = arith.constant 128 : i32
      %dma_wait3A_242 = arith.constant 0 : i32
      %dma_wait3A_243 = tpu.memref_slice %arg12[%dma_wait3A_241, %dma_wait3A_242] : memref<512x16xf32, #tpu.memory_space<vmem>> -> memref<128x16xf32, #tpu.memory_space<vmem>>
      %dma_wait3A_244 = arith.constant 0 : i32
      %dma_wait3A_245 = tpu.memref_slice %arg8[%dma_wait3A_240, %dma_wait3A_244] : memref<4x128xi32, #tpu.memory_space<vmem>> -> memref<1x128xi32, #tpu.memory_space<vmem>>
      %dma_wait3A_246 = tpu.memref_squeeze %dma_wait3A_245 : memref<1x128xi32, #tpu.memory_space<vmem>> -> memref<128xi32, #tpu.memory_space<vmem>>
      %dma_wait3A_247 = arith.constant 0 : i32
      %dma_wait3A_248 = arith.constant 0 : i32
      %dma_wait3A_249 = tpu.memref_slice %arg4[%arg0, %dma_wait3A_247, %dma_wait3A_248] : memref<2x100352x16xf32, #tpu.memory_space<hbm>> -> memref<1x100352x16xf32, #tpu.memory_space<hbm>>
      %dma_wait3A_250 = tpu.memref_squeeze %dma_wait3A_249 : memref<1x100352x16xf32, #tpu.memory_space<hbm>> -> memref<100352x16xf32, #tpu.memory_space<hbm>>
      %dma_wait3A_251 = arith.constant 0 : i32
      %dma_wait3A_252 = arith.constant 0 : i32
      %dma_wait3A_253 = tpu.memref_slice %dma_wait3A_250[%dma_wait3A_251, %dma_wait3A_252] : memref<100352x16xf32, #tpu.memory_space<hbm>> -> memref<100352x16xf32, #tpu.memory_space<hbm>>
      tpu.wait_indirect_dma semaphore(%arg14 : memref<!tpu.dma_semaphore, #tpu.memory_space<semaphore_mem>>) src(%dma_wait3A_253 : memref<100352x16xf32, #tpu.memory_space<hbm>>) dst(%dma_wait3A_243 : memref<128x16xf32, #tpu.memory_space<vmem>>)
      %dma_wait3A_254 = arith.constant 2 : i32
      %dma_wait3A_255 = arith.constant 256 : i32
      %dma_wait3A_256 = arith.constant 0 : i32
      %dma_wait3A_257 = tpu.memref_slice %arg12[%dma_wait3A_255, %dma_wait3A_256] : memref<512x16xf32, #tpu.memory_space<vmem>> -> memref<128x16xf32, #tpu.memory_space<vmem>>
      %dma_wait3A_258 = arith.constant 0 : i32
      %dma_wait3A_259 = tpu.memref_slice %arg8[%dma_wait3A_254, %dma_wait3A_258] : memref<4x128xi32, #tpu.memory_space<vmem>> -> memref<1x128xi32, #tpu.memory_space<vmem>>
      %dma_wait3A_260 = tpu.memref_squeeze %dma_wait3A_259 : memref<1x128xi32, #tpu.memory_space<vmem>> -> memref<128xi32, #tpu.memory_space<vmem>>
      %dma_wait3A_261 = arith.constant 0 : i32
      %dma_wait3A_262 = arith.constant 0 : i32
      %dma_wait3A_263 = tpu.memref_slice %arg4[%arg0, %dma_wait3A_261, %dma_wait3A_262] : memref<2x100352x16xf32, #tpu.memory_space<hbm>> -> memref<1x100352x16xf32, #tpu.memory_space<hbm>>
      %dma_wait3A_264 = tpu.memref_squeeze %dma_wait3A_263 : memref<1x100352x16xf32, #tpu.memory_space<hbm>> -> memref<100352x16xf32, #tpu.memory_space<hbm>>
      %dma_wait3A_265 = arith.constant 0 : i32
      %dma_wait3A_266 = arith.constant 0 : i32
      %dma_wait3A_267 = tpu.memref_slice %dma_wait3A_264[%dma_wait3A_265, %dma_wait3A_266] : memref<100352x16xf32, #tpu.memory_space<hbm>> -> memref<100352x16xf32, #tpu.memory_space<hbm>>
      tpu.wait_indirect_dma semaphore(%arg14 : memref<!tpu.dma_semaphore, #tpu.memory_space<semaphore_mem>>) src(%dma_wait3A_267 : memref<100352x16xf32, #tpu.memory_space<hbm>>) dst(%dma_wait3A_257 : memref<128x16xf32, #tpu.memory_space<vmem>>)
      %dma_wait3A_268 = arith.constant 3 : i32
      %dma_wait3A_269 = arith.constant 384 : i32
      %dma_wait3A_270 = arith.constant 0 : i32
      %dma_wait3A_271 = tpu.memref_slice %arg12[%dma_wait3A_269, %dma_wait3A_270] : memref<512x16xf32, #tpu.memory_space<vmem>> -> memref<128x16xf32, #tpu.memory_space<vmem>>
      %dma_wait3A_272 = arith.constant 0 : i32
      %dma_wait3A_273 = tpu.memref_slice %arg8[%dma_wait3A_268, %dma_wait3A_272] : memref<4x128xi32, #tpu.memory_space<vmem>> -> memref<1x128xi32, #tpu.memory_space<vmem>>
      %dma_wait3A_274 = tpu.memref_squeeze %dma_wait3A_273 : memref<1x128xi32, #tpu.memory_space<vmem>> -> memref<128xi32, #tpu.memory_space<vmem>>
      %dma_wait3A_275 = arith.constant 0 : i32
      %dma_wait3A_276 = arith.constant 0 : i32
      %dma_wait3A_277 = tpu.memref_slice %arg4[%arg0, %dma_wait3A_275, %dma_wait3A_276] : memref<2x100352x16xf32, #tpu.memory_space<hbm>> -> memref<1x100352x16xf32, #tpu.memory_space<hbm>>
      %dma_wait3A_278 = tpu.memref_squeeze %dma_wait3A_277 : memref<1x100352x16xf32, #tpu.memory_space<hbm>> -> memref<100352x16xf32, #tpu.memory_space<hbm>>
      %dma_wait3A_279 = arith.constant 0 : i32
      %dma_wait3A_280 = arith.constant 0 : i32
      %dma_wait3A_281 = tpu.memref_slice %dma_wait3A_278[%dma_wait3A_279, %dma_wait3A_280] : memref<100352x16xf32, #tpu.memory_space<hbm>> -> memref<100352x16xf32, #tpu.memory_space<hbm>>
      tpu.wait_indirect_dma semaphore(%arg14 : memref<!tpu.dma_semaphore, #tpu.memory_space<semaphore_mem>>) src(%dma_wait3A_281 : memref<100352x16xf32, #tpu.memory_space<hbm>>) dst(%dma_wait3A_271 : memref<128x16xf32, #tpu.memory_space<vmem>>)
      %dma_start3A_282 = arith.constant 0 : i32
      %dma_start3A_283 = arith.constant 0 : i32
      %dma_start3A_284 = arith.constant 0 : i32
      %dma_start3A_285 = tpu.memref_slice %arg12[%dma_start3A_283, %dma_start3A_284] : memref<512x16xf32, #tpu.memory_space<vmem>> -> memref<128x16xf32, #tpu.memory_space<vmem>>
      %dma_start3A_286 = arith.constant 0 : i32
      %dma_start3A_287 = tpu.memref_slice %arg9[%dma_start3A_282, %dma_start3A_286] : memref<4x128xi32, #tpu.memory_space<vmem>> -> memref<1x128xi32, #tpu.memory_space<vmem>>
      %dma_start3A_288 = tpu.memref_squeeze %dma_start3A_287 : memref<1x128xi32, #tpu.memory_space<vmem>> -> memref<128xi32, #tpu.memory_space<vmem>>
      %dma_start3A_289 = arith.constant 0 : i32
      %dma_start3A_290 = arith.constant 0 : i32
      %dma_start3A_291 = tpu.memref_slice %arg7[%dma_start3A_289, %dma_start3A_290] : memref<100352x16xf32, #tpu.memory_space<vmem_shared>> -> memref<100352x16xf32, #tpu.memory_space<vmem_shared>>
      tpu.enqueue_indirect_dma source(%dma_start3A_285 : memref<128x16xf32, #tpu.memory_space<vmem>>) target(%dma_start3A_291 : memref<100352x16xf32, #tpu.memory_space<vmem_shared>>) offsets(%dma_start3A_288 : memref<128xi32, #tpu.memory_space<vmem>>) semaphore(%arg15 : memref<!tpu.dma_semaphore, #tpu.memory_space<semaphore_mem>>) {add = true}
      %dma_start3A_292 = arith.constant 1 : i32
      %dma_start3A_293 = arith.constant 128 : i32
      %dma_start3A_294 = arith.constant 0 : i32
      %dma_start3A_295 = tpu.memref_slice %arg12[%dma_start3A_293, %dma_start3A_294] : memref<512x16xf32, #tpu.memory_space<vmem>> -> memref<128x16xf32, #tpu.memory_space<vmem>>
      %dma_start3A_296 = arith.constant 0 : i32
      %dma_start3A_297 = tpu.memref_slice %arg9[%dma_start3A_292, %dma_start3A_296] : memref<4x128xi32, #tpu.memory_space<vmem>> -> memref<1x128xi32, #tpu.memory_space<vmem>>
      %dma_start3A_298 = tpu.memref_squeeze %dma_start3A_297 : memref<1x128xi32, #tpu.memory_space<vmem>> -> memref<128xi32, #tpu.memory_space<vmem>>
      %dma_start3A_299 = arith.constant 0 : i32
      %dma_start3A_300 = arith.constant 0 : i32
      %dma_start3A_301 = tpu.memref_slice %arg7[%dma_start3A_299, %dma_start3A_300] : memref<100352x16xf32, #tpu.memory_space<vmem_shared>> -> memref<100352x16xf32, #tpu.memory_space<vmem_shared>>
      tpu.enqueue_indirect_dma source(%dma_start3A_295 : memref<128x16xf32, #tpu.memory_space<vmem>>) target(%dma_start3A_301 : memref<100352x16xf32, #tpu.memory_space<vmem_shared>>) offsets(%dma_start3A_298 : memref<128xi32, #tpu.memory_space<vmem>>) semaphore(%arg15 : memref<!tpu.dma_semaphore, #tpu.memory_space<semaphore_mem>>) {add = true}
      %dma_start3A_302 = arith.constant 2 : i32
      %dma_start3A_303 = arith.constant 256 : i32
      %dma_start3A_304 = arith.constant 0 : i32
      %dma_start3A_305 = tpu.memref_slice %arg12[%dma_start3A_303, %dma_start3A_304] : memref<512x16xf32, #tpu.memory_space<vmem>> -> memref<128x16xf32, #tpu.memory_space<vmem>>
      %dma_start3A_306 = arith.constant 0 : i32
      %dma_start3A_307 = tpu.memref_slice %arg9[%dma_start3A_302, %dma_start3A_306] : memref<4x128xi32, #tpu.memory_space<vmem>> -> memref<1x128xi32, #tpu.memory_space<vmem>>
      %dma_start3A_308 = tpu.memref_squeeze %dma_start3A_307 : memref<1x128xi32, #tpu.memory_space<vmem>> -> memref<128xi32, #tpu.memory_space<vmem>>
      %dma_start3A_309 = arith.constant 0 : i32
      %dma_start3A_310 = arith.constant 0 : i32
      %dma_start3A_311 = tpu.memref_slice %arg7[%dma_start3A_309, %dma_start3A_310] : memref<100352x16xf32, #tpu.memory_space<vmem_shared>> -> memref<100352x16xf32, #tpu.memory_space<vmem_shared>>
      tpu.enqueue_indirect_dma source(%dma_start3A_305 : memref<128x16xf32, #tpu.memory_space<vmem>>) target(%dma_start3A_311 : memref<100352x16xf32, #tpu.memory_space<vmem_shared>>) offsets(%dma_start3A_308 : memref<128xi32, #tpu.memory_space<vmem>>) semaphore(%arg15 : memref<!tpu.dma_semaphore, #tpu.memory_space<semaphore_mem>>) {add = true}
      %dma_start3A_312 = arith.constant 3 : i32
      %dma_start3A_313 = arith.constant 384 : i32
      %dma_start3A_314 = arith.constant 0 : i32
      %dma_start3A_315 = tpu.memref_slice %arg12[%dma_start3A_313, %dma_start3A_314] : memref<512x16xf32, #tpu.memory_space<vmem>> -> memref<128x16xf32, #tpu.memory_space<vmem>>
      %dma_start3A_316 = arith.constant 0 : i32
      %dma_start3A_317 = tpu.memref_slice %arg9[%dma_start3A_312, %dma_start3A_316] : memref<4x128xi32, #tpu.memory_space<vmem>> -> memref<1x128xi32, #tpu.memory_space<vmem>>
      %dma_start3A_318 = tpu.memref_squeeze %dma_start3A_317 : memref<1x128xi32, #tpu.memory_space<vmem>> -> memref<128xi32, #tpu.memory_space<vmem>>
      %dma_start3A_319 = arith.constant 0 : i32
      %dma_start3A_320 = arith.constant 0 : i32
      %dma_start3A_321 = tpu.memref_slice %arg7[%dma_start3A_319, %dma_start3A_320] : memref<100352x16xf32, #tpu.memory_space<vmem_shared>> -> memref<100352x16xf32, #tpu.memory_space<vmem_shared>>
      tpu.enqueue_indirect_dma source(%dma_start3A_315 : memref<128x16xf32, #tpu.memory_space<vmem>>) target(%dma_start3A_321 : memref<100352x16xf32, #tpu.memory_space<vmem_shared>>) offsets(%dma_start3A_318 : memref<128xi32, #tpu.memory_space<vmem>>) semaphore(%arg15 : memref<!tpu.dma_semaphore, #tpu.memory_space<semaphore_mem>>) {add = true}
      %dma_wait3A_322 = arith.constant 0 : i32
      %dma_wait3A_323 = arith.constant 0 : i32
      %dma_wait3A_324 = arith.constant 0 : i32
      %dma_wait3A_325 = tpu.memref_slice %arg13[%dma_wait3A_323, %dma_wait3A_324] : memref<512x16xf32, #tpu.memory_space<vmem>> -> memref<128x16xf32, #tpu.memory_space<vmem>>
      %dma_wait3A_326 = arith.constant 0 : i32
      %dma_wait3A_327 = tpu.memref_slice %arg10[%dma_wait3A_322, %dma_wait3A_326] : memref<4x128xi32, #tpu.memory_space<vmem>> -> memref<1x128xi32, #tpu.memory_space<vmem>>
      %dma_wait3A_328 = tpu.memref_squeeze %dma_wait3A_327 : memref<1x128xi32, #tpu.memory_space<vmem>> -> memref<128xi32, #tpu.memory_space<vmem>>
      %dma_wait3A_329 = arith.constant 0 : i32
      %dma_wait3A_330 = arith.constant 0 : i32
      %dma_wait3A_331 = tpu.memref_slice %arg4[%arg0, %dma_wait3A_329, %dma_wait3A_330] : memref<2x100352x16xf32, #tpu.memory_space<hbm>> -> memref<1x100352x16xf32, #tpu.memory_space<hbm>>
      %dma_wait3A_332 = tpu.memref_squeeze %dma_wait3A_331 : memref<1x100352x16xf32, #tpu.memory_space<hbm>> -> memref<100352x16xf32, #tpu.memory_space<hbm>>
      %dma_wait3A_333 = arith.constant 0 : i32
      %dma_wait3A_334 = arith.constant 0 : i32
      %dma_wait3A_335 = tpu.memref_slice %dma_wait3A_332[%dma_wait3A_333, %dma_wait3A_334] : memref<100352x16xf32, #tpu.memory_space<hbm>> -> memref<100352x16xf32, #tpu.memory_space<hbm>>
      tpu.wait_indirect_dma semaphore(%arg14 : memref<!tpu.dma_semaphore, #tpu.memory_space<semaphore_mem>>) src(%dma_wait3A_335 : memref<100352x16xf32, #tpu.memory_space<hbm>>) dst(%dma_wait3A_325 : memref<128x16xf32, #tpu.memory_space<vmem>>)
      %dma_wait3A_336 = arith.constant 1 : i32
      %dma_wait3A_337 = arith.constant 128 : i32
      %dma_wait3A_338 = arith.constant 0 : i32
      %dma_wait3A_339 = tpu.memref_slice %arg13[%dma_wait3A_337, %dma_wait3A_338] : memref<512x16xf32, #tpu.memory_space<vmem>> -> memref<128x16xf32, #tpu.memory_space<vmem>>
      %dma_wait3A_340 = arith.constant 0 : i32
      %dma_wait3A_341 = tpu.memref_slice %arg10[%dma_wait3A_336, %dma_wait3A_340] : memref<4x128xi32, #tpu.memory_space<vmem>> -> memref<1x128xi32, #tpu.memory_space<vmem>>
      %dma_wait3A_342 = tpu.memref_squeeze %dma_wait3A_341 : memref<1x128xi32, #tpu.memory_space<vmem>> -> memref<128xi32, #tpu.memory_space<vmem>>
      %dma_wait3A_343 = arith.constant 0 : i32
      %dma_wait3A_344 = arith.constant 0 : i32
      %dma_wait3A_345 = tpu.memref_slice %arg4[%arg0, %dma_wait3A_343, %dma_wait3A_344] : memref<2x100352x16xf32, #tpu.memory_space<hbm>> -> memref<1x100352x16xf32, #tpu.memory_space<hbm>>
      %dma_wait3A_346 = tpu.memref_squeeze %dma_wait3A_345 : memref<1x100352x16xf32, #tpu.memory_space<hbm>> -> memref<100352x16xf32, #tpu.memory_space<hbm>>
      %dma_wait3A_347 = arith.constant 0 : i32
      %dma_wait3A_348 = arith.constant 0 : i32
      %dma_wait3A_349 = tpu.memref_slice %dma_wait3A_346[%dma_wait3A_347, %dma_wait3A_348] : memref<100352x16xf32, #tpu.memory_space<hbm>> -> memref<100352x16xf32, #tpu.memory_space<hbm>>
      tpu.wait_indirect_dma semaphore(%arg14 : memref<!tpu.dma_semaphore, #tpu.memory_space<semaphore_mem>>) src(%dma_wait3A_349 : memref<100352x16xf32, #tpu.memory_space<hbm>>) dst(%dma_wait3A_339 : memref<128x16xf32, #tpu.memory_space<vmem>>)
      %dma_wait3A_350 = arith.constant 2 : i32
      %dma_wait3A_351 = arith.constant 256 : i32
      %dma_wait3A_352 = arith.constant 0 : i32
      %dma_wait3A_353 = tpu.memref_slice %arg13[%dma_wait3A_351, %dma_wait3A_352] : memref<512x16xf32, #tpu.memory_space<vmem>> -> memref<128x16xf32, #tpu.memory_space<vmem>>
      %dma_wait3A_354 = arith.constant 0 : i32
      %dma_wait3A_355 = tpu.memref_slice %arg10[%dma_wait3A_350, %dma_wait3A_354] : memref<4x128xi32, #tpu.memory_space<vmem>> -> memref<1x128xi32, #tpu.memory_space<vmem>>
      %dma_wait3A_356 = tpu.memref_squeeze %dma_wait3A_355 : memref<1x128xi32, #tpu.memory_space<vmem>> -> memref<128xi32, #tpu.memory_space<vmem>>
      %dma_wait3A_357 = arith.constant 0 : i32
      %dma_wait3A_358 = arith.constant 0 : i32
      %dma_wait3A_359 = tpu.memref_slice %arg4[%arg0, %dma_wait3A_357, %dma_wait3A_358] : memref<2x100352x16xf32, #tpu.memory_space<hbm>> -> memref<1x100352x16xf32, #tpu.memory_space<hbm>>
      %dma_wait3A_360 = tpu.memref_squeeze %dma_wait3A_359 : memref<1x100352x16xf32, #tpu.memory_space<hbm>> -> memref<100352x16xf32, #tpu.memory_space<hbm>>
      %dma_wait3A_361 = arith.constant 0 : i32
      %dma_wait3A_362 = arith.constant 0 : i32
      %dma_wait3A_363 = tpu.memref_slice %dma_wait3A_360[%dma_wait3A_361, %dma_wait3A_362] : memref<100352x16xf32, #tpu.memory_space<hbm>> -> memref<100352x16xf32, #tpu.memory_space<hbm>>
      tpu.wait_indirect_dma semaphore(%arg14 : memref<!tpu.dma_semaphore, #tpu.memory_space<semaphore_mem>>) src(%dma_wait3A_363 : memref<100352x16xf32, #tpu.memory_space<hbm>>) dst(%dma_wait3A_353 : memref<128x16xf32, #tpu.memory_space<vmem>>)
      %dma_wait3A_364 = arith.constant 3 : i32
      %dma_wait3A_365 = arith.constant 384 : i32
      %dma_wait3A_366 = arith.constant 0 : i32
      %dma_wait3A_367 = tpu.memref_slice %arg13[%dma_wait3A_365, %dma_wait3A_366] : memref<512x16xf32, #tpu.memory_space<vmem>> -> memref<128x16xf32, #tpu.memory_space<vmem>>
      %dma_wait3A_368 = arith.constant 0 : i32
      %dma_wait3A_369 = tpu.memref_slice %arg10[%dma_wait3A_364, %dma_wait3A_368] : memref<4x128xi32, #tpu.memory_space<vmem>> -> memref<1x128xi32, #tpu.memory_space<vmem>>
      %dma_wait3A_370 = tpu.memref_squeeze %dma_wait3A_369 : memref<1x128xi32, #tpu.memory_space<vmem>> -> memref<128xi32, #tpu.memory_space<vmem>>
      %dma_wait3A_371 = arith.constant 0 : i32
      %dma_wait3A_372 = arith.constant 0 : i32
      %dma_wait3A_373 = tpu.memref_slice %arg4[%arg0, %dma_wait3A_371, %dma_wait3A_372] : memref<2x100352x16xf32, #tpu.memory_space<hbm>> -> memref<1x100352x16xf32, #tpu.memory_space<hbm>>
      %dma_wait3A_374 = tpu.memref_squeeze %dma_wait3A_373 : memref<1x100352x16xf32, #tpu.memory_space<hbm>> -> memref<100352x16xf32, #tpu.memory_space<hbm>>
      %dma_wait3A_375 = arith.constant 0 : i32
      %dma_wait3A_376 = arith.constant 0 : i32
      %dma_wait3A_377 = tpu.memref_slice %dma_wait3A_374[%dma_wait3A_375, %dma_wait3A_376] : memref<100352x16xf32, #tpu.memory_space<hbm>> -> memref<100352x16xf32, #tpu.memory_space<hbm>>
      tpu.wait_indirect_dma semaphore(%arg14 : memref<!tpu.dma_semaphore, #tpu.memory_space<semaphore_mem>>) src(%dma_wait3A_377 : memref<100352x16xf32, #tpu.memory_space<hbm>>) dst(%dma_wait3A_367 : memref<128x16xf32, #tpu.memory_space<vmem>>)
      %gt3A = arith.constant 0 : i32
      %gt3A_378 = arith.cmpi sgt, %scan3A_160, %gt3A : i32
      %convert_element_type3A = arith.extui %gt3A_378 : i1 to i32
      %cond3A = arith.constant 0 : i32
      %cond3A_379 = arith.cmpi ne, %convert_element_type3A, %cond3A : i32
      scf.if %cond3A_379 {
        %dma_wait3A_516 = arith.constant 0 : i32
        %dma_wait3A_517 = arith.constant 0 : i32
        %dma_wait3A_518 = arith.constant 0 : i32
        %dma_wait3A_519 = tpu.memref_slice %arg13[%dma_wait3A_517, %dma_wait3A_518] : memref<512x16xf32, #tpu.memory_space<vmem>> -> memref<128x16xf32, #tpu.memory_space<vmem>>
        %dma_wait3A_520 = arith.constant 0 : i32
        %dma_wait3A_521 = tpu.memref_slice %arg11[%dma_wait3A_516, %dma_wait3A_520] : memref<4x128xi32, #tpu.memory_space<vmem>> -> memref<1x128xi32, #tpu.memory_space<vmem>>
        %dma_wait3A_522 = tpu.memref_squeeze %dma_wait3A_521 : memref<1x128xi32, #tpu.memory_space<vmem>> -> memref<128xi32, #tpu.memory_space<vmem>>
        %dma_wait3A_523 = arith.constant 0 : i32
        %dma_wait3A_524 = arith.constant 0 : i32
        %dma_wait3A_525 = tpu.memref_slice %arg7[%dma_wait3A_523, %dma_wait3A_524] : memref<100352x16xf32, #tpu.memory_space<vmem_shared>> -> memref<100352x16xf32, #tpu.memory_space<vmem_shared>>
        tpu.wait_indirect_dma semaphore(%arg15 : memref<!tpu.dma_semaphore, #tpu.memory_space<semaphore_mem>>) src(%dma_wait3A_519 : memref<128x16xf32, #tpu.memory_space<vmem>>) dst(%dma_wait3A_525 : memref<100352x16xf32, #tpu.memory_space<vmem_shared>>)
        %dma_wait3A_526 = arith.constant 1 : i32
        %dma_wait3A_527 = arith.constant 128 : i32
        %dma_wait3A_528 = arith.constant 0 : i32
        %dma_wait3A_529 = tpu.memref_slice %arg13[%dma_wait3A_527, %dma_wait3A_528] : memref<512x16xf32, #tpu.memory_space<vmem>> -> memref<128x16xf32, #tpu.memory_space<vmem>>
        %dma_wait3A_530 = arith.constant 0 : i32
        %dma_wait3A_531 = tpu.memref_slice %arg11[%dma_wait3A_526, %dma_wait3A_530] : memref<4x128xi32, #tpu.memory_space<vmem>> -> memref<1x128xi32, #tpu.memory_space<vmem>>
        %dma_wait3A_532 = tpu.memref_squeeze %dma_wait3A_531 : memref<1x128xi32, #tpu.memory_space<vmem>> -> memref<128xi32, #tpu.memory_space<vmem>>
        %dma_wait3A_533 = arith.constant 0 : i32
        %dma_wait3A_534 = arith.constant 0 : i32
        %dma_wait3A_535 = tpu.memref_slice %arg7[%dma_wait3A_533, %dma_wait3A_534] : memref<100352x16xf32, #tpu.memory_space<vmem_shared>> -> memref<100352x16xf32, #tpu.memory_space<vmem_shared>>
        tpu.wait_indirect_dma semaphore(%arg15 : memref<!tpu.dma_semaphore, #tpu.memory_space<semaphore_mem>>) src(%dma_wait3A_529 : memref<128x16xf32, #tpu.memory_space<vmem>>) dst(%dma_wait3A_535 : memref<100352x16xf32, #tpu.memory_space<vmem_shared>>)
        %dma_wait3A_536 = arith.constant 2 : i32
        %dma_wait3A_537 = arith.constant 256 : i32
        %dma_wait3A_538 = arith.constant 0 : i32
        %dma_wait3A_539 = tpu.memref_slice %arg13[%dma_wait3A_537, %dma_wait3A_538] : memref<512x16xf32, #tpu.memory_space<vmem>> -> memref<128x16xf32, #tpu.memory_space<vmem>>
        %dma_wait3A_540 = arith.constant 0 : i32
        %dma_wait3A_541 = tpu.memref_slice %arg11[%dma_wait3A_536, %dma_wait3A_540] : memref<4x128xi32, #tpu.memory_space<vmem>> -> memref<1x128xi32, #tpu.memory_space<vmem>>
        %dma_wait3A_542 = tpu.memref_squeeze %dma_wait3A_541 : memref<1x128xi32, #tpu.memory_space<vmem>> -> memref<128xi32, #tpu.memory_space<vmem>>
        %dma_wait3A_543 = arith.constant 0 : i32
        %dma_wait3A_544 = arith.constant 0 : i32
        %dma_wait3A_545 = tpu.memref_slice %arg7[%dma_wait3A_543, %dma_wait3A_544] : memref<100352x16xf32, #tpu.memory_space<vmem_shared>> -> memref<100352x16xf32, #tpu.memory_space<vmem_shared>>
        tpu.wait_indirect_dma semaphore(%arg15 : memref<!tpu.dma_semaphore, #tpu.memory_space<semaphore_mem>>) src(%dma_wait3A_539 : memref<128x16xf32, #tpu.memory_space<vmem>>) dst(%dma_wait3A_545 : memref<100352x16xf32, #tpu.memory_space<vmem_shared>>)
        %dma_wait3A_546 = arith.constant 3 : i32
        %dma_wait3A_547 = arith.constant 384 : i32
        %dma_wait3A_548 = arith.constant 0 : i32
        %dma_wait3A_549 = tpu.memref_slice %arg13[%dma_wait3A_547, %dma_wait3A_548] : memref<512x16xf32, #tpu.memory_space<vmem>> -> memref<128x16xf32, #tpu.memory_space<vmem>>
        %dma_wait3A_550 = arith.constant 0 : i32
        %dma_wait3A_551 = tpu.memref_slice %arg11[%dma_wait3A_546, %dma_wait3A_550] : memref<4x128xi32, #tpu.memory_space<vmem>> -> memref<1x128xi32, #tpu.memory_space<vmem>>
        %dma_wait3A_552 = tpu.memref_squeeze %dma_wait3A_551 : memref<1x128xi32, #tpu.memory_space<vmem>> -> memref<128xi32, #tpu.memory_space<vmem>>
        %dma_wait3A_553 = arith.constant 0 : i32
        %dma_wait3A_554 = arith.constant 0 : i32
        %dma_wait3A_555 = tpu.memref_slice %arg7[%dma_wait3A_553, %dma_wait3A_554] : memref<100352x16xf32, #tpu.memory_space<vmem_shared>> -> memref<100352x16xf32, #tpu.memory_space<vmem_shared>>
        tpu.wait_indirect_dma semaphore(%arg15 : memref<!tpu.dma_semaphore, #tpu.memory_space<semaphore_mem>>) src(%dma_wait3A_549 : memref<128x16xf32, #tpu.memory_space<vmem>>) dst(%dma_wait3A_555 : memref<100352x16xf32, #tpu.memory_space<vmem_shared>>)
      } else {
      }
      %dma_wait3A_380 = arith.constant 0 : i32
      %dma_wait3A_381 = arith.constant 0 : i32
      %dma_wait3A_382 = arith.constant 0 : i32
      %dma_wait3A_383 = tpu.memref_slice %arg12[%dma_wait3A_381, %dma_wait3A_382] : memref<512x16xf32, #tpu.memory_space<vmem>> -> memref<128x16xf32, #tpu.memory_space<vmem>>
      %dma_wait3A_384 = arith.constant 0 : i32
      %dma_wait3A_385 = tpu.memref_slice %arg9[%dma_wait3A_380, %dma_wait3A_384] : memref<4x128xi32, #tpu.memory_space<vmem>> -> memref<1x128xi32, #tpu.memory_space<vmem>>
      %dma_wait3A_386 = tpu.memref_squeeze %dma_wait3A_385 : memref<1x128xi32, #tpu.memory_space<vmem>> -> memref<128xi32, #tpu.memory_space<vmem>>
      %dma_wait3A_387 = arith.constant 0 : i32
      %dma_wait3A_388 = arith.constant 0 : i32
      %dma_wait3A_389 = tpu.memref_slice %arg7[%dma_wait3A_387, %dma_wait3A_388] : memref<100352x16xf32, #tpu.memory_space<vmem_shared>> -> memref<100352x16xf32, #tpu.memory_space<vmem_shared>>
      tpu.wait_indirect_dma semaphore(%arg15 : memref<!tpu.dma_semaphore, #tpu.memory_space<semaphore_mem>>) src(%dma_wait3A_383 : memref<128x16xf32, #tpu.memory_space<vmem>>) dst(%dma_wait3A_389 : memref<100352x16xf32, #tpu.memory_space<vmem_shared>>)
      %dma_wait3A_390 = arith.constant 1 : i32
      %dma_wait3A_391 = arith.constant 128 : i32
      %dma_wait3A_392 = arith.constant 0 : i32
      %dma_wait3A_393 = tpu.memref_slice %arg12[%dma_wait3A_391, %dma_wait3A_392] : memref<512x16xf32, #tpu.memory_space<vmem>> -> memref<128x16xf32, #tpu.memory_space<vmem>>
      %dma_wait3A_394 = arith.constant 0 : i32
      %dma_wait3A_395 = tpu.memref_slice %arg9[%dma_wait3A_390, %dma_wait3A_394] : memref<4x128xi32, #tpu.memory_space<vmem>> -> memref<1x128xi32, #tpu.memory_space<vmem>>
      %dma_wait3A_396 = tpu.memref_squeeze %dma_wait3A_395 : memref<1x128xi32, #tpu.memory_space<vmem>> -> memref<128xi32, #tpu.memory_space<vmem>>
      %dma_wait3A_397 = arith.constant 0 : i32
      %dma_wait3A_398 = arith.constant 0 : i32
      %dma_wait3A_399 = tpu.memref_slice %arg7[%dma_wait3A_397, %dma_wait3A_398] : memref<100352x16xf32, #tpu.memory_space<vmem_shared>> -> memref<100352x16xf32, #tpu.memory_space<vmem_shared>>
      tpu.wait_indirect_dma semaphore(%arg15 : memref<!tpu.dma_semaphore, #tpu.memory_space<semaphore_mem>>) src(%dma_wait3A_393 : memref<128x16xf32, #tpu.memory_space<vmem>>) dst(%dma_wait3A_399 : memref<100352x16xf32, #tpu.memory_space<vmem_shared>>)
      %dma_wait3A_400 = arith.constant 2 : i32
      %dma_wait3A_401 = arith.constant 256 : i32
      %dma_wait3A_402 = arith.constant 0 : i32
      %dma_wait3A_403 = tpu.memref_slice %arg12[%dma_wait3A_401, %dma_wait3A_402] : memref<512x16xf32, #tpu.memory_space<vmem>> -> memref<128x16xf32, #tpu.memory_space<vmem>>
      %dma_wait3A_404 = arith.constant 0 : i32
      %dma_wait3A_405 = tpu.memref_slice %arg9[%dma_wait3A_400, %dma_wait3A_404] : memref<4x128xi32, #tpu.memory_space<vmem>> -> memref<1x128xi32, #tpu.memory_space<vmem>>
      %dma_wait3A_406 = tpu.memref_squeeze %dma_wait3A_405 : memref<1x128xi32, #tpu.memory_space<vmem>> -> memref<128xi32, #tpu.memory_space<vmem>>
      %dma_wait3A_407 = arith.constant 0 : i32
      %dma_wait3A_408 = arith.constant 0 : i32
      %dma_wait3A_409 = tpu.memref_slice %arg7[%dma_wait3A_407, %dma_wait3A_408] : memref<100352x16xf32, #tpu.memory_space<vmem_shared>> -> memref<100352x16xf32, #tpu.memory_space<vmem_shared>>
      tpu.wait_indirect_dma semaphore(%arg15 : memref<!tpu.dma_semaphore, #tpu.memory_space<semaphore_mem>>) src(%dma_wait3A_403 : memref<128x16xf32, #tpu.memory_space<vmem>>) dst(%dma_wait3A_409 : memref<100352x16xf32, #tpu.memory_space<vmem_shared>>)
      %dma_wait3A_410 = arith.constant 3 : i32
      %dma_wait3A_411 = arith.constant 384 : i32
      %dma_wait3A_412 = arith.constant 0 : i32
      %dma_wait3A_413 = tpu.memref_slice %arg12[%dma_wait3A_411, %dma_wait3A_412] : memref<512x16xf32, #tpu.memory_space<vmem>> -> memref<128x16xf32, #tpu.memory_space<vmem>>
      %dma_wait3A_414 = arith.constant 0 : i32
      %dma_wait3A_415 = tpu.memref_slice %arg9[%dma_wait3A_410, %dma_wait3A_414] : memref<4x128xi32, #tpu.memory_space<vmem>> -> memref<1x128xi32, #tpu.memory_space<vmem>>
      %dma_wait3A_416 = tpu.memref_squeeze %dma_wait3A_415 : memref<1x128xi32, #tpu.memory_space<vmem>> -> memref<128xi32, #tpu.memory_space<vmem>>
      %dma_wait3A_417 = arith.constant 0 : i32
      %dma_wait3A_418 = arith.constant 0 : i32
      %dma_wait3A_419 = tpu.memref_slice %arg7[%dma_wait3A_417, %dma_wait3A_418] : memref<100352x16xf32, #tpu.memory_space<vmem_shared>> -> memref<100352x16xf32, #tpu.memory_space<vmem_shared>>
      tpu.wait_indirect_dma semaphore(%arg15 : memref<!tpu.dma_semaphore, #tpu.memory_space<semaphore_mem>>) src(%dma_wait3A_413 : memref<128x16xf32, #tpu.memory_space<vmem>>) dst(%dma_wait3A_419 : memref<100352x16xf32, #tpu.memory_space<vmem_shared>>)
      %dma_start3A_420 = arith.constant 0 : i32
      %dma_start3A_421 = arith.constant 0 : i32
      %dma_start3A_422 = arith.constant 0 : i32
      %dma_start3A_423 = tpu.memref_slice %arg13[%dma_start3A_421, %dma_start3A_422] : memref<512x16xf32, #tpu.memory_space<vmem>> -> memref<128x16xf32, #tpu.memory_space<vmem>>
      %dma_start3A_424 = arith.constant 0 : i32
      %dma_start3A_425 = tpu.memref_slice %arg11[%dma_start3A_420, %dma_start3A_424] : memref<4x128xi32, #tpu.memory_space<vmem>> -> memref<1x128xi32, #tpu.memory_space<vmem>>
      %dma_start3A_426 = tpu.memref_squeeze %dma_start3A_425 : memref<1x128xi32, #tpu.memory_space<vmem>> -> memref<128xi32, #tpu.memory_space<vmem>>
      %dma_start3A_427 = arith.constant 0 : i32
      %dma_start3A_428 = arith.constant 0 : i32
      %dma_start3A_429 = tpu.memref_slice %arg7[%dma_start3A_427, %dma_start3A_428] : memref<100352x16xf32, #tpu.memory_space<vmem_shared>> -> memref<100352x16xf32, #tpu.memory_space<vmem_shared>>
      tpu.enqueue_indirect_dma source(%dma_start3A_423 : memref<128x16xf32, #tpu.memory_space<vmem>>) target(%dma_start3A_429 : memref<100352x16xf32, #tpu.memory_space<vmem_shared>>) offsets(%dma_start3A_426 : memref<128xi32, #tpu.memory_space<vmem>>) semaphore(%arg15 : memref<!tpu.dma_semaphore, #tpu.memory_space<semaphore_mem>>) {add = true}
      %dma_start3A_430 = arith.constant 1 : i32
      %dma_start3A_431 = arith.constant 128 : i32
      %dma_start3A_432 = arith.constant 0 : i32
      %dma_start3A_433 = tpu.memref_slice %arg13[%dma_start3A_431, %dma_start3A_432] : memref<512x16xf32, #tpu.memory_space<vmem>> -> memref<128x16xf32, #tpu.memory_space<vmem>>
      %dma_start3A_434 = arith.constant 0 : i32
      %dma_start3A_435 = tpu.memref_slice %arg11[%dma_start3A_430, %dma_start3A_434] : memref<4x128xi32, #tpu.memory_space<vmem>> -> memref<1x128xi32, #tpu.memory_space<vmem>>
      %dma_start3A_436 = tpu.memref_squeeze %dma_start3A_435 : memref<1x128xi32, #tpu.memory_space<vmem>> -> memref<128xi32, #tpu.memory_space<vmem>>
      %dma_start3A_437 = arith.constant 0 : i32
      %dma_start3A_438 = arith.constant 0 : i32
      %dma_start3A_439 = tpu.memref_slice %arg7[%dma_start3A_437, %dma_start3A_438] : memref<100352x16xf32, #tpu.memory_space<vmem_shared>> -> memref<100352x16xf32, #tpu.memory_space<vmem_shared>>
      tpu.enqueue_indirect_dma source(%dma_start3A_433 : memref<128x16xf32, #tpu.memory_space<vmem>>) target(%dma_start3A_439 : memref<100352x16xf32, #tpu.memory_space<vmem_shared>>) offsets(%dma_start3A_436 : memref<128xi32, #tpu.memory_space<vmem>>) semaphore(%arg15 : memref<!tpu.dma_semaphore, #tpu.memory_space<semaphore_mem>>) {add = true}
      %dma_start3A_440 = arith.constant 2 : i32
      %dma_start3A_441 = arith.constant 256 : i32
      %dma_start3A_442 = arith.constant 0 : i32
      %dma_start3A_443 = tpu.memref_slice %arg13[%dma_start3A_441, %dma_start3A_442] : memref<512x16xf32, #tpu.memory_space<vmem>> -> memref<128x16xf32, #tpu.memory_space<vmem>>
      %dma_start3A_444 = arith.constant 0 : i32
      %dma_start3A_445 = tpu.memref_slice %arg11[%dma_start3A_440, %dma_start3A_444] : memref<4x128xi32, #tpu.memory_space<vmem>> -> memref<1x128xi32, #tpu.memory_space<vmem>>
      %dma_start3A_446 = tpu.memref_squeeze %dma_start3A_445 : memref<1x128xi32, #tpu.memory_space<vmem>> -> memref<128xi32, #tpu.memory_space<vmem>>
      %dma_start3A_447 = arith.constant 0 : i32
      %dma_start3A_448 = arith.constant 0 : i32
      %dma_start3A_449 = tpu.memref_slice %arg7[%dma_start3A_447, %dma_start3A_448] : memref<100352x16xf32, #tpu.memory_space<vmem_shared>> -> memref<100352x16xf32, #tpu.memory_space<vmem_shared>>
      tpu.enqueue_indirect_dma source(%dma_start3A_443 : memref<128x16xf32, #tpu.memory_space<vmem>>) target(%dma_start3A_449 : memref<100352x16xf32, #tpu.memory_space<vmem_shared>>) offsets(%dma_start3A_446 : memref<128xi32, #tpu.memory_space<vmem>>) semaphore(%arg15 : memref<!tpu.dma_semaphore, #tpu.memory_space<semaphore_mem>>) {add = true}
      %dma_start3A_450 = arith.constant 3 : i32
      %dma_start3A_451 = arith.constant 384 : i32
      %dma_start3A_452 = arith.constant 0 : i32
      %dma_start3A_453 = tpu.memref_slice %arg13[%dma_start3A_451, %dma_start3A_452] : memref<512x16xf32, #tpu.memory_space<vmem>> -> memref<128x16xf32, #tpu.memory_space<vmem>>
      %dma_start3A_454 = arith.constant 0 : i32
      %dma_start3A_455 = tpu.memref_slice %arg11[%dma_start3A_450, %dma_start3A_454] : memref<4x128xi32, #tpu.memory_space<vmem>> -> memref<1x128xi32, #tpu.memory_space<vmem>>
      %dma_start3A_456 = tpu.memref_squeeze %dma_start3A_455 : memref<1x128xi32, #tpu.memory_space<vmem>> -> memref<128xi32, #tpu.memory_space<vmem>>
      %dma_start3A_457 = arith.constant 0 : i32
      %dma_start3A_458 = arith.constant 0 : i32
      %dma_start3A_459 = tpu.memref_slice %arg7[%dma_start3A_457, %dma_start3A_458] : memref<100352x16xf32, #tpu.memory_space<vmem_shared>> -> memref<100352x16xf32, #tpu.memory_space<vmem_shared>>
      tpu.enqueue_indirect_dma source(%dma_start3A_453 : memref<128x16xf32, #tpu.memory_space<vmem>>) target(%dma_start3A_459 : memref<100352x16xf32, #tpu.memory_space<vmem_shared>>) offsets(%dma_start3A_456 : memref<128xi32, #tpu.memory_space<vmem>>) semaphore(%arg15 : memref<!tpu.dma_semaphore, #tpu.memory_space<semaphore_mem>>) {add = true}
      "tpu.region"() ({
        %run_scoped3A = tpu.sem_alloc : memref<!tpu.dma_semaphore, #tpu.memory_space<semaphore_mem>>
        %dma_start3A_516 = arith.constant 0 : i32
        %dma_start3A_517 = tpu.memref_slice %arg2[%min3A, %dma_start3A_516] : memref<12544x128xi32, #tpu.memory_space<hbm>> -> memref<4x128xi32, #tpu.memory_space<hbm>>
        %dma_start3A_518 = arith.constant 0 : i32
        %dma_start3A_519 = tpu.memref_slice %arg2[%min3A, %dma_start3A_518] : memref<12544x128xi32, #tpu.memory_space<hbm>> -> memref<4x128xi32, #tpu.memory_space<hbm>>
        tpu.enqueue_dma source(%dma_start3A_519 : memref<4x128xi32, #tpu.memory_space<hbm>>) target(%arg8 : memref<4x128xi32, #tpu.memory_space<vmem>>) target_semaphore(%run_scoped3A : memref<!tpu.dma_semaphore, #tpu.memory_space<semaphore_mem>>)
        %dma_wait3A_520 = arith.constant 0 : i32
        %dma_wait3A_521 = tpu.memref_slice %arg2[%min3A, %dma_wait3A_520] : memref<12544x128xi32, #tpu.memory_space<hbm>> -> memref<4x128xi32, #tpu.memory_space<hbm>>
        %dma_wait3A_522 = arith.constant 0 : i32
        %dma_wait3A_523 = tpu.memref_slice %arg2[%min3A, %dma_wait3A_522] : memref<12544x128xi32, #tpu.memory_space<hbm>> -> memref<4x128xi32, #tpu.memory_space<hbm>>
        tpu.wait_dma2 semaphore(%run_scoped3A : memref<!tpu.dma_semaphore, #tpu.memory_space<semaphore_mem>>) src(%dma_wait3A_523 : memref<4x128xi32, #tpu.memory_space<hbm>>) dst(%arg8 : memref<4x128xi32, #tpu.memory_space<vmem>>)
        tpu.yield
      }) : () -> ()
      "tpu.region"() ({
        %run_scoped3A = tpu.sem_alloc : memref<!tpu.dma_semaphore, #tpu.memory_space<semaphore_mem>>
        %dma_start3A_516 = arith.constant 0 : i32
        %dma_start3A_517 = tpu.memref_slice %arg3[%min3A, %dma_start3A_516] : memref<12544x128xi32, #tpu.memory_space<hbm>> -> memref<4x128xi32, #tpu.memory_space<hbm>>
        %dma_start3A_518 = arith.constant 0 : i32
        %dma_start3A_519 = tpu.memref_slice %arg3[%min3A, %dma_start3A_518] : memref<12544x128xi32, #tpu.memory_space<hbm>> -> memref<4x128xi32, #tpu.memory_space<hbm>>
        tpu.enqueue_dma source(%dma_start3A_519 : memref<4x128xi32, #tpu.memory_space<hbm>>) target(%arg9 : memref<4x128xi32, #tpu.memory_space<vmem>>) target_semaphore(%run_scoped3A : memref<!tpu.dma_semaphore, #tpu.memory_space<semaphore_mem>>)
        %dma_wait3A_520 = arith.constant 0 : i32
        %dma_wait3A_521 = tpu.memref_slice %arg3[%min3A, %dma_wait3A_520] : memref<12544x128xi32, #tpu.memory_space<hbm>> -> memref<4x128xi32, #tpu.memory_space<hbm>>
        %dma_wait3A_522 = arith.constant 0 : i32
        %dma_wait3A_523 = tpu.memref_slice %arg3[%min3A, %dma_wait3A_522] : memref<12544x128xi32, #tpu.memory_space<hbm>> -> memref<4x128xi32, #tpu.memory_space<hbm>>
        tpu.wait_dma2 semaphore(%run_scoped3A : memref<!tpu.dma_semaphore, #tpu.memory_space<semaphore_mem>>) src(%dma_wait3A_523 : memref<4x128xi32, #tpu.memory_space<hbm>>) dst(%arg9 : memref<4x128xi32, #tpu.memory_space<vmem>>)
        tpu.yield
      }) : () -> ()
      %dma_start3A_460 = arith.constant 0 : i32
      %dma_start3A_461 = arith.constant 0 : i32
      %dma_start3A_462 = arith.constant 0 : i32
      %dma_start3A_463 = tpu.memref_slice %arg12[%dma_start3A_461, %dma_start3A_462] : memref<512x16xf32, #tpu.memory_space<vmem>> -> memref<128x16xf32, #tpu.memory_space<vmem>>
      %dma_start3A_464 = arith.constant 0 : i32
      %dma_start3A_465 = tpu.memref_slice %arg8[%dma_start3A_460, %dma_start3A_464] : memref<4x128xi32, #tpu.memory_space<vmem>> -> memref<1x128xi32, #tpu.memory_space<vmem>>
      %dma_start3A_466 = tpu.memref_squeeze %dma_start3A_465 : memref<1x128xi32, #tpu.memory_space<vmem>> -> memref<128xi32, #tpu.memory_space<vmem>>
      %dma_start3A_467 = arith.constant 0 : i32
      %dma_start3A_468 = arith.constant 0 : i32
      %dma_start3A_469 = tpu.memref_slice %arg4[%arg0, %dma_start3A_467, %dma_start3A_468] : memref<2x100352x16xf32, #tpu.memory_space<hbm>> -> memref<1x100352x16xf32, #tpu.memory_space<hbm>>
      %dma_start3A_470 = tpu.memref_squeeze %dma_start3A_469 : memref<1x100352x16xf32, #tpu.memory_space<hbm>> -> memref<100352x16xf32, #tpu.memory_space<hbm>>
      %dma_start3A_471 = arith.constant 0 : i32
      %dma_start3A_472 = arith.constant 0 : i32
      %dma_start3A_473 = tpu.memref_slice %dma_start3A_470[%dma_start3A_471, %dma_start3A_472] : memref<100352x16xf32, #tpu.memory_space<hbm>> -> memref<100352x16xf32, #tpu.memory_space<hbm>>
      tpu.enqueue_indirect_dma source(%dma_start3A_473 : memref<100352x16xf32, #tpu.memory_space<hbm>>) target(%dma_start3A_463 : memref<128x16xf32, #tpu.memory_space<vmem>>) offsets(%dma_start3A_466 : memref<128xi32, #tpu.memory_space<vmem>>) semaphore(%arg14 : memref<!tpu.dma_semaphore, #tpu.memory_space<semaphore_mem>>)
      %dma_start3A_474 = arith.constant 1 : i32
      %dma_start3A_475 = arith.constant 128 : i32
      %dma_start3A_476 = arith.constant 0 : i32
      %dma_start3A_477 = tpu.memref_slice %arg12[%dma_start3A_475, %dma_start3A_476] : memref<512x16xf32, #tpu.memory_space<vmem>> -> memref<128x16xf32, #tpu.memory_space<vmem>>
      %dma_start3A_478 = arith.constant 0 : i32
      %dma_start3A_479 = tpu.memref_slice %arg8[%dma_start3A_474, %dma_start3A_478] : memref<4x128xi32, #tpu.memory_space<vmem>> -> memref<1x128xi32, #tpu.memory_space<vmem>>
      %dma_start3A_480 = tpu.memref_squeeze %dma_start3A_479 : memref<1x128xi32, #tpu.memory_space<vmem>> -> memref<128xi32, #tpu.memory_space<vmem>>
      %dma_start3A_481 = arith.constant 0 : i32
      %dma_start3A_482 = arith.constant 0 : i32
      %dma_start3A_483 = tpu.memref_slice %arg4[%arg0, %dma_start3A_481, %dma_start3A_482] : memref<2x100352x16xf32, #tpu.memory_space<hbm>> -> memref<1x100352x16xf32, #tpu.memory_space<hbm>>
      %dma_start3A_484 = tpu.memref_squeeze %dma_start3A_483 : memref<1x100352x16xf32, #tpu.memory_space<hbm>> -> memref<100352x16xf32, #tpu.memory_space<hbm>>
      %dma_start3A_485 = arith.constant 0 : i32
      %dma_start3A_486 = arith.constant 0 : i32
      %dma_start3A_487 = tpu.memref_slice %dma_start3A_484[%dma_start3A_485, %dma_start3A_486] : memref<100352x16xf32, #tpu.memory_space<hbm>> -> memref<100352x16xf32, #tpu.memory_space<hbm>>
      tpu.enqueue_indirect_dma source(%dma_start3A_487 : memref<100352x16xf32, #tpu.memory_space<hbm>>) target(%dma_start3A_477 : memref<128x16xf32, #tpu.memory_space<vmem>>) offsets(%dma_start3A_480 : memref<128xi32, #tpu.memory_space<vmem>>) semaphore(%arg14 : memref<!tpu.dma_semaphore, #tpu.memory_space<semaphore_mem>>)
      %dma_start3A_488 = arith.constant 2 : i32
      %dma_start3A_489 = arith.constant 256 : i32
      %dma_start3A_490 = arith.constant 0 : i32
      %dma_start3A_491 = tpu.memref_slice %arg12[%dma_start3A_489, %dma_start3A_490] : memref<512x16xf32, #tpu.memory_space<vmem>> -> memref<128x16xf32, #tpu.memory_space<vmem>>
      %dma_start3A_492 = arith.constant 0 : i32
      %dma_start3A_493 = tpu.memref_slice %arg8[%dma_start3A_488, %dma_start3A_492] : memref<4x128xi32, #tpu.memory_space<vmem>> -> memref<1x128xi32, #tpu.memory_space<vmem>>
      %dma_start3A_494 = tpu.memref_squeeze %dma_start3A_493 : memref<1x128xi32, #tpu.memory_space<vmem>> -> memref<128xi32, #tpu.memory_space<vmem>>
      %dma_start3A_495 = arith.constant 0 : i32
      %dma_start3A_496 = arith.constant 0 : i32
      %dma_start3A_497 = tpu.memref_slice %arg4[%arg0, %dma_start3A_495, %dma_start3A_496] : memref<2x100352x16xf32, #tpu.memory_space<hbm>> -> memref<1x100352x16xf32, #tpu.memory_space<hbm>>
      %dma_start3A_498 = tpu.memref_squeeze %dma_start3A_497 : memref<1x100352x16xf32, #tpu.memory_space<hbm>> -> memref<100352x16xf32, #tpu.memory_space<hbm>>
      %dma_start3A_499 = arith.constant 0 : i32
      %dma_start3A_500 = arith.constant 0 : i32
      %dma_start3A_501 = tpu.memref_slice %dma_start3A_498[%dma_start3A_499, %dma_start3A_500] : memref<100352x16xf32, #tpu.memory_space<hbm>> -> memref<100352x16xf32, #tpu.memory_space<hbm>>
      tpu.enqueue_indirect_dma source(%dma_start3A_501 : memref<100352x16xf32, #tpu.memory_space<hbm>>) target(%dma_start3A_491 : memref<128x16xf32, #tpu.memory_space<vmem>>) offsets(%dma_start3A_494 : memref<128xi32, #tpu.memory_space<vmem>>) semaphore(%arg14 : memref<!tpu.dma_semaphore, #tpu.memory_space<semaphore_mem>>)
      %dma_start3A_502 = arith.constant 3 : i32
      %dma_start3A_503 = arith.constant 384 : i32
      %dma_start3A_504 = arith.constant 0 : i32
      %dma_start3A_505 = tpu.memref_slice %arg12[%dma_start3A_503, %dma_start3A_504] : memref<512x16xf32, #tpu.memory_space<vmem>> -> memref<128x16xf32, #tpu.memory_space<vmem>>
      %dma_start3A_506 = arith.constant 0 : i32
      %dma_start3A_507 = tpu.memref_slice %arg8[%dma_start3A_502, %dma_start3A_506] : memref<4x128xi32, #tpu.memory_space<vmem>> -> memref<1x128xi32, #tpu.memory_space<vmem>>
      %dma_start3A_508 = tpu.memref_squeeze %dma_start3A_507 : memref<1x128xi32, #tpu.memory_space<vmem>> -> memref<128xi32, #tpu.memory_space<vmem>>
      %dma_start3A_509 = arith.constant 0 : i32
      %dma_start3A_510 = arith.constant 0 : i32
      %dma_start3A_511 = tpu.memref_slice %arg4[%arg0, %dma_start3A_509, %dma_start3A_510] : memref<2x100352x16xf32, #tpu.memory_space<hbm>> -> memref<1x100352x16xf32, #tpu.memory_space<hbm>>
      %dma_start3A_512 = tpu.memref_squeeze %dma_start3A_511 : memref<1x100352x16xf32, #tpu.memory_space<hbm>> -> memref<100352x16xf32, #tpu.memory_space<hbm>>
      %dma_start3A_513 = arith.constant 0 : i32
      %dma_start3A_514 = arith.constant 0 : i32
      %dma_start3A_515 = tpu.memref_slice %dma_start3A_512[%dma_start3A_513, %dma_start3A_514] : memref<100352x16xf32, #tpu.memory_space<hbm>> -> memref<100352x16xf32, #tpu.memory_space<hbm>>
      tpu.enqueue_indirect_dma source(%dma_start3A_515 : memref<100352x16xf32, #tpu.memory_space<hbm>>) target(%dma_start3A_505 : memref<128x16xf32, #tpu.memory_space<vmem>>) offsets(%dma_start3A_508 : memref<128xi32, #tpu.memory_space<vmem>>) semaphore(%arg14 : memref<!tpu.dma_semaphore, #tpu.memory_space<semaphore_mem>>)
    }
    %scan3A_63 = arith.constant 98 : i32
    %dma_wait3A = arith.constant 0 : i32
    %dma_wait3A_64 = arith.constant 0 : i32
    %dma_wait3A_65 = arith.constant 0 : i32
    %dma_wait3A_66 = tpu.memref_slice %arg12[%dma_wait3A_64, %dma_wait3A_65] : memref<512x16xf32, #tpu.memory_space<vmem>> -> memref<128x16xf32, #tpu.memory_space<vmem>>
    %dma_wait3A_67 = arith.constant 0 : i32
    %dma_wait3A_68 = tpu.memref_slice %arg8[%dma_wait3A, %dma_wait3A_67] : memref<4x128xi32, #tpu.memory_space<vmem>> -> memref<1x128xi32, #tpu.memory_space<vmem>>
    %dma_wait3A_69 = tpu.memref_squeeze %dma_wait3A_68 : memref<1x128xi32, #tpu.memory_space<vmem>> -> memref<128xi32, #tpu.memory_space<vmem>>
    %dma_wait3A_70 = arith.constant 0 : i32
    %dma_wait3A_71 = arith.constant 0 : i32
    %dma_wait3A_72 = tpu.memref_slice %arg4[%arg0, %dma_wait3A_70, %dma_wait3A_71] : memref<2x100352x16xf32, #tpu.memory_space<hbm>> -> memref<1x100352x16xf32, #tpu.memory_space<hbm>>
    %dma_wait3A_73 = tpu.memref_squeeze %dma_wait3A_72 : memref<1x100352x16xf32, #tpu.memory_space<hbm>> -> memref<100352x16xf32, #tpu.memory_space<hbm>>
    %dma_wait3A_74 = arith.constant 0 : i32
    %dma_wait3A_75 = arith.constant 0 : i32
    %dma_wait3A_76 = tpu.memref_slice %dma_wait3A_73[%dma_wait3A_74, %dma_wait3A_75] : memref<100352x16xf32, #tpu.memory_space<hbm>> -> memref<100352x16xf32, #tpu.memory_space<hbm>>
    tpu.wait_indirect_dma semaphore(%arg14 : memref<!tpu.dma_semaphore, #tpu.memory_space<semaphore_mem>>) src(%dma_wait3A_76 : memref<100352x16xf32, #tpu.memory_space<hbm>>) dst(%dma_wait3A_66 : memref<128x16xf32, #tpu.memory_space<vmem>>)
    %dma_wait3A_77 = arith.constant 1 : i32
    %dma_wait3A_78 = arith.constant 128 : i32
    %dma_wait3A_79 = arith.constant 0 : i32
    %dma_wait3A_80 = tpu.memref_slice %arg12[%dma_wait3A_78, %dma_wait3A_79] : memref<512x16xf32, #tpu.memory_space<vmem>> -> memref<128x16xf32, #tpu.memory_space<vmem>>
    %dma_wait3A_81 = arith.constant 0 : i32
    %dma_wait3A_82 = tpu.memref_slice %arg8[%dma_wait3A_77, %dma_wait3A_81] : memref<4x128xi32, #tpu.memory_space<vmem>> -> memref<1x128xi32, #tpu.memory_space<vmem>>
    %dma_wait3A_83 = tpu.memref_squeeze %dma_wait3A_82 : memref<1x128xi32, #tpu.memory_space<vmem>> -> memref<128xi32, #tpu.memory_space<vmem>>
    %dma_wait3A_84 = arith.constant 0 : i32
    %dma_wait3A_85 = arith.constant 0 : i32
    %dma_wait3A_86 = tpu.memref_slice %arg4[%arg0, %dma_wait3A_84, %dma_wait3A_85] : memref<2x100352x16xf32, #tpu.memory_space<hbm>> -> memref<1x100352x16xf32, #tpu.memory_space<hbm>>
    %dma_wait3A_87 = tpu.memref_squeeze %dma_wait3A_86 : memref<1x100352x16xf32, #tpu.memory_space<hbm>> -> memref<100352x16xf32, #tpu.memory_space<hbm>>
    %dma_wait3A_88 = arith.constant 0 : i32
    %dma_wait3A_89 = arith.constant 0 : i32
    %dma_wait3A_90 = tpu.memref_slice %dma_wait3A_87[%dma_wait3A_88, %dma_wait3A_89] : memref<100352x16xf32, #tpu.memory_space<hbm>> -> memref<100352x16xf32, #tpu.memory_space<hbm>>
    tpu.wait_indirect_dma semaphore(%arg14 : memref<!tpu.dma_semaphore, #tpu.memory_space<semaphore_mem>>) src(%dma_wait3A_90 : memref<100352x16xf32, #tpu.memory_space<hbm>>) dst(%dma_wait3A_80 : memref<128x16xf32, #tpu.memory_space<vmem>>)
    %dma_wait3A_91 = arith.constant 2 : i32
    %dma_wait3A_92 = arith.constant 256 : i32
    %dma_wait3A_93 = arith.constant 0 : i32
    %dma_wait3A_94 = tpu.memref_slice %arg12[%dma_wait3A_92, %dma_wait3A_93] : memref<512x16xf32, #tpu.memory_space<vmem>> -> memref<128x16xf32, #tpu.memory_space<vmem>>
    %dma_wait3A_95 = arith.constant 0 : i32
    %dma_wait3A_96 = tpu.memref_slice %arg8[%dma_wait3A_91, %dma_wait3A_95] : memref<4x128xi32, #tpu.memory_space<vmem>> -> memref<1x128xi32, #tpu.memory_space<vmem>>
    %dma_wait3A_97 = tpu.memref_squeeze %dma_wait3A_96 : memref<1x128xi32, #tpu.memory_space<vmem>> -> memref<128xi32, #tpu.memory_space<vmem>>
    %dma_wait3A_98 = arith.constant 0 : i32
    %dma_wait3A_99 = arith.constant 0 : i32
    %dma_wait3A_100 = tpu.memref_slice %arg4[%arg0, %dma_wait3A_98, %dma_wait3A_99] : memref<2x100352x16xf32, #tpu.memory_space<hbm>> -> memref<1x100352x16xf32, #tpu.memory_space<hbm>>
    %dma_wait3A_101 = tpu.memref_squeeze %dma_wait3A_100 : memref<1x100352x16xf32, #tpu.memory_space<hbm>> -> memref<100352x16xf32, #tpu.memory_space<hbm>>
    %dma_wait3A_102 = arith.constant 0 : i32
    %dma_wait3A_103 = arith.constant 0 : i32
    %dma_wait3A_104 = tpu.memref_slice %dma_wait3A_101[%dma_wait3A_102, %dma_wait3A_103] : memref<100352x16xf32, #tpu.memory_space<hbm>> -> memref<100352x16xf32, #tpu.memory_space<hbm>>
    tpu.wait_indirect_dma semaphore(%arg14 : memref<!tpu.dma_semaphore, #tpu.memory_space<semaphore_mem>>) src(%dma_wait3A_104 : memref<100352x16xf32, #tpu.memory_space<hbm>>) dst(%dma_wait3A_94 : memref<128x16xf32, #tpu.memory_space<vmem>>)
    %dma_wait3A_105 = arith.constant 3 : i32
    %dma_wait3A_106 = arith.constant 384 : i32
    %dma_wait3A_107 = arith.constant 0 : i32
    %dma_wait3A_108 = tpu.memref_slice %arg12[%dma_wait3A_106, %dma_wait3A_107] : memref<512x16xf32, #tpu.memory_space<vmem>> -> memref<128x16xf32, #tpu.memory_space<vmem>>
    %dma_wait3A_109 = arith.constant 0 : i32
    %dma_wait3A_110 = tpu.memref_slice %arg8[%dma_wait3A_105, %dma_wait3A_109] : memref<4x128xi32, #tpu.memory_space<vmem>> -> memref<1x128xi32, #tpu.memory_space<vmem>>
    %dma_wait3A_111 = tpu.memref_squeeze %dma_wait3A_110 : memref<1x128xi32, #tpu.memory_space<vmem>> -> memref<128xi32, #tpu.memory_space<vmem>>
    %dma_wait3A_112 = arith.constant 0 : i32
    %dma_wait3A_113 = arith.constant 0 : i32
    %dma_wait3A_114 = tpu.memref_slice %arg4[%arg0, %dma_wait3A_112, %dma_wait3A_113] : memref<2x100352x16xf32, #tpu.memory_space<hbm>> -> memref<1x100352x16xf32, #tpu.memory_space<hbm>>
    %dma_wait3A_115 = tpu.memref_squeeze %dma_wait3A_114 : memref<1x100352x16xf32, #tpu.memory_space<hbm>> -> memref<100352x16xf32, #tpu.memory_space<hbm>>
    %dma_wait3A_116 = arith.constant 0 : i32
    %dma_wait3A_117 = arith.constant 0 : i32
    %dma_wait3A_118 = tpu.memref_slice %dma_wait3A_115[%dma_wait3A_116, %dma_wait3A_117] : memref<100352x16xf32, #tpu.memory_space<hbm>> -> memref<100352x16xf32, #tpu.memory_space<hbm>>
    tpu.wait_indirect_dma semaphore(%arg14 : memref<!tpu.dma_semaphore, #tpu.memory_space<semaphore_mem>>) src(%dma_wait3A_118 : memref<100352x16xf32, #tpu.memory_space<hbm>>) dst(%dma_wait3A_108 : memref<128x16xf32, #tpu.memory_space<vmem>>)
    %dma_wait3A_119 = arith.constant 0 : i32
    %dma_wait3A_120 = arith.constant 0 : i32
    %dma_wait3A_121 = arith.constant 0 : i32
    %dma_wait3A_122 = tpu.memref_slice %arg13[%dma_wait3A_120, %dma_wait3A_121] : memref<512x16xf32, #tpu.memory_space<vmem>> -> memref<128x16xf32, #tpu.memory_space<vmem>>
    %dma_wait3A_123 = arith.constant 0 : i32
    %dma_wait3A_124 = tpu.memref_slice %arg11[%dma_wait3A_119, %dma_wait3A_123] : memref<4x128xi32, #tpu.memory_space<vmem>> -> memref<1x128xi32, #tpu.memory_space<vmem>>
    %dma_wait3A_125 = tpu.memref_squeeze %dma_wait3A_124 : memref<1x128xi32, #tpu.memory_space<vmem>> -> memref<128xi32, #tpu.memory_space<vmem>>
    %dma_wait3A_126 = arith.constant 0 : i32
    %dma_wait3A_127 = arith.constant 0 : i32
    %dma_wait3A_128 = tpu.memref_slice %arg7[%dma_wait3A_126, %dma_wait3A_127] : memref<100352x16xf32, #tpu.memory_space<vmem_shared>> -> memref<100352x16xf32, #tpu.memory_space<vmem_shared>>
    tpu.wait_indirect_dma semaphore(%arg15 : memref<!tpu.dma_semaphore, #tpu.memory_space<semaphore_mem>>) src(%dma_wait3A_122 : memref<128x16xf32, #tpu.memory_space<vmem>>) dst(%dma_wait3A_128 : memref<100352x16xf32, #tpu.memory_space<vmem_shared>>)
    %dma_wait3A_129 = arith.constant 1 : i32
    %dma_wait3A_130 = arith.constant 128 : i32
    %dma_wait3A_131 = arith.constant 0 : i32
    %dma_wait3A_132 = tpu.memref_slice %arg13[%dma_wait3A_130, %dma_wait3A_131] : memref<512x16xf32, #tpu.memory_space<vmem>> -> memref<128x16xf32, #tpu.memory_space<vmem>>
    %dma_wait3A_133 = arith.constant 0 : i32
    %dma_wait3A_134 = tpu.memref_slice %arg11[%dma_wait3A_129, %dma_wait3A_133] : memref<4x128xi32, #tpu.memory_space<vmem>> -> memref<1x128xi32, #tpu.memory_space<vmem>>
    %dma_wait3A_135 = tpu.memref_squeeze %dma_wait3A_134 : memref<1x128xi32, #tpu.memory_space<vmem>> -> memref<128xi32, #tpu.memory_space<vmem>>
    %dma_wait3A_136 = arith.constant 0 : i32
    %dma_wait3A_137 = arith.constant 0 : i32
    %dma_wait3A_138 = tpu.memref_slice %arg7[%dma_wait3A_136, %dma_wait3A_137] : memref<100352x16xf32, #tpu.memory_space<vmem_shared>> -> memref<100352x16xf32, #tpu.memory_space<vmem_shared>>
    tpu.wait_indirect_dma semaphore(%arg15 : memref<!tpu.dma_semaphore, #tpu.memory_space<semaphore_mem>>) src(%dma_wait3A_132 : memref<128x16xf32, #tpu.memory_space<vmem>>) dst(%dma_wait3A_138 : memref<100352x16xf32, #tpu.memory_space<vmem_shared>>)
    %dma_wait3A_139 = arith.constant 2 : i32
    %dma_wait3A_140 = arith.constant 256 : i32
    %dma_wait3A_141 = arith.constant 0 : i32
    %dma_wait3A_142 = tpu.memref_slice %arg13[%dma_wait3A_140, %dma_wait3A_141] : memref<512x16xf32, #tpu.memory_space<vmem>> -> memref<128x16xf32, #tpu.memory_space<vmem>>
    %dma_wait3A_143 = arith.constant 0 : i32
    %dma_wait3A_144 = tpu.memref_slice %arg11[%dma_wait3A_139, %dma_wait3A_143] : memref<4x128xi32, #tpu.memory_space<vmem>> -> memref<1x128xi32, #tpu.memory_space<vmem>>
    %dma_wait3A_145 = tpu.memref_squeeze %dma_wait3A_144 : memref<1x128xi32, #tpu.memory_space<vmem>> -> memref<128xi32, #tpu.memory_space<vmem>>
    %dma_wait3A_146 = arith.constant 0 : i32
    %dma_wait3A_147 = arith.constant 0 : i32
    %dma_wait3A_148 = tpu.memref_slice %arg7[%dma_wait3A_146, %dma_wait3A_147] : memref<100352x16xf32, #tpu.memory_space<vmem_shared>> -> memref<100352x16xf32, #tpu.memory_space<vmem_shared>>
    tpu.wait_indirect_dma semaphore(%arg15 : memref<!tpu.dma_semaphore, #tpu.memory_space<semaphore_mem>>) src(%dma_wait3A_142 : memref<128x16xf32, #tpu.memory_space<vmem>>) dst(%dma_wait3A_148 : memref<100352x16xf32, #tpu.memory_space<vmem_shared>>)
    %dma_wait3A_149 = arith.constant 3 : i32
    %dma_wait3A_150 = arith.constant 384 : i32
    %dma_wait3A_151 = arith.constant 0 : i32
    %dma_wait3A_152 = tpu.memref_slice %arg13[%dma_wait3A_150, %dma_wait3A_151] : memref<512x16xf32, #tpu.memory_space<vmem>> -> memref<128x16xf32, #tpu.memory_space<vmem>>
    %dma_wait3A_153 = arith.constant 0 : i32
    %dma_wait3A_154 = tpu.memref_slice %arg11[%dma_wait3A_149, %dma_wait3A_153] : memref<4x128xi32, #tpu.memory_space<vmem>> -> memref<1x128xi32, #tpu.memory_space<vmem>>
    %dma_wait3A_155 = tpu.memref_squeeze %dma_wait3A_154 : memref<1x128xi32, #tpu.memory_space<vmem>> -> memref<128xi32, #tpu.memory_space<vmem>>
    %dma_wait3A_156 = arith.constant 0 : i32
    %dma_wait3A_157 = arith.constant 0 : i32
    %dma_wait3A_158 = tpu.memref_slice %arg7[%dma_wait3A_156, %dma_wait3A_157] : memref<100352x16xf32, #tpu.memory_space<vmem_shared>> -> memref<100352x16xf32, #tpu.memory_space<vmem_shared>>
    tpu.wait_indirect_dma semaphore(%arg15 : memref<!tpu.dma_semaphore, #tpu.memory_space<semaphore_mem>>) src(%dma_wait3A_152 : memref<128x16xf32, #tpu.memory_space<vmem>>) dst(%dma_wait3A_158 : memref<100352x16xf32, #tpu.memory_space<vmem_shared>>)
    %barrier3A_159 = arith.constant 0 : index
    tpu.barrier barrier_id(%barrier3A_159)
    "tpu.region"() ({
      %run_scoped3A = tpu.sem_alloc : memref<!tpu.dma_semaphore, #tpu.memory_space<semaphore_mem>>
      %dma_start3A_160 = arith.constant 0 : i32
      %dma_start3A_161 = tpu.memref_slice %arg6[%arg0, %mul3A_0, %dma_start3A_160] : memref<2x100352x16xf32, #tpu.memory_space<hbm>> -> memref<1x6272x16xf32, #tpu.memory_space<hbm>>
      %dma_start3A_162 = tpu.memref_squeeze %dma_start3A_161 : memref<1x6272x16xf32, #tpu.memory_space<hbm>> -> memref<6272x16xf32, #tpu.memory_space<hbm>>
      %dma_start3A_163 = arith.constant 0 : i32
      %dma_start3A_164 = tpu.memref_slice %arg7[%mul3A_0, %dma_start3A_163] : memref<100352x16xf32, #tpu.memory_space<vmem_shared>> -> memref<6272x16xf32, #tpu.memory_space<vmem_shared>>
      tpu.enqueue_dma source(%dma_start3A_164 : memref<6272x16xf32, #tpu.memory_space<vmem_shared>>) target(%dma_start3A_162 : memref<6272x16xf32, #tpu.memory_space<hbm>>) target_semaphore(%run_scoped3A : memref<!tpu.dma_semaphore, #tpu.memory_space<semaphore_mem>>)
      %dma_wait3A_165 = arith.constant 0 : i32
      %dma_wait3A_166 = tpu.memref_slice %arg6[%arg0, %mul3A_0, %dma_wait3A_165] : memref<2x100352x16xf32, #tpu.memory_space<hbm>> -> memref<1x6272x16xf32, #tpu.memory_space<hbm>>
      %dma_wait3A_167 = tpu.memref_squeeze %dma_wait3A_166 : memref<1x6272x16xf32, #tpu.memory_space<hbm>> -> memref<6272x16xf32, #tpu.memory_space<hbm>>
      %dma_wait3A_168 = arith.constant 0 : i32
      %dma_wait3A_169 = tpu.memref_slice %arg7[%mul3A_0, %dma_wait3A_168] : memref<100352x16xf32, #tpu.memory_space<vmem_shared>> -> memref<6272x16xf32, #tpu.memory_space<vmem_shared>>
      tpu.wait_dma2 semaphore(%run_scoped3A : memref<!tpu.dma_semaphore, #tpu.memory_space<semaphore_mem>>) src(%dma_wait3A_169 : memref<6272x16xf32, #tpu.memory_space<vmem_shared>>) dst(%dma_wait3A_167 : memref<6272x16xf32, #tpu.memory_space<hbm>>)
      tpu.yield
    }) : () -> ()
    return
  }
}

module attributes {stable_mosaic.version = 14 : i64} {
  func.func @body(%arg0: i32, %arg1: memref<2x784x128xf32, #tpu.memory_space<vmem>>, %arg2: memref<128x128xf32, #tpu.memory_space<vmem>>, %arg3: memref<128x128xf32, #tpu.memory_space<vmem>>, %arg4: memref<128x128xf32, #tpu.memory_space<vmem>>, %arg5: memref<1x128xf32, #tpu.memory_space<vmem>>, %arg6: memref<1x128xf32, #tpu.memory_space<vmem>>, %arg7: memref<2x784x128xf32, #tpu.memory_space<vmem>>) attributes {dimension_semantics = [#tpu.dimension_semantics<arbitrary>], iteration_bounds = array<i64: 16>, scalar_prefetch = 0 : i64, scratch_operands = 0 : i64, tpu.core_type = #tpu.core_type<tc>, window_params = [{transform_indices = @transform_0, window_bounds = array<i64: 2, 784, 128>}, {pipeline_mode = #tpu.pipeline_mode<synchronous>, transform_indices = @transform_1, window_bounds = array<i64: 128, 128>}, {pipeline_mode = #tpu.pipeline_mode<synchronous>, transform_indices = @transform_2, window_bounds = array<i64: 128, 128>}, {pipeline_mode = #tpu.pipeline_mode<synchronous>, transform_indices = @transform_3, window_bounds = array<i64: 128, 128>}, {pipeline_mode = #tpu.pipeline_mode<synchronous>, transform_indices = @transform_4, window_bounds = array<i64: 1, 128>}, {pipeline_mode = #tpu.pipeline_mode<synchronous>, transform_indices = @transform_5, window_bounds = array<i64: 1, 128>}, {transform_indices = @transform_6, window_bounds = array<i64: 2, 784, 128>}]} {
    %get3A = arith.constant 0 : index
    %get3A_0 = arith.constant 0 : index
    %get3A_1 = arith.constant 0 : index
    %get3A_2 = vector.load %arg1[%get3A, %get3A_0, %get3A_1] : memref<2x784x128xf32, #tpu.memory_space<vmem>>, vector<1x784x128xf32>
    %get3A_3 = vector.shape_cast %get3A_2 : vector<1x784x128xf32> to vector<784x128xf32>
    %get3A_4 = arith.constant 1 : index
    %get3A_5 = arith.constant 0 : index
    %get3A_6 = arith.constant 0 : index
    %get3A_7 = vector.load %arg1[%get3A_4, %get3A_5, %get3A_6] : memref<2x784x128xf32, #tpu.memory_space<vmem>>, vector<1x784x128xf32>
    %get3A_8 = vector.shape_cast %get3A_7 : vector<1x784x128xf32> to vector<784x128xf32>
    %add3A = arith.addf %get3A_3, %get3A_8 : vector<784x128xf32>
    %max3A = arith.constant 1.000000e+00 : f32
    %max3A_9 = vector.broadcast %max3A : f32 to vector<784x128xf32>
    %max3A_10 = arith.maximumf %add3A, %max3A_9 : vector<784x128xf32>
    %div3A = arith.constant 1.000000e+00 : f32
    %div3A_11 = vector.broadcast %div3A : f32 to vector<784x128xf32>
    %div3A_12 = arith.divf %div3A_11, %max3A_10 : vector<784x128xf32>
    %get3A_13 = arith.constant 0 : index
    %get3A_14 = arith.constant 0 : index
    %get3A_15 = vector.load %arg2[%get3A_13, %get3A_14] : memref<128x128xf32, #tpu.memory_space<vmem>>, vector<128x128xf32>
    %dot_general3A = arith.constant dense<0.000000e+00> : vector<784x128xf32>
    %dot_general3A_16 = tpu.matmul %div3A_12, %get3A_15, %dot_general3A {dimension_numbers = #tpu.dot_dimension_numbers<[1], [0], [0], [1], [0, 0, 1, 1], [], []>, transpose_lhs_hint = false} : vector<784x128xf32>, vector<128x128xf32>, vector<784x128xf32> -> vector<784x128xf32>
    %mul3A = arith.mulf %add3A, %dot_general3A_16 : vector<784x128xf32>
    %get3A_17 = arith.constant 0 : index
    %get3A_18 = arith.constant 0 : index
    %get3A_19 = vector.load %arg3[%get3A_17, %get3A_18] : memref<128x128xf32, #tpu.memory_space<vmem>>, vector<128x128xf32>
    %dot_general3A_20 = arith.constant dense<0.000000e+00> : vector<784x128xf32>
    %dot_general3A_21 = tpu.matmul %mul3A, %get3A_19, %dot_general3A_20 {dimension_numbers = #tpu.dot_dimension_numbers<[1], [0], [0], [1], [0, 0, 1, 1], [], []>, transpose_lhs_hint = false} : vector<784x128xf32>, vector<128x128xf32>, vector<784x128xf32> -> vector<784x128xf32>
    %get3A_22 = arith.constant 0 : index
    %get3A_23 = arith.constant 0 : index
    %get3A_24 = vector.load %arg5[%get3A_22, %get3A_23] : memref<1x128xf32, #tpu.memory_space<vmem>>, vector<1x128xf32>
    %add3A_25 = vector.broadcast %get3A_24 : vector<1x128xf32> to vector<784x128xf32>
    %add3A_26 = arith.addf %dot_general3A_21, %add3A_25 : vector<784x128xf32>
    %max3A_27 = arith.constant 0.000000e+00 : f32
    %max3A_28 = vector.broadcast %max3A_27 : f32 to vector<784x128xf32>
    %max3A_29 = arith.maximumf %add3A_26, %max3A_28 : vector<784x128xf32>
    %swap3A = arith.constant 0 : index
    %swap3A_30 = arith.constant 0 : index
    %swap3A_31 = arith.constant 0 : index
    %swap3A_32 = vector.load %arg7[%swap3A, %swap3A_30, %swap3A_31] : memref<2x784x128xf32, #tpu.memory_space<vmem>>, vector<1x784x128xf32>
    %swap3A_33 = vector.shape_cast %swap3A_32 : vector<1x784x128xf32> to vector<784x128xf32>
    %swap3A_34 = vector.shape_cast %max3A_29 : vector<784x128xf32> to vector<1x784x128xf32>
    tpu.vector_store %arg7[%swap3A, %swap3A_30, %swap3A_31], %swap3A_34 {strides = array<i32>} : memref<2x784x128xf32, #tpu.memory_space<vmem>>, vector<1x784x128xf32>,
    %get3A_35 = arith.constant 0 : index
    %get3A_36 = arith.constant 0 : index
    %get3A_37 = vector.load %arg4[%get3A_35, %get3A_36] : memref<128x128xf32, #tpu.memory_space<vmem>>, vector<128x128xf32>
    %dot_general3A_38 = arith.constant dense<0.000000e+00> : vector<784x128xf32>
    %dot_general3A_39 = tpu.matmul %mul3A, %get3A_37, %dot_general3A_38 {dimension_numbers = #tpu.dot_dimension_numbers<[1], [0], [0], [1], [0, 0, 1, 1], [], []>, transpose_lhs_hint = false} : vector<784x128xf32>, vector<128x128xf32>, vector<784x128xf32> -> vector<784x128xf32>
    %get3A_40 = arith.constant 0 : index
    %get3A_41 = arith.constant 0 : index
    %get3A_42 = vector.load %arg6[%get3A_40, %get3A_41] : memref<1x128xf32, #tpu.memory_space<vmem>>, vector<1x128xf32>
    %add3A_43 = vector.broadcast %get3A_42 : vector<1x128xf32> to vector<784x128xf32>
    %add3A_44 = arith.addf %dot_general3A_39, %add3A_43 : vector<784x128xf32>
    %max3A_45 = arith.constant 0.000000e+00 : f32
    %max3A_46 = vector.broadcast %max3A_45 : f32 to vector<784x128xf32>
    %max3A_47 = arith.maximumf %add3A_44, %max3A_46 : vector<784x128xf32>
    %swap3A_48 = arith.constant 1 : index
    %swap3A_49 = arith.constant 0 : index
    %swap3A_50 = arith.constant 0 : index
    %swap3A_51 = vector.load %arg7[%swap3A_48, %swap3A_49, %swap3A_50] : memref<2x784x128xf32, #tpu.memory_space<vmem>>, vector<1x784x128xf32>
    %swap3A_52 = vector.shape_cast %swap3A_51 : vector<1x784x128xf32> to vector<784x128xf32>
    %swap3A_53 = vector.shape_cast %max3A_47 : vector<784x128xf32> to vector<1x784x128xf32>
    tpu.vector_store %arg7[%swap3A_48, %swap3A_49, %swap3A_50], %swap3A_53 {strides = array<i32>} : memref<2x784x128xf32, #tpu.memory_space<vmem>>, vector<1x784x128xf32>,
    return
  }
  func.func @transform_0(%arg0: i32) -> (i32, i32, i32) {
    %c0_i32 = arith.constant 0 : i32
    %c0_i32_0 = arith.constant 0 : i32
    %c0_i32_1 = arith.constant 0 : i32
    return %c0_i32, %arg0, %c0_i32_0 : i32, i32, i32
  }
  func.func @transform_1(%arg0: i32) -> (i32, i32) {
    %c0_i32 = arith.constant 0 : i32
    %c0_i32_0 = arith.constant 0 : i32
    %c0_i32_1 = arith.constant 0 : i32
    return %c0_i32, %c0_i32_0 : i32, i32
  }
  func.func @transform_2(%arg0: i32) -> (i32, i32) {
    %c0_i32 = arith.constant 0 : i32
    %c0_i32_0 = arith.constant 0 : i32
    %c0_i32_1 = arith.constant 0 : i32
    return %c0_i32, %c0_i32_0 : i32, i32
  }
  func.func @transform_3(%arg0: i32) -> (i32, i32) {
    %c0_i32 = arith.constant 0 : i32
    %c0_i32_0 = arith.constant 0 : i32
    %c0_i32_1 = arith.constant 0 : i32
    return %c0_i32, %c0_i32_0 : i32, i32
  }
  func.func @transform_4(%arg0: i32) -> (i32, i32) {
    %c0_i32 = arith.constant 0 : i32
    %c0_i32_0 = arith.constant 0 : i32
    %c0_i32_1 = arith.constant 0 : i32
    return %c0_i32, %c0_i32_0 : i32, i32
  }
  func.func @transform_5(%arg0: i32) -> (i32, i32) {
    %c0_i32 = arith.constant 0 : i32
    %c0_i32_0 = arith.constant 0 : i32
    %c0_i32_1 = arith.constant 0 : i32
    return %c0_i32, %c0_i32_0 : i32, i32
  }
  func.func @transform_6(%arg0: i32) -> (i32, i32, i32) {
    %c0_i32 = arith.constant 0 : i32
    %c0_i32_0 = arith.constant 0 : i32
    %c0_i32_1 = arith.constant 0 : i32
    return %c0_i32, %arg0, %c0_i32_0 : i32, i32, i32
  }
}

module attributes {stable_mosaic.version = 14 : i64} {
  func.func @body(%arg0: i32, %arg1: memref<2x784x128xf32, #tpu.memory_space<vmem>>, %arg2: memref<2x784x128xf32, #tpu.memory_space<vmem>>, %arg3: memref<128x128xf32, #tpu.memory_space<vmem>>, %arg4: memref<128x128xf32, #tpu.memory_space<vmem>>, %arg5: memref<128x128xf32, #tpu.memory_space<vmem>>, %arg6: memref<128x128xf32, #tpu.memory_space<vmem>>, %arg7: memref<128x128xf32, #tpu.memory_space<vmem>>, %arg8: memref<1x128xf32, #tpu.memory_space<vmem>>, %arg9: memref<1x128xf32, #tpu.memory_space<vmem>>, %arg10: memref<2x784x128xf32, #tpu.memory_space<vmem>>) attributes {dimension_semantics = [#tpu.dimension_semantics<arbitrary>], iteration_bounds = array<i64: 16>, scalar_prefetch = 0 : i64, scratch_operands = 0 : i64, tpu.core_type = #tpu.core_type<tc>, window_params = [{transform_indices = @transform_0, window_bounds = array<i64: 2, 784, 128>}, {transform_indices = @transform_1, window_bounds = array<i64: 2, 784, 128>}, {pipeline_mode = #tpu.pipeline_mode<synchronous>, transform_indices = @transform_2, window_bounds = array<i64: 128, 128>}, {pipeline_mode = #tpu.pipeline_mode<synchronous>, transform_indices = @transform_3, window_bounds = array<i64: 128, 128>}, {pipeline_mode = #tpu.pipeline_mode<synchronous>, transform_indices = @transform_4, window_bounds = array<i64: 128, 128>}, {pipeline_mode = #tpu.pipeline_mode<synchronous>, transform_indices = @transform_5, window_bounds = array<i64: 128, 128>}, {pipeline_mode = #tpu.pipeline_mode<synchronous>, transform_indices = @transform_6, window_bounds = array<i64: 128, 128>}, {pipeline_mode = #tpu.pipeline_mode<synchronous>, transform_indices = @transform_7, window_bounds = array<i64: 1, 128>}, {pipeline_mode = #tpu.pipeline_mode<synchronous>, transform_indices = @transform_8, window_bounds = array<i64: 1, 128>}, {transform_indices = @transform_9, window_bounds = array<i64: 2, 784, 128>}]} {
    %get3A = arith.constant 0 : index
    %get3A_0 = arith.constant 0 : index
    %get3A_1 = arith.constant 0 : index
    %get3A_2 = vector.load %arg2[%get3A, %get3A_0, %get3A_1] : memref<2x784x128xf32, #tpu.memory_space<vmem>>, vector<1x784x128xf32>
    %get3A_3 = vector.shape_cast %get3A_2 : vector<1x784x128xf32> to vector<784x128xf32>
    %get3A_4 = arith.constant 1 : index
    %get3A_5 = arith.constant 0 : index
    %get3A_6 = arith.constant 0 : index
    %get3A_7 = vector.load %arg2[%get3A_4, %get3A_5, %get3A_6] : memref<2x784x128xf32, #tpu.memory_space<vmem>>, vector<1x784x128xf32>
    %get3A_8 = vector.shape_cast %get3A_7 : vector<1x784x128xf32> to vector<784x128xf32>
    %add3A = arith.addf %get3A_3, %get3A_8 : vector<784x128xf32>
    %max3A = arith.constant 1.000000e+00 : f32
    %max3A_9 = vector.broadcast %max3A : f32 to vector<784x128xf32>
    %max3A_10 = arith.maximumf %add3A, %max3A_9 : vector<784x128xf32>
    %div3A = arith.constant 1.000000e+00 : f32
    %div3A_11 = vector.broadcast %div3A : f32 to vector<784x128xf32>
    %div3A_12 = arith.divf %div3A_11, %max3A_10 : vector<784x128xf32>
    %get3A_13 = arith.constant 0 : index
    %get3A_14 = arith.constant 0 : index
    %get3A_15 = vector.load %arg3[%get3A_13, %get3A_14] : memref<128x128xf32, #tpu.memory_space<vmem>>, vector<128x128xf32>
    %dot_general3A = arith.constant dense<0.000000e+00> : vector<784x128xf32>
    %dot_general3A_16 = tpu.matmul %div3A_12, %get3A_15, %dot_general3A {dimension_numbers = #tpu.dot_dimension_numbers<[1], [0], [0], [1], [0, 0, 1, 1], [], []>, transpose_lhs_hint = false} : vector<784x128xf32>, vector<128x128xf32>, vector<784x128xf32> -> vector<784x128xf32>
    %get3A_17 = arith.constant 0 : index
    %get3A_18 = arith.constant 0 : index
    %get3A_19 = arith.constant 0 : index
    %get3A_20 = vector.load %arg1[%get3A_17, %get3A_18, %get3A_19] : memref<2x784x128xf32, #tpu.memory_space<vmem>>, vector<1x784x128xf32>
    %get3A_21 = vector.shape_cast %get3A_20 : vector<1x784x128xf32> to vector<784x128xf32>
    %mul3A = arith.mulf %get3A_21, %dot_general3A_16 : vector<784x128xf32>
    %get3A_22 = arith.constant 1 : index
    %get3A_23 = arith.constant 0 : index
    %get3A_24 = arith.constant 0 : index
    %get3A_25 = vector.load %arg1[%get3A_22, %get3A_23, %get3A_24] : memref<2x784x128xf32, #tpu.memory_space<vmem>>, vector<1x784x128xf32>
    %get3A_26 = vector.shape_cast %get3A_25 : vector<1x784x128xf32> to vector<784x128xf32>
    %mul3A_27 = arith.mulf %get3A_26, %dot_general3A_16 : vector<784x128xf32>
    %get3A_28 = arith.constant 0 : index
    %get3A_29 = arith.constant 0 : index
    %get3A_30 = vector.load %arg4[%get3A_28, %get3A_29] : memref<128x128xf32, #tpu.memory_space<vmem>>, vector<128x128xf32>
    %dot_general3A_31 = arith.constant dense<0.000000e+00> : vector<784x128xf32>
    %dot_general3A_32 = tpu.matmul %mul3A, %get3A_30, %dot_general3A_31 {dimension_numbers = #tpu.dot_dimension_numbers<[1], [0], [0], [1], [0, 0, 1, 1], [], []>, transpose_lhs_hint = false} : vector<784x128xf32>, vector<128x128xf32>, vector<784x128xf32> -> vector<784x128xf32>
    %get3A_33 = arith.constant 0 : index
    %get3A_34 = arith.constant 0 : index
    %get3A_35 = vector.load %arg6[%get3A_33, %get3A_34] : memref<128x128xf32, #tpu.memory_space<vmem>>, vector<128x128xf32>
    %dot_general3A_36 = arith.constant dense<0.000000e+00> : vector<784x128xf32>
    %dot_general3A_37 = tpu.matmul %mul3A_27, %get3A_35, %dot_general3A_36 {dimension_numbers = #tpu.dot_dimension_numbers<[1], [0], [0], [1], [0, 0, 1, 1], [], []>, transpose_lhs_hint = false} : vector<784x128xf32>, vector<128x128xf32>, vector<784x128xf32> -> vector<784x128xf32>
    %add3A_38 = arith.addf %dot_general3A_32, %dot_general3A_37 : vector<784x128xf32>
    %get3A_39 = arith.constant 0 : index
    %get3A_40 = arith.constant 0 : index
    %get3A_41 = vector.load %arg8[%get3A_39, %get3A_40] : memref<1x128xf32, #tpu.memory_space<vmem>>, vector<1x128xf32>
    %add3A_42 = vector.broadcast %get3A_41 : vector<1x128xf32> to vector<784x128xf32>
    %add3A_43 = arith.addf %add3A_38, %add3A_42 : vector<784x128xf32>
    %max3A_44 = arith.constant 0.000000e+00 : f32
    %max3A_45 = vector.broadcast %max3A_44 : f32 to vector<784x128xf32>
    %max3A_46 = arith.maximumf %add3A_43, %max3A_45 : vector<784x128xf32>
    %swap3A = arith.constant 0 : index
    %swap3A_47 = arith.constant 0 : index
    %swap3A_48 = arith.constant 0 : index
    %swap3A_49 = vector.load %arg10[%swap3A, %swap3A_47, %swap3A_48] : memref<2x784x128xf32, #tpu.memory_space<vmem>>, vector<1x784x128xf32>
    %swap3A_50 = vector.shape_cast %swap3A_49 : vector<1x784x128xf32> to vector<784x128xf32>
    %swap3A_51 = vector.shape_cast %max3A_46 : vector<784x128xf32> to vector<1x784x128xf32>
    tpu.vector_store %arg10[%swap3A, %swap3A_47, %swap3A_48], %swap3A_51 {strides = array<i32>} : memref<2x784x128xf32, #tpu.memory_space<vmem>>, vector<1x784x128xf32>,
    %get3A_52 = arith.constant 0 : index
    %get3A_53 = arith.constant 0 : index
    %get3A_54 = vector.load %arg5[%get3A_52, %get3A_53] : memref<128x128xf32, #tpu.memory_space<vmem>>, vector<128x128xf32>
    %dot_general3A_55 = arith.constant dense<0.000000e+00> : vector<784x128xf32>
    %dot_general3A_56 = tpu.matmul %mul3A, %get3A_54, %dot_general3A_55 {dimension_numbers = #tpu.dot_dimension_numbers<[1], [0], [0], [1], [0, 0, 1, 1], [], []>, transpose_lhs_hint = false} : vector<784x128xf32>, vector<128x128xf32>, vector<784x128xf32> -> vector<784x128xf32>
    %get3A_57 = arith.constant 0 : index
    %get3A_58 = arith.constant 0 : index
    %get3A_59 = vector.load %arg7[%get3A_57, %get3A_58] : memref<128x128xf32, #tpu.memory_space<vmem>>, vector<128x128xf32>
    %dot_general3A_60 = arith.constant dense<0.000000e+00> : vector<784x128xf32>
    %dot_general3A_61 = tpu.matmul %mul3A_27, %get3A_59, %dot_general3A_60 {dimension_numbers = #tpu.dot_dimension_numbers<[1], [0], [0], [1], [0, 0, 1, 1], [], []>, transpose_lhs_hint = false} : vector<784x128xf32>, vector<128x128xf32>, vector<784x128xf32> -> vector<784x128xf32>
    %add3A_62 = arith.addf %dot_general3A_56, %dot_general3A_61 : vector<784x128xf32>
    %get3A_63 = arith.constant 0 : index
    %get3A_64 = arith.constant 0 : index
    %get3A_65 = vector.load %arg9[%get3A_63, %get3A_64] : memref<1x128xf32, #tpu.memory_space<vmem>>, vector<1x128xf32>
    %add3A_66 = vector.broadcast %get3A_65 : vector<1x128xf32> to vector<784x128xf32>
    %add3A_67 = arith.addf %add3A_62, %add3A_66 : vector<784x128xf32>
    %max3A_68 = arith.constant 0.000000e+00 : f32
    %max3A_69 = vector.broadcast %max3A_68 : f32 to vector<784x128xf32>
    %max3A_70 = arith.maximumf %add3A_67, %max3A_69 : vector<784x128xf32>
    %swap3A_71 = arith.constant 1 : index
    %swap3A_72 = arith.constant 0 : index
    %swap3A_73 = arith.constant 0 : index
    %swap3A_74 = vector.load %arg10[%swap3A_71, %swap3A_72, %swap3A_73] : memref<2x784x128xf32, #tpu.memory_space<vmem>>, vector<1x784x128xf32>
    %swap3A_75 = vector.shape_cast %swap3A_74 : vector<1x784x128xf32> to vector<784x128xf32>
    %swap3A_76 = vector.shape_cast %max3A_70 : vector<784x128xf32> to vector<1x784x128xf32>
    tpu.vector_store %arg10[%swap3A_71, %swap3A_72, %swap3A_73], %swap3A_76 {strides = array<i32>} : memref<2x784x128xf32, #tpu.memory_space<vmem>>, vector<1x784x128xf32>,
    return
  }
  func.func @transform_0(%arg0: i32) -> (i32, i32, i32) {
    %c0_i32 = arith.constant 0 : i32
    %c0_i32_0 = arith.constant 0 : i32
    %c0_i32_1 = arith.constant 0 : i32
    return %c0_i32, %arg0, %c0_i32_0 : i32, i32, i32
  }
  func.func @transform_1(%arg0: i32) -> (i32, i32, i32) {
    %c0_i32 = arith.constant 0 : i32
    %c0_i32_0 = arith.constant 0 : i32
    %c0_i32_1 = arith.constant 0 : i32
    return %c0_i32, %arg0, %c0_i32_0 : i32, i32, i32
  }
  func.func @transform_2(%arg0: i32) -> (i32, i32) {
    %c0_i32 = arith.constant 0 : i32
    %c0_i32_0 = arith.constant 0 : i32
    %c0_i32_1 = arith.constant 0 : i32
    return %c0_i32, %c0_i32_0 : i32, i32
  }
  func.func @transform_3(%arg0: i32) -> (i32, i32) {
    %c0_i32 = arith.constant 0 : i32
    %c0_i32_0 = arith.constant 0 : i32
    %c0_i32_1 = arith.constant 0 : i32
    return %c0_i32, %c0_i32_0 : i32, i32
  }
  func.func @transform_4(%arg0: i32) -> (i32, i32) {
    %c0_i32 = arith.constant 0 : i32
    %c0_i32_0 = arith.constant 0 : i32
    %c0_i32_1 = arith.constant 0 : i32
    return %c0_i32, %c0_i32_0 : i32, i32
  }
  func.func @transform_5(%arg0: i32) -> (i32, i32) {
    %c0_i32 = arith.constant 0 : i32
    %c0_i32_0 = arith.constant 0 : i32
    %c0_i32_1 = arith.constant 0 : i32
    return %c0_i32, %c0_i32_0 : i32, i32
  }
  func.func @transform_6(%arg0: i32) -> (i32, i32) {
    %c0_i32 = arith.constant 0 : i32
    %c0_i32_0 = arith.constant 0 : i32
    %c0_i32_1 = arith.constant 0 : i32
    return %c0_i32, %c0_i32_0 : i32, i32
  }
  func.func @transform_7(%arg0: i32) -> (i32, i32) {
    %c0_i32 = arith.constant 0 : i32
    %c0_i32_0 = arith.constant 0 : i32
    %c0_i32_1 = arith.constant 0 : i32
    return %c0_i32, %c0_i32_0 : i32, i32
  }
  func.func @transform_8(%arg0: i32) -> (i32, i32) {
    %c0_i32 = arith.constant 0 : i32
    %c0_i32_0 = arith.constant 0 : i32
    %c0_i32_1 = arith.constant 0 : i32
    return %c0_i32, %c0_i32_0 : i32, i32
  }
  func.func @transform_9(%arg0: i32) -> (i32, i32, i32) {
    %c0_i32 = arith.constant 0 : i32
    %c0_i32_0 = arith.constant 0 : i32
    %c0_i32_1 = arith.constant 0 : i32
    return %c0_i32, %arg0, %c0_i32_0 : i32, i32, i32
  }
}

module attributes {stable_mosaic.version = 14 : i64} {
  func.func @body(%arg0: i32, %arg1: memref<2x784x128xf32, #tpu.memory_space<vmem>>, %arg2: memref<2x784x128xf32, #tpu.memory_space<vmem>>, %arg3: memref<128x128xf32, #tpu.memory_space<vmem>>, %arg4: memref<128x8xf32, #tpu.memory_space<vmem>>, %arg5: memref<128x8xf32, #tpu.memory_space<vmem>>, %arg6: memref<1x8xf32, #tpu.memory_space<vmem>>, %arg7: memref<784x8xf32, #tpu.memory_space<vmem>>) attributes {dimension_semantics = [#tpu.dimension_semantics<arbitrary>], iteration_bounds = array<i64: 16>, scalar_prefetch = 0 : i64, scratch_operands = 0 : i64, tpu.core_type = #tpu.core_type<tc>, window_params = [{transform_indices = @transform_0, window_bounds = array<i64: 2, 784, 128>}, {transform_indices = @transform_1, window_bounds = array<i64: 2, 784, 128>}, {pipeline_mode = #tpu.pipeline_mode<synchronous>, transform_indices = @transform_2, window_bounds = array<i64: 128, 128>}, {pipeline_mode = #tpu.pipeline_mode<synchronous>, transform_indices = @transform_3, window_bounds = array<i64: 128, 8>}, {pipeline_mode = #tpu.pipeline_mode<synchronous>, transform_indices = @transform_4, window_bounds = array<i64: 128, 8>}, {pipeline_mode = #tpu.pipeline_mode<synchronous>, transform_indices = @transform_5, window_bounds = array<i64: 1, 8>}, {transform_indices = @transform_6, window_bounds = array<i64: 784, 8>}]} {
    %get3A = arith.constant 0 : index
    %get3A_0 = arith.constant 0 : index
    %get3A_1 = arith.constant 0 : index
    %get3A_2 = vector.load %arg2[%get3A, %get3A_0, %get3A_1] : memref<2x784x128xf32, #tpu.memory_space<vmem>>, vector<1x784x128xf32>
    %get3A_3 = vector.shape_cast %get3A_2 : vector<1x784x128xf32> to vector<784x128xf32>
    %get3A_4 = arith.constant 1 : index
    %get3A_5 = arith.constant 0 : index
    %get3A_6 = arith.constant 0 : index
    %get3A_7 = vector.load %arg2[%get3A_4, %get3A_5, %get3A_6] : memref<2x784x128xf32, #tpu.memory_space<vmem>>, vector<1x784x128xf32>
    %get3A_8 = vector.shape_cast %get3A_7 : vector<1x784x128xf32> to vector<784x128xf32>
    %add3A = arith.addf %get3A_3, %get3A_8 : vector<784x128xf32>
    %max3A = arith.constant 1.000000e+00 : f32
    %max3A_9 = vector.broadcast %max3A : f32 to vector<784x128xf32>
    %max3A_10 = arith.maximumf %add3A, %max3A_9 : vector<784x128xf32>
    %div3A = arith.constant 1.000000e+00 : f32
    %div3A_11 = vector.broadcast %div3A : f32 to vector<784x128xf32>
    %div3A_12 = arith.divf %div3A_11, %max3A_10 : vector<784x128xf32>
    %get3A_13 = arith.constant 0 : index
    %get3A_14 = arith.constant 0 : index
    %get3A_15 = vector.load %arg3[%get3A_13, %get3A_14] : memref<128x128xf32, #tpu.memory_space<vmem>>, vector<128x128xf32>
    %dot_general3A = arith.constant dense<0.000000e+00> : vector<784x128xf32>
    %dot_general3A_16 = tpu.matmul %div3A_12, %get3A_15, %dot_general3A {dimension_numbers = #tpu.dot_dimension_numbers<[1], [0], [0], [1], [0, 0, 1, 1], [], []>, transpose_lhs_hint = false} : vector<784x128xf32>, vector<128x128xf32>, vector<784x128xf32> -> vector<784x128xf32>
    %get3A_17 = arith.constant 0 : index
    %get3A_18 = arith.constant 0 : index
    %get3A_19 = arith.constant 0 : index
    %get3A_20 = vector.load %arg1[%get3A_17, %get3A_18, %get3A_19] : memref<2x784x128xf32, #tpu.memory_space<vmem>>, vector<1x784x128xf32>
    %get3A_21 = vector.shape_cast %get3A_20 : vector<1x784x128xf32> to vector<784x128xf32>
    %mul3A = arith.mulf %get3A_21, %dot_general3A_16 : vector<784x128xf32>
    %get3A_22 = arith.constant 0 : index
    %get3A_23 = arith.constant 0 : index
    %get3A_24 = vector.load %arg4[%get3A_22, %get3A_23] : memref<128x8xf32, #tpu.memory_space<vmem>>, vector<128x8xf32>
    %dot_general3A_25 = arith.constant dense<0.000000e+00> : vector<784x8xf32>
    %dot_general3A_26 = tpu.matmul %mul3A, %get3A_24, %dot_general3A_25 {dimension_numbers = #tpu.dot_dimension_numbers<[1], [0], [0], [1], [0, 0, 1, 1], [], []>, transpose_lhs_hint = false} : vector<784x128xf32>, vector<128x8xf32>, vector<784x8xf32> -> vector<784x8xf32>
    %get3A_27 = arith.constant 1 : index
    %get3A_28 = arith.constant 0 : index
    %get3A_29 = arith.constant 0 : index
    %get3A_30 = vector.load %arg1[%get3A_27, %get3A_28, %get3A_29] : memref<2x784x128xf32, #tpu.memory_space<vmem>>, vector<1x784x128xf32>
    %get3A_31 = vector.shape_cast %get3A_30 : vector<1x784x128xf32> to vector<784x128xf32>
    %mul3A_32 = arith.mulf %get3A_31, %dot_general3A_16 : vector<784x128xf32>
    %get3A_33 = arith.constant 0 : index
    %get3A_34 = arith.constant 0 : index
    %get3A_35 = vector.load %arg5[%get3A_33, %get3A_34] : memref<128x8xf32, #tpu.memory_space<vmem>>, vector<128x8xf32>
    %dot_general3A_36 = arith.constant dense<0.000000e+00> : vector<784x8xf32>
    %dot_general3A_37 = tpu.matmul %mul3A_32, %get3A_35, %dot_general3A_36 {dimension_numbers = #tpu.dot_dimension_numbers<[1], [0], [0], [1], [0, 0, 1, 1], [], []>, transpose_lhs_hint = false} : vector<784x128xf32>, vector<128x8xf32>, vector<784x8xf32> -> vector<784x8xf32>
    %add3A_38 = arith.addf %dot_general3A_26, %dot_general3A_37 : vector<784x8xf32>
    %get3A_39 = arith.constant 0 : index
    %get3A_40 = arith.constant 0 : index
    %get3A_41 = vector.load %arg6[%get3A_39, %get3A_40] : memref<1x8xf32, #tpu.memory_space<vmem>>, vector<1x8xf32>
    %add3A_42 = vector.broadcast %get3A_41 : vector<1x8xf32> to vector<784x8xf32>
    %add3A_43 = arith.addf %add3A_38, %add3A_42 : vector<784x8xf32>
    %max3A_44 = arith.constant 0.000000e+00 : f32
    %max3A_45 = vector.broadcast %max3A_44 : f32 to vector<784x8xf32>
    %max3A_46 = arith.maximumf %add3A_43, %max3A_45 : vector<784x8xf32>
    %swap3A = arith.constant 0 : index
    %swap3A_47 = arith.constant 0 : index
    %swap3A_48 = vector.load %arg7[%swap3A, %swap3A_47] : memref<784x8xf32, #tpu.memory_space<vmem>>, vector<784x8xf32>
    tpu.vector_store %arg7[%swap3A, %swap3A_47], %max3A_46 {strides = array<i32>} : memref<784x8xf32, #tpu.memory_space<vmem>>, vector<784x8xf32>,
    return
  }
  func.func @transform_0(%arg0: i32) -> (i32, i32, i32) {
    %c0_i32 = arith.constant 0 : i32
    %c0_i32_0 = arith.constant 0 : i32
    %c0_i32_1 = arith.constant 0 : i32
    return %c0_i32, %arg0, %c0_i32_0 : i32, i32, i32
  }
  func.func @transform_1(%arg0: i32) -> (i32, i32, i32) {
    %c0_i32 = arith.constant 0 : i32
    %c0_i32_0 = arith.constant 0 : i32
    %c0_i32_1 = arith.constant 0 : i32
    return %c0_i32, %arg0, %c0_i32_0 : i32, i32, i32
  }
  func.func @transform_2(%arg0: i32) -> (i32, i32) {
    %c0_i32 = arith.constant 0 : i32
    %c0_i32_0 = arith.constant 0 : i32
    %c0_i32_1 = arith.constant 0 : i32
    return %c0_i32, %c0_i32_0 : i32, i32
  }
  func.func @transform_3(%arg0: i32) -> (i32, i32) {
    %c0_i32 = arith.constant 0 : i32
    %c0_i32_0 = arith.constant 0 : i32
    %c0_i32_1 = arith.constant 0 : i32
    return %c0_i32, %c0_i32_0 : i32, i32
  }
  func.func @transform_4(%arg0: i32) -> (i32, i32) {
    %c0_i32 = arith.constant 0 : i32
    %c0_i32_0 = arith.constant 0 : i32
    %c0_i32_1 = arith.constant 0 : i32
    return %c0_i32, %c0_i32_0 : i32, i32
  }
  func.func @transform_5(%arg0: i32) -> (i32, i32) {
    %c0_i32 = arith.constant 0 : i32
    %c0_i32_0 = arith.constant 0 : i32
    %c0_i32_1 = arith.constant 0 : i32
    return %c0_i32, %c0_i32_0 : i32, i32
  }
  func.func @transform_6(%arg0: i32) -> (i32, i32) {
    %c0_i32 = arith.constant 0 : i32
    %c0_i32_0 = arith.constant 0 : i32
    return %arg0, %c0_i32 : i32, i32
  }
}

</mosaic_0001>

<sc_bundles>
// kernel: kernel.11.cloned.1.call-start
scs
__scs_entry_jumppad:
0x0: {  	(pc) =	sbr.rel $0x88, $3  }
0x1: {  	(tag) =	ssettag $0x0;
	lr =	simm.s32 $0x1  }
0x2: {  	[smem:$0x3F99] =	sst lr;
	_ =	strace $0xD0000000  }
0x3: {  	_ = 	snop  }
0x4: {  	_ = 	snop  }
0x5: {  	_ = 	snop  }
0x6: {  	_ = 	snop  }
0x7: {  	_ = 	snop  }
__scs_overlays_trampoline_lowered:
0x8: {  	[smem:$0x3FA8] =	sst s0  }
0x9: {  	[smem:$0x3FA9] =	sst s1  }
0xa: {  	[smem:$0x3FAA] =	sst s2  }
0xb: {  	[smem:$0x3FAB] =	sst s3  }
0xc: {  	[smem:$0x3FAC] =	sst s4  }
0xd: {  	[smem:$0x3FAD] =	sst s5  }
0xe: {  	[smem:$0x3FAE] =	sst s6  }
0xf: {  	[smem:$0x3FAF] =	sst s7  }
0x10: {  	[smem:$0x3FB0] =	sst s8  }
0x11: {  	[smem:$0x3FB1] =	sst s9;
	s0 =	simm.s32 @!p0 $0x0  }
0x12: {  	s1 =	sld [smem:$0x3F97];
	s0 =	simm.s32 @p0 $0x1  }
0x13: {  	[smem:$0x3FB2] =	sst s0;
	s0 =	simm.s32 @!p1 $0x0  }
0x14: {  	s2 =	sld [smem:$0x3F96];
	s0 =	simm.s32 @p1 $0x1  }
0x15: {  	[smem:$0x3FB3] =	sst s0;
	s0 =	simm.s32 @!p2 $0x0  }
0x16: {  	s3 =	sld [smem:$0x3FDB];
	s0 =	simm.s32 @p2 $0x1  }
0x17: {  	s4 =	simm.s32 $0x1BF5;
	[smem:$0x3FB5] =	sst s0  }
0x18: {  	s0 =	sld [smem:$0x3F98];
	_ =	swait.ge [sflag:s4], $0x0  }
0x19: {  	s7 =	sld [smem:$0x3F99]  }
0x1a: {  	s8 =	sadd.s32 $0xFFFFE003, lr  }
0x1b: {  	s9 =	sadd.s32 $0xFFFFFEF7, lr;
	s5 =	simm.s32 $0xFFFFFFFF;
	p2 =	slt.u32 s8, $0xFFFFF086  }
0x1c: {  	p1 =	slt.u32 s9, $0xF7A;
	s5 =	simm.s32 @!p2 $0x0  }
0x1d: {  	s5 =	simm.s32 @p1 $0x1;
	p0 =	seq.s32 s7, s2  }
0x1e: {  	s7 =	smul.u32 @!p0 $0xF7A, s2;
	p2 =	seq.s32 @!p0 s5, $0x0  }
0x1f: {  	s9 =	smul.u32 $0xF7A, s1;
	s8 =	simm.s32 @!p0 $0x1BF5;
	p2 =	por !p2, p0  }
0x20: {  	[sflag:s8] =	ssyncset.s32 @!p0 $0xFFFFF086;
	s6 =	sadd.s32 @!p0 s3, s7;
	s7 =	simm.s32 @!p0 $0x108  }
0x21: {  	s3 =	sadd.s32 s3, s9;
	s6 =	sadd.s32 @!p0 $0x88, s6;
	s7 =	simm.s32 @p2 $0x1082  }
0x22: {  	[simem:s7], [sflag:s8] =	dma.local @!p0 [hbm:s6], $0xF7A  }
0x23: {  	s9 =	sor.u32 $0xD0000000, s2;
	s6 =	simm.s32 $0x108;
	_ =	swait.ge @!p0 [sflag:s8], $0x0  }
0x24: {  	s3 =	sadd.s32 $0x88, s3;
	s6 =	simm.s32 @!p1 $0x1082;
	[sflag:s4] =	ssyncset.s32 $0xFFFFF086  }
0x25: {  	[simem:s6], [sflag:s4] =	dma.local [hbm:s3], $0xF7A  }
0x26: {  	[smem:$0x3F99] =	sst s1;
	(tag) =	ssettag s2;
	_ =	strace s9  }
0x27: {  	s1 =	sld [smem:$0x3FA9]  }
0x28: {  	s2 =	sld [smem:$0x3FAA]  }
0x29: {  	s4 =	sld [smem:$0x3FAC]  }
0x2a: {  	p0 =	seq.s32 s5, $0x0;
	s5 =	sld [smem:$0x3FAD]  }
0x2b: {  	s6 =	sld [smem:$0x3FAE]  }
0x2c: {  	s7 =	sld [smem:$0x3FAF]  }
0x2d: {  	s3 =	simm.s32 $0x108;
	s8 =	sld [smem:$0x3FB0]  }
0x2e: {  	s3 =	simm.s32 @!p0 $0x1082;
	s9 =	sld [smem:$0x3FB1]  }
0x2f: {  	lr =	sadd.s32 s0, s3;
	s0 =	sld [smem:$0x3FA8]  }
0x30: {  	s3 =	sld [smem:$0x3FAB]  }
0x31: {  	[smem:$0x3FB4] =	sst s10  }
0x32: {  	s10 =	sld [smem:$0x3FB2];
	_ =	sdelay $0x3  }
0x33: {  	p0 =	seq.s32 s10, $0x1;
	s10 =	sld [smem:$0x3FB4];
	_ =	sdelay $0x3  }
0x34: {  	[smem:$0x3FB4] =	sst s10  }
0x35: {  	s10 =	sld [smem:$0x3FB3];
	_ =	sdelay $0x3  }
0x36: {  	p1 =	seq.s32 s10, $0x1;
	s10 =	sld [smem:$0x3FB4];
	_ =	sdelay $0x3  }
0x37: {  	[smem:$0x3FB4] =	sst s10  }
0x38: {  	s10 =	sld [smem:$0x3FB5]  }
0x39: {  	_ = 	snop;
	(pc) =	sbr.ind lr, $3  }
0x3a: {  	_ = 	snop  }
0x3b: {  	_ = 	snop  }
0x3c: {  	p2 =	seq.s32 s10, $0x1;
	s10 =	sld [smem:$0x3FB4]  }
0x3d: {  	_ =	shalt  }
0x3e: {  	_ =	shalt  }
0x3f: {  	_ =	shalt  }
0x40: {  	_ =	shalt  }
0x41: {  	_ =	shalt  }
0x42: {  	_ =	shalt  }
0x43: {  	_ =	shalt  }
0x44: {  	_ =	shalt  }
0x45: {  	_ =	shalt  }
0x46: {  	_ =	shalt  }
0x47: {  	_ =	shalt  }
0x48: {  	_ =	shalt  }
0x49: {  	_ =	shalt  }
0x4a: {  	_ =	shalt  }
0x4b: {  	_ =	shalt  }
0x4c: {  	_ =	shalt  }
0x4d: {  	_ =	shalt  }
0x4e: {  	_ =	shalt  }
0x4f: {  	_ =	shalt  }
0x50: {  	_ =	shalt  }
0x51: {  	_ =	shalt  }
0x52: {  	_ =	shalt  }
0x53: {  	_ =	shalt  }
0x54: {  	_ =	shalt  }
0x55: {  	_ =	shalt  }
0x56: {  	_ =	shalt  }
0x57: {  	_ =	shalt  }
0x58: {  	_ =	shalt  }
0x59: {  	_ =	shalt  }
0x5a: {  	_ =	shalt  }
0x5b: {  	_ =	shalt  }
0x5c: {  	_ =	shalt  }
0x5d: {  	_ =	shalt  }
0x5e: {  	_ =	shalt  }
0x5f: {  	_ =	shalt  }
0x60: {  	_ =	shalt  }
0x61: {  	_ =	shalt  }
0x62: {  	_ =	shalt  }
0x63: {  	_ =	shalt  }
0x64: {  	_ =	shalt  }
0x65: {  	_ =	shalt  }
0x66: {  	_ =	shalt  }
0x67: {  	_ =	shalt  }
0x68: {  	_ =	shalt  }
0x69: {  	_ =	shalt  }
0x6a: {  	_ =	shalt  }
0x6b: {  	_ =	shalt  }
0x6c: {  	_ =	shalt  }
0x6d: {  	_ =	shalt  }
0x6e: {  	_ =	shalt  }
0x6f: {  	_ =	shalt  }
0x70: {  	_ =	shalt  }
0x71: {  	_ =	shalt  }
0x72: {  	_ =	shalt  }
0x73: {  	_ =	shalt  }
0x74: {  	_ =	shalt  }
0x75: {  	_ =	shalt  }
0x76: {  	_ =	shalt  }
0x77: {  	_ =	shalt  }
0x78: {  	_ =	shalt  }
0x79: {  	_ =	shalt  }
0x7a: {  	_ =	shalt  }
0x7b: {  	_ =	shalt  }
0x7c: {  	_ =	shalt  }
0x7d: {  	_ =	shalt  }
0x7e: {  	_ =	shalt  }
0x7f: {  	_ =	shalt  }
0x80: {  	_ =	shalt  }
0x81: {  	_ =	shalt  }
0x82: {  	_ =	shalt  }
0x83: {  	_ =	shalt  }
0x84: {  	_ =	shalt  }
0x85: {  	_ =	shalt  }
0x86: {  	_ =	shalt  }
0x87: {  	_ =	shalt  }
.Lfunc_end0:
.L_simem_size_0:
called_computation.1_lowered:
.L_overlay_start_0:
0x88: {  	s2 =	sld [smem:$0x3FD9]  }
0x89: {  	s3 =	sld [smem:$0x3FFE];
	_ =	sdelay $0x1  }
0x8a: {  	s1 =	srdreg.scid  }
0x8b: {  	s0 =	sand.u32 $0x1, s1  }
0x8c: {  	s16 =	sshll.u32 s0, $0xA;
	s2 =	sadd.s32 s3, s2  }
0x8d: {  	s2 =	sadd.s32 s2, s16  }
0x8e: {  	[smem:$0x3FC0] =	sst s2  }
0x8f: {  	_ = 	snop  }
0x90: {  	(tm) =	ssettm $0x1  }
0x91: {  	s17 =	sld [smem:$0x3FFB];
	_ =	sdelay $0x3  }
0x92: {  	_ =	strace s17  }
0x93: {  	s2 =	sld [smem:$0x3FFC];
	_ =	sdelay $0x3  }
0x94: {  	_ =	strace s2  }
0x95: {  	s2 =	sld [smem:$0x3FFD];
	_ =	sdelay $0x3  }
0x96: {  	_ =	strace s2  }
0x97: {  	_ =	strace $0x8FFFFFFF  }
0x98: {  	s18 =	sld [smem:$0x3FDB];
	_ =	sdelay $0x1  }
0x99: {  	s19 =	simm.s32 $_scs_section_size  }
0x9a: {  	s4 =	simm.s32 $_size__tile_overlayer_lowered;
	s5 =	simm.s32 $_tile_overlayer_lowered  }
0x9b: {  	s22 =	simm.s32 $0x1BFF;
	s21 =	sshll.u32 s5, $0x1;
	s2 =	sadd.s32 s19, s18  }
0x9c: {  	s6 =	simm.s32 $0x0;
	s20 =	sshll.u32 s4, $0x1;
	s4 =	sadd.s32 s21, s2  }
0x9d: {  	[timem:s6], [sflag:s22] =	dma.local [hbm:s4], s20  }
0x9e: {  	_ =	swait.ge [sflag:s22], s20  }
0x9f: {  	s3 =	ssub.s32 $0x0, s20;
	[sflag:s22] =	ssyncset.done $0x0  }
0xa0: {  	[sflag:s22] =	ssyncadd.s32 s3;
	_ =	sdelay $0x1  }
0xa1: {  	s23 =	simm.s32 $0x1B8B  }
0xa2: {  	_ =	swait.ge [sflag:s23], $0x1  }
0xa3: {  	[sflag:s23] =	ssyncset.done $0x0  }
0xa4: {  	s25 =	simm.s32 $0x1B8E;
	s24 =	sld [smem:$0x3FFE];
	[sflag:s23] =	ssyncadd.s32 $0xFFFFFFFF  }
0xa5: {  	s26 =	simm.s32 $execute0_lowered;
	[smem:$0x3FD2] =	sst s25  }
0xa6: {  	s4 =	sshll.u32 s26, $0x1;
	_ =	strace $0x80000049;
	[dreg:$0x1] =	wrdreg $0xFFFFFFFF  }
0xa7: {  	s28 =	simm.s32 $_size_execute0_lowered;
	s2 =	sadd.s32 s2, s4;
	[dreg:$0x0] =	wrdreg $0x0  }
0xa8: {  	s4 =	sshll.u32 s28, $0x1;
	[dreg:$0x2] =	wrdreg s2  }
0xa9: {  	[dreg:$0x3] =	wrdreg s4  }
0xaa: {  	[dreg:$0x4] =	wrdreg $0xC0  }
0xab: {  	_ =	task [dreg:s6], $0x5FFFF  }
0xac: {  	[dreg:$0x1] =	wrdreg $0xFFFFFFFF  }
0xad: {  	[dreg:$0x0] =	wrdreg $0x60  }
0xae: {  	[dreg:$0x2] =	wrdreg s24  }
0xaf: {  	[dreg:$0x3] =	wrdreg $0x0  }
0xb0: {  	[dreg:$0x4] =	wrdreg $0x9  }
0xb1: {  	_ =	task.clear_ibuf [dreg:s6], $0x5FFFF;
	_ =	strace $0x90000049  }
0xb2: {  	s29 =	simm.s32 $0x9;
	_ =	strace $0x8000004B  }
0xb3: {  	_ =	swait.ge [sflag:s29], $0x1  }
0xb4: {  	[sflag:s29] =	ssyncadd.s32 $0xFFFFFFFF  }
0xb5: {  	_ =	strace $0x9000004B  }
0xb6: {  	_ =	sfence  }
0xb7: {  	s30 =	sld [smem:$0x0];
	_ =	sdelay $0x2  }
0xb8: {  	s31 =	sshll.u32 s1, $0xD;
	s1 =	sshrl.u32 s1, $0x2  }
0xb9: {  	s3 =	sand.u32 $0x4000, s31;
	s1 =	sadd.s32 s1, s30  }
0xba: {  	s0 =	sor.u32 s3, s0;
	s1 =	sshll.u32 s1, $0x11  }
0xbb: {  	s0 =	sor.u32 s1, s0  }
0xbc: {  	s0 =	sadd.s32 $0x8F2B, s0  }
0xbd: {  	[sflag:s0] =	ssyncadd.remote.s32 $0x1  }
0xbe: {  	_ =	sfence.sel $0xFFFF  }
0xbf: {  	[dreg:$0x0] =	wrdreg $0xFFFFFFFF;
	(pc) =	sbr.abs _section_cstart, $3  }
0xc0: {  	[dreg:$0x1] =	wrdreg $0xFFFFFFFF  }
0xc1: {  	_ =	task.clear_ibuf [dreg:s6], $0x2FFFF;
	_ =	strace $0x9FFFFFFF  }
0xc2: {  	(tm) =	ssettm $0x7FFFFFFF  }
0xc3: {  	_ =	shalt  }
tec
execute0_lowered:
.L_overlay_start_1:
0x0: {  	(tag) =	ssettag $0x1  }
0x1: {  	s0 =	rddreg [dreg:$0x0]  }
0x2: {  	s1 =	rddreg [dreg:$0x1]  }
0x3: {  	s2 =	srdreg.scid;
	s3 =	simm.s32 $0x0;
	s11 =	stileid.u32  }
0x4: {  	s18 =	simm.s32 $0x18C80;
	s19 =	simm.s32 $0x18D00;
	s20 =	simm.s32 $0x18D80  }
0x5: {  	s21 =	simm.s32 $0x18A80;
	s22 =	simm.s32 $0x18B00;
	s23 =	simm.s32 $0x18B80  }
0x6: {  	s24 =	simm.s32 $0x18E80;
	s28 =	simm.s32 $0x18C00;
	s29 =	simm.s32 $0x18E00  }
0x7: {  	s30 =	simm.s32 $0x1B000;
	s31 =	simm.s32 $0x1B800;
	s2 =	sand.u32 $0x1, s2  }
0x8: {  	[smem:$0x7FF] =	sst s3;
	s7 =	smul.u32 $0x18800, s11;
	s4 =	sadd.s32 $0x2400, s0  }
0x9: {  	s12 =	smul.u32 $0x310, s11;
	_ =	strace $0x8000004A;
	[dreg:$0x5] =	wrdreg s18  }
0xa: {  	s5 =	sadd.s32 $0x33400, s0;
	s26 =	smul.u32 $0x3100, s11;
	[dreg:$0x6] =	wrdreg s19  }
0xb: {  	s14 =	sshll.u32 s11, $0x6;
	s6 =	smul.u32 $0x188000, s2;
	[dreg:$0x7] =	wrdreg s20  }
0xc: {  	s2 =	ssub.s32 $0x2, s2;
	s18 =	simm.s32 $0x18A00;
	[dreg:$0x8] =	wrdreg s21  }
0xd: {  	s19 =	simm.s32 $0x80;
	s20 =	simm.s32 $0x19000;
	[dreg:$0x9] =	wrdreg s22  }
0xe: {  	s21 =	simm.s32 $0x18880;
	s22 =	simm.s32 $0x19800;
	[dreg:$0xa] =	wrdreg s23  }
0xf: {  	s23 =	simm.s32 $0x18900;
	[dreg:$0xb] =	wrdreg s24;
	s24 =	simm.s32 $0x1A000  }
0x10: {  	s25 =	sshrl.u32 s7, $0x3;
	s10 =	sshrl.u32 s2, $0x1;
	s13 =	sadd.s32 s4, s26  }
0x11: {  	s17 =	sor.u32 $0x8, s12;
	s8 =	sshrl.u32 s6, $0x3;
	s6 =	sadd.s32 s7, s6  }
0x12: {  	s2 =	ssub.s32 s2, s10;
	s7 =	sadd.s32 s7, s1;
	s10 =	sor.u32 $0x1C03, s14  }
0x13: {  	s14 =	sadd.s32 s5, s26;
	[dreg:$0x10] =	wrdreg s13;
	s15 =	sadd.s32 $0x40, s13  }
0x14: {  	[dreg:$0x14] =	wrdreg s17;
	s17 =	simm.s32 $0x18800;
	s26 =	simm.s32 $0x18F80  }
0x15: {  	s13 =	simm.s32 $0x0;
	s9 =	sadd.s32 s8, s0;
	[dreg:$0x3] =	wrdreg s15  }
0x16: {  	s8 =	sadd.s32 s25, s0;
	s6 =	sshrl.u32 s6, $0x3;
	[dreg:$0x11] =	wrdreg s14  }
0x17: {  	s16 =	sadd.s32 $0x40, s14;
	s2 =	smax.u32 s2, $0x1;
	[dreg:$0xd] =	wrdreg s26  }
0x18: {  	s25 =	simm.s32 $0x18F00;
	s26 =	simm.s32 $0x1A800;
	[dreg:$0xf] =	wrdreg s10  }
0x19: {  	s0 =	sadd.s32 s6, s0;
	s8 =	sadd.s32 $0x64400, s8;
	[dreg:$0x13] =	wrdreg s2  }
0x1a: {  	s11 =	sadd.s32 $0xF7400, s9;
	[dreg:$0x4] =	wrdreg s16;
	s9 =	sshrl.u32 s7, $0x3  }
0x1b: {  	s16 =	simm.s32 $0x3;
	[dreg:$0xc] =	wrdreg s25;
	s25 =	simm.s32 $0x18980  }
0x1c: {  	s2 =	simm.s32 $0x1C800;
	s6 =	simm.s32 $0x1;
	[dreg:$0xe] =	wrdreg s8  }
0x1d: {  	s8 =	sadd.s32 $0x30C, s12;
	s0 =	sadd.s32 $0x159400, s0;
	[dreg:$0x15] =	wrdreg s9  }
0x1e: {  	s12 =	simm.s32 $0x2;
	[dreg:$0x12] =	wrdreg s0;
	s0 =	simm.s32 $0x1C000  }
.LBB2_1:
0x1f: {  	[dreg:$0x16] =	wrdreg s13  }
0x20: {  	s7 =	rddreg [dreg:$0xe]  }
0x21: {  	[spmem:s9], [sflag:s10] =	dma.local [hbm:s7], $0x3100  }
0x22: {  	_ =	swait.ge [sflag:s16], $0x3100  }
0x23: {  	[sflag:s16] =	ssyncset.done $0x0  }
0x24: {  	[sflag:s16] =	ssyncadd.s32 $0xFFFFCF00  }
0x25: {  	[bflag:$0x0] =	sbarrier.arrive $0xFFFF  }
0x26: {  	s15 =	rddreg [dreg:$0x10]  }
0x27: {  	[tilespmem:s17], [sflag:$0x3] =	stream.linear.gather [hbm4b:s15+s3], $0x200, $0x38;
	[tilespmem:$0x1D000] =	vst v63  }
0x28: {  	_ =	swait.ge [sflag:s16], $0x200  }
0x29: {  	[sflag:s16] =	ssyncset.done $0x0  }
0x2a: {  	s9 =	rddreg [dreg:$0x11];
	[sflag:s16] =	ssyncadd.s32 $0xFFFFFE00  }
0x2b: {  	[tilespmem:s18], [sflag:$0x3] =	stream.linear.gather [hbm4b:s9+s3], $0x200, $0x38;
	[tilespmem:$0x1D000] =	vst v63  }
0x2c: {  	_ =	swait.ge [sflag:s16], $0x200  }
0x2d: {  	[sflag:s16] =	ssyncset.done $0x0  }
0x2e: {  	[sflag:s16] =	ssyncadd.s32 $0xFFFFFE00  }
0x2f: {  	[tilespmem:s20], [sflag:$0x1] =	stream.indirect.gather [hbm4b:s11+s19], $0x10, s17, s19, $0xb8;
	[tilespmem:$0x1D000] =	vst v63  }
0x30: {  	_ = 	snop  }
0x31: {  	[tilespmem:s22], [sflag:$0x1] =	stream.indirect.gather [hbm4b:s11+s19], $0x10, s21, s19, $0xb8;
	[tilespmem:$0x1D000] =	vst v63  }
0x32: {  	_ = 	snop  }
0x33: {  	[tilespmem:s24], [sflag:$0x1] =	stream.indirect.gather [hbm4b:s11+s19], $0x10, s23, s19, $0xb8;
	[tilespmem:$0x1D000] =	vst v63  }
0x34: {  	s10 =	rddreg [dreg:$0x3]  }
0x35: {  	[tilespmem:s26], [sflag:$0x1] =	stream.indirect.gather [hbm4b:s11+s19], $0x10, s25, s19, $0xb8;
	[tilespmem:$0x1D000] =	vst v63  }
0x36: {  	s7 =	sadd.s32 $0x0, s10  }
0x37: {  	[tilespmem:s28], [sflag:$0x3] =	stream.linear.gather [hbm4b:s7+s3], $0x200, $0x38;
	[tilespmem:$0x1D000] =	vst v63  }
0x38: {  	_ =	swait.ge [sflag:s16], $0x200  }
0x39: {  	s13 =	rddreg [dreg:$0x4];
	[sflag:s16] =	ssyncset.done $0x0  }
0x3a: {  	[sflag:s16] =	ssyncadd.s32 $0xFFFFFE00;
	s7 =	sadd.s32 $0x0, s13  }
0x3b: {  	[tilespmem:s29], [sflag:$0x3] =	stream.linear.gather [hbm4b:s7+s3], $0x200, $0x38;
	[tilespmem:$0x1D000] =	vst v63  }
0x3c: {  	_ =	swait.ge [sflag:s16], $0x200  }
0x3d: {  	[sflag:s16] =	ssyncset.done $0x0  }
0x3e: {  	[sflag:s16] =	ssyncadd.s32 $0xFFFFFE00  }
0x3f: {  	[tilespmem:s30], [sflag:$0x1] =	stream.indirect.gather [hbm4b:s11+s19], $0x10, s28, s19, $0xb8;
	[tilespmem:$0x1D000] =	vst v63  }
0x40: {  	s14 =	rddreg [dreg:$0x5]  }
0x41: {  	[tilespmem:s31], [sflag:$0x1] =	stream.indirect.gather [hbm4b:s11+s19], $0x10, s14, s19, $0xb8;
	[tilespmem:$0x1D000] =	vst v63  }
0x42: {  	s15 =	rddreg [dreg:$0x6]  }
0x43: {  	[tilespmem:s0], [sflag:$0x1] =	stream.indirect.gather [hbm4b:s11+s19], $0x10, s15, s19, $0xb8;
	[tilespmem:$0x1D000] =	vst v63  }
0x44: {  	s10 =	rddreg [dreg:$0x7]  }
0x45: {  	[tilespmem:s2], [sflag:$0x1] =	stream.indirect.gather [hbm4b:s11+s19], $0x10, s10, s19, $0xb8;
	[tilespmem:$0x1D000] =	vst v63  }
0x46: {  	_ =	swait.ge [sflag:s6], $0x800  }
0x47: {  	[sflag:s6] =	ssyncset.done $0x0  }
0x48: {  	[sflag:s6] =	ssyncadd.s32 $0xFFFFF800  }
0x49: {  	_ =	swait.ge [sflag:s6], $0x800  }
0x4a: {  	[sflag:s6] =	ssyncset.done $0x0  }
0x4b: {  	[sflag:s6] =	ssyncadd.s32 $0xFFFFF800  }
0x4c: {  	_ =	swait.ge [sflag:s6], $0x800  }
0x4d: {  	[sflag:s6] =	ssyncset.done $0x0  }
0x4e: {  	[sflag:s6] =	ssyncadd.s32 $0xFFFFF800  }
0x4f: {  	_ =	swait.ge [sflag:s6], $0x800  }
0x50: {  	[sflag:s6] =	ssyncset.done $0x0  }
0x51: {  	[sflag:s6] =	ssyncadd.s32 $0xFFFFF800  }
0x52: {  	[spmem:s1] =	stream.indirect.scatter.add.f32 [tilespmem:s20], [sflag:$0x2], $0x10, s18, s19, $0xb8;
	[tilespmem:$0x1D000] =	vst v63  }
0x53: {  	s13 =	rddreg [dreg:$0x8]  }
0x54: {  	[spmem:s1] =	stream.indirect.scatter.add.f32 [tilespmem:s22], [sflag:$0x2], $0x10, s13, s19, $0xb8;
	[tilespmem:$0x1D000] =	vst v63  }
0x55: {  	s14 =	rddreg [dreg:$0x9]  }
0x56: {  	[spmem:s1] =	stream.indirect.scatter.add.f32 [tilespmem:s24], [sflag:$0x2], $0x10, s14, s19, $0xb8;
	[tilespmem:$0x1D000] =	vst v63  }
0x57: {  	s15 =	rddreg [dreg:$0xa]  }
0x58: {  	[spmem:s1] =	stream.indirect.scatter.add.f32 [tilespmem:s26], [sflag:$0x2], $0x10, s15, s19, $0xb8;
	[tilespmem:$0x1D000] =	vst v63  }
0x59: {  	_ =	swait.ge [sflag:s6], $0x800  }
0x5a: {  	[sflag:s6] =	ssyncset.done $0x0  }
0x5b: {  	[sflag:s6] =	ssyncadd.s32 $0xFFFFF800  }
0x5c: {  	_ =	swait.ge [sflag:s6], $0x800  }
0x5d: {  	[sflag:s6] =	ssyncset.done $0x0  }
0x5e: {  	[sflag:s6] =	ssyncadd.s32 $0xFFFFF800  }
0x5f: {  	_ =	swait.ge [sflag:s6], $0x800  }
0x60: {  	[sflag:s6] =	ssyncset.done $0x0  }
0x61: {  	[sflag:s6] =	ssyncadd.s32 $0xFFFFF800  }
0x62: {  	_ =	swait.ge [sflag:s6], $0x800  }
0x63: {  	p0 =	por $0x1, $0x1;
	[sflag:s6] =	ssyncset.done $0x0  }
0x64: {  	s7 =	simm.s32 @!p0 $0x2;
	[sflag:s6] =	ssyncadd.s32 $0xFFFFF800  }
0x65: {  	_ =	swait.ge @!p0 [sflag:s7], $0x800  }
0x66: {  	[sflag:s7] =	ssyncset.done @!p0 $0x0  }
0x67: {  	[sflag:s7] =	ssyncadd.s32 @!p0 $0xFFFFF800  }
0x68: {  	_ =	swait.ge @!p0 [sflag:s7], $0x800  }
0x69: {  	[sflag:s7] =	ssyncset.done @!p0 $0x0  }
0x6a: {  	[sflag:s7] =	ssyncadd.s32 @!p0 $0xFFFFF800  }
0x6b: {  	_ =	swait.ge @!p0 [sflag:s7], $0x800  }
0x6c: {  	[sflag:s7] =	ssyncset.done @!p0 $0x0  }
0x6d: {  	[sflag:s7] =	ssyncadd.s32 @!p0 $0xFFFFF800  }
0x6e: {  	_ =	swait.ge @!p0 [sflag:s7], $0x800  }
0x6f: {  	[sflag:s7] =	ssyncset.done @!p0 $0x0  }
0x70: {  	[sflag:s7] =	ssyncadd.s32 @!p0 $0xFFFFF800  }
0x71: {  	_ =	swait.ge [sflag:s12], $0x800  }
0x72: {  	[sflag:s12] =	ssyncset.done $0x0  }
0x73: {  	[sflag:s12] =	ssyncadd.s32 $0xFFFFF800  }
0x74: {  	_ =	swait.ge [sflag:s12], $0x800  }
0x75: {  	[sflag:s12] =	ssyncset.done $0x0  }
0x76: {  	[sflag:s12] =	ssyncadd.s32 $0xFFFFF800  }
0x77: {  	_ =	swait.ge [sflag:s12], $0x800  }
0x78: {  	[sflag:s12] =	ssyncset.done $0x0  }
0x79: {  	[sflag:s12] =	ssyncadd.s32 $0xFFFFF800  }
0x7a: {  	_ =	swait.ge [sflag:s12], $0x800  }
0x7b: {  	[sflag:s12] =	ssyncset.done $0x0  }
0x7c: {  	s9 =	rddreg [dreg:$0xb];
	[sflag:s12] =	ssyncadd.s32 $0xFFFFF800  }
0x7d: {  	[spmem:s1] =	stream.indirect.scatter.add.f32 [tilespmem:s30], [sflag:$0x2], $0x10, s29, s19, $0xb8;
	[tilespmem:$0x1D000] =	vst v63  }
0x7e: {  	s14 =	rddreg [dreg:$0x14]  }
0x7f: {  	[spmem:s1] =	stream.indirect.scatter.add.f32 [tilespmem:s31], [sflag:$0x2], $0x10, s9, s19, $0xb8;
	[tilespmem:$0x1D000] =	vst v63  }
0x80: {  	p0 =	slt.s32 s14, s8;
	s9 =	smov.u32 s8  }
0x81: {  	s10 =	rddreg [dreg:$0xc];
	s9 =	smov.u32 @p0 s14  }
0x82: {  	[spmem:s1] =	stream.indirect.scatter.add.f32 [tilespmem:s0], [sflag:$0x2], $0x10, s10, s19, $0xb8;
	[tilespmem:$0x1D000] =	vst v63  }
0x83: {  	s13 =	rddreg [dreg:$0xd];
	s15 =	sshll.u32 s9, $0x4  }
0x84: {  	[spmem:s1] =	stream.indirect.scatter.add.f32 [tilespmem:s2], [sflag:$0x2], $0x10, s13, s19, $0xb8;
	[tilespmem:$0x1D000] =	vst v63  }
0x85: {  	s9 =	sadd.s32 s4, s15  }
0x86: {  	[tilespmem:s17], [sflag:$0x3] =	stream.linear.gather [hbm4b:s9+s3], $0x200, $0x38;
	[tilespmem:$0x1D000] =	vst v63  }
0x87: {  	_ =	swait.ge [sflag:s16], $0x200  }
0x88: {  	[sflag:s16] =	ssyncset.done $0x0  }
0x89: {  	s7 =	sadd.s32 s5, s15;
	[sflag:s16] =	ssyncadd.s32 $0xFFFFFE00  }
0x8a: {  	[tilespmem:s18], [sflag:$0x3] =	stream.linear.gather [hbm4b:s7+s3], $0x200, $0x38;
	[tilespmem:$0x1D000] =	vst v63  }
0x8b: {  	_ =	swait.ge [sflag:s16], $0x200  }
0x8c: {  	[sflag:s16] =	ssyncset.done $0x0  }
0x8d: {  	[sflag:s16] =	ssyncadd.s32 $0xFFFFFE00  }
0x8e: {  	[tilespmem:s20], [sflag:$0x1] =	stream.indirect.gather [hbm4b:s11+s19], $0x10, s17, s19, $0xb8;
	[tilespmem:$0x1D000] =	vst v63  }
0x8f: {  	_ = 	snop  }
0x90: {  	[tilespmem:s22], [sflag:$0x1] =	stream.indirect.gather [hbm4b:s11+s19], $0x10, s21, s19, $0xb8;
	[tilespmem:$0x1D000] =	vst v63  }
0x91: {  	s10 =	simm.s32 $0x80;
	s7 =	simm.s32 $0x100;
	s9 =	rddreg [dreg:$0x3]  }
0x92: {  	[tilespmem:s24], [sflag:$0x1] =	stream.indirect.gather [hbm4b:s11+s19], $0x10, s23, s19, $0xb8;
	[tilespmem:$0x1D000] =	vst v63  }
.LBB2_2:
0x93: {  	[tilespmem:s26], [sflag:$0x1] =	stream.indirect.gather [hbm4b:s11+s19], $0x10, s25, s19, $0xb8;
	[tilespmem:$0x1D000] =	vst v63  }
0x94: {  	s9 =	sadd.s32 s10, s9  }
0x95: {  	[tilespmem:s28], [sflag:$0x3] =	stream.linear.gather [hbm4b:s9+s3], $0x200, $0x38;
	[tilespmem:$0x1D000] =	vst v63  }
0x96: {  	_ =	swait.ge [sflag:s16], $0x200  }
0x97: {  	s13 =	rddreg [dreg:$0x4];
	[sflag:s16] =	ssyncset.done $0x0  }
0x98: {  	[sflag:s16] =	ssyncadd.s32 $0xFFFFFE00;
	s9 =	sadd.s32 s10, s13  }
0x99: {  	[tilespmem:s29], [sflag:$0x3] =	stream.linear.gather [hbm4b:s9+s3], $0x200, $0x38;
	[tilespmem:$0x1D000] =	vst v63  }
0x9a: {  	_ =	swait.ge [sflag:s16], $0x200  }
0x9b: {  	[sflag:s16] =	ssyncset.done $0x0  }
0x9c: {  	[sflag:s16] =	ssyncadd.s32 $0xFFFFFE00  }
0x9d: {  	[tilespmem:s30], [sflag:$0x1] =	stream.indirect.gather [hbm4b:s11+s19], $0x10, s28, s19, $0xb8;
	[tilespmem:$0x1D000] =	vst v63  }
0x9e: {  	s9 =	rddreg [dreg:$0x5]  }
0x9f: {  	[tilespmem:s31], [sflag:$0x1] =	stream.indirect.gather [hbm4b:s11+s19], $0x10, s9, s19, $0xb8;
	[tilespmem:$0x1D000] =	vst v63  }
0xa0: {  	s13 =	rddreg [dreg:$0x6]  }
0xa1: {  	[tilespmem:s0], [sflag:$0x1] =	stream.indirect.gather [hbm4b:s11+s19], $0x10, s13, s19, $0xb8;
	[tilespmem:$0x1D000] =	vst v63  }
0xa2: {  	s9 =	rddreg [dreg:$0x7]  }
0xa3: {  	[tilespmem:s2], [sflag:$0x1] =	stream.indirect.gather [hbm4b:s11+s19], $0x10, s9, s19, $0xb8;
	[tilespmem:$0x1D000] =	vst v63  }
0xa4: {  	_ =	swait.ge [sflag:s6], $0x800  }
0xa5: {  	[sflag:s6] =	ssyncset.done $0x0  }
0xa6: {  	[sflag:s6] =	ssyncadd.s32 $0xFFFFF800  }
0xa7: {  	_ =	swait.ge [sflag:s6], $0x800  }
0xa8: {  	[sflag:s6] =	ssyncset.done $0x0  }
0xa9: {  	[sflag:s6] =	ssyncadd.s32 $0xFFFFF800  }
0xaa: {  	_ =	swait.ge [sflag:s6], $0x800  }
0xab: {  	[sflag:s6] =	ssyncset.done $0x0  }
0xac: {  	[sflag:s6] =	ssyncadd.s32 $0xFFFFF800  }
0xad: {  	_ =	swait.ge [sflag:s6], $0x800  }
0xae: {  	[sflag:s6] =	ssyncset.done $0x0  }
0xaf: {  	[sflag:s6] =	ssyncadd.s32 $0xFFFFF800  }
0xb0: {  	[spmem:s1] =	stream.indirect.scatter.add.f32 [tilespmem:s20], [sflag:$0x2], $0x10, s18, s19, $0xb8;
	[tilespmem:$0x1D000] =	vst v63  }
0xb1: {  	s9 =	rddreg [dreg:$0x8]  }
0xb2: {  	[spmem:s1] =	stream.indirect.scatter.add.f32 [tilespmem:s22], [sflag:$0x2], $0x10, s9, s19, $0xb8;
	[tilespmem:$0x1D000] =	vst v63  }
0xb3: {  	s13 =	rddreg [dreg:$0x9]  }
0xb4: {  	[spmem:s1] =	stream.indirect.scatter.add.f32 [tilespmem:s24], [sflag:$0x2], $0x10, s13, s19, $0xb8;
	[tilespmem:$0x1D000] =	vst v63  }
0xb5: {  	s9 =	rddreg [dreg:$0xa]  }
0xb6: {  	[spmem:s1] =	stream.indirect.scatter.add.f32 [tilespmem:s26], [sflag:$0x2], $0x10, s9, s19, $0xb8;
	[tilespmem:$0x1D000] =	vst v63  }
0xb7: {  	_ =	swait.ge [sflag:s6], $0x800  }
0xb8: {  	[sflag:s6] =	ssyncset.done $0x0  }
0xb9: {  	[sflag:s6] =	ssyncadd.s32 $0xFFFFF800  }
0xba: {  	_ =	swait.ge [sflag:s6], $0x800  }
0xbb: {  	[sflag:s6] =	ssyncset.done $0x0  }
0xbc: {  	[sflag:s6] =	ssyncadd.s32 $0xFFFFF800  }
0xbd: {  	_ =	swait.ge [sflag:s6], $0x800  }
0xbe: {  	[sflag:s6] =	ssyncset.done $0x0  }
0xbf: {  	[sflag:s6] =	ssyncadd.s32 $0xFFFFF800  }
0xc0: {  	_ =	swait.ge [sflag:s6], $0x800  }
0xc1: {  	p1 =	seq.s32 s10, $0x0;
	[sflag:s6] =	ssyncset.done $0x0  }
0xc2: {  	s9 =	simm.s32 @!p1 $0x2;
	[sflag:s6] =	ssyncadd.s32 $0xFFFFF800  }
0xc3: {  	_ =	swait.ge @!p1 [sflag:s9], $0x800  }
0xc4: {  	[sflag:s9] =	ssyncset.done @!p1 $0x0  }
0xc5: {  	[sflag:s9] =	ssyncadd.s32 @!p1 $0xFFFFF800  }
0xc6: {  	_ =	swait.ge @!p1 [sflag:s9], $0x800  }
0xc7: {  	[sflag:s9] =	ssyncset.done @!p1 $0x0  }
0xc8: {  	[sflag:s9] =	ssyncadd.s32 @!p1 $0xFFFFF800  }
0xc9: {  	_ =	swait.ge @!p1 [sflag:s9], $0x800  }
0xca: {  	[sflag:s9] =	ssyncset.done @!p1 $0x0  }
0xcb: {  	[sflag:s9] =	ssyncadd.s32 @!p1 $0xFFFFF800  }
0xcc: {  	_ =	swait.ge @!p1 [sflag:s9], $0x800  }
0xcd: {  	[sflag:s9] =	ssyncset.done @!p1 $0x0  }
0xce: {  	[sflag:s9] =	ssyncadd.s32 @!p1 $0xFFFFF800  }
0xcf: {  	_ =	swait.ge [sflag:s12], $0x800  }
0xd0: {  	[sflag:s12] =	ssyncset.done $0x0  }
0xd1: {  	[sflag:s12] =	ssyncadd.s32 $0xFFFFF800  }
0xd2: {  	_ =	swait.ge [sflag:s12], $0x800  }
0xd3: {  	[sflag:s12] =	ssyncset.done $0x0  }
0xd4: {  	[sflag:s12] =	ssyncadd.s32 $0xFFFFF800  }
0xd5: {  	_ =	swait.ge [sflag:s12], $0x800  }
0xd6: {  	[sflag:s12] =	ssyncset.done $0x0  }
0xd7: {  	[sflag:s12] =	ssyncadd.s32 $0xFFFFF800  }
0xd8: {  	_ =	swait.ge [sflag:s12], $0x800  }
0xd9: {  	[sflag:s12] =	ssyncset.done $0x0  }
0xda: {  	s15 =	smov.u32 s7;
	[sflag:s12] =	ssyncadd.s32 $0xFFFFF800  }
0xdb: {  	[spmem:s1] =	stream.indirect.scatter.add.f32 [tilespmem:s30], [sflag:$0x2], $0x10, s29, s19, $0xb8;
	[tilespmem:$0x1D000] =	vst v63  }
0xdc: {  	s10 =	smov.u32 s15;
	s15 =	rddreg [dreg:$0xb]  }
0xdd: {  	[spmem:s1] =	stream.indirect.scatter.add.f32 [tilespmem:s31], [sflag:$0x2], $0x10, s15, s19, $0xb8;
	[tilespmem:$0x1D000] =	vst v63  }
0xde: {  	s14 =	sadd.s32 $0x8, s14;
	s13 =	rddreg [dreg:$0xc]  }
0xdf: {  	[spmem:s1] =	stream.indirect.scatter.add.f32 [tilespmem:s0], [sflag:$0x2], $0x10, s13, s19, $0xb8;
	[tilespmem:$0x1D000] =	vst v63  }
0xe0: {  	p1 =	slt.s32 s14, s8;
	s13 =	smov.u32 s8  }
0xe1: {  	s15 =	rddreg [dreg:$0xd];
	s13 =	smov.u32 @p1 s14  }
0xe2: {  	[spmem:s1] =	stream.indirect.scatter.add.f32 [tilespmem:s2], [sflag:$0x2], $0x10, s15, s19, $0xb8;
	[tilespmem:$0x1D000] =	vst v63  }
0xe3: {  	s15 =	sshll.u32 s13, $0x4  }
0xe4: {  	s13 =	sadd.s32 s4, s15  }
0xe5: {  	[tilespmem:s17], [sflag:$0x3] =	stream.linear.gather [hbm4b:s13+s3], $0x200, $0x38;
	[tilespmem:$0x1D000] =	vst v63  }
0xe6: {  	_ =	swait.ge [sflag:s16], $0x200  }
0xe7: {  	[sflag:s16] =	ssyncset.done $0x0  }
0xe8: {  	s9 =	sadd.s32 s5, s15;
	[sflag:s16] =	ssyncadd.s32 $0xFFFFFE00  }
0xe9: {  	[tilespmem:s18], [sflag:$0x3] =	stream.linear.gather [hbm4b:s9+s3], $0x200, $0x38;
	[tilespmem:$0x1D000] =	vst v63  }
0xea: {  	_ =	swait.ge [sflag:s16], $0x200  }
0xeb: {  	s7 =	sadd.s32 $0x80, s7;
	[sflag:s16] =	ssyncset.done $0x0  }
0xec: {  	p0 =	sne.s32 s7, $0x3100;
	[sflag:s16] =	ssyncadd.s32 $0xFFFFFE00  }
0xed: {  	[tilespmem:s20], [sflag:$0x1] =	stream.indirect.gather [hbm4b:s11+s19], $0x10, s17, s19, $0xb8;
	[tilespmem:$0x1D000] =	vst v63  }
.Ltmp0:
0xee: {  	_ = 	snop;
	(pc) =	sbr.rel @p0 .LBB2_2-.Ltmp0, $4  }
0xef: {  	_ = 	snop  }
0xf0: {  	[tilespmem:s22], [sflag:$0x1] =	stream.indirect.gather [hbm4b:s11+s19], $0x10, s21, s19, $0xb8;
	[tilespmem:$0x1D000] =	vst v63  }
0xf1: {  	s9 =	rddreg [dreg:$0x3]  }
0xf2: {  	[tilespmem:s24], [sflag:$0x1] =	stream.indirect.gather [hbm4b:s11+s19], $0x10, s23, s19, $0xb8;
	[tilespmem:$0x1D000] =	vst v63  }
0xf3: {  	[tilespmem:s26], [sflag:$0x1] =	stream.indirect.gather [hbm4b:s11+s19], $0x10, s25, s19, $0xb8;
	[tilespmem:$0x1D000] =	vst v63  }
0xf4: {  	s7 =	sadd.s32 s10, s9  }
0xf5: {  	[tilespmem:s28], [sflag:$0x3] =	stream.linear.gather [hbm4b:s7+s3], $0x200, $0x38;
	[tilespmem:$0x1D000] =	vst v63  }
0xf6: {  	_ =	swait.ge [sflag:s16], $0x200  }
0xf7: {  	s15 =	rddreg [dreg:$0x4];
	[sflag:s16] =	ssyncset.done $0x0  }
0xf8: {  	[sflag:s16] =	ssyncadd.s32 $0xFFFFFE00;
	s7 =	sadd.s32 s10, s15  }
0xf9: {  	[tilespmem:s29], [sflag:$0x3] =	stream.linear.gather [hbm4b:s7+s3], $0x200, $0x38;
	[tilespmem:$0x1D000] =	vst v63  }
0xfa: {  	_ =	swait.ge [sflag:s16], $0x200  }
0xfb: {  	[sflag:s16] =	ssyncset.done $0x0  }
0xfc: {  	[sflag:s16] =	ssyncadd.s32 $0xFFFFFE00  }
0xfd: {  	[tilespmem:s30], [sflag:$0x1] =	stream.indirect.gather [hbm4b:s11+s19], $0x10, s28, s19, $0xb8;
	[tilespmem:$0x1D000] =	vst v63  }
0xfe: {  	s9 =	rddreg [dreg:$0x5]  }
0xff: {  	[tilespmem:s31], [sflag:$0x1] =	stream.indirect.gather [hbm4b:s11+s19], $0x10, s9, s19, $0xb8;
	[tilespmem:$0x1D000] =	vst v63  }
0x100: {  	s13 =	rddreg [dreg:$0x6]  }
0x101: {  	[tilespmem:s0], [sflag:$0x1] =	stream.indirect.gather [hbm4b:s11+s19], $0x10, s13, s19, $0xb8;
	[tilespmem:$0x1D000] =	vst v63  }
0x102: {  	s15 =	rddreg [dreg:$0x7]  }
0x103: {  	[tilespmem:s2], [sflag:$0x1] =	stream.indirect.gather [hbm4b:s11+s19], $0x10, s15, s19, $0xb8;
	[tilespmem:$0x1D000] =	vst v63  }
0x104: {  	_ =	swait.ge [sflag:s6], $0x800  }
0x105: {  	[sflag:s6] =	ssyncset.done $0x0  }
0x106: {  	[sflag:s6] =	ssyncadd.s32 $0xFFFFF800  }
0x107: {  	_ =	swait.ge [sflag:s6], $0x800  }
0x108: {  	[sflag:s6] =	ssyncset.done $0x0  }
0x109: {  	[sflag:s6] =	ssyncadd.s32 $0xFFFFF800  }
0x10a: {  	_ =	swait.ge [sflag:s6], $0x800  }
0x10b: {  	[sflag:s6] =	ssyncset.done $0x0  }
0x10c: {  	[sflag:s6] =	ssyncadd.s32 $0xFFFFF800  }
0x10d: {  	_ =	swait.ge [sflag:s6], $0x800  }
0x10e: {  	[sflag:s6] =	ssyncset.done $0x0  }
0x10f: {  	[sflag:s6] =	ssyncadd.s32 $0xFFFFF800  }
0x110: {  	[spmem:s1] =	stream.indirect.scatter.add.f32 [tilespmem:s20], [sflag:$0x2], $0x10, s18, s19, $0xb8;
	[tilespmem:$0x1D000] =	vst v63  }
0x111: {  	s9 =	rddreg [dreg:$0x8]  }
0x112: {  	[spmem:s1] =	stream.indirect.scatter.add.f32 [tilespmem:s22], [sflag:$0x2], $0x10, s9, s19, $0xb8;
	[tilespmem:$0x1D000] =	vst v63  }
0x113: {  	s13 =	rddreg [dreg:$0x9]  }
0x114: {  	[spmem:s1] =	stream.indirect.scatter.add.f32 [tilespmem:s24], [sflag:$0x2], $0x10, s13, s19, $0xb8;
	[tilespmem:$0x1D000] =	vst v63  }
0x115: {  	s15 =	rddreg [dreg:$0xa]  }
0x116: {  	[spmem:s1] =	stream.indirect.scatter.add.f32 [tilespmem:s26], [sflag:$0x2], $0x10, s15, s19, $0xb8;
	[tilespmem:$0x1D000] =	vst v63  }
0x117: {  	_ =	swait.ge [sflag:s6], $0x800  }
0x118: {  	[sflag:s6] =	ssyncset.done $0x0  }
0x119: {  	[sflag:s6] =	ssyncadd.s32 $0xFFFFF800  }
0x11a: {  	_ =	swait.ge [sflag:s6], $0x800  }
0x11b: {  	[sflag:s6] =	ssyncset.done $0x0  }
0x11c: {  	[sflag:s6] =	ssyncadd.s32 $0xFFFFF800  }
0x11d: {  	_ =	swait.ge [sflag:s6], $0x800  }
0x11e: {  	[sflag:s6] =	ssyncset.done $0x0  }
0x11f: {  	[sflag:s6] =	ssyncadd.s32 $0xFFFFF800  }
0x120: {  	_ =	swait.ge [sflag:s6], $0x800  }
0x121: {  	p0 =	seq.s32 s10, $0x0;
	[sflag:s6] =	ssyncset.done $0x0  }
0x122: {  	s7 =	simm.s32 @!p0 $0x2;
	[sflag:s6] =	ssyncadd.s32 $0xFFFFF800  }
0x123: {  	_ =	swait.ge @!p0 [sflag:s7], $0x800  }
0x124: {  	[sflag:s7] =	ssyncset.done @!p0 $0x0  }
0x125: {  	[sflag:s7] =	ssyncadd.s32 @!p0 $0xFFFFF800  }
0x126: {  	_ =	swait.ge @!p0 [sflag:s7], $0x800  }
0x127: {  	[sflag:s7] =	ssyncset.done @!p0 $0x0  }
0x128: {  	[sflag:s7] =	ssyncadd.s32 @!p0 $0xFFFFF800  }
0x129: {  	_ =	swait.ge @!p0 [sflag:s7], $0x800  }
0x12a: {  	[sflag:s7] =	ssyncset.done @!p0 $0x0  }
0x12b: {  	[sflag:s7] =	ssyncadd.s32 @!p0 $0xFFFFF800  }
0x12c: {  	_ =	swait.ge @!p0 [sflag:s7], $0x800  }
0x12d: {  	[sflag:s7] =	ssyncset.done @!p0 $0x0  }
0x12e: {  	[sflag:s7] =	ssyncadd.s32 @!p0 $0xFFFFF800  }
0x12f: {  	_ =	swait.ge [sflag:s12], $0x800  }
0x130: {  	[sflag:s12] =	ssyncset.done $0x0  }
0x131: {  	[sflag:s12] =	ssyncadd.s32 $0xFFFFF800  }
0x132: {  	_ =	swait.ge [sflag:s12], $0x800  }
0x133: {  	[sflag:s12] =	ssyncset.done $0x0  }
0x134: {  	[sflag:s12] =	ssyncadd.s32 $0xFFFFF800  }
0x135: {  	_ =	swait.ge [sflag:s12], $0x800  }
0x136: {  	[sflag:s12] =	ssyncset.done $0x0  }
0x137: {  	[sflag:s12] =	ssyncadd.s32 $0xFFFFF800  }
0x138: {  	_ =	swait.ge [sflag:s12], $0x800  }
0x139: {  	[sflag:s12] =	ssyncset.done $0x0  }
0x13a: {  	s9 =	sadd.s32 $0x8, s14;
	[sflag:s12] =	ssyncadd.s32 $0xFFFFF800  }
0x13b: {  	[spmem:s1] =	stream.indirect.scatter.add.f32 [tilespmem:s30], [sflag:$0x2], $0x10, s29, s19, $0xb8;
	[tilespmem:$0x1D000] =	vst v63  }
0x13c: {  	s10 =	smov.u32 s8;
	p0 =	slt.s32 s9, s8;
	s13 =	rddreg [dreg:$0xb]  }
0x13d: {  	[spmem:s1] =	stream.indirect.scatter.add.f32 [tilespmem:s31], [sflag:$0x2], $0x10, s13, s19, $0xb8;
	[tilespmem:$0x1D000] =	vst v63  }
0x13e: {  	s10 =	smov.u32 @p0 s9;
	s14 =	rddreg [dreg:$0xc]  }
0x13f: {  	[spmem:s1] =	stream.indirect.scatter.add.f32 [tilespmem:s0], [sflag:$0x2], $0x10, s14, s19, $0xb8;
	[tilespmem:$0x1D000] =	vst v63  }
0x140: {  	s10 =	sshll.u32 s10, $0x4;
	s15 =	rddreg [dreg:$0xd]  }
0x141: {  	[spmem:s1] =	stream.indirect.scatter.add.f32 [tilespmem:s2], [sflag:$0x2], $0x10, s15, s19, $0xb8;
	[tilespmem:$0x1D000] =	vst v63  }
0x142: {  	s13 =	sadd.s32 s4, s10  }
0x143: {  	[tilespmem:s17], [sflag:$0x3] =	stream.linear.gather [hbm4b:s13+s3], $0x200, $0x38;
	[tilespmem:$0x1D000] =	vst v63  }
0x144: {  	_ =	swait.ge [sflag:s16], $0x200  }
0x145: {  	[sflag:s16] =	ssyncset.done $0x0  }
0x146: {  	s7 =	sadd.s32 s5, s10;
	[sflag:s16] =	ssyncadd.s32 $0xFFFFFE00  }
0x147: {  	[tilespmem:s18], [sflag:$0x3] =	stream.linear.gather [hbm4b:s7+s3], $0x200, $0x38;
	[tilespmem:$0x1D000] =	vst v63  }
0x148: {  	_ =	swait.ge [sflag:s16], $0x200  }
0x149: {  	[sflag:s16] =	ssyncset.done $0x0  }
0x14a: {  	[sflag:s16] =	ssyncadd.s32 $0xFFFFFE00  }
0x14b: {  	[tilespmem:s20], [sflag:$0x1] =	stream.indirect.gather [hbm4b:s11+s19], $0x10, s17, s19, $0xb8;
	[tilespmem:$0x1D000] =	vst v63  }
0x14c: {  	_ = 	snop  }
0x14d: {  	[tilespmem:s22], [sflag:$0x1] =	stream.indirect.gather [hbm4b:s11+s19], $0x10, s21, s19, $0xb8;
	[tilespmem:$0x1D000] =	vst v63  }
0x14e: {  	_ = 	snop  }
0x14f: {  	[tilespmem:s24], [sflag:$0x1] =	stream.indirect.gather [hbm4b:s11+s19], $0x10, s23, s19, $0xb8;
	[tilespmem:$0x1D000] =	vst v63  }
0x150: {  	_ = 	snop  }
0x151: {  	[tilespmem:s26], [sflag:$0x1] =	stream.indirect.gather [hbm4b:s11+s19], $0x10, s25, s19, $0xb8;
	[tilespmem:$0x1D000] =	vst v63  }
0x152: {  	_ =	swait.ge [sflag:s6], $0x800  }
0x153: {  	[sflag:s6] =	ssyncset.done $0x0  }
0x154: {  	[sflag:s6] =	ssyncadd.s32 $0xFFFFF800  }
0x155: {  	_ =	swait.ge [sflag:s6], $0x800  }
0x156: {  	[sflag:s6] =	ssyncset.done $0x0  }
0x157: {  	[sflag:s6] =	ssyncadd.s32 $0xFFFFF800  }
0x158: {  	_ =	swait.ge [sflag:s6], $0x800  }
0x159: {  	[sflag:s6] =	ssyncset.done $0x0  }
0x15a: {  	[sflag:s6] =	ssyncadd.s32 $0xFFFFF800  }
0x15b: {  	_ =	swait.ge [sflag:s6], $0x800  }
0x15c: {  	[sflag:s6] =	ssyncset.done $0x0  }
0x15d: {  	[sflag:s6] =	ssyncadd.s32 $0xFFFFF800  }
0x15e: {  	_ =	swait.ge [sflag:s12], $0x800  }
0x15f: {  	[sflag:s12] =	ssyncset.done $0x0  }
0x160: {  	[sflag:s12] =	ssyncadd.s32 $0xFFFFF800  }
0x161: {  	_ =	swait.ge [sflag:s12], $0x800  }
0x162: {  	[sflag:s12] =	ssyncset.done $0x0  }
0x163: {  	[sflag:s12] =	ssyncadd.s32 $0xFFFFF800  }
0x164: {  	_ =	swait.ge [sflag:s12], $0x800  }
0x165: {  	[sflag:s12] =	ssyncset.done $0x0  }
0x166: {  	[sflag:s12] =	ssyncadd.s32 $0xFFFFF800  }
0x167: {  	_ =	swait.ge [sflag:s12], $0x800  }
0x168: {  	[sflag:s12] =	ssyncset.done $0x0  }
0x169: {  	[sflag:s12] =	ssyncadd.s32 $0xFFFFF800  }
0x16a: {  	[bflag:$0x0] =	sbarrier.arrive $0xFFFF  }
0x16b: {  	s10 =	rddreg [dreg:$0xf]  }
0x16c: {  	s14 =	rddreg [dreg:$0x12]  }
0x16d: {  	s9 =	rddreg [dreg:$0x15]  }
0x16e: {  	[hbm:s14], [sflag:s10] =	dma.local [spmem:s9], $0x3100  }
0x16f: {  	_ =	swait.ge [sflag:s16], $0x3100  }
0x170: {  	s13 =	rddreg [dreg:$0x16]  }
0x171: {  	s15 =	rddreg [dreg:$0x13];
	s13 =	sadd.s32 $0x1, s13  }
0x172: {  	p0 =	sne.s32 s13, s15  }
.Ltmp1:
0x173: {  	_ = 	snop;
	(pc) =	sbr.rel @p0 .LBB2_1-.Ltmp1, $3  }
0x174: {  	_ =	sdelay $0x1  }
0x175: {  	[sflag:s16] =	ssyncset.done $0x0  }
0x176: {  	[sflag:s16] =	ssyncadd.s32 $0xFFFFCF00  }
0x177: {  	_ =	sfence.sel $0x180000  }
0x178: {  	[bflag:$0x0] =	sbarrier.arrive $0xFFFF  }
0x179: {  	_ =	strace $0x9000004A  }
0x17a: {  	s0 =	stileid.u32;
	[bflag:$0x2] =	sbarrier.arrive $0xFFFF  }
0x17b: {  	p0 =	sne.s32 s0, $0x0;
	s0 =	rddreg [dreg:$0x2]  }
0x17c: {  	s0 =	sadd.s32 @!p0 $0x100000, s0  }
0x17d: {  	[sflag:s0] =	ssyncadd.tile.s32 @!p0 $0x1;
	_ =	shalt  }
.Lfunc_end2:
_tile_overlayer_lowered:
.L_overlay_start_2:
0x17e: {  	(tag) =	ssettag $0x2  }
0x17f: {  	s0 =	rddreg [dreg:$0x0];
	s2 =	stileid.u32  }
0x180: {  	s1 =	rddreg [dreg:$0x1];
	p0 =	sne.s32 s2, $0x0  }
0x181: {  	s3 =	rddreg [dreg:$0x2];
	[bflag:$0x3] =	sbarrier.arrive $0xFFFF;
	s2 =	simm.s32 @!p0 $0x1C03  }
0x182: {  	[timem:s3], [sflag:s2] =	dma.local @!p0 [hbm:s0], s1  }
0x183: {  	s0 =	simm.s32 @!p0 $0x3  }
0x184: {  	_ =	swait.ge @!p0 [sflag:s0], s1  }
0x185: {  	s1 =	ssub.s32 @!p0 $0x0, s1;
	[sflag:s0] =	ssyncset.done @!p0 $0x0  }
0x186: {  	[sflag:s0] =	ssyncadd.s32 @!p0 s1  }
0x187: {  	[bflag:$0x3] =	sbarrier.arrive $0xFFFF  }
0x188: {  	_ =	shalt  }

// kernel: kernel.14.cloned.1.call-start
scs
__scs_entry_jumppad:
0x0: {  	(pc) =	sbr.rel $0x88, $3  }
0x1: {  	(tag) =	ssettag $0x0;
	lr =	simm.s32 $0x1  }
0x2: {  	[smem:$0x3F99] =	sst lr;
	_ =	strace $0xD0000000  }
0x3: {  	_ = 	snop  }
0x4: {  	_ = 	snop  }
0x5: {  	_ = 	snop  }
0x6: {  	_ = 	snop  }
0x7: {  	_ = 	snop  }
__scs_overlays_trampoline_lowered:
0x8: {  	[smem:$0x3FA8] =	sst s0  }
0x9: {  	[smem:$0x3FA9] =	sst s1  }
0xa: {  	[smem:$0x3FAA] =	sst s2  }
0xb: {  	[smem:$0x3FAB] =	sst s3  }
0xc: {  	[smem:$0x3FAC] =	sst s4  }
0xd: {  	[smem:$0x3FAD] =	sst s5  }
0xe: {  	[smem:$0x3FAE] =	sst s6  }
0xf: {  	[smem:$0x3FAF] =	sst s7  }
0x10: {  	[smem:$0x3FB0] =	sst s8  }
0x11: {  	[smem:$0x3FB1] =	sst s9;
	s0 =	simm.s32 @!p0 $0x0  }
0x12: {  	s1 =	sld [smem:$0x3F97];
	s0 =	simm.s32 @p0 $0x1  }
0x13: {  	[smem:$0x3FB2] =	sst s0;
	s0 =	simm.s32 @!p1 $0x0  }
0x14: {  	s2 =	sld [smem:$0x3F96];
	s0 =	simm.s32 @p1 $0x1  }
0x15: {  	[smem:$0x3FB3] =	sst s0;
	s0 =	simm.s32 @!p2 $0x0  }
0x16: {  	s3 =	sld [smem:$0x3FDB];
	s0 =	simm.s32 @p2 $0x1  }
0x17: {  	s4 =	simm.s32 $0x1BF5;
	[smem:$0x3FB5] =	sst s0  }
0x18: {  	s0 =	sld [smem:$0x3F98];
	_ =	swait.ge [sflag:s4], $0x0  }
0x19: {  	s7 =	sld [smem:$0x3F99]  }
0x1a: {  	s8 =	sadd.s32 $0xFFFFE003, lr  }
0x1b: {  	s9 =	sadd.s32 $0xFFFFFEF7, lr;
	s5 =	simm.s32 $0xFFFFFFFF;
	p2 =	slt.u32 s8, $0xFFFFF086  }
0x1c: {  	p1 =	slt.u32 s9, $0xF7A;
	s5 =	simm.s32 @!p2 $0x0  }
0x1d: {  	s5 =	simm.s32 @p1 $0x1;
	p0 =	seq.s32 s7, s2  }
0x1e: {  	s7 =	smul.u32 @!p0 $0xF7A, s2;
	p2 =	seq.s32 @!p0 s5, $0x0  }
0x1f: {  	s9 =	smul.u32 $0xF7A, s1;
	s8 =	simm.s32 @!p0 $0x1BF5;
	p2 =	por !p2, p0  }
0x20: {  	[sflag:s8] =	ssyncset.s32 @!p0 $0xFFFFF086;
	s6 =	sadd.s32 @!p0 s3, s7;
	s7 =	simm.s32 @!p0 $0x108  }
0x21: {  	s3 =	sadd.s32 s3, s9;
	s6 =	sadd.s32 @!p0 $0x88, s6;
	s7 =	simm.s32 @p2 $0x1082  }
0x22: {  	[simem:s7], [sflag:s8] =	dma.local @!p0 [hbm:s6], $0xF7A  }
0x23: {  	s9 =	sor.u32 $0xD0000000, s2;
	s6 =	simm.s32 $0x108;
	_ =	swait.ge @!p0 [sflag:s8], $0x0  }
0x24: {  	s3 =	sadd.s32 $0x88, s3;
	s6 =	simm.s32 @!p1 $0x1082;
	[sflag:s4] =	ssyncset.s32 $0xFFFFF086  }
0x25: {  	[simem:s6], [sflag:s4] =	dma.local [hbm:s3], $0xF7A  }
0x26: {  	[smem:$0x3F99] =	sst s1;
	(tag) =	ssettag s2;
	_ =	strace s9  }
0x27: {  	s1 =	sld [smem:$0x3FA9]  }
0x28: {  	s2 =	sld [smem:$0x3FAA]  }
0x29: {  	s4 =	sld [smem:$0x3FAC]  }
0x2a: {  	p0 =	seq.s32 s5, $0x0;
	s5 =	sld [smem:$0x3FAD]  }
0x2b: {  	s6 =	sld [smem:$0x3FAE]  }
0x2c: {  	s7 =	sld [smem:$0x3FAF]  }
0x2d: {  	s3 =	simm.s32 $0x108;
	s8 =	sld [smem:$0x3FB0]  }
0x2e: {  	s3 =	simm.s32 @!p0 $0x1082;
	s9 =	sld [smem:$0x3FB1]  }
0x2f: {  	lr =	sadd.s32 s0, s3;
	s0 =	sld [smem:$0x3FA8]  }
0x30: {  	s3 =	sld [smem:$0x3FAB]  }
0x31: {  	[smem:$0x3FB4] =	sst s10  }
0x32: {  	s10 =	sld [smem:$0x3FB2];
	_ =	sdelay $0x3  }
0x33: {  	p0 =	seq.s32 s10, $0x1;
	s10 =	sld [smem:$0x3FB4];
	_ =	sdelay $0x3  }
0x34: {  	[smem:$0x3FB4] =	sst s10  }
0x35: {  	s10 =	sld [smem:$0x3FB3];
	_ =	sdelay $0x3  }
0x36: {  	p1 =	seq.s32 s10, $0x1;
	s10 =	sld [smem:$0x3FB4];
	_ =	sdelay $0x3  }
0x37: {  	[smem:$0x3FB4] =	sst s10  }
0x38: {  	s10 =	sld [smem:$0x3FB5]  }
0x39: {  	_ = 	snop;
	(pc) =	sbr.ind lr, $3  }
0x3a: {  	_ = 	snop  }
0x3b: {  	_ = 	snop  }
0x3c: {  	p2 =	seq.s32 s10, $0x1;
	s10 =	sld [smem:$0x3FB4]  }
0x3d: {  	_ =	shalt  }
0x3e: {  	_ =	shalt  }
0x3f: {  	_ =	shalt  }
0x40: {  	_ =	shalt  }
0x41: {  	_ =	shalt  }
0x42: {  	_ =	shalt  }
0x43: {  	_ =	shalt  }
0x44: {  	_ =	shalt  }
0x45: {  	_ =	shalt  }
0x46: {  	_ =	shalt  }
0x47: {  	_ =	shalt  }
0x48: {  	_ =	shalt  }
0x49: {  	_ =	shalt  }
0x4a: {  	_ =	shalt  }
0x4b: {  	_ =	shalt  }
0x4c: {  	_ =	shalt  }
0x4d: {  	_ =	shalt  }
0x4e: {  	_ =	shalt  }
0x4f: {  	_ =	shalt  }
0x50: {  	_ =	shalt  }
0x51: {  	_ =	shalt  }
0x52: {  	_ =	shalt  }
0x53: {  	_ =	shalt  }
0x54: {  	_ =	shalt  }
0x55: {  	_ =	shalt  }
0x56: {  	_ =	shalt  }
0x57: {  	_ =	shalt  }
0x58: {  	_ =	shalt  }
0x59: {  	_ =	shalt  }
0x5a: {  	_ =	shalt  }
0x5b: {  	_ =	shalt  }
0x5c: {  	_ =	shalt  }
0x5d: {  	_ =	shalt  }
0x5e: {  	_ =	shalt  }
0x5f: {  	_ =	shalt  }
0x60: {  	_ =	shalt  }
0x61: {  	_ =	shalt  }
0x62: {  	_ =	shalt  }
0x63: {  	_ =	shalt  }
0x64: {  	_ =	shalt  }
0x65: {  	_ =	shalt  }
0x66: {  	_ =	shalt  }
0x67: {  	_ =	shalt  }
0x68: {  	_ =	shalt  }
0x69: {  	_ =	shalt  }
0x6a: {  	_ =	shalt  }
0x6b: {  	_ =	shalt  }
0x6c: {  	_ =	shalt  }
0x6d: {  	_ =	shalt  }
0x6e: {  	_ =	shalt  }
0x6f: {  	_ =	shalt  }
0x70: {  	_ =	shalt  }
0x71: {  	_ =	shalt  }
0x72: {  	_ =	shalt  }
0x73: {  	_ =	shalt  }
0x74: {  	_ =	shalt  }
0x75: {  	_ =	shalt  }
0x76: {  	_ =	shalt  }
0x77: {  	_ =	shalt  }
0x78: {  	_ =	shalt  }
0x79: {  	_ =	shalt  }
0x7a: {  	_ =	shalt  }
0x7b: {  	_ =	shalt  }
0x7c: {  	_ =	shalt  }
0x7d: {  	_ =	shalt  }
0x7e: {  	_ =	shalt  }
0x7f: {  	_ =	shalt  }
0x80: {  	_ =	shalt  }
0x81: {  	_ =	shalt  }
0x82: {  	_ =	shalt  }
0x83: {  	_ =	shalt  }
0x84: {  	_ =	shalt  }
0x85: {  	_ =	shalt  }
0x86: {  	_ =	shalt  }
0x87: {  	_ =	shalt  }
.Lfunc_end0:
.L_simem_size_0:
called_computation.2_lowered:
.L_overlay_start_0:
0x88: {  	s2 =	sld [smem:$0x3FD9]  }
0x89: {  	s3 =	sld [smem:$0x3FFE];
	_ =	sdelay $0x1  }
0x8a: {  	s1 =	srdreg.scid  }
0x8b: {  	s0 =	sand.u32 $0x1, s1  }
0x8c: {  	s16 =	sshll.u32 s0, $0xA;
	s2 =	sadd.s32 s3, s2  }
0x8d: {  	s2 =	sadd.s32 s2, s16  }
0x8e: {  	[smem:$0x3FC0] =	sst s2  }
0x8f: {  	_ = 	snop  }
0x90: {  	(tm) =	ssettm $0x1  }
0x91: {  	s17 =	sld [smem:$0x3FFB];
	_ =	sdelay $0x3  }
0x92: {  	_ =	strace s17  }
0x93: {  	s2 =	sld [smem:$0x3FFC];
	_ =	sdelay $0x3  }
0x94: {  	_ =	strace s2  }
0x95: {  	s2 =	sld [smem:$0x3FFD];
	_ =	sdelay $0x3  }
0x96: {  	_ =	strace s2  }
0x97: {  	_ =	strace $0x8FFFFFFF  }
0x98: {  	s18 =	sld [smem:$0x3FDB];
	_ =	sdelay $0x1  }
0x99: {  	s19 =	simm.s32 $_scs_section_size  }
0x9a: {  	s4 =	simm.s32 $_size__tile_overlayer_lowered;
	s5 =	simm.s32 $_tile_overlayer_lowered  }
0x9b: {  	s22 =	simm.s32 $0x1BFF;
	s21 =	sshll.u32 s5, $0x1;
	s2 =	sadd.s32 s19, s18  }
0x9c: {  	s6 =	simm.s32 $0x0;
	s20 =	sshll.u32 s4, $0x1;
	s4 =	sadd.s32 s21, s2  }
0x9d: {  	[timem:s6], [sflag:s22] =	dma.local [hbm:s4], s20  }
0x9e: {  	_ =	swait.ge [sflag:s22], s20  }
0x9f: {  	s3 =	ssub.s32 $0x0, s20;
	[sflag:s22] =	ssyncset.done $0x0  }
0xa0: {  	[sflag:s22] =	ssyncadd.s32 s3;
	_ =	sdelay $0x1  }
0xa1: {  	s23 =	simm.s32 $0x1B8B  }
0xa2: {  	_ =	swait.ge [sflag:s23], $0x1  }
0xa3: {  	[sflag:s23] =	ssyncset.done $0x0  }
0xa4: {  	s25 =	simm.s32 $0x1B8E;
	s24 =	sld [smem:$0x3FFE];
	[sflag:s23] =	ssyncadd.s32 $0xFFFFFFFF  }
0xa5: {  	s26 =	simm.s32 $execute0_lowered;
	[smem:$0x3FD2] =	sst s25  }
0xa6: {  	s4 =	sshll.u32 s26, $0x1;
	_ =	strace $0x8000004C;
	[dreg:$0x1] =	wrdreg $0xFFFFFFFF  }
0xa7: {  	s28 =	simm.s32 $_size_execute0_lowered;
	s2 =	sadd.s32 s2, s4;
	[dreg:$0x0] =	wrdreg $0x0  }
0xa8: {  	s4 =	sshll.u32 s28, $0x1;
	[dreg:$0x2] =	wrdreg s2  }
0xa9: {  	[dreg:$0x3] =	wrdreg s4  }
0xaa: {  	[dreg:$0x4] =	wrdreg $0xC0  }
0xab: {  	_ =	task [dreg:s6], $0x5FFFF  }
0xac: {  	[dreg:$0x1] =	wrdreg $0xFFFFFFFF  }
0xad: {  	[dreg:$0x0] =	wrdreg $0x60  }
0xae: {  	[dreg:$0x2] =	wrdreg s24  }
0xaf: {  	[dreg:$0x3] =	wrdreg $0x0  }
0xb0: {  	[dreg:$0x4] =	wrdreg $0x9  }
0xb1: {  	_ =	task.clear_ibuf [dreg:s6], $0x5FFFF;
	_ =	strace $0x9000004C  }
0xb2: {  	s29 =	simm.s32 $0x9;
	_ =	strace $0x8000004E  }
0xb3: {  	_ =	swait.ge [sflag:s29], $0x1  }
0xb4: {  	[sflag:s29] =	ssyncadd.s32 $0xFFFFFFFF  }
0xb5: {  	_ =	strace $0x9000004E  }
0xb6: {  	_ =	sfence  }
0xb7: {  	s30 =	sld [smem:$0x0];
	_ =	sdelay $0x2  }
0xb8: {  	s31 =	sshll.u32 s1, $0xD;
	s1 =	sshrl.u32 s1, $0x2  }
0xb9: {  	s3 =	sand.u32 $0x4000, s31;
	s1 =	sadd.s32 s1, s30  }
0xba: {  	s0 =	sor.u32 s3, s0;
	s1 =	sshll.u32 s1, $0x11  }
0xbb: {  	s0 =	sor.u32 s1, s0  }
0xbc: {  	s0 =	sadd.s32 $0x8F2B, s0  }
0xbd: {  	[sflag:s0] =	ssyncadd.remote.s32 $0x1  }
0xbe: {  	_ =	sfence.sel $0xFFFF  }
0xbf: {  	[dreg:$0x0] =	wrdreg $0xFFFFFFFF;
	(pc) =	sbr.abs _section_cstart, $3  }
0xc0: {  	[dreg:$0x1] =	wrdreg $0xFFFFFFFF  }
0xc1: {  	_ =	task.clear_ibuf [dreg:s6], $0x2FFFF;
	_ =	strace $0x9FFFFFFF  }
0xc2: {  	(tm) =	ssettm $0x7FFFFFFF  }
0xc3: {  	_ =	shalt  }
tec
execute0_lowered:
.L_overlay_start_1:
0x0: {  	(tag) =	ssettag $0x1  }
0x1: {  	s0 =	rddreg [dreg:$0x0]  }
0x2: {  	s1 =	rddreg [dreg:$0x1]  }
0x3: {  	s2 =	srdreg.scid;
	s3 =	simm.s32 $0x0;
	s11 =	stileid.u32  }
0x4: {  	s18 =	simm.s32 $0x18C80;
	s19 =	simm.s32 $0x18D00;
	s20 =	simm.s32 $0x18D80  }
0x5: {  	s21 =	simm.s32 $0x18A80;
	s22 =	simm.s32 $0x18B00;
	s23 =	simm.s32 $0x18B80  }
0x6: {  	s24 =	simm.s32 $0x18E80;
	s28 =	simm.s32 $0x18C00;
	s29 =	simm.s32 $0x18E00  }
0x7: {  	s30 =	simm.s32 $0x1B000;
	s31 =	simm.s32 $0x1B800;
	s2 =	sand.u32 $0x1, s2  }
0x8: {  	[smem:$0x7FF] =	sst s3;
	s7 =	smul.u32 $0x18800, s11;
	s4 =	sadd.s32 $0x2400, s0  }
0x9: {  	s12 =	smul.u32 $0x310, s11;
	_ =	strace $0x8000004D;
	[dreg:$0x5] =	wrdreg s18  }
0xa: {  	s5 =	sadd.s32 $0x33400, s0;
	s26 =	smul.u32 $0x3100, s11;
	[dreg:$0x6] =	wrdreg s19  }
0xb: {  	s14 =	sshll.u32 s11, $0x6;
	s6 =	smul.u32 $0x188000, s2;
	[dreg:$0x7] =	wrdreg s20  }
0xc: {  	s2 =	ssub.s32 $0x2, s2;
	s18 =	simm.s32 $0x18A00;
	[dreg:$0x8] =	wrdreg s21  }
0xd: {  	s19 =	simm.s32 $0x80;
	s20 =	simm.s32 $0x19000;
	[dreg:$0x9] =	wrdreg s22  }
0xe: {  	s21 =	simm.s32 $0x18880;
	s22 =	simm.s32 $0x19800;
	[dreg:$0xa] =	wrdreg s23  }
0xf: {  	s23 =	simm.s32 $0x18900;
	[dreg:$0xb] =	wrdreg s24;
	s24 =	simm.s32 $0x1A000  }
0x10: {  	s25 =	sshrl.u32 s7, $0x3;
	s10 =	sshrl.u32 s2, $0x1;
	s13 =	sadd.s32 s4, s26  }
0x11: {  	s17 =	sor.u32 $0x8, s12;
	s8 =	sshrl.u32 s6, $0x3;
	s6 =	sadd.s32 s7, s6  }
0x12: {  	s2 =	ssub.s32 s2, s10;
	s7 =	sadd.s32 s7, s1;
	s10 =	sor.u32 $0x1C03, s14  }
0x13: {  	s14 =	sadd.s32 s5, s26;
	[dreg:$0x10] =	wrdreg s13;
	s15 =	sadd.s32 $0x40, s13  }
0x14: {  	[dreg:$0x14] =	wrdreg s17;
	s17 =	simm.s32 $0x18800;
	s26 =	simm.s32 $0x18F80  }
0x15: {  	s13 =	simm.s32 $0x0;
	s9 =	sadd.s32 s8, s0;
	[dreg:$0x3] =	wrdreg s15  }
0x16: {  	s8 =	sadd.s32 s25, s0;
	s6 =	sshrl.u32 s6, $0x3;
	[dreg:$0x11] =	wrdreg s14  }
0x17: {  	s16 =	sadd.s32 $0x40, s14;
	s2 =	smax.u32 s2, $0x1;
	[dreg:$0xd] =	wrdreg s26  }
0x18: {  	s25 =	simm.s32 $0x18F00;
	s26 =	simm.s32 $0x1A800;
	[dreg:$0xf] =	wrdreg s10  }
0x19: {  	s0 =	sadd.s32 s6, s0;
	s8 =	sadd.s32 $0x64400, s8;
	[dreg:$0x13] =	wrdreg s2  }
0x1a: {  	s11 =	sadd.s32 $0xF7400, s9;
	[dreg:$0x4] =	wrdreg s16;
	s9 =	sshrl.u32 s7, $0x3  }
0x1b: {  	s16 =	simm.s32 $0x3;
	[dreg:$0xc] =	wrdreg s25;
	s25 =	simm.s32 $0x18980  }
0x1c: {  	s2 =	simm.s32 $0x1C800;
	s6 =	simm.s32 $0x1;
	[dreg:$0xe] =	wrdreg s8  }
0x1d: {  	s8 =	sadd.s32 $0x30C, s12;
	s0 =	sadd.s32 $0x159400, s0;
	[dreg:$0x15] =	wrdreg s9  }
0x1e: {  	s12 =	simm.s32 $0x2;
	[dreg:$0x12] =	wrdreg s0;
	s0 =	simm.s32 $0x1C000  }
.LBB2_1:
0x1f: {  	[dreg:$0x16] =	wrdreg s13  }
0x20: {  	s7 =	rddreg [dreg:$0xe]  }
0x21: {  	[spmem:s9], [sflag:s10] =	dma.local [hbm:s7], $0x3100  }
0x22: {  	_ =	swait.ge [sflag:s16], $0x3100  }
0x23: {  	[sflag:s16] =	ssyncset.done $0x0  }
0x24: {  	[sflag:s16] =	ssyncadd.s32 $0xFFFFCF00  }
0x25: {  	[bflag:$0x0] =	sbarrier.arrive $0xFFFF  }
0x26: {  	s15 =	rddreg [dreg:$0x10]  }
0x27: {  	[tilespmem:s17], [sflag:$0x3] =	stream.linear.gather [hbm4b:s15+s3], $0x200, $0x38;
	[tilespmem:$0x1D000] =	vst v63  }
0x28: {  	_ =	swait.ge [sflag:s16], $0x200  }
0x29: {  	[sflag:s16] =	ssyncset.done $0x0  }
0x2a: {  	s9 =	rddreg [dreg:$0x11];
	[sflag:s16] =	ssyncadd.s32 $0xFFFFFE00  }
0x2b: {  	[tilespmem:s18], [sflag:$0x3] =	stream.linear.gather [hbm4b:s9+s3], $0x200, $0x38;
	[tilespmem:$0x1D000] =	vst v63  }
0x2c: {  	_ =	swait.ge [sflag:s16], $0x200  }
0x2d: {  	[sflag:s16] =	ssyncset.done $0x0  }
0x2e: {  	[sflag:s16] =	ssyncadd.s32 $0xFFFFFE00  }
0x2f: {  	[tilespmem:s20], [sflag:$0x1] =	stream.indirect.gather [hbm4b:s11+s19], $0x10, s17, s19, $0xb8;
	[tilespmem:$0x1D000] =	vst v63  }
0x30: {  	_ = 	snop  }
0x31: {  	[tilespmem:s22], [sflag:$0x1] =	stream.indirect.gather [hbm4b:s11+s19], $0x10, s21, s19, $0xb8;
	[tilespmem:$0x1D000] =	vst v63  }
0x32: {  	_ = 	snop  }
0x33: {  	[tilespmem:s24], [sflag:$0x1] =	stream.indirect.gather [hbm4b:s11+s19], $0x10, s23, s19, $0xb8;
	[tilespmem:$0x1D000] =	vst v63  }
0x34: {  	s10 =	rddreg [dreg:$0x3]  }
0x35: {  	[tilespmem:s26], [sflag:$0x1] =	stream.indirect.gather [hbm4b:s11+s19], $0x10, s25, s19, $0xb8;
	[tilespmem:$0x1D000] =	vst v63  }
0x36: {  	s7 =	sadd.s32 $0x0, s10  }
0x37: {  	[tilespmem:s28], [sflag:$0x3] =	stream.linear.gather [hbm4b:s7+s3], $0x200, $0x38;
	[tilespmem:$0x1D000] =	vst v63  }
0x38: {  	_ =	swait.ge [sflag:s16], $0x200  }
0x39: {  	s13 =	rddreg [dreg:$0x4];
	[sflag:s16] =	ssyncset.done $0x0  }
0x3a: {  	[sflag:s16] =	ssyncadd.s32 $0xFFFFFE00;
	s7 =	sadd.s32 $0x0, s13  }
0x3b: {  	[tilespmem:s29], [sflag:$0x3] =	stream.linear.gather [hbm4b:s7+s3], $0x200, $0x38;
	[tilespmem:$0x1D000] =	vst v63  }
0x3c: {  	_ =	swait.ge [sflag:s16], $0x200  }
0x3d: {  	[sflag:s16] =	ssyncset.done $0x0  }
0x3e: {  	[sflag:s16] =	ssyncadd.s32 $0xFFFFFE00  }
0x3f: {  	[tilespmem:s30], [sflag:$0x1] =	stream.indirect.gather [hbm4b:s11+s19], $0x10, s28, s19, $0xb8;
	[tilespmem:$0x1D000] =	vst v63  }
0x40: {  	s14 =	rddreg [dreg:$0x5]  }
0x41: {  	[tilespmem:s31], [sflag:$0x1] =	stream.indirect.gather [hbm4b:s11+s19], $0x10, s14, s19, $0xb8;
	[tilespmem:$0x1D000] =	vst v63  }
0x42: {  	s15 =	rddreg [dreg:$0x6]  }
0x43: {  	[tilespmem:s0], [sflag:$0x1] =	stream.indirect.gather [hbm4b:s11+s19], $0x10, s15, s19, $0xb8;
	[tilespmem:$0x1D000] =	vst v63  }
0x44: {  	s10 =	rddreg [dreg:$0x7]  }
0x45: {  	[tilespmem:s2], [sflag:$0x1] =	stream.indirect.gather [hbm4b:s11+s19], $0x10, s10, s19, $0xb8;
	[tilespmem:$0x1D000] =	vst v63  }
0x46: {  	_ =	swait.ge [sflag:s6], $0x800  }
0x47: {  	[sflag:s6] =	ssyncset.done $0x0  }
0x48: {  	[sflag:s6] =	ssyncadd.s32 $0xFFFFF800  }
0x49: {  	_ =	swait.ge [sflag:s6], $0x800  }
0x4a: {  	[sflag:s6] =	ssyncset.done $0x0  }
0x4b: {  	[sflag:s6] =	ssyncadd.s32 $0xFFFFF800  }
0x4c: {  	_ =	swait.ge [sflag:s6], $0x800  }
0x4d: {  	[sflag:s6] =	ssyncset.done $0x0  }
0x4e: {  	[sflag:s6] =	ssyncadd.s32 $0xFFFFF800  }
0x4f: {  	_ =	swait.ge [sflag:s6], $0x800  }
0x50: {  	[sflag:s6] =	ssyncset.done $0x0  }
0x51: {  	[sflag:s6] =	ssyncadd.s32 $0xFFFFF800  }
0x52: {  	[spmem:s1] =	stream.indirect.scatter.add.f32 [tilespmem:s20], [sflag:$0x2], $0x10, s18, s19, $0xb8;
	[tilespmem:$0x1D000] =	vst v63  }
0x53: {  	s13 =	rddreg [dreg:$0x8]  }
0x54: {  	[spmem:s1] =	stream.indirect.scatter.add.f32 [tilespmem:s22], [sflag:$0x2], $0x10, s13, s19, $0xb8;
	[tilespmem:$0x1D000] =	vst v63  }
0x55: {  	s14 =	rddreg [dreg:$0x9]  }
0x56: {  	[spmem:s1] =	stream.indirect.scatter.add.f32 [tilespmem:s24], [sflag:$0x2], $0x10, s14, s19, $0xb8;
	[tilespmem:$0x1D000] =	vst v63  }
0x57: {  	s15 =	rddreg [dreg:$0xa]  }
0x58: {  	[spmem:s1] =	stream.indirect.scatter.add.f32 [tilespmem:s26], [sflag:$0x2], $0x10, s15, s19, $0xb8;
	[tilespmem:$0x1D000] =	vst v63  }
0x59: {  	_ =	swait.ge [sflag:s6], $0x800  }
0x5a: {  	[sflag:s6] =	ssyncset.done $0x0  }
0x5b: {  	[sflag:s6] =	ssyncadd.s32 $0xFFFFF800  }
0x5c: {  	_ =	swait.ge [sflag:s6], $0x800  }
0x5d: {  	[sflag:s6] =	ssyncset.done $0x0  }
0x5e: {  	[sflag:s6] =	ssyncadd.s32 $0xFFFFF800  }
0x5f: {  	_ =	swait.ge [sflag:s6], $0x800  }
0x60: {  	[sflag:s6] =	ssyncset.done $0x0  }
0x61: {  	[sflag:s6] =	ssyncadd.s32 $0xFFFFF800  }
0x62: {  	_ =	swait.ge [sflag:s6], $0x800  }
0x63: {  	p0 =	por $0x1, $0x1;
	[sflag:s6] =	ssyncset.done $0x0  }
0x64: {  	s7 =	simm.s32 @!p0 $0x2;
	[sflag:s6] =	ssyncadd.s32 $0xFFFFF800  }
0x65: {  	_ =	swait.ge @!p0 [sflag:s7], $0x800  }
0x66: {  	[sflag:s7] =	ssyncset.done @!p0 $0x0  }
0x67: {  	[sflag:s7] =	ssyncadd.s32 @!p0 $0xFFFFF800  }
0x68: {  	_ =	swait.ge @!p0 [sflag:s7], $0x800  }
0x69: {  	[sflag:s7] =	ssyncset.done @!p0 $0x0  }
0x6a: {  	[sflag:s7] =	ssyncadd.s32 @!p0 $0xFFFFF800  }
0x6b: {  	_ =	swait.ge @!p0 [sflag:s7], $0x800  }
0x6c: {  	[sflag:s7] =	ssyncset.done @!p0 $0x0  }
0x6d: {  	[sflag:s7] =	ssyncadd.s32 @!p0 $0xFFFFF800  }
0x6e: {  	_ =	swait.ge @!p0 [sflag:s7], $0x800  }
0x6f: {  	[sflag:s7] =	ssyncset.done @!p0 $0x0  }
0x70: {  	[sflag:s7] =	ssyncadd.s32 @!p0 $0xFFFFF800  }
0x71: {  	_ =	swait.ge [sflag:s12], $0x800  }
0x72: {  	[sflag:s12] =	ssyncset.done $0x0  }
0x73: {  	[sflag:s12] =	ssyncadd.s32 $0xFFFFF800  }
0x74: {  	_ =	swait.ge [sflag:s12], $0x800  }
0x75: {  	[sflag:s12] =	ssyncset.done $0x0  }
0x76: {  	[sflag:s12] =	ssyncadd.s32 $0xFFFFF800  }
0x77: {  	_ =	swait.ge [sflag:s12], $0x800  }
0x78: {  	[sflag:s12] =	ssyncset.done $0x0  }
0x79: {  	[sflag:s12] =	ssyncadd.s32 $0xFFFFF800  }
0x7a: {  	_ =	swait.ge [sflag:s12], $0x800  }
0x7b: {  	[sflag:s12] =	ssyncset.done $0x0  }
0x7c: {  	s9 =	rddreg [dreg:$0xb];
	[sflag:s12] =	ssyncadd.s32 $0xFFFFF800  }
0x7d: {  	[spmem:s1] =	stream.indirect.scatter.add.f32 [tilespmem:s30], [sflag:$0x2], $0x10, s29, s19, $0xb8;
	[tilespmem:$0x1D000] =	vst v63  }
0x7e: {  	s14 =	rddreg [dreg:$0x14]  }
0x7f: {  	[spmem:s1] =	stream.indirect.scatter.add.f32 [tilespmem:s31], [sflag:$0x2], $0x10, s9, s19, $0xb8;
	[tilespmem:$0x1D000] =	vst v63  }
0x80: {  	p0 =	slt.s32 s14, s8;
	s9 =	smov.u32 s8  }
0x81: {  	s10 =	rddreg [dreg:$0xc];
	s9 =	smov.u32 @p0 s14  }
0x82: {  	[spmem:s1] =	stream.indirect.scatter.add.f32 [tilespmem:s0], [sflag:$0x2], $0x10, s10, s19, $0xb8;
	[tilespmem:$0x1D000] =	vst v63  }
0x83: {  	s13 =	rddreg [dreg:$0xd];
	s15 =	sshll.u32 s9, $0x4  }
0x84: {  	[spmem:s1] =	stream.indirect.scatter.add.f32 [tilespmem:s2], [sflag:$0x2], $0x10, s13, s19, $0xb8;
	[tilespmem:$0x1D000] =	vst v63  }
0x85: {  	s9 =	sadd.s32 s4, s15  }
0x86: {  	[tilespmem:s17], [sflag:$0x3] =	stream.linear.gather [hbm4b:s9+s3], $0x200, $0x38;
	[tilespmem:$0x1D000] =	vst v63  }
0x87: {  	_ =	swait.ge [sflag:s16], $0x200  }
0x88: {  	[sflag:s16] =	ssyncset.done $0x0  }
0x89: {  	s7 =	sadd.s32 s5, s15;
	[sflag:s16] =	ssyncadd.s32 $0xFFFFFE00  }
0x8a: {  	[tilespmem:s18], [sflag:$0x3] =	stream.linear.gather [hbm4b:s7+s3], $0x200, $0x38;
	[tilespmem:$0x1D000] =	vst v63  }
0x8b: {  	_ =	swait.ge [sflag:s16], $0x200  }
0x8c: {  	[sflag:s16] =	ssyncset.done $0x0  }
0x8d: {  	[sflag:s16] =	ssyncadd.s32 $0xFFFFFE00  }
0x8e: {  	[tilespmem:s20], [sflag:$0x1] =	stream.indirect.gather [hbm4b:s11+s19], $0x10, s17, s19, $0xb8;
	[tilespmem:$0x1D000] =	vst v63  }
0x8f: {  	_ = 	snop  }
0x90: {  	[tilespmem:s22], [sflag:$0x1] =	stream.indirect.gather [hbm4b:s11+s19], $0x10, s21, s19, $0xb8;
	[tilespmem:$0x1D000] =	vst v63  }
0x91: {  	s10 =	simm.s32 $0x80;
	s7 =	simm.s32 $0x100;
	s9 =	rddreg [dreg:$0x3]  }
0x92: {  	[tilespmem:s24], [sflag:$0x1] =	stream.indirect.gather [hbm4b:s11+s19], $0x10, s23, s19, $0xb8;
	[tilespmem:$0x1D000] =	vst v63  }
.LBB2_2:
0x93: {  	[tilespmem:s26], [sflag:$0x1] =	stream.indirect.gather [hbm4b:s11+s19], $0x10, s25, s19, $0xb8;
	[tilespmem:$0x1D000] =	vst v63  }
0x94: {  	s9 =	sadd.s32 s10, s9  }
0x95: {  	[tilespmem:s28], [sflag:$0x3] =	stream.linear.gather [hbm4b:s9+s3], $0x200, $0x38;
	[tilespmem:$0x1D000] =	vst v63  }
0x96: {  	_ =	swait.ge [sflag:s16], $0x200  }
0x97: {  	s13 =	rddreg [dreg:$0x4];
	[sflag:s16] =	ssyncset.done $0x0  }
0x98: {  	[sflag:s16] =	ssyncadd.s32 $0xFFFFFE00;
	s9 =	sadd.s32 s10, s13  }
0x99: {  	[tilespmem:s29], [sflag:$0x3] =	stream.linear.gather [hbm4b:s9+s3], $0x200, $0x38;
	[tilespmem:$0x1D000] =	vst v63  }
0x9a: {  	_ =	swait.ge [sflag:s16], $0x200  }
0x9b: {  	[sflag:s16] =	ssyncset.done $0x0  }
0x9c: {  	[sflag:s16] =	ssyncadd.s32 $0xFFFFFE00  }
0x9d: {  	[tilespmem:s30], [sflag:$0x1] =	stream.indirect.gather [hbm4b:s11+s19], $0x10, s28, s19, $0xb8;
	[tilespmem:$0x1D000] =	vst v63  }
0x9e: {  	s9 =	rddreg [dreg:$0x5]  }
0x9f: {  	[tilespmem:s31], [sflag:$0x1] =	stream.indirect.gather [hbm4b:s11+s19], $0x10, s9, s19, $0xb8;
	[tilespmem:$0x1D000] =	vst v63  }
0xa0: {  	s13 =	rddreg [dreg:$0x6]  }
0xa1: {  	[tilespmem:s0], [sflag:$0x1] =	stream.indirect.gather [hbm4b:s11+s19], $0x10, s13, s19, $0xb8;
	[tilespmem:$0x1D000] =	vst v63  }
0xa2: {  	s9 =	rddreg [dreg:$0x7]  }
0xa3: {  	[tilespmem:s2], [sflag:$0x1] =	stream.indirect.gather [hbm4b:s11+s19], $0x10, s9, s19, $0xb8;
	[tilespmem:$0x1D000] =	vst v63  }
0xa4: {  	_ =	swait.ge [sflag:s6], $0x800  }
0xa5: {  	[sflag:s6] =	ssyncset.done $0x0  }
0xa6: {  	[sflag:s6] =	ssyncadd.s32 $0xFFFFF800  }
0xa7: {  	_ =	swait.ge [sflag:s6], $0x800  }
0xa8: {  	[sflag:s6] =	ssyncset.done $0x0  }
0xa9: {  	[sflag:s6] =	ssyncadd.s32 $0xFFFFF800  }
0xaa: {  	_ =	swait.ge [sflag:s6], $0x800  }
0xab: {  	[sflag:s6] =	ssyncset.done $0x0  }
0xac: {  	[sflag:s6] =	ssyncadd.s32 $0xFFFFF800  }
0xad: {  	_ =	swait.ge [sflag:s6], $0x800  }
0xae: {  	[sflag:s6] =	ssyncset.done $0x0  }
0xaf: {  	[sflag:s6] =	ssyncadd.s32 $0xFFFFF800  }
0xb0: {  	[spmem:s1] =	stream.indirect.scatter.add.f32 [tilespmem:s20], [sflag:$0x2], $0x10, s18, s19, $0xb8;
	[tilespmem:$0x1D000] =	vst v63  }
0xb1: {  	s9 =	rddreg [dreg:$0x8]  }
0xb2: {  	[spmem:s1] =	stream.indirect.scatter.add.f32 [tilespmem:s22], [sflag:$0x2], $0x10, s9, s19, $0xb8;
	[tilespmem:$0x1D000] =	vst v63  }
0xb3: {  	s13 =	rddreg [dreg:$0x9]  }
0xb4: {  	[spmem:s1] =	stream.indirect.scatter.add.f32 [tilespmem:s24], [sflag:$0x2], $0x10, s13, s19, $0xb8;
	[tilespmem:$0x1D000] =	vst v63  }
0xb5: {  	s9 =	rddreg [dreg:$0xa]  }
0xb6: {  	[spmem:s1] =	stream.indirect.scatter.add.f32 [tilespmem:s26], [sflag:$0x2], $0x10, s9, s19, $0xb8;
	[tilespmem:$0x1D000] =	vst v63  }
0xb7: {  	_ =	swait.ge [sflag:s6], $0x800  }
0xb8: {  	[sflag:s6] =	ssyncset.done $0x0  }
0xb9: {  	[sflag:s6] =	ssyncadd.s32 $0xFFFFF800  }
0xba: {  	_ =	swait.ge [sflag:s6], $0x800  }
0xbb: {  	[sflag:s6] =	ssyncset.done $0x0  }
0xbc: {  	[sflag:s6] =	ssyncadd.s32 $0xFFFFF800  }
0xbd: {  	_ =	swait.ge [sflag:s6], $0x800  }
0xbe: {  	[sflag:s6] =	ssyncset.done $0x0  }
0xbf: {  	[sflag:s6] =	ssyncadd.s32 $0xFFFFF800  }
0xc0: {  	_ =	swait.ge [sflag:s6], $0x800  }
0xc1: {  	p1 =	seq.s32 s10, $0x0;
	[sflag:s6] =	ssyncset.done $0x0  }
0xc2: {  	s9 =	simm.s32 @!p1 $0x2;
	[sflag:s6] =	ssyncadd.s32 $0xFFFFF800  }
0xc3: {  	_ =	swait.ge @!p1 [sflag:s9], $0x800  }
0xc4: {  	[sflag:s9] =	ssyncset.done @!p1 $0x0  }
0xc5: {  	[sflag:s9] =	ssyncadd.s32 @!p1 $0xFFFFF800  }
0xc6: {  	_ =	swait.ge @!p1 [sflag:s9], $0x800  }
0xc7: {  	[sflag:s9] =	ssyncset.done @!p1 $0x0  }
0xc8: {  	[sflag:s9] =	ssyncadd.s32 @!p1 $0xFFFFF800  }
0xc9: {  	_ =	swait.ge @!p1 [sflag:s9], $0x800  }
0xca: {  	[sflag:s9] =	ssyncset.done @!p1 $0x0  }
0xcb: {  	[sflag:s9] =	ssyncadd.s32 @!p1 $0xFFFFF800  }
0xcc: {  	_ =	swait.ge @!p1 [sflag:s9], $0x800  }
0xcd: {  	[sflag:s9] =	ssyncset.done @!p1 $0x0  }
0xce: {  	[sflag:s9] =	ssyncadd.s32 @!p1 $0xFFFFF800  }
0xcf: {  	_ =	swait.ge [sflag:s12], $0x800  }
0xd0: {  	[sflag:s12] =	ssyncset.done $0x0  }
0xd1: {  	[sflag:s12] =	ssyncadd.s32 $0xFFFFF800  }
0xd2: {  	_ =	swait.ge [sflag:s12], $0x800  }
0xd3: {  	[sflag:s12] =	ssyncset.done $0x0  }
0xd4: {  	[sflag:s12] =	ssyncadd.s32 $0xFFFFF800  }
0xd5: {  	_ =	swait.ge [sflag:s12], $0x800  }
0xd6: {  	[sflag:s12] =	ssyncset.done $0x0  }
0xd7: {  	[sflag:s12] =	ssyncadd.s32 $0xFFFFF800  }
0xd8: {  	_ =	swait.ge [sflag:s12], $0x800  }
0xd9: {  	[sflag:s12] =	ssyncset.done $0x0  }
0xda: {  	s15 =	smov.u32 s7;
	[sflag:s12] =	ssyncadd.s32 $0xFFFFF800  }
0xdb: {  	[spmem:s1] =	stream.indirect.scatter.add.f32 [tilespmem:s30], [sflag:$0x2], $0x10, s29, s19, $0xb8;
	[tilespmem:$0x1D000] =	vst v63  }
0xdc: {  	s10 =	smov.u32 s15;
	s15 =	rddreg [dreg:$0xb]  }
0xdd: {  	[spmem:s1] =	stream.indirect.scatter.add.f32 [tilespmem:s31], [sflag:$0x2], $0x10, s15, s19, $0xb8;
	[tilespmem:$0x1D000] =	vst v63  }
0xde: {  	s14 =	sadd.s32 $0x8, s14;
	s13 =	rddreg [dreg:$0xc]  }
0xdf: {  	[spmem:s1] =	stream.indirect.scatter.add.f32 [tilespmem:s0], [sflag:$0x2], $0x10, s13, s19, $0xb8;
	[tilespmem:$0x1D000] =	vst v63  }
0xe0: {  	p1 =	slt.s32 s14, s8;
	s13 =	smov.u32 s8  }
0xe1: {  	s15 =	rddreg [dreg:$0xd];
	s13 =	smov.u32 @p1 s14  }
0xe2: {  	[spmem:s1] =	stream.indirect.scatter.add.f32 [tilespmem:s2], [sflag:$0x2], $0x10, s15, s19, $0xb8;
	[tilespmem:$0x1D000] =	vst v63  }
0xe3: {  	s15 =	sshll.u32 s13, $0x4  }
0xe4: {  	s13 =	sadd.s32 s4, s15  }
0xe5: {  	[tilespmem:s17], [sflag:$0x3] =	stream.linear.gather [hbm4b:s13+s3], $0x200, $0x38;
	[tilespmem:$0x1D000] =	vst v63  }
0xe6: {  	_ =	swait.ge [sflag:s16], $0x200  }
0xe7: {  	[sflag:s16] =	ssyncset.done $0x0  }
0xe8: {  	s9 =	sadd.s32 s5, s15;
	[sflag:s16] =	ssyncadd.s32 $0xFFFFFE00  }
0xe9: {  	[tilespmem:s18], [sflag:$0x3] =	stream.linear.gather [hbm4b:s9+s3], $0x200, $0x38;
	[tilespmem:$0x1D000] =	vst v63  }
0xea: {  	_ =	swait.ge [sflag:s16], $0x200  }
0xeb: {  	s7 =	sadd.s32 $0x80, s7;
	[sflag:s16] =	ssyncset.done $0x0  }
0xec: {  	p0 =	sne.s32 s7, $0x3100;
	[sflag:s16] =	ssyncadd.s32 $0xFFFFFE00  }
0xed: {  	[tilespmem:s20], [sflag:$0x1] =	stream.indirect.gather [hbm4b:s11+s19], $0x10, s17, s19, $0xb8;
	[tilespmem:$0x1D000] =	vst v63  }
.Ltmp0:
0xee: {  	_ = 	snop;
	(pc) =	sbr.rel @p0 .LBB2_2-.Ltmp0, $4  }
0xef: {  	_ = 	snop  }
0xf0: {  	[tilespmem:s22], [sflag:$0x1] =	stream.indirect.gather [hbm4b:s11+s19], $0x10, s21, s19, $0xb8;
	[tilespmem:$0x1D000] =	vst v63  }
0xf1: {  	s9 =	rddreg [dreg:$0x3]  }
0xf2: {  	[tilespmem:s24], [sflag:$0x1] =	stream.indirect.gather [hbm4b:s11+s19], $0x10, s23, s19, $0xb8;
	[tilespmem:$0x1D000] =	vst v63  }
0xf3: {  	[tilespmem:s26], [sflag:$0x1] =	stream.indirect.gather [hbm4b:s11+s19], $0x10, s25, s19, $0xb8;
	[tilespmem:$0x1D000] =	vst v63  }
0xf4: {  	s7 =	sadd.s32 s10, s9  }
0xf5: {  	[tilespmem:s28], [sflag:$0x3] =	stream.linear.gather [hbm4b:s7+s3], $0x200, $0x38;
	[tilespmem:$0x1D000] =	vst v63  }
0xf6: {  	_ =	swait.ge [sflag:s16], $0x200  }
0xf7: {  	s15 =	rddreg [dreg:$0x4];
	[sflag:s16] =	ssyncset.done $0x0  }
0xf8: {  	[sflag:s16] =	ssyncadd.s32 $0xFFFFFE00;
	s7 =	sadd.s32 s10, s15  }
0xf9: {  	[tilespmem:s29], [sflag:$0x3] =	stream.linear.gather [hbm4b:s7+s3], $0x200, $0x38;
	[tilespmem:$0x1D000] =	vst v63  }
0xfa: {  	_ =	swait.ge [sflag:s16], $0x200  }
0xfb: {  	[sflag:s16] =	ssyncset.done $0x0  }
0xfc: {  	[sflag:s16] =	ssyncadd.s32 $0xFFFFFE00  }
0xfd: {  	[tilespmem:s30], [sflag:$0x1] =	stream.indirect.gather [hbm4b:s11+s19], $0x10, s28, s19, $0xb8;
	[tilespmem:$0x1D000] =	vst v63  }
0xfe: {  	s9 =	rddreg [dreg:$0x5]  }
0xff: {  	[tilespmem:s31], [sflag:$0x1] =	stream.indirect.gather [hbm4b:s11+s19], $0x10, s9, s19, $0xb8;
	[tilespmem:$0x1D000] =	vst v63  }
0x100: {  	s13 =	rddreg [dreg:$0x6]  }
0x101: {  	[tilespmem:s0], [sflag:$0x1] =	stream.indirect.gather [hbm4b:s11+s19], $0x10, s13, s19, $0xb8;
	[tilespmem:$0x1D000] =	vst v63  }
0x102: {  	s15 =	rddreg [dreg:$0x7]  }
0x103: {  	[tilespmem:s2], [sflag:$0x1] =	stream.indirect.gather [hbm4b:s11+s19], $0x10, s15, s19, $0xb8;
	[tilespmem:$0x1D000] =	vst v63  }
0x104: {  	_ =	swait.ge [sflag:s6], $0x800  }
0x105: {  	[sflag:s6] =	ssyncset.done $0x0  }
0x106: {  	[sflag:s6] =	ssyncadd.s32 $0xFFFFF800  }
0x107: {  	_ =	swait.ge [sflag:s6], $0x800  }
0x108: {  	[sflag:s6] =	ssyncset.done $0x0  }
0x109: {  	[sflag:s6] =	ssyncadd.s32 $0xFFFFF800  }
0x10a: {  	_ =	swait.ge [sflag:s6], $0x800  }
0x10b: {  	[sflag:s6] =	ssyncset.done $0x0  }
0x10c: {  	[sflag:s6] =	ssyncadd.s32 $0xFFFFF800  }
0x10d: {  	_ =	swait.ge [sflag:s6], $0x800  }
0x10e: {  	[sflag:s6] =	ssyncset.done $0x0  }
0x10f: {  	[sflag:s6] =	ssyncadd.s32 $0xFFFFF800  }
0x110: {  	[spmem:s1] =	stream.indirect.scatter.add.f32 [tilespmem:s20], [sflag:$0x2], $0x10, s18, s19, $0xb8;
	[tilespmem:$0x1D000] =	vst v63  }
0x111: {  	s9 =	rddreg [dreg:$0x8]  }
0x112: {  	[spmem:s1] =	stream.indirect.scatter.add.f32 [tilespmem:s22], [sflag:$0x2], $0x10, s9, s19, $0xb8;
	[tilespmem:$0x1D000] =	vst v63  }
0x113: {  	s13 =	rddreg [dreg:$0x9]  }
0x114: {  	[spmem:s1] =	stream.indirect.scatter.add.f32 [tilespmem:s24], [sflag:$0x2], $0x10, s13, s19, $0xb8;
	[tilespmem:$0x1D000] =	vst v63  }
0x115: {  	s15 =	rddreg [dreg:$0xa]  }
0x116: {  	[spmem:s1] =	stream.indirect.scatter.add.f32 [tilespmem:s26], [sflag:$0x2], $0x10, s15, s19, $0xb8;
	[tilespmem:$0x1D000] =	vst v63  }
0x117: {  	_ =	swait.ge [sflag:s6], $0x800  }
0x118: {  	[sflag:s6] =	ssyncset.done $0x0  }
0x119: {  	[sflag:s6] =	ssyncadd.s32 $0xFFFFF800  }
0x11a: {  	_ =	swait.ge [sflag:s6], $0x800  }
0x11b: {  	[sflag:s6] =	ssyncset.done $0x0  }
0x11c: {  	[sflag:s6] =	ssyncadd.s32 $0xFFFFF800  }
0x11d: {  	_ =	swait.ge [sflag:s6], $0x800  }
0x11e: {  	[sflag:s6] =	ssyncset.done $0x0  }
0x11f: {  	[sflag:s6] =	ssyncadd.s32 $0xFFFFF800  }
0x120: {  	_ =	swait.ge [sflag:s6], $0x800  }
0x121: {  	p0 =	seq.s32 s10, $0x0;
	[sflag:s6] =	ssyncset.done $0x0  }
0x122: {  	s7 =	simm.s32 @!p0 $0x2;
	[sflag:s6] =	ssyncadd.s32 $0xFFFFF800  }
0x123: {  	_ =	swait.ge @!p0 [sflag:s7], $0x800  }
0x124: {  	[sflag:s7] =	ssyncset.done @!p0 $0x0  }
0x125: {  	[sflag:s7] =	ssyncadd.s32 @!p0 $0xFFFFF800  }
0x126: {  	_ =	swait.ge @!p0 [sflag:s7], $0x800  }
0x127: {  	[sflag:s7] =	ssyncset.done @!p0 $0x0  }
0x128: {  	[sflag:s7] =	ssyncadd.s32 @!p0 $0xFFFFF800  }
0x129: {  	_ =	swait.ge @!p0 [sflag:s7], $0x800  }
0x12a: {  	[sflag:s7] =	ssyncset.done @!p0 $0x0  }
0x12b: {  	[sflag:s7] =	ssyncadd.s32 @!p0 $0xFFFFF800  }
0x12c: {  	_ =	swait.ge @!p0 [sflag:s7], $0x800  }
0x12d: {  	[sflag:s7] =	ssyncset.done @!p0 $0x0  }
0x12e: {  	[sflag:s7] =	ssyncadd.s32 @!p0 $0xFFFFF800  }
0x12f: {  	_ =	swait.ge [sflag:s12], $0x800  }
0x130: {  	[sflag:s12] =	ssyncset.done $0x0  }
0x131: {  	[sflag:s12] =	ssyncadd.s32 $0xFFFFF800  }
0x132: {  	_ =	swait.ge [sflag:s12], $0x800  }
0x133: {  	[sflag:s12] =	ssyncset.done $0x0  }
0x134: {  	[sflag:s12] =	ssyncadd.s32 $0xFFFFF800  }
0x135: {  	_ =	swait.ge [sflag:s12], $0x800  }
0x136: {  	[sflag:s12] =	ssyncset.done $0x0  }
0x137: {  	[sflag:s12] =	ssyncadd.s32 $0xFFFFF800  }
0x138: {  	_ =	swait.ge [sflag:s12], $0x800  }
0x139: {  	[sflag:s12] =	ssyncset.done $0x0  }
0x13a: {  	s9 =	sadd.s32 $0x8, s14;
	[sflag:s12] =	ssyncadd.s32 $0xFFFFF800  }
0x13b: {  	[spmem:s1] =	stream.indirect.scatter.add.f32 [tilespmem:s30], [sflag:$0x2], $0x10, s29, s19, $0xb8;
	[tilespmem:$0x1D000] =	vst v63  }
0x13c: {  	s10 =	smov.u32 s8;
	p0 =	slt.s32 s9, s8;
	s13 =	rddreg [dreg:$0xb]  }
0x13d: {  	[spmem:s1] =	stream.indirect.scatter.add.f32 [tilespmem:s31], [sflag:$0x2], $0x10, s13, s19, $0xb8;
	[tilespmem:$0x1D000] =	vst v63  }
0x13e: {  	s10 =	smov.u32 @p0 s9;
	s14 =	rddreg [dreg:$0xc]  }
0x13f: {  	[spmem:s1] =	stream.indirect.scatter.add.f32 [tilespmem:s0], [sflag:$0x2], $0x10, s14, s19, $0xb8;
	[tilespmem:$0x1D000] =	vst v63  }
0x140: {  	s10 =	sshll.u32 s10, $0x4;
	s15 =	rddreg [dreg:$0xd]  }
0x141: {  	[spmem:s1] =	stream.indirect.scatter.add.f32 [tilespmem:s2], [sflag:$0x2], $0x10, s15, s19, $0xb8;
	[tilespmem:$0x1D000] =	vst v63  }
0x142: {  	s13 =	sadd.s32 s4, s10  }
0x143: {  	[tilespmem:s17], [sflag:$0x3] =	stream.linear.gather [hbm4b:s13+s3], $0x200, $0x38;
	[tilespmem:$0x1D000] =	vst v63  }
0x144: {  	_ =	swait.ge [sflag:s16], $0x200  }
0x145: {  	[sflag:s16] =	ssyncset.done $0x0  }
0x146: {  	s7 =	sadd.s32 s5, s10;
	[sflag:s16] =	ssyncadd.s32 $0xFFFFFE00  }
0x147: {  	[tilespmem:s18], [sflag:$0x3] =	stream.linear.gather [hbm4b:s7+s3], $0x200, $0x38;
	[tilespmem:$0x1D000] =	vst v63  }
0x148: {  	_ =	swait.ge [sflag:s16], $0x200  }
0x149: {  	[sflag:s16] =	ssyncset.done $0x0  }
0x14a: {  	[sflag:s16] =	ssyncadd.s32 $0xFFFFFE00  }
0x14b: {  	[tilespmem:s20], [sflag:$0x1] =	stream.indirect.gather [hbm4b:s11+s19], $0x10, s17, s19, $0xb8;
	[tilespmem:$0x1D000] =	vst v63  }
0x14c: {  	_ = 	snop  }
0x14d: {  	[tilespmem:s22], [sflag:$0x1] =	stream.indirect.gather [hbm4b:s11+s19], $0x10, s21, s19, $0xb8;
	[tilespmem:$0x1D000] =	vst v63  }
0x14e: {  	_ = 	snop  }
0x14f: {  	[tilespmem:s24], [sflag:$0x1] =	stream.indirect.gather [hbm4b:s11+s19], $0x10, s23, s19, $0xb8;
	[tilespmem:$0x1D000] =	vst v63  }
0x150: {  	_ = 	snop  }
0x151: {  	[tilespmem:s26], [sflag:$0x1] =	stream.indirect.gather [hbm4b:s11+s19], $0x10, s25, s19, $0xb8;
	[tilespmem:$0x1D000] =	vst v63  }
0x152: {  	_ =	swait.ge [sflag:s6], $0x800  }
0x153: {  	[sflag:s6] =	ssyncset.done $0x0  }
0x154: {  	[sflag:s6] =	ssyncadd.s32 $0xFFFFF800  }
0x155: {  	_ =	swait.ge [sflag:s6], $0x800  }
0x156: {  	[sflag:s6] =	ssyncset.done $0x0  }
0x157: {  	[sflag:s6] =	ssyncadd.s32 $0xFFFFF800  }
0x158: {  	_ =	swait.ge [sflag:s6], $0x800  }
0x159: {  	[sflag:s6] =	ssyncset.done $0x0  }
0x15a: {  	[sflag:s6] =	ssyncadd.s32 $0xFFFFF800  }
0x15b: {  	_ =	swait.ge [sflag:s6], $0x800  }
0x15c: {  	[sflag:s6] =	ssyncset.done $0x0  }
0x15d: {  	[sflag:s6] =	ssyncadd.s32 $0xFFFFF800  }
0x15e: {  	_ =	swait.ge [sflag:s12], $0x800  }
0x15f: {  	[sflag:s12] =	ssyncset.done $0x0  }
0x160: {  	[sflag:s12] =	ssyncadd.s32 $0xFFFFF800  }
0x161: {  	_ =	swait.ge [sflag:s12], $0x800  }
0x162: {  	[sflag:s12] =	ssyncset.done $0x0  }
0x163: {  	[sflag:s12] =	ssyncadd.s32 $0xFFFFF800  }
0x164: {  	_ =	swait.ge [sflag:s12], $0x800  }
0x165: {  	[sflag:s12] =	ssyncset.done $0x0  }
0x166: {  	[sflag:s12] =	ssyncadd.s32 $0xFFFFF800  }
0x167: {  	_ =	swait.ge [sflag:s12], $0x800  }
0x168: {  	[sflag:s12] =	ssyncset.done $0x0  }
0x169: {  	[sflag:s12] =	ssyncadd.s32 $0xFFFFF800  }
0x16a: {  	[bflag:$0x0] =	sbarrier.arrive $0xFFFF  }
0x16b: {  	s10 =	rddreg [dreg:$0xf]  }
0x16c: {  	s14 =	rddreg [dreg:$0x12]  }
0x16d: {  	s9 =	rddreg [dreg:$0x15]  }
0x16e: {  	[hbm:s14], [sflag:s10] =	dma.local [spmem:s9], $0x3100  }
0x16f: {  	_ =	swait.ge [sflag:s16], $0x3100  }
0x170: {  	s13 =	rddreg [dreg:$0x16]  }
0x171: {  	s15 =	rddreg [dreg:$0x13];
	s13 =	sadd.s32 $0x1, s13  }
0x172: {  	p0 =	sne.s32 s13, s15  }
.Ltmp1:
0x173: {  	_ = 	snop;
	(pc) =	sbr.rel @p0 .LBB2_1-.Ltmp1, $3  }
0x174: {  	_ =	sdelay $0x1  }
0x175: {  	[sflag:s16] =	ssyncset.done $0x0  }
0x176: {  	[sflag:s16] =	ssyncadd.s32 $0xFFFFCF00  }
0x177: {  	_ =	sfence.sel $0x180000  }
0x178: {  	[bflag:$0x0] =	sbarrier.arrive $0xFFFF  }
0x179: {  	_ =	strace $0x9000004D  }
0x17a: {  	s0 =	stileid.u32;
	[bflag:$0x2] =	sbarrier.arrive $0xFFFF  }
0x17b: {  	p0 =	sne.s32 s0, $0x0;
	s0 =	rddreg [dreg:$0x2]  }
0x17c: {  	s0 =	sadd.s32 @!p0 $0x100000, s0  }
0x17d: {  	[sflag:s0] =	ssyncadd.tile.s32 @!p0 $0x1;
	_ =	shalt  }
.Lfunc_end2:
_tile_overlayer_lowered:
.L_overlay_start_2:
0x17e: {  	(tag) =	ssettag $0x2  }
0x17f: {  	s0 =	rddreg [dreg:$0x0];
	s2 =	stileid.u32  }
0x180: {  	s1 =	rddreg [dreg:$0x1];
	p0 =	sne.s32 s2, $0x0  }
0x181: {  	s3 =	rddreg [dreg:$0x2];
	[bflag:$0x3] =	sbarrier.arrive $0xFFFF;
	s2 =	simm.s32 @!p0 $0x1C03  }
0x182: {  	[timem:s3], [sflag:s2] =	dma.local @!p0 [hbm:s0], s1  }
0x183: {  	s0 =	simm.s32 @!p0 $0x3  }
0x184: {  	_ =	swait.ge @!p0 [sflag:s0], s1  }
0x185: {  	s1 =	ssub.s32 @!p0 $0x0, s1;
	[sflag:s0] =	ssyncset.done @!p0 $0x0  }
0x186: {  	[sflag:s0] =	ssyncadd.s32 @!p0 s1  }
0x187: {  	[bflag:$0x3] =	sbarrier.arrive $0xFFFF  }
0x188: {  	_ =	shalt  }

// kernel: kernel.8.cloned.1.call-start
scs
__scs_entry_jumppad:
0x0: {  	(pc) =	sbr.rel $0x88, $3  }
0x1: {  	(tag) =	ssettag $0x0;
	lr =	simm.s32 $0x1  }
0x2: {  	[smem:$0x3F99] =	sst lr;
	_ =	strace $0xD0000000  }
0x3: {  	_ = 	snop  }
0x4: {  	_ = 	snop  }
0x5: {  	_ = 	snop  }
0x6: {  	_ = 	snop  }
0x7: {  	_ = 	snop  }
__scs_overlays_trampoline_lowered:
0x8: {  	[smem:$0x3FA8] =	sst s0  }
0x9: {  	[smem:$0x3FA9] =	sst s1  }
0xa: {  	[smem:$0x3FAA] =	sst s2  }
0xb: {  	[smem:$0x3FAB] =	sst s3  }
0xc: {  	[smem:$0x3FAC] =	sst s4  }
0xd: {  	[smem:$0x3FAD] =	sst s5  }
0xe: {  	[smem:$0x3FAE] =	sst s6  }
0xf: {  	[smem:$0x3FAF] =	sst s7  }
0x10: {  	[smem:$0x3FB0] =	sst s8  }
0x11: {  	[smem:$0x3FB1] =	sst s9;
	s0 =	simm.s32 @!p0 $0x0  }
0x12: {  	s1 =	sld [smem:$0x3F97];
	s0 =	simm.s32 @p0 $0x1  }
0x13: {  	[smem:$0x3FB2] =	sst s0;
	s0 =	simm.s32 @!p1 $0x0  }
0x14: {  	s2 =	sld [smem:$0x3F96];
	s0 =	simm.s32 @p1 $0x1  }
0x15: {  	[smem:$0x3FB3] =	sst s0;
	s0 =	simm.s32 @!p2 $0x0  }
0x16: {  	s3 =	sld [smem:$0x3FDB];
	s0 =	simm.s32 @p2 $0x1  }
0x17: {  	s4 =	simm.s32 $0x1BF5;
	[smem:$0x3FB5] =	sst s0  }
0x18: {  	s0 =	sld [smem:$0x3F98];
	_ =	swait.ge [sflag:s4], $0x0  }
0x19: {  	s7 =	sld [smem:$0x3F99]  }
0x1a: {  	s8 =	sadd.s32 $0xFFFFE003, lr  }
0x1b: {  	s9 =	sadd.s32 $0xFFFFFEF7, lr;
	s5 =	simm.s32 $0xFFFFFFFF;
	p2 =	slt.u32 s8, $0xFFFFF086  }
0x1c: {  	p1 =	slt.u32 s9, $0xF7A;
	s5 =	simm.s32 @!p2 $0x0  }
0x1d: {  	s5 =	simm.s32 @p1 $0x1;
	p0 =	seq.s32 s7, s2  }
0x1e: {  	s7 =	smul.u32 @!p0 $0xF7A, s2;
	p2 =	seq.s32 @!p0 s5, $0x0  }
0x1f: {  	s9 =	smul.u32 $0xF7A, s1;
	s8 =	simm.s32 @!p0 $0x1BF5;
	p2 =	por !p2, p0  }
0x20: {  	[sflag:s8] =	ssyncset.s32 @!p0 $0xFFFFF086;
	s6 =	sadd.s32 @!p0 s3, s7;
	s7 =	simm.s32 @!p0 $0x108  }
0x21: {  	s3 =	sadd.s32 s3, s9;
	s6 =	sadd.s32 @!p0 $0x88, s6;
	s7 =	simm.s32 @p2 $0x1082  }
0x22: {  	[simem:s7], [sflag:s8] =	dma.local @!p0 [hbm:s6], $0xF7A  }
0x23: {  	s9 =	sor.u32 $0xD0000000, s2;
	s6 =	simm.s32 $0x108;
	_ =	swait.ge @!p0 [sflag:s8], $0x0  }
0x24: {  	s3 =	sadd.s32 $0x88, s3;
	s6 =	simm.s32 @!p1 $0x1082;
	[sflag:s4] =	ssyncset.s32 $0xFFFFF086  }
0x25: {  	[simem:s6], [sflag:s4] =	dma.local [hbm:s3], $0xF7A  }
0x26: {  	[smem:$0x3F99] =	sst s1;
	(tag) =	ssettag s2;
	_ =	strace s9  }
0x27: {  	s1 =	sld [smem:$0x3FA9]  }
0x28: {  	s2 =	sld [smem:$0x3FAA]  }
0x29: {  	s4 =	sld [smem:$0x3FAC]  }
0x2a: {  	p0 =	seq.s32 s5, $0x0;
	s5 =	sld [smem:$0x3FAD]  }
0x2b: {  	s6 =	sld [smem:$0x3FAE]  }
0x2c: {  	s7 =	sld [smem:$0x3FAF]  }
0x2d: {  	s3 =	simm.s32 $0x108;
	s8 =	sld [smem:$0x3FB0]  }
0x2e: {  	s3 =	simm.s32 @!p0 $0x1082;
	s9 =	sld [smem:$0x3FB1]  }
0x2f: {  	lr =	sadd.s32 s0, s3;
	s0 =	sld [smem:$0x3FA8]  }
0x30: {  	s3 =	sld [smem:$0x3FAB]  }
0x31: {  	[smem:$0x3FB4] =	sst s10  }
0x32: {  	s10 =	sld [smem:$0x3FB2];
	_ =	sdelay $0x3  }
0x33: {  	p0 =	seq.s32 s10, $0x1;
	s10 =	sld [smem:$0x3FB4];
	_ =	sdelay $0x3  }
0x34: {  	[smem:$0x3FB4] =	sst s10  }
0x35: {  	s10 =	sld [smem:$0x3FB3];
	_ =	sdelay $0x3  }
0x36: {  	p1 =	seq.s32 s10, $0x1;
	s10 =	sld [smem:$0x3FB4];
	_ =	sdelay $0x3  }
0x37: {  	[smem:$0x3FB4] =	sst s10  }
0x38: {  	s10 =	sld [smem:$0x3FB5]  }
0x39: {  	_ = 	snop;
	(pc) =	sbr.ind lr, $3  }
0x3a: {  	_ = 	snop  }
0x3b: {  	_ = 	snop  }
0x3c: {  	p2 =	seq.s32 s10, $0x1;
	s10 =	sld [smem:$0x3FB4]  }
0x3d: {  	_ =	shalt  }
0x3e: {  	_ =	shalt  }
0x3f: {  	_ =	shalt  }
0x40: {  	_ =	shalt  }
0x41: {  	_ =	shalt  }
0x42: {  	_ =	shalt  }
0x43: {  	_ =	shalt  }
0x44: {  	_ =	shalt  }
0x45: {  	_ =	shalt  }
0x46: {  	_ =	shalt  }
0x47: {  	_ =	shalt  }
0x48: {  	_ =	shalt  }
0x49: {  	_ =	shalt  }
0x4a: {  	_ =	shalt  }
0x4b: {  	_ =	shalt  }
0x4c: {  	_ =	shalt  }
0x4d: {  	_ =	shalt  }
0x4e: {  	_ =	shalt  }
0x4f: {  	_ =	shalt  }
0x50: {  	_ =	shalt  }
0x51: {  	_ =	shalt  }
0x52: {  	_ =	shalt  }
0x53: {  	_ =	shalt  }
0x54: {  	_ =	shalt  }
0x55: {  	_ =	shalt  }
0x56: {  	_ =	shalt  }
0x57: {  	_ =	shalt  }
0x58: {  	_ =	shalt  }
0x59: {  	_ =	shalt  }
0x5a: {  	_ =	shalt  }
0x5b: {  	_ =	shalt  }
0x5c: {  	_ =	shalt  }
0x5d: {  	_ =	shalt  }
0x5e: {  	_ =	shalt  }
0x5f: {  	_ =	shalt  }
0x60: {  	_ =	shalt  }
0x61: {  	_ =	shalt  }
0x62: {  	_ =	shalt  }
0x63: {  	_ =	shalt  }
0x64: {  	_ =	shalt  }
0x65: {  	_ =	shalt  }
0x66: {  	_ =	shalt  }
0x67: {  	_ =	shalt  }
0x68: {  	_ =	shalt  }
0x69: {  	_ =	shalt  }
0x6a: {  	_ =	shalt  }
0x6b: {  	_ =	shalt  }
0x6c: {  	_ =	shalt  }
0x6d: {  	_ =	shalt  }
0x6e: {  	_ =	shalt  }
0x6f: {  	_ =	shalt  }
0x70: {  	_ =	shalt  }
0x71: {  	_ =	shalt  }
0x72: {  	_ =	shalt  }
0x73: {  	_ =	shalt  }
0x74: {  	_ =	shalt  }
0x75: {  	_ =	shalt  }
0x76: {  	_ =	shalt  }
0x77: {  	_ =	shalt  }
0x78: {  	_ =	shalt  }
0x79: {  	_ =	shalt  }
0x7a: {  	_ =	shalt  }
0x7b: {  	_ =	shalt  }
0x7c: {  	_ =	shalt  }
0x7d: {  	_ =	shalt  }
0x7e: {  	_ =	shalt  }
0x7f: {  	_ =	shalt  }
0x80: {  	_ =	shalt  }
0x81: {  	_ =	shalt  }
0x82: {  	_ =	shalt  }
0x83: {  	_ =	shalt  }
0x84: {  	_ =	shalt  }
0x85: {  	_ =	shalt  }
0x86: {  	_ =	shalt  }
0x87: {  	_ =	shalt  }
.Lfunc_end0:
.L_simem_size_0:
called_computation_lowered:
.L_overlay_start_0:
0x88: {  	s2 =	sld [smem:$0x3FD9]  }
0x89: {  	s3 =	sld [smem:$0x3FFE];
	_ =	sdelay $0x1  }
0x8a: {  	s1 =	srdreg.scid  }
0x8b: {  	s0 =	sand.u32 $0x1, s1  }
0x8c: {  	s16 =	sshll.u32 s0, $0xA;
	s2 =	sadd.s32 s3, s2  }
0x8d: {  	s2 =	sadd.s32 s2, s16  }
0x8e: {  	[smem:$0x3FC0] =	sst s2  }
0x8f: {  	_ = 	snop  }
0x90: {  	(tm) =	ssettm $0x1  }
0x91: {  	s17 =	sld [smem:$0x3FFB];
	_ =	sdelay $0x3  }
0x92: {  	_ =	strace s17  }
0x93: {  	s2 =	sld [smem:$0x3FFC];
	_ =	sdelay $0x3  }
0x94: {  	_ =	strace s2  }
0x95: {  	s2 =	sld [smem:$0x3FFD];
	_ =	sdelay $0x3  }
0x96: {  	_ =	strace s2  }
0x97: {  	_ =	strace $0x8FFFFFFF  }
0x98: {  	s18 =	sld [smem:$0x3FDB];
	_ =	sdelay $0x1  }
0x99: {  	s19 =	simm.s32 $_scs_section_size  }
0x9a: {  	s4 =	simm.s32 $_size__tile_overlayer_lowered;
	s5 =	simm.s32 $_tile_overlayer_lowered  }
0x9b: {  	s22 =	simm.s32 $0x1BFF;
	s21 =	sshll.u32 s5, $0x1;
	s2 =	sadd.s32 s19, s18  }
0x9c: {  	s6 =	simm.s32 $0x0;
	s20 =	sshll.u32 s4, $0x1;
	s4 =	sadd.s32 s21, s2  }
0x9d: {  	[timem:s6], [sflag:s22] =	dma.local [hbm:s4], s20  }
0x9e: {  	_ =	swait.ge [sflag:s22], s20  }
0x9f: {  	s3 =	ssub.s32 $0x0, s20;
	[sflag:s22] =	ssyncset.done $0x0  }
0xa0: {  	[sflag:s22] =	ssyncadd.s32 s3;
	_ =	sdelay $0x1  }
0xa1: {  	s23 =	simm.s32 $0x1B8B  }
0xa2: {  	_ =	swait.ge [sflag:s23], $0x1  }
0xa3: {  	[sflag:s23] =	ssyncset.done $0x0  }
0xa4: {  	s25 =	simm.s32 $0x1B8E;
	s24 =	sld [smem:$0x3FFE];
	[sflag:s23] =	ssyncadd.s32 $0xFFFFFFFF  }
0xa5: {  	s26 =	simm.s32 $execute0_lowered;
	[smem:$0x3FD2] =	sst s25  }
0xa6: {  	s4 =	sshll.u32 s26, $0x1;
	_ =	strace $0x80000046;
	[dreg:$0x1] =	wrdreg $0xFFFFFFFF  }
0xa7: {  	s28 =	simm.s32 $_size_execute0_lowered;
	s2 =	sadd.s32 s2, s4;
	[dreg:$0x0] =	wrdreg $0x0  }
0xa8: {  	s4 =	sshll.u32 s28, $0x1;
	[dreg:$0x2] =	wrdreg s2  }
0xa9: {  	[dreg:$0x3] =	wrdreg s4  }
0xaa: {  	[dreg:$0x4] =	wrdreg $0xC0  }
0xab: {  	_ =	task [dreg:s6], $0x5FFFF  }
0xac: {  	[dreg:$0x1] =	wrdreg $0xFFFFFFFF  }
0xad: {  	[dreg:$0x0] =	wrdreg $0x60  }
0xae: {  	[dreg:$0x2] =	wrdreg s24  }
0xaf: {  	[dreg:$0x3] =	wrdreg $0x0  }
0xb0: {  	[dreg:$0x4] =	wrdreg $0x9  }
0xb1: {  	_ =	task.clear_ibuf [dreg:s6], $0x5FFFF;
	_ =	strace $0x90000046  }
0xb2: {  	s29 =	simm.s32 $0x9;
	_ =	strace $0x80000048  }
0xb3: {  	_ =	swait.ge [sflag:s29], $0x1  }
0xb4: {  	[sflag:s29] =	ssyncadd.s32 $0xFFFFFFFF  }
0xb5: {  	_ =	strace $0x90000048  }
0xb6: {  	_ =	sfence  }
0xb7: {  	s30 =	sld [smem:$0x0];
	_ =	sdelay $0x2  }
0xb8: {  	s31 =	sshll.u32 s1, $0xD;
	s1 =	sshrl.u32 s1, $0x2  }
0xb9: {  	s3 =	sand.u32 $0x4000, s31;
	s1 =	sadd.s32 s1, s30  }
0xba: {  	s0 =	sor.u32 s3, s0;
	s1 =	sshll.u32 s1, $0x11  }
0xbb: {  	s0 =	sor.u32 s1, s0  }
0xbc: {  	s0 =	sadd.s32 $0x8F2B, s0  }
0xbd: {  	[sflag:s0] =	ssyncadd.remote.s32 $0x1  }
0xbe: {  	_ =	sfence.sel $0xFFFF  }
0xbf: {  	[dreg:$0x0] =	wrdreg $0xFFFFFFFF;
	(pc) =	sbr.abs _section_cstart, $3  }
0xc0: {  	[dreg:$0x1] =	wrdreg $0xFFFFFFFF  }
0xc1: {  	_ =	task.clear_ibuf [dreg:s6], $0x2FFFF;
	_ =	strace $0x9FFFFFFF  }
0xc2: {  	(tm) =	ssettm $0x7FFFFFFF  }
0xc3: {  	_ =	shalt  }
tec
execute0_lowered:
.L_overlay_start_1:
0x0: {  	(tag) =	ssettag $0x1  }
0x1: {  	s0 =	rddreg [dreg:$0x0]  }
0x2: {  	s2 =	rddreg [dreg:$0x1];
	s3 =	simm.s32 $0x0;
	s13 =	stileid.u32  }
0x3: {  	s4 =	srdreg.scid;
	s28 =	simm.s32 $0x18C00;
	s29 =	simm.s32 $0x18E00  }
0x4: {  	s30 =	simm.s32 $0x1B000;
	s31 =	simm.s32 $0x1B800;
	[smem:$0x7FF] =	sst s3  }
0x5: {  	s1 =	smul.u32 $0x18800, s13;
	s7 =	sand.u32 $0x1, s4;
	s26 =	sadd.s32 $0x2400, s0  }
0x6: {  	s15 =	sadd.s32 $0x33400, s0;
	s6 =	sadd.s32 $0x188E00, s0;
	s17 =	smul.u32 $0x3100, s13  }
0x7: {  	s11 =	sshll.u32 s13, $0x1;
	s16 =	sshll.u32 s13, $0x6;
	s13 =	smul.u32 $0x310, s13  }
0x8: {  	s4 =	simm.s32 $0x18C80;
	_ =	strace $0x80000047;
	s9 =	smul.u32 $0x188000, s7  }
0x9: {  	s10 =	ssub.s32 $0x2, s7;
	s11 =	sor.u32 s7, s11;
	s19 =	smul.u32 $0x1880, s7  }
0xa: {  	s14 =	sor.u32 $0x1C03, s16;
	[dreg:$0xe] =	wrdreg s26;
	s7 =	smul.u32 $0x188, s7  }
0xb: {  	s16 =	simm.s32 $0x3;
	[dreg:$0x5] =	wrdreg s4;
	s4 =	simm.s32 $0x18980  }
0xc: {  	s8 =	sshrl.u32 s1, $0x3;
	s12 =	sshrl.u32 s10, $0x1;
	s5 =	smul.u32 $0x188, s11  }
0xd: {  	s11 =	smul.u32 $0x1880, s11;
	s22 =	sadd.s32 s17, s26;
	[dreg:$0x10] =	wrdreg s14  }
0xe: {  	s8 =	sadd.s32 s8, s0;
	s9 =	sadd.s32 s1, s9;
	s10 =	ssub.s32 s10, s12  }
0xf: {  	s1 =	sadd.s32 s1, s2;
	s7 =	sadd.s32 s7, s13;
	s12 =	simm.s32 $0x18B80  }
0x10: {  	s13 =	simm.s32 $0x18E80;
	s9 =	sshrl.u32 s9, $0x3;
	s8 =	sadd.s32 $0x64400, s8  }
0x11: {  	s21 =	sadd.s32 $0x184, s5;
	s18 =	sadd.s32 s26, s11;
	[dreg:$0xa] =	wrdreg s12  }
0x12: {  	s20 =	sadd.s32 s15, s11;
	s11 =	sadd.s32 s19, s22;
	[dreg:$0xb] =	wrdreg s13  }
0x13: {  	s5 =	smov.u32 s15;
	s25 =	smax.u32 s10, $0x1;
	[dreg:$0xf] =	wrdreg s8  }
0x14: {  	s26 =	sadd.s32 $0x8, s7;
	s7 =	simm.s32 $0x18D00;
	[dreg:$0x11] =	wrdreg s18  }
0x15: {  	s10 =	simm.s32 $0x18A80;
	s22 =	simm.s32 $0x19800;
	[dreg:$0x12] =	wrdreg s20  }
0x16: {  	s0 =	sadd.s32 s9, s0;
	s8 =	sadd.s32 s17, s15;
	[dreg:$0x14] =	wrdreg s25  }
0x17: {  	s23 =	sadd.s32 $0x40, s11;
	[dreg:$0x15] =	wrdreg s26;
	s9 =	sshrl.u32 s1, $0x3  }
0x18: {  	s17 =	simm.s32 $0x18800;
	s18 =	simm.s32 $0x18A00;
	[dreg:$0x6] =	wrdreg s7  }
0x19: {  	s20 =	simm.s32 $0x19000;
	[dreg:$0x8] =	wrdreg s10;
	s11 =	simm.s32 $0x18B00  }
0x1a: {  	s25 =	simm.s32 $0x18900;
	s15 =	simm.s32 $0x18F00;
	[dreg:$0x3] =	wrdreg s23  }
0x1b: {  	s26 =	simm.s32 $0x18F80;
	s1 =	simm.s32 $0x1C800;
	[dreg:$0x9] =	wrdreg s11  }
0x1c: {  	s7 =	simm.s32 $0x1;
	s10 =	simm.s32 $0x2;
	[dreg:$0xc] =	wrdreg s15  }
0x1d: {  	s0 =	sadd.s32 $0x95400, s0;
	s8 =	sadd.s32 s19, s8;
	[dreg:$0xd] =	wrdreg s26  }
0x1e: {  	s19 =	simm.s32 $0x80;
	s23 =	simm.s32 $0x18880;
	[dreg:$0x16] =	wrdreg s9  }
0x1f: {  	s26 =	simm.s32 $0x1A800;
	[dreg:$0x13] =	wrdreg s0;
	s24 =	sadd.s32 $0x40, s8  }
0x20: {  	s11 =	simm.s32 $0x0;
	s8 =	simm.s32 $0x18D80;
	[dreg:$0x4] =	wrdreg s24  }
0x21: {  	s0 =	simm.s32 $0x1C000;
	[dreg:$0x7] =	wrdreg s8;
	s24 =	simm.s32 $0x1A000  }
.LBB2_1:
0x22: {  	[dreg:$0x17] =	wrdreg s11  }
0x23: {  	s8 =	rddreg [dreg:$0xf]  }
0x24: {  	[spmem:s9], [sflag:s14] =	dma.local [hbm:s8], $0x3100  }
0x25: {  	_ =	swait.ge [sflag:s16], $0x3100  }
0x26: {  	[sflag:s16] =	ssyncset.done $0x0  }
0x27: {  	[sflag:s16] =	ssyncadd.s32 $0xFFFFCF00  }
0x28: {  	[bflag:$0x0] =	sbarrier.arrive $0xFFFF  }
0x29: {  	s11 =	rddreg [dreg:$0x11]  }
0x2a: {  	[tilespmem:s17], [sflag:$0x3] =	stream.linear.gather [hbm4b:s11+s3], $0x200, $0x38;
	[tilespmem:$0x1D000] =	vst v63  }
0x2b: {  	_ =	swait.ge [sflag:s16], $0x200  }
0x2c: {  	[sflag:s16] =	ssyncset.done $0x0  }
0x2d: {  	s12 =	rddreg [dreg:$0x12];
	[sflag:s16] =	ssyncadd.s32 $0xFFFFFE00  }
0x2e: {  	[tilespmem:s18], [sflag:$0x3] =	stream.linear.gather [hbm4b:s12+s3], $0x200, $0x38;
	[tilespmem:$0x1D000] =	vst v63  }
0x2f: {  	_ =	swait.ge [sflag:s16], $0x200  }
0x30: {  	[sflag:s16] =	ssyncset.done $0x0  }
0x31: {  	[sflag:s16] =	ssyncadd.s32 $0xFFFFFE00  }
0x32: {  	[tilespmem:s20], [sflag:$0x1] =	stream.indirect.gather [hbm4b:s6+s19], $0x10, s17, s19, $0xb8;
	[tilespmem:$0x1D000] =	vst v63  }
0x33: {  	_ = 	snop  }
0x34: {  	[tilespmem:s22], [sflag:$0x1] =	stream.indirect.gather [hbm4b:s6+s19], $0x10, s23, s19, $0xb8;
	[tilespmem:$0x1D000] =	vst v63  }
0x35: {  	_ = 	snop  }
0x36: {  	[tilespmem:s24], [sflag:$0x1] =	stream.indirect.gather [hbm4b:s6+s19], $0x10, s25, s19, $0xb8;
	[tilespmem:$0x1D000] =	vst v63  }
0x37: {  	s13 =	rddreg [dreg:$0x3]  }
0x38: {  	[tilespmem:s26], [sflag:$0x1] =	stream.indirect.gather [hbm4b:s6+s19], $0x10, s4, s19, $0xb8;
	[tilespmem:$0x1D000] =	vst v63  }
0x39: {  	s8 =	sadd.s32 $0x0, s13  }
0x3a: {  	[tilespmem:s28], [sflag:$0x3] =	stream.linear.gather [hbm4b:s8+s3], $0x200, $0x38;
	[tilespmem:$0x1D000] =	vst v63  }
0x3b: {  	_ =	swait.ge [sflag:s16], $0x200  }
0x3c: {  	s14 =	rddreg [dreg:$0x4];
	[sflag:s16] =	ssyncset.done $0x0  }
0x3d: {  	[sflag:s16] =	ssyncadd.s32 $0xFFFFFE00;
	s8 =	sadd.s32 $0x0, s14  }
0x3e: {  	[tilespmem:s29], [sflag:$0x3] =	stream.linear.gather [hbm4b:s8+s3], $0x200, $0x38;
	[tilespmem:$0x1D000] =	vst v63  }
0x3f: {  	_ =	swait.ge [sflag:s16], $0x200  }
0x40: {  	[sflag:s16] =	ssyncset.done $0x0  }
0x41: {  	[sflag:s16] =	ssyncadd.s32 $0xFFFFFE00  }
0x42: {  	[tilespmem:s30], [sflag:$0x1] =	stream.indirect.gather [hbm4b:s6+s19], $0x10, s28, s19, $0xb8;
	[tilespmem:$0x1D000] =	vst v63  }
0x43: {  	s15 =	rddreg [dreg:$0x5]  }
0x44: {  	[tilespmem:s31], [sflag:$0x1] =	stream.indirect.gather [hbm4b:s6+s19], $0x10, s15, s19, $0xb8;
	[tilespmem:$0x1D000] =	vst v63  }
0x45: {  	s13 =	rddreg [dreg:$0x6]  }
0x46: {  	[tilespmem:s0], [sflag:$0x1] =	stream.indirect.gather [hbm4b:s6+s19], $0x10, s13, s19, $0xb8;
	[tilespmem:$0x1D000] =	vst v63  }
0x47: {  	s9 =	rddreg [dreg:$0x7]  }
0x48: {  	[tilespmem:s1], [sflag:$0x1] =	stream.indirect.gather [hbm4b:s6+s19], $0x10, s9, s19, $0xb8;
	[tilespmem:$0x1D000] =	vst v63  }
0x49: {  	_ =	swait.ge [sflag:s7], $0x800  }
0x4a: {  	[sflag:s7] =	ssyncset.done $0x0  }
0x4b: {  	[sflag:s7] =	ssyncadd.s32 $0xFFFFF800  }
0x4c: {  	_ =	swait.ge [sflag:s7], $0x800  }
0x4d: {  	[sflag:s7] =	ssyncset.done $0x0  }
0x4e: {  	[sflag:s7] =	ssyncadd.s32 $0xFFFFF800  }
0x4f: {  	_ =	swait.ge [sflag:s7], $0x800  }
0x50: {  	[sflag:s7] =	ssyncset.done $0x0  }
0x51: {  	[sflag:s7] =	ssyncadd.s32 $0xFFFFF800  }
0x52: {  	_ =	swait.ge [sflag:s7], $0x800  }
0x53: {  	[sflag:s7] =	ssyncset.done $0x0  }
0x54: {  	[sflag:s7] =	ssyncadd.s32 $0xFFFFF800  }
0x55: {  	[spmem:s2] =	stream.indirect.scatter.add.f32 [tilespmem:s20], [sflag:$0x2], $0x10, s18, s19, $0xb8;
	[tilespmem:$0x1D000] =	vst v63  }
0x56: {  	s11 =	rddreg [dreg:$0x8]  }
0x57: {  	[spmem:s2] =	stream.indirect.scatter.add.f32 [tilespmem:s22], [sflag:$0x2], $0x10, s11, s19, $0xb8;
	[tilespmem:$0x1D000] =	vst v63  }
0x58: {  	s12 =	rddreg [dreg:$0x9]  }
0x59: {  	[spmem:s2] =	stream.indirect.scatter.add.f32 [tilespmem:s24], [sflag:$0x2], $0x10, s12, s19, $0xb8;
	[tilespmem:$0x1D000] =	vst v63  }
0x5a: {  	s14 =	rddreg [dreg:$0xa]  }
0x5b: {  	[spmem:s2] =	stream.indirect.scatter.add.f32 [tilespmem:s26], [sflag:$0x2], $0x10, s14, s19, $0xb8;
	[tilespmem:$0x1D000] =	vst v63  }
0x5c: {  	_ =	swait.ge [sflag:s7], $0x800  }
0x5d: {  	[sflag:s7] =	ssyncset.done $0x0  }
0x5e: {  	[sflag:s7] =	ssyncadd.s32 $0xFFFFF800  }
0x5f: {  	_ =	swait.ge [sflag:s7], $0x800  }
0x60: {  	[sflag:s7] =	ssyncset.done $0x0  }
0x61: {  	[sflag:s7] =	ssyncadd.s32 $0xFFFFF800  }
0x62: {  	_ =	swait.ge [sflag:s7], $0x800  }
0x63: {  	[sflag:s7] =	ssyncset.done $0x0  }
0x64: {  	[sflag:s7] =	ssyncadd.s32 $0xFFFFF800  }
0x65: {  	_ =	swait.ge [sflag:s7], $0x800  }
0x66: {  	p0 =	por $0x1, $0x1;
	[sflag:s7] =	ssyncset.done $0x0  }
0x67: {  	s8 =	simm.s32 @!p0 $0x2;
	[sflag:s7] =	ssyncadd.s32 $0xFFFFF800  }
0x68: {  	_ =	swait.ge @!p0 [sflag:s8], $0x800  }
0x69: {  	[sflag:s8] =	ssyncset.done @!p0 $0x0  }
0x6a: {  	[sflag:s8] =	ssyncadd.s32 @!p0 $0xFFFFF800  }
0x6b: {  	_ =	swait.ge @!p0 [sflag:s8], $0x800  }
0x6c: {  	[sflag:s8] =	ssyncset.done @!p0 $0x0  }
0x6d: {  	[sflag:s8] =	ssyncadd.s32 @!p0 $0xFFFFF800  }
0x6e: {  	_ =	swait.ge @!p0 [sflag:s8], $0x800  }
0x6f: {  	[sflag:s8] =	ssyncset.done @!p0 $0x0  }
0x70: {  	[sflag:s8] =	ssyncadd.s32 @!p0 $0xFFFFF800  }
0x71: {  	_ =	swait.ge @!p0 [sflag:s8], $0x800  }
0x72: {  	[sflag:s8] =	ssyncset.done @!p0 $0x0  }
0x73: {  	[sflag:s8] =	ssyncadd.s32 @!p0 $0xFFFFF800  }
0x74: {  	_ =	swait.ge [sflag:s10], $0x800  }
0x75: {  	[sflag:s10] =	ssyncset.done $0x0  }
0x76: {  	[sflag:s10] =	ssyncadd.s32 $0xFFFFF800  }
0x77: {  	_ =	swait.ge [sflag:s10], $0x800  }
0x78: {  	[sflag:s10] =	ssyncset.done $0x0  }
0x79: {  	[sflag:s10] =	ssyncadd.s32 $0xFFFFF800  }
0x7a: {  	_ =	swait.ge [sflag:s10], $0x800  }
0x7b: {  	[sflag:s10] =	ssyncset.done $0x0  }
0x7c: {  	[sflag:s10] =	ssyncadd.s32 $0xFFFFF800  }
0x7d: {  	_ =	swait.ge [sflag:s10], $0x800  }
0x7e: {  	s13 =	smov.u32 s21;
	[sflag:s10] =	ssyncset.done $0x0;
	s9 =	rddreg [dreg:$0x15]  }
0x7f: {  	s15 =	rddreg [dreg:$0xb];
	p0 =	slt.s32 s9, s21;
	[sflag:s10] =	ssyncadd.s32 $0xFFFFF800  }
0x80: {  	[spmem:s2] =	stream.indirect.scatter.add.f32 [tilespmem:s30], [sflag:$0x2], $0x10, s29, s19, $0xb8;
	[tilespmem:$0x1D000] =	vst v63  }
0x81: {  	s11 =	rddreg [dreg:$0xc];
	s13 =	smov.u32 @p0 s9  }
0x82: {  	[spmem:s2] =	stream.indirect.scatter.add.f32 [tilespmem:s31], [sflag:$0x2], $0x10, s15, s19, $0xb8;
	[tilespmem:$0x1D000] =	vst v63  }
0x83: {  	s12 =	rddreg [dreg:$0xd];
	s13 =	sshll.u32 s13, $0x4  }
0x84: {  	[spmem:s2] =	stream.indirect.scatter.add.f32 [tilespmem:s0], [sflag:$0x2], $0x10, s11, s19, $0xb8;
	[tilespmem:$0x1D000] =	vst v63  }
0x85: {  	s14 =	rddreg [dreg:$0xe];
	s13 =	sand.u32 $0x1FFFFFC0, s13  }
0x86: {  	[spmem:s2] =	stream.indirect.scatter.add.f32 [tilespmem:s1], [sflag:$0x2], $0x10, s12, s19, $0xb8;
	[tilespmem:$0x1D000] =	vst v63  }
0x87: {  	s8 =	sadd.s32 s14, s13  }
0x88: {  	[tilespmem:s17], [sflag:$0x3] =	stream.linear.gather [hbm4b:s8+s3], $0x200, $0x38;
	[tilespmem:$0x1D000] =	vst v63  }
0x89: {  	_ =	swait.ge [sflag:s16], $0x200  }
0x8a: {  	[sflag:s16] =	ssyncset.done $0x0  }
0x8b: {  	s15 =	sadd.s32 s5, s13;
	[sflag:s16] =	ssyncadd.s32 $0xFFFFFE00  }
0x8c: {  	[tilespmem:s18], [sflag:$0x3] =	stream.linear.gather [hbm4b:s15+s3], $0x200, $0x38;
	[tilespmem:$0x1D000] =	vst v63  }
0x8d: {  	_ =	swait.ge [sflag:s16], $0x200  }
0x8e: {  	s13 =	simm.s32 $0x80;
	[sflag:s16] =	ssyncset.done $0x0  }
0x8f: {  	s14 =	smov.u32 s9;
	s8 =	simm.s32 $0x100;
	[sflag:s16] =	ssyncadd.s32 $0xFFFFFE00  }
0x90: {  	[tilespmem:s20], [sflag:$0x1] =	stream.indirect.gather [hbm4b:s6+s19], $0x10, s17, s19, $0xb8;
	[tilespmem:$0x1D000] =	vst v63  }
.LBB2_2:
0x91: {  	[tilespmem:s22], [sflag:$0x1] =	stream.indirect.gather [hbm4b:s6+s19], $0x10, s23, s19, $0xb8;
	[tilespmem:$0x1D000] =	vst v63  }
0x92: {  	_ = 	snop  }
0x93: {  	[tilespmem:s24], [sflag:$0x1] =	stream.indirect.gather [hbm4b:s6+s19], $0x10, s25, s19, $0xb8;
	[tilespmem:$0x1D000] =	vst v63  }
0x94: {  	s12 =	rddreg [dreg:$0x3]  }
0x95: {  	[tilespmem:s26], [sflag:$0x1] =	stream.indirect.gather [hbm4b:s6+s19], $0x10, s4, s19, $0xb8;
	[tilespmem:$0x1D000] =	vst v63  }
0x96: {  	s12 =	sadd.s32 s13, s12  }
0x97: {  	[tilespmem:s28], [sflag:$0x3] =	stream.linear.gather [hbm4b:s12+s3], $0x200, $0x38;
	[tilespmem:$0x1D000] =	vst v63  }
0x98: {  	_ =	swait.ge [sflag:s16], $0x200  }
0x99: {  	s11 =	rddreg [dreg:$0x4];
	[sflag:s16] =	ssyncset.done $0x0  }
0x9a: {  	[sflag:s16] =	ssyncadd.s32 $0xFFFFFE00;
	s12 =	sadd.s32 s13, s11  }
0x9b: {  	[tilespmem:s29], [sflag:$0x3] =	stream.linear.gather [hbm4b:s12+s3], $0x200, $0x38;
	[tilespmem:$0x1D000] =	vst v63  }
0x9c: {  	_ =	swait.ge [sflag:s16], $0x200  }
0x9d: {  	[sflag:s16] =	ssyncset.done $0x0  }
0x9e: {  	[sflag:s16] =	ssyncadd.s32 $0xFFFFFE00  }
0x9f: {  	[tilespmem:s30], [sflag:$0x1] =	stream.indirect.gather [hbm4b:s6+s19], $0x10, s28, s19, $0xb8;
	[tilespmem:$0x1D000] =	vst v63  }
0xa0: {  	s11 =	rddreg [dreg:$0x5]  }
0xa1: {  	[tilespmem:s31], [sflag:$0x1] =	stream.indirect.gather [hbm4b:s6+s19], $0x10, s11, s19, $0xb8;
	[tilespmem:$0x1D000] =	vst v63  }
0xa2: {  	s12 =	rddreg [dreg:$0x6]  }
0xa3: {  	[tilespmem:s0], [sflag:$0x1] =	stream.indirect.gather [hbm4b:s6+s19], $0x10, s12, s19, $0xb8;
	[tilespmem:$0x1D000] =	vst v63  }
0xa4: {  	s9 =	rddreg [dreg:$0x7]  }
0xa5: {  	[tilespmem:s1], [sflag:$0x1] =	stream.indirect.gather [hbm4b:s6+s19], $0x10, s9, s19, $0xb8;
	[tilespmem:$0x1D000] =	vst v63  }
0xa6: {  	_ =	swait.ge [sflag:s7], $0x800  }
0xa7: {  	[sflag:s7] =	ssyncset.done $0x0  }
0xa8: {  	[sflag:s7] =	ssyncadd.s32 $0xFFFFF800  }
0xa9: {  	_ =	swait.ge [sflag:s7], $0x800  }
0xaa: {  	[sflag:s7] =	ssyncset.done $0x0  }
0xab: {  	[sflag:s7] =	ssyncadd.s32 $0xFFFFF800  }
0xac: {  	_ =	swait.ge [sflag:s7], $0x800  }
0xad: {  	[sflag:s7] =	ssyncset.done $0x0  }
0xae: {  	[sflag:s7] =	ssyncadd.s32 $0xFFFFF800  }
0xaf: {  	_ =	swait.ge [sflag:s7], $0x800  }
0xb0: {  	[sflag:s7] =	ssyncset.done $0x0  }
0xb1: {  	[sflag:s7] =	ssyncadd.s32 $0xFFFFF800  }
0xb2: {  	[spmem:s2] =	stream.indirect.scatter.add.f32 [tilespmem:s20], [sflag:$0x2], $0x10, s18, s19, $0xb8;
	[tilespmem:$0x1D000] =	vst v63  }
0xb3: {  	s9 =	rddreg [dreg:$0x8]  }
0xb4: {  	[spmem:s2] =	stream.indirect.scatter.add.f32 [tilespmem:s22], [sflag:$0x2], $0x10, s9, s19, $0xb8;
	[tilespmem:$0x1D000] =	vst v63  }
0xb5: {  	s11 =	rddreg [dreg:$0x9]  }
0xb6: {  	[spmem:s2] =	stream.indirect.scatter.add.f32 [tilespmem:s24], [sflag:$0x2], $0x10, s11, s19, $0xb8;
	[tilespmem:$0x1D000] =	vst v63  }
0xb7: {  	s9 =	rddreg [dreg:$0xa]  }
0xb8: {  	[spmem:s2] =	stream.indirect.scatter.add.f32 [tilespmem:s26], [sflag:$0x2], $0x10, s9, s19, $0xb8;
	[tilespmem:$0x1D000] =	vst v63  }
0xb9: {  	_ =	swait.ge [sflag:s7], $0x800  }
0xba: {  	[sflag:s7] =	ssyncset.done $0x0  }
0xbb: {  	[sflag:s7] =	ssyncadd.s32 $0xFFFFF800  }
0xbc: {  	_ =	swait.ge [sflag:s7], $0x800  }
0xbd: {  	[sflag:s7] =	ssyncset.done $0x0  }
0xbe: {  	[sflag:s7] =	ssyncadd.s32 $0xFFFFF800  }
0xbf: {  	_ =	swait.ge [sflag:s7], $0x800  }
0xc0: {  	[sflag:s7] =	ssyncset.done $0x0  }
0xc1: {  	[sflag:s7] =	ssyncadd.s32 $0xFFFFF800  }
0xc2: {  	_ =	swait.ge [sflag:s7], $0x800  }
0xc3: {  	p1 =	seq.s32 s13, $0x0;
	[sflag:s7] =	ssyncset.done $0x0  }
0xc4: {  	s11 =	simm.s32 @!p1 $0x2;
	[sflag:s7] =	ssyncadd.s32 $0xFFFFF800  }
0xc5: {  	_ =	swait.ge @!p1 [sflag:s11], $0x800  }
0xc6: {  	[sflag:s11] =	ssyncset.done @!p1 $0x0  }
0xc7: {  	[sflag:s11] =	ssyncadd.s32 @!p1 $0xFFFFF800  }
0xc8: {  	_ =	swait.ge @!p1 [sflag:s11], $0x800  }
0xc9: {  	[sflag:s11] =	ssyncset.done @!p1 $0x0  }
0xca: {  	[sflag:s11] =	ssyncadd.s32 @!p1 $0xFFFFF800  }
0xcb: {  	_ =	swait.ge @!p1 [sflag:s11], $0x800  }
0xcc: {  	[sflag:s11] =	ssyncset.done @!p1 $0x0  }
0xcd: {  	[sflag:s11] =	ssyncadd.s32 @!p1 $0xFFFFF800  }
0xce: {  	_ =	swait.ge @!p1 [sflag:s11], $0x800  }
0xcf: {  	[sflag:s11] =	ssyncset.done @!p1 $0x0  }
0xd0: {  	[sflag:s11] =	ssyncadd.s32 @!p1 $0xFFFFF800  }
0xd1: {  	_ =	swait.ge [sflag:s10], $0x800  }
0xd2: {  	[sflag:s10] =	ssyncset.done $0x0  }
0xd3: {  	[sflag:s10] =	ssyncadd.s32 $0xFFFFF800  }
0xd4: {  	_ =	swait.ge [sflag:s10], $0x800  }
0xd5: {  	[sflag:s10] =	ssyncset.done $0x0  }
0xd6: {  	[sflag:s10] =	ssyncadd.s32 $0xFFFFF800  }
0xd7: {  	_ =	swait.ge [sflag:s10], $0x800  }
0xd8: {  	[sflag:s10] =	ssyncset.done $0x0  }
0xd9: {  	[sflag:s10] =	ssyncadd.s32 $0xFFFFF800  }
0xda: {  	_ =	swait.ge [sflag:s10], $0x800  }
0xdb: {  	[sflag:s10] =	ssyncset.done $0x0  }
0xdc: {  	s14 =	sadd.s32 $0x8, s14;
	[sflag:s10] =	ssyncadd.s32 $0xFFFFF800  }
0xdd: {  	[spmem:s2] =	stream.indirect.scatter.add.f32 [tilespmem:s30], [sflag:$0x2], $0x10, s29, s19, $0xb8;
	[tilespmem:$0x1D000] =	vst v63  }
0xde: {  	s9 =	smov.u32 s21;
	p1 =	slt.s32 s14, s21;
	s12 =	rddreg [dreg:$0xb]  }
0xdf: {  	[spmem:s2] =	stream.indirect.scatter.add.f32 [tilespmem:s31], [sflag:$0x2], $0x10, s12, s19, $0xb8;
	[tilespmem:$0x1D000] =	vst v63  }
0xe0: {  	s15 =	smov.u32 s8;
	s9 =	smov.u32 @p1 s14;
	s11 =	rddreg [dreg:$0xc]  }
0xe1: {  	[spmem:s2] =	stream.indirect.scatter.add.f32 [tilespmem:s0], [sflag:$0x2], $0x10, s11, s19, $0xb8;
	[tilespmem:$0x1D000] =	vst v63  }
0xe2: {  	s13 =	smov.u32 s15;
	s9 =	sshll.u32 s9, $0x4;
	s15 =	rddreg [dreg:$0xd]  }
0xe3: {  	[spmem:s2] =	stream.indirect.scatter.add.f32 [tilespmem:s1], [sflag:$0x2], $0x10, s15, s19, $0xb8;
	[tilespmem:$0x1D000] =	vst v63  }
0xe4: {  	s9 =	sand.u32 $0x1FFFFFC0, s9;
	s15 =	rddreg [dreg:$0xe]  }
0xe5: {  	s11 =	sadd.s32 s15, s9  }
0xe6: {  	[tilespmem:s17], [sflag:$0x3] =	stream.linear.gather [hbm4b:s11+s3], $0x200, $0x38;
	[tilespmem:$0x1D000] =	vst v63  }
0xe7: {  	_ =	swait.ge [sflag:s16], $0x200  }
0xe8: {  	s8 =	sadd.s32 $0x80, s8;
	[sflag:s16] =	ssyncset.done $0x0  }
0xe9: {  	p0 =	sne.s32 s8, $0x1880;
	s9 =	sadd.s32 s5, s9;
	[sflag:s16] =	ssyncadd.s32 $0xFFFFFE00  }
0xea: {  	[tilespmem:s18], [sflag:$0x3] =	stream.linear.gather [hbm4b:s9+s3], $0x200, $0x38;
	[tilespmem:$0x1D000] =	vst v63  }
.Ltmp0:
0xeb: {  	_ = 	snop;
	(pc) =	sbr.rel @p0 .LBB2_2-.Ltmp0, $4  }
0xec: {  	_ =	swait.ge [sflag:s16], $0x200  }
0xed: {  	[sflag:s16] =	ssyncset.done $0x0  }
0xee: {  	[sflag:s16] =	ssyncadd.s32 $0xFFFFFE00  }
0xef: {  	[tilespmem:s20], [sflag:$0x1] =	stream.indirect.gather [hbm4b:s6+s19], $0x10, s17, s19, $0xb8;
	[tilespmem:$0x1D000] =	vst v63  }
0xf0: {  	s11 =	simm.s32 $0x18880  }
0xf1: {  	[tilespmem:s22], [sflag:$0x1] =	stream.indirect.gather [hbm4b:s6+s19], $0x10, s11, s19, $0xb8;
	[tilespmem:$0x1D000] =	vst v63  }
0xf2: {  	s12 =	simm.s32 $0x18900  }
0xf3: {  	[tilespmem:s24], [sflag:$0x1] =	stream.indirect.gather [hbm4b:s6+s19], $0x10, s12, s19, $0xb8;
	[tilespmem:$0x1D000] =	vst v63  }
0xf4: {  	s8 =	rddreg [dreg:$0x3];
	s15 =	simm.s32 $0x18980  }
0xf5: {  	[tilespmem:s26], [sflag:$0x1] =	stream.indirect.gather [hbm4b:s6+s19], $0x10, s15, s19, $0xb8;
	[tilespmem:$0x1D000] =	vst v63  }
0xf6: {  	s8 =	sadd.s32 s13, s8  }
0xf7: {  	[tilespmem:s28], [sflag:$0x3] =	stream.linear.gather [hbm4b:s8+s3], $0x200, $0x38;
	[tilespmem:$0x1D000] =	vst v63  }
0xf8: {  	_ =	swait.ge [sflag:s16], $0x200  }
0xf9: {  	s23 =	rddreg [dreg:$0x4];
	[sflag:s16] =	ssyncset.done $0x0  }
0xfa: {  	[sflag:s16] =	ssyncadd.s32 $0xFFFFFE00;
	s8 =	sadd.s32 s13, s23  }
0xfb: {  	[tilespmem:s29], [sflag:$0x3] =	stream.linear.gather [hbm4b:s8+s3], $0x200, $0x38;
	[tilespmem:$0x1D000] =	vst v63  }
0xfc: {  	_ =	swait.ge [sflag:s16], $0x200  }
0xfd: {  	[sflag:s16] =	ssyncset.done $0x0  }
0xfe: {  	[sflag:s16] =	ssyncadd.s32 $0xFFFFFE00  }
0xff: {  	[tilespmem:s30], [sflag:$0x1] =	stream.indirect.gather [hbm4b:s6+s19], $0x10, s28, s19, $0xb8;
	[tilespmem:$0x1D000] =	vst v63  }
0x100: {  	s25 =	rddreg [dreg:$0x5]  }
0x101: {  	[tilespmem:s31], [sflag:$0x1] =	stream.indirect.gather [hbm4b:s6+s19], $0x10, s25, s19, $0xb8;
	[tilespmem:$0x1D000] =	vst v63  }
0x102: {  	s9 =	rddreg [dreg:$0x6]  }
0x103: {  	[tilespmem:s0], [sflag:$0x1] =	stream.indirect.gather [hbm4b:s6+s19], $0x10, s9, s19, $0xb8;
	[tilespmem:$0x1D000] =	vst v63  }
0x104: {  	s4 =	rddreg [dreg:$0x7]  }
0x105: {  	[tilespmem:s1], [sflag:$0x1] =	stream.indirect.gather [hbm4b:s6+s19], $0x10, s4, s19, $0xb8;
	[tilespmem:$0x1D000] =	vst v63  }
0x106: {  	_ =	swait.ge [sflag:s7], $0x800  }
0x107: {  	[sflag:s7] =	ssyncset.done $0x0  }
0x108: {  	[sflag:s7] =	ssyncadd.s32 $0xFFFFF800  }
0x109: {  	_ =	swait.ge [sflag:s7], $0x800  }
0x10a: {  	[sflag:s7] =	ssyncset.done $0x0  }
0x10b: {  	[sflag:s7] =	ssyncadd.s32 $0xFFFFF800  }
0x10c: {  	_ =	swait.ge [sflag:s7], $0x800  }
0x10d: {  	[sflag:s7] =	ssyncset.done $0x0  }
0x10e: {  	[sflag:s7] =	ssyncadd.s32 $0xFFFFF800  }
0x10f: {  	_ =	swait.ge [sflag:s7], $0x800  }
0x110: {  	[sflag:s7] =	ssyncset.done $0x0  }
0x111: {  	[sflag:s7] =	ssyncadd.s32 $0xFFFFF800  }
0x112: {  	[spmem:s2] =	stream.indirect.scatter.add.f32 [tilespmem:s20], [sflag:$0x2], $0x10, s18, s19, $0xb8;
	[tilespmem:$0x1D000] =	vst v63  }
0x113: {  	s23 =	rddreg [dreg:$0x8]  }
0x114: {  	[spmem:s2] =	stream.indirect.scatter.add.f32 [tilespmem:s22], [sflag:$0x2], $0x10, s23, s19, $0xb8;
	[tilespmem:$0x1D000] =	vst v63  }
0x115: {  	s25 =	rddreg [dreg:$0x9]  }
0x116: {  	[spmem:s2] =	stream.indirect.scatter.add.f32 [tilespmem:s24], [sflag:$0x2], $0x10, s25, s19, $0xb8;
	[tilespmem:$0x1D000] =	vst v63  }
0x117: {  	s4 =	rddreg [dreg:$0xa]  }
0x118: {  	[spmem:s2] =	stream.indirect.scatter.add.f32 [tilespmem:s26], [sflag:$0x2], $0x10, s4, s19, $0xb8;
	[tilespmem:$0x1D000] =	vst v63  }
0x119: {  	_ =	swait.ge [sflag:s7], $0x800  }
0x11a: {  	[sflag:s7] =	ssyncset.done $0x0  }
0x11b: {  	[sflag:s7] =	ssyncadd.s32 $0xFFFFF800  }
0x11c: {  	_ =	swait.ge [sflag:s7], $0x800  }
0x11d: {  	[sflag:s7] =	ssyncset.done $0x0  }
0x11e: {  	[sflag:s7] =	ssyncadd.s32 $0xFFFFF800  }
0x11f: {  	_ =	swait.ge [sflag:s7], $0x800  }
0x120: {  	[sflag:s7] =	ssyncset.done $0x0  }
0x121: {  	[sflag:s7] =	ssyncadd.s32 $0xFFFFF800  }
0x122: {  	_ =	swait.ge [sflag:s7], $0x800  }
0x123: {  	p0 =	seq.s32 s13, $0x0;
	[sflag:s7] =	ssyncset.done $0x0  }
0x124: {  	s8 =	simm.s32 @!p0 $0x2;
	[sflag:s7] =	ssyncadd.s32 $0xFFFFF800  }
0x125: {  	_ =	swait.ge @!p0 [sflag:s8], $0x800  }
0x126: {  	[sflag:s8] =	ssyncset.done @!p0 $0x0  }
0x127: {  	[sflag:s8] =	ssyncadd.s32 @!p0 $0xFFFFF800  }
0x128: {  	_ =	swait.ge @!p0 [sflag:s8], $0x800  }
0x129: {  	[sflag:s8] =	ssyncset.done @!p0 $0x0  }
0x12a: {  	[sflag:s8] =	ssyncadd.s32 @!p0 $0xFFFFF800  }
0x12b: {  	_ =	swait.ge @!p0 [sflag:s8], $0x800  }
0x12c: {  	[sflag:s8] =	ssyncset.done @!p0 $0x0  }
0x12d: {  	[sflag:s8] =	ssyncadd.s32 @!p0 $0xFFFFF800  }
0x12e: {  	_ =	swait.ge @!p0 [sflag:s8], $0x800  }
0x12f: {  	[sflag:s8] =	ssyncset.done @!p0 $0x0  }
0x130: {  	[sflag:s8] =	ssyncadd.s32 @!p0 $0xFFFFF800  }
0x131: {  	_ =	swait.ge [sflag:s10], $0x800  }
0x132: {  	[sflag:s10] =	ssyncset.done $0x0  }
0x133: {  	[sflag:s10] =	ssyncadd.s32 $0xFFFFF800  }
0x134: {  	_ =	swait.ge [sflag:s10], $0x800  }
0x135: {  	[sflag:s10] =	ssyncset.done $0x0  }
0x136: {  	[sflag:s10] =	ssyncadd.s32 $0xFFFFF800  }
0x137: {  	_ =	swait.ge [sflag:s10], $0x800  }
0x138: {  	[sflag:s10] =	ssyncset.done $0x0  }
0x139: {  	[sflag:s10] =	ssyncadd.s32 $0xFFFFF800  }
0x13a: {  	s9 =	sadd.s32 $0x8, s14;
	_ =	swait.ge [sflag:s10], $0x800  }
0x13b: {  	p0 =	slt.s32 s9, s21;
	[sflag:s10] =	ssyncset.done $0x0  }
0x13c: {  	s8 =	smov.u32 s21;
	s13 =	rddreg [dreg:$0xb];
	[sflag:s10] =	ssyncadd.s32 $0xFFFFF800  }
0x13d: {  	[spmem:s2] =	stream.indirect.scatter.add.f32 [tilespmem:s30], [sflag:$0x2], $0x10, s29, s19, $0xb8;
	[tilespmem:$0x1D000] =	vst v63  }
0x13e: {  	s8 =	smov.u32 @p0 s9;
	s23 =	rddreg [dreg:$0xc]  }
0x13f: {  	[spmem:s2] =	stream.indirect.scatter.add.f32 [tilespmem:s31], [sflag:$0x2], $0x10, s13, s19, $0xb8;
	[tilespmem:$0x1D000] =	vst v63  }
0x140: {  	s8 =	sshll.u32 s8, $0x4;
	s25 =	rddreg [dreg:$0xd]  }
0x141: {  	[spmem:s2] =	stream.indirect.scatter.add.f32 [tilespmem:s0], [sflag:$0x2], $0x10, s23, s19, $0xb8;
	[tilespmem:$0x1D000] =	vst v63  }
0x142: {  	s8 =	sand.u32 $0x1FFFFFC0, s8;
	s4 =	rddreg [dreg:$0xe]  }
0x143: {  	[spmem:s2] =	stream.indirect.scatter.add.f32 [tilespmem:s1], [sflag:$0x2], $0x10, s25, s19, $0xb8;
	[tilespmem:$0x1D000] =	vst v63  }
0x144: {  	s4 =	sadd.s32 s4, s8  }
0x145: {  	[tilespmem:s17], [sflag:$0x3] =	stream.linear.gather [hbm4b:s4+s3], $0x200, $0x38;
	[tilespmem:$0x1D000] =	vst v63  }
0x146: {  	_ =	swait.ge [sflag:s16], $0x200  }
0x147: {  	[sflag:s16] =	ssyncset.done $0x0  }
0x148: {  	s8 =	sadd.s32 s5, s8;
	[sflag:s16] =	ssyncadd.s32 $0xFFFFFE00  }
0x149: {  	[tilespmem:s18], [sflag:$0x3] =	stream.linear.gather [hbm4b:s8+s3], $0x200, $0x38;
	[tilespmem:$0x1D000] =	vst v63  }
0x14a: {  	_ =	swait.ge [sflag:s16], $0x200  }
0x14b: {  	[sflag:s16] =	ssyncset.done $0x0  }
0x14c: {  	[sflag:s16] =	ssyncadd.s32 $0xFFFFFE00  }
0x14d: {  	[tilespmem:s20], [sflag:$0x1] =	stream.indirect.gather [hbm4b:s6+s19], $0x10, s17, s19, $0xb8;
	[tilespmem:$0x1D000] =	vst v63  }
0x14e: {  	_ = 	snop  }
0x14f: {  	[tilespmem:s22], [sflag:$0x1] =	stream.indirect.gather [hbm4b:s6+s19], $0x10, s11, s19, $0xb8;
	[tilespmem:$0x1D000] =	vst v63  }
0x150: {  	_ = 	snop  }
0x151: {  	[tilespmem:s24], [sflag:$0x1] =	stream.indirect.gather [hbm4b:s6+s19], $0x10, s12, s19, $0xb8;
	[tilespmem:$0x1D000] =	vst v63  }
0x152: {  	_ = 	snop  }
0x153: {  	[tilespmem:s26], [sflag:$0x1] =	stream.indirect.gather [hbm4b:s6+s19], $0x10, s15, s19, $0xb8;
	[tilespmem:$0x1D000] =	vst v63  }
0x154: {  	_ =	swait.ge [sflag:s7], $0x800  }
0x155: {  	[sflag:s7] =	ssyncset.done $0x0  }
0x156: {  	[sflag:s7] =	ssyncadd.s32 $0xFFFFF800  }
0x157: {  	_ =	swait.ge [sflag:s7], $0x800  }
0x158: {  	[sflag:s7] =	ssyncset.done $0x0  }
0x159: {  	[sflag:s7] =	ssyncadd.s32 $0xFFFFF800  }
0x15a: {  	_ =	swait.ge [sflag:s7], $0x800  }
0x15b: {  	[sflag:s7] =	ssyncset.done $0x0  }
0x15c: {  	[sflag:s7] =	ssyncadd.s32 $0xFFFFF800  }
0x15d: {  	_ =	swait.ge [sflag:s7], $0x800  }
0x15e: {  	[sflag:s7] =	ssyncset.done $0x0  }
0x15f: {  	[sflag:s7] =	ssyncadd.s32 $0xFFFFF800  }
0x160: {  	_ =	swait.ge [sflag:s10], $0x800  }
0x161: {  	[sflag:s10] =	ssyncset.done $0x0  }
0x162: {  	[sflag:s10] =	ssyncadd.s32 $0xFFFFF800  }
0x163: {  	_ =	swait.ge [sflag:s10], $0x800  }
0x164: {  	[sflag:s10] =	ssyncset.done $0x0  }
0x165: {  	[sflag:s10] =	ssyncadd.s32 $0xFFFFF800  }
0x166: {  	_ =	swait.ge [sflag:s10], $0x800  }
0x167: {  	[sflag:s10] =	ssyncset.done $0x0  }
0x168: {  	[sflag:s10] =	ssyncadd.s32 $0xFFFFF800  }
0x169: {  	_ =	swait.ge [sflag:s10], $0x800  }
0x16a: {  	[sflag:s10] =	ssyncset.done $0x0  }
0x16b: {  	[sflag:s10] =	ssyncadd.s32 $0xFFFFF800  }
0x16c: {  	[bflag:$0x0] =	sbarrier.arrive $0xFFFF  }
0x16d: {  	s14 =	rddreg [dreg:$0x10]  }
0x16e: {  	s12 =	rddreg [dreg:$0x13]  }
0x16f: {  	s9 =	rddreg [dreg:$0x16]  }
0x170: {  	[hbm:s12], [sflag:s14] =	dma.local [spmem:s9], $0x3100  }
0x171: {  	_ =	swait.ge [sflag:s16], $0x3100  }
0x172: {  	s13 =	rddreg [dreg:$0x17]  }
0x173: {  	s15 =	rddreg [dreg:$0x14];
	s11 =	sadd.s32 $0x1, s13  }
0x174: {  	p0 =	sne.s32 s11, s15  }
.Ltmp1:
0x175: {  	_ = 	snop;
	(pc) =	sbr.rel @p0 .LBB2_1-.Ltmp1, $3  }
0x176: {  	_ =	sdelay $0x1  }
0x177: {  	s23 =	simm.s32 $0x18880;
	[sflag:s16] =	ssyncset.done $0x0  }
0x178: {  	s25 =	simm.s32 $0x18900;
	s4 =	simm.s32 $0x18980;
	[sflag:s16] =	ssyncadd.s32 $0xFFFFCF00  }
0x179: {  	_ =	sfence.sel $0x180000  }
0x17a: {  	[bflag:$0x0] =	sbarrier.arrive $0xFFFF  }
0x17b: {  	_ =	strace $0x90000047  }
0x17c: {  	s0 =	stileid.u32;
	[bflag:$0x2] =	sbarrier.arrive $0xFFFF  }
0x17d: {  	p0 =	sne.s32 s0, $0x0;
	s0 =	rddreg [dreg:$0x2]  }
0x17e: {  	s0 =	sadd.s32 @!p0 $0x100000, s0  }
0x17f: {  	[sflag:s0] =	ssyncadd.tile.s32 @!p0 $0x1;
	_ =	shalt  }
.Lfunc_end2:
_tile_overlayer_lowered:
.L_overlay_start_2:
0x180: {  	(tag) =	ssettag $0x2  }
0x181: {  	s0 =	rddreg [dreg:$0x0];
	s2 =	stileid.u32  }
0x182: {  	s1 =	rddreg [dreg:$0x1];
	p0 =	sne.s32 s2, $0x0  }
0x183: {  	s3 =	rddreg [dreg:$0x2];
	[bflag:$0x3] =	sbarrier.arrive $0xFFFF;
	s2 =	simm.s32 @!p0 $0x1C03  }
0x184: {  	[timem:s3], [sflag:s2] =	dma.local @!p0 [hbm:s0], s1  }
0x185: {  	s0 =	simm.s32 @!p0 $0x3  }
0x186: {  	_ =	swait.ge @!p0 [sflag:s0], s1  }
0x187: {  	s1 =	ssub.s32 @!p0 $0x0, s1;
	[sflag:s0] =	ssyncset.done @!p0 $0x0  }
0x188: {  	[sflag:s0] =	ssyncadd.s32 @!p0 s1  }
0x189: {  	[bflag:$0x3] =	sbarrier.arrive $0xFFFF  }
0x18a: {  	_ =	shalt  }

</sc_bundles>
